<compile_context>
chip_gen: v7x
topology: tpu7x:2x2x1
jax: 0.10.2.dev20260603
libtpu: 0.0.44.dev20260713+nightly
codegen_flags: <defaults>
</compile_context>

<pallas_src>
import functools

import jax
import jax.numpy as jnp
from jax import lax
from jax.experimental import pallas as pl
from jax.experimental.pallas import tpu as pltpu
from jax.experimental.pallas import tpu_sc as plsc

N = 10000
D = 128
H = 32
C = 10
E = 320000

NC = 2
NS = 16
NW = NC * NS

CHUNK = 128
NCHUNK = 80
E_PAD = NW * NCHUNK * CHUNK
N_PAD = 10240
LPT = N_PAD // NS
W16 = 16
P8 = N_PAD // 8
PPT = P8 // NS
NV = N // 8


def _dotT(a, w):
    return lax.dot_general(a, w, (((1,), (1,)), ((), ())),
                           preferred_element_type=jnp.float32)


def _dot(a, w):
    return lax.dot_general(a, w, (((1,), (0,)), ((), ())),
                           preferred_element_type=jnp.float32)



def _lin1_body(x8_ref, wlo_ref, whi_ref, plo_ref, phi_ref):
    x8 = x8_ref[...]
    plo_ref[...] = _dot(x8, wlo_ref[...])
    phi_ref[...] = _dot(x8, whi_ref[...])


def _mid_body(plo_ref, phi_ref, rlo_ref, rhi_ref, b1lo_ref, b1hi_ref,
              wlo_ref, whi_ref, wrlo_ref, wrhi_ref, q_ref, s_ref):
    row = lax.broadcasted_iota(jnp.int32, (P8, 128), 0)
    valid = row < NV
    hlo = jnp.maximum(plo_ref[0] + plo_ref[1] + b1lo_ref[...] + rlo_ref[...], 0.0)
    hhi = jnp.maximum(phi_ref[0] + phi_ref[1] + b1hi_ref[...] + rhi_ref[...], 0.0)
    hlo = jnp.where(valid, hlo, 0.0)
    hhi = jnp.where(valid, hhi, 0.0)
    q_ref[...] = _dot(hlo, wlo_ref[...]) + _dot(hhi, whi_ref[...])
    s_ref[...] = _dot(hlo, wrlo_ref[...]) + _dot(hhi, wrhi_ref[...])


def _loss_body(parts_ref, s_ref, b2_ref, y_ref, out_ref):
    lg = parts_ref[0] + parts_ref[1] + s_ref[...] + b2_ref[...]
    lane = lax.broadcasted_iota(jnp.int32, lg.shape, 1)
    col = lane % W16
    lg = jnp.where(col < C, lg, -1e30)
    v = lg
    for k in (8, 4, 2, 1):
        shifted = jnp.concatenate(
            [v[:, k:], jnp.full((P8, k), -1e30, jnp.float32)], axis=1)
        v = jnp.maximum(v, shifted)
    lrow = lax.broadcasted_iota(jnp.int32, (128, 128), 0)
    lcol = lax.broadcasted_iota(jnp.int32, (128, 128), 1)
    B = jnp.where((lrow // W16 == lcol // W16) & (lrow % W16 == 0), 1.0, 0.0)
    m = _dot(jnp.where(col == 0, v, 0.0), B.astype(jnp.float32))
    e = jnp.exp(lg - m)
    srow = lax.broadcasted_iota(jnp.int32, (128, 8), 0)
    scol = lax.broadcasted_iota(jnp.int32, (128, 8), 1)
    S = jnp.where(srow // W16 == scol, 1.0, 0.0).astype(jnp.float32)
    se = _dot(e, S)
    lse_m = jnp.log(se)
    pick = jnp.where(col == y_ref[...], lg - m, 0.0)
    picked_m = _dot(pick, S)
    nll = lse_m - picked_m
    rowi = lax.broadcasted_iota(jnp.int32, nll.shape, 0)
    nll = jnp.where(rowi < NV, nll, 0.0)
    out_ref[...] = (jnp.sum(nll) / jnp.float32(N)).reshape(1, 1)



def _make_seg_sum():
    mesh = plsc.VectorSubcoreMesh(core_axis_name="c", subcore_axis_name="s",
                                  num_cores=NC, num_subcores=NS)

    @functools.partial(
        pl.kernel,
        out_type=jax.ShapeDtypeStruct((NC, P8, 128), jnp.float32),
        mesh=mesh,
        scratch_types=[
            pltpu.VMEM((NCHUNK, CHUNK), jnp.int32),
            pltpu.VMEM((NCHUNK, CHUNK), jnp.int32),
            *[pltpu.VMEM((CHUNK, W16), jnp.float32) for _ in range(8)],
            pltpu.VMEM((PPT, 128), jnp.float32),
            pltpu.VMEM((LPT, W16), jnp.float32),
            pltpu.VMEM_SHARED((N_PAD, W16), jnp.float32),
            pltpu.VMEM_SHARED((N_PAD, W16), jnp.float32),
            pltpu.SemaphoreType.DMA,
            pltpu.SemaphoreType.DMA,
        ],
        compiler_params=pltpu.CompilerParams(use_tc_tiling_on_sc=False),
    )
    def seg(src_hbm, dst_hbm, table_hbm, out_hbm,
            src_v, dst_v, r0, r1, r2, r3, r4, r5, r6, r7, pbig, rbig,
            tab, acc, sem_g, sem_s):
        c = lax.axis_index("c")
        s = lax.axis_index("s")
        w = c * NS + s
        rows_a = [r0, r1, r2, r3]
        rows_b = [r4, r5, r6, r7]

        idx_cp = pltpu.async_copy(src_hbm.at[w], src_v, sem_s)
        pltpu.sync_copy(dst_hbm.at[w], dst_v)

        def zstore(i, carry):
            rbig[i, pl.ds(0, 16)] = jnp.zeros((16,), jnp.float32)
            return carry

        lax.fori_loop(0, LPT, zstore, 0)
        pltpu.sync_copy(rbig, acc.at[pl.ds(s * LPT, LPT)])

        pltpu.sync_copy(table_hbm.at[pl.ds(s * PPT, PPT)], pbig)

        def rbody(i, carry):
            for kk in range(8):
                rbig[8 * i + kk, pl.ds(0, 16)] = pbig[i, pl.ds(16 * kk, 16)]
            return carry

        lax.fori_loop(0, PPT, rbody, 0)
        pltpu.sync_copy(rbig, tab.at[pl.ds(s * LPT, LPT)])
        idx_cp.wait()
        plsc.subcore_barrier()

        def gather(j, buf):
            pltpu.async_copy(tab.at[src_v.at[j]], buf, sem_g)

        def gather_wait(j, buf):
            pltpu.make_async_copy(tab.at[src_v.at[j]], buf, sem_g).wait()

        def scat(j, buf):
            pltpu.async_copy(buf, acc.at[dst_v.at[j]], sem_s, add=True)

        def scat_wait(j, buf):
            pltpu.make_async_copy(buf, acc.at[dst_v.at[j]], sem_s).wait()

        for b in range(4):
            gather(b, rows_a[b])

        npair = NCHUNK // 8

        def body(k, carry):
            base = 8 * k
            for b in range(4):
                gather_wait(base + b, rows_a[b])
                scat(base + b, rows_a[b])
            for b in range(4):
                gather(base + 4 + b, rows_b[b])
            for b in range(4):
                gather_wait(base + 4 + b, rows_b[b])
                scat(base + 4 + b, rows_b[b])
            for b in range(4):
                scat_wait(base + b, rows_a[b])

            @pl.when(k < npair - 1)
            def _():
                for b in range(4):
                    gather(base + 8 + b, rows_a[b])

            for b in range(4):
                scat_wait(base + 4 + b, rows_b[b])
            return carry

        lax.fori_loop(0, npair, body, 0)
        plsc.subcore_barrier()

        pltpu.sync_copy(acc.at[pl.ds(s * LPT, LPT)], rbig)

        def wbody(i, carry):
            for kk in range(8):
                pbig[i, pl.ds(16 * kk, 16)] = rbig[8 * i + kk, pl.ds(0, 16)]
            return carry

        lax.fori_loop(0, PPT, wbody, 0)
        pltpu.sync_copy(pbig, out_hbm.at[c].at[pl.ds(s * PPT, PPT)])

    return seg


_seg_sum_cache = {}


def _seg_sum():
    if "k" not in _seg_sum_cache:
        _seg_sum_cache["k"] = _make_seg_sum()
    return _seg_sum_cache["k"]


def kernel(x, edge_index, y, W1_rel, b1_rel, W1_root, W2_rel, b2_rel, W2_root):
    f32 = jnp.float32

    pad_rows = N + (jnp.arange(E_PAD - E, dtype=jnp.int32) % (N_PAD - N))
    src = jnp.concatenate([edge_index[0], pad_rows]).reshape(NW, NCHUNK, CHUNK)
    dst = jnp.concatenate([edge_index[1], pad_rows]).reshape(NW, NCHUNK, CHUNK)
    x8 = jnp.pad(x, ((0, N_PAD - N), (0, 0))).reshape(P8, 8 * D)
    eye8f = jnp.eye(8, dtype=f32)
    w1lo = jnp.kron(eye8f, W1_rel.T[:, :W16])
    w1hi = jnp.kron(eye8f, W1_rel.T[:, W16:])
    w1rlo = jnp.kron(eye8f, W1_root.T[:, :W16])
    w1rhi = jnp.kron(eye8f, W1_root.T[:, W16:])
    w2rel_p = jnp.zeros((W16, H), f32).at[:C].set(W2_rel)
    w2root_p = jnp.zeros((W16, H), f32).at[:C].set(W2_root)
    eye8 = jnp.eye(8, dtype=f32)
    wlo = jnp.kron(eye8, w2rel_p.T[:W16])
    whi = jnp.kron(eye8, w2rel_p.T[W16:])
    wrlo = jnp.kron(eye8, w2root_p.T[:W16])
    wrhi = jnp.kron(eye8, w2root_p.T[W16:])
    b1lo = jnp.tile(b1_rel[:W16], 8).reshape(1, 128)
    b1hi = jnp.tile(b1_rel[W16:], 8).reshape(1, 128)
    b2_8 = jnp.tile(jnp.zeros((W16,), f32).at[:C].set(b2_rel), 8).reshape(1, 128)
    y_pad = jnp.pad(y.astype(jnp.int32), (0, N_PAD - N)).reshape(P8, 8)
    y_exp = jnp.repeat(y_pad, W16, axis=1)

    plo, phi = pl.pallas_call(
        _lin1_body,
        out_shape=[jax.ShapeDtypeStruct((P8, 128), f32)] * 2,
    )(x8, w1lo, w1hi)

    parts_lo = _seg_sum()(src, dst, plo)
    parts_hi = _seg_sum()(src, dst, phi)

    rlo, rhi = pl.pallas_call(
        _lin1_body,
        out_shape=[jax.ShapeDtypeStruct((P8, 128), f32)] * 2,
    )(x8, w1rlo, w1rhi)

    q8, s8 = pl.pallas_call(
        _mid_body,
        out_shape=[jax.ShapeDtypeStruct((P8, 128), f32)] * 2,
    )(parts_lo, parts_hi, rlo, rhi, b1lo, b1hi, wlo, whi, wrlo, wrhi)

    parts2 = _seg_sum()(src, dst, q8)

    out = pl.pallas_call(
        _loss_body,
        out_shape=jax.ShapeDtypeStruct((1, 1), f32),
    )(parts2, s8, b2_8, y_exp)

    return (out[0, 0],)

# --- scband reference (transcript-rebuilt; emitter-appended) ---
"""Pipeline reference for scband-test-module-18064632447372 (READ-ONLY COPY).

The authoritative reference and input builder live on the scoring server;
editing this copy changes nothing except your own understanding.
"""

import jax, jax.numpy as jnp
import numpy as np

N = 10000
E = 320000
D = 128
H = 32
C = 10


def setup_inputs(seed: int = 0) -> dict:
    key = jax.random.key(seed)
    ks = jax.random.split(key, 8)
    x = jax.random.normal(ks[0], (N, D), dtype=jnp.float32)
    edge_index = jax.random.randint(ks[1], (2, E), 0, N, dtype=jnp.int32)
    y = jax.random.randint(ks[2], (N,), 0, C, dtype=jnp.int32)
    def _w(k, shp, fan):
        return jax.random.normal(k, shp, dtype=jnp.float32) * (1.0 / np.sqrt(fan))
    W1_rel = _w(ks[3], (H, D), D)
    b1_rel = jnp.zeros((H,), dtype=jnp.float32)
    W1_root = _w(ks[4], (H, D), D)
    W2_rel = _w(ks[5], (C, H), H)
    b2_rel = jnp.zeros((C,), dtype=jnp.float32)
    W2_root = _w(ks[6], (C, H), H)
    return {"x": x, "edge_index": edge_index, "y": y,
            "W1_rel": W1_rel, "b1_rel": b1_rel, "W1_root": W1_root,
            "W2_rel": W2_rel, "b2_rel": b2_rel, "W2_root": W2_root}


def _graph_conv(x, edge_index, W_rel, b_rel, W_root):
    # PyG GraphConv: out = lin_rel(sum_{j in N(i)} x_j) + lin_root(x_i)
    src = edge_index[0]
    dst = edge_index[1]
    msgs = jnp.take(x, src, axis=0)
    agg = jax.ops.segment_sum(msgs, dst, num_segments=x.shape[0])
    return agg @ W_rel.T + b_rel + x @ W_root.T


def _cross_entropy(logits, y):
    logp = jax.nn.log_softmax(logits, axis=-1)
    nll = -jnp.take_along_axis(logp, y[:, None].astype(jnp.int32), axis=1)[:, 0]
    return jnp.mean(nll)


def reference(x, edge_index, y, W1_rel, b1_rel, W1_root, W2_rel, b2_rel, W2_root):
    h = jax.nn.relu(_graph_conv(x, edge_index, W1_rel, b1_rel, W1_root))
    logits = _graph_conv(h, edge_index, W2_rel, b2_rel, W2_root)
    loss = _cross_entropy(logits, y)
    return (loss,)

if __name__ == "__main__":
    import jax
    _d = setup_inputs()
    print(jax.jit(kernel)(*tuple(_d.values())))

</pallas_src>

<mosaic_0001>
#map = affine_map<(d0, d1) -> (0, 0, 0)>
#map1 = affine_map<(d0, d1) -> (0, 0)>
module attributes {stable_mosaic.version = 14 : i64} {
  func.func @seg(%arg0: i32, %arg1: i32, %arg2: memref<32x80x128xi32, #tpu.memory_space<hbm>>, %arg3: memref<32x80x128xi32, #tpu.memory_space<hbm>>, %arg4: memref<1280x128xf32, #tpu.memory_space<hbm>>, %arg5: memref<2x1280x128xf32, #tpu.memory_space<hbm>>, %arg6: memref<80x128xi32, #tpu.memory_space<vmem>>, %arg7: memref<80x128xi32, #tpu.memory_space<vmem>>, %arg8: memref<128x16xf32, #tpu.memory_space<vmem>>, %arg9: memref<128x16xf32, #tpu.memory_space<vmem>>, %arg10: memref<128x16xf32, #tpu.memory_space<vmem>>, %arg11: memref<128x16xf32, #tpu.memory_space<vmem>>, %arg12: memref<128x16xf32, #tpu.memory_space<vmem>>, %arg13: memref<128x16xf32, #tpu.memory_space<vmem>>, %arg14: memref<128x16xf32, #tpu.memory_space<vmem>>, %arg15: memref<128x16xf32, #tpu.memory_space<vmem>>, %arg16: memref<80x128xf32, #tpu.memory_space<vmem>>, %arg17: memref<640x16xf32, #tpu.memory_space<vmem>>, %arg18: memref<10240x16xf32, #tpu.memory_space<vmem_shared>>, %arg19: memref<10240x16xf32, #tpu.memory_space<vmem_shared>>, %arg20: memref<!tpu.dma_semaphore, #tpu.memory_space<semaphore_mem>>, %arg21: memref<!tpu.dma_semaphore, #tpu.memory_space<semaphore_mem>>) attributes {dimension_semantics = [#tpu.dimension_semantics<core_parallel>, #tpu.dimension_semantics<subcore_parallel>], iteration_bounds = array<i64: 2, 16>, scalar_prefetch = 0 : i64, scratch_operands = 16 : i64, tpu.core_type = #tpu.core_type<sc_vector_subcore>, window_params = [{transform_indices = #map}, {transform_indices = #map}, {transform_indices = #map1}, {transform_indices = #map}]} {
    %mul3A = arith.constant 16 : i32
    %mul3A_0 = arith.muli %arg0, %mul3A : i32
    %add3A = arith.addi %mul3A_0, %arg1 : i32
    %dma_start3A = arith.constant 0 : i32
    %dma_start3A_1 = arith.constant 0 : i32
    %dma_start3A_2 = tpu.memref_slice %arg2[%add3A, %dma_start3A, %dma_start3A_1] : memref<32x80x128xi32, #tpu.memory_space<hbm>> -> memref<1x80x128xi32, #tpu.memory_space<hbm>>
    %dma_start3A_3 = tpu.memref_squeeze %dma_start3A_2 : memref<1x80x128xi32, #tpu.memory_space<hbm>> -> memref<80x128xi32, #tpu.memory_space<hbm>>
    %dma_start3A_4 = arith.constant 0 : i32
    %dma_start3A_5 = arith.constant 0 : i32
    %dma_start3A_6 = tpu.memref_slice %arg2[%add3A, %dma_start3A_4, %dma_start3A_5] : memref<32x80x128xi32, #tpu.memory_space<hbm>> -> memref<1x80x128xi32, #tpu.memory_space<hbm>>
    %dma_start3A_7 = tpu.memref_squeeze %dma_start3A_6 : memref<1x80x128xi32, #tpu.memory_space<hbm>> -> memref<80x128xi32, #tpu.memory_space<hbm>>
    tpu.enqueue_dma source(%dma_start3A_7 : memref<80x128xi32, #tpu.memory_space<hbm>>) target(%arg6 : memref<80x128xi32, #tpu.memory_space<vmem>>) target_semaphore(%arg21 : memref<!tpu.dma_semaphore, #tpu.memory_space<semaphore_mem>>)
    "tpu.region"() ({
      %run_scoped3A = tpu.sem_alloc : memref<!tpu.dma_semaphore, #tpu.memory_space<semaphore_mem>>
      %dma_start3A_77 = arith.constant 0 : i32
      %dma_start3A_78 = arith.constant 0 : i32
      %dma_start3A_79 = tpu.memref_slice %arg3[%add3A, %dma_start3A_77, %dma_start3A_78] : memref<32x80x128xi32, #tpu.memory_space<hbm>> -> memref<1x80x128xi32, #tpu.memory_space<hbm>>
      %dma_start3A_80 = tpu.memref_squeeze %dma_start3A_79 : memref<1x80x128xi32, #tpu.memory_space<hbm>> -> memref<80x128xi32, #tpu.memory_space<hbm>>
      %dma_start3A_81 = arith.constant 0 : i32
      %dma_start3A_82 = arith.constant 0 : i32
      %dma_start3A_83 = tpu.memref_slice %arg3[%add3A, %dma_start3A_81, %dma_start3A_82] : memref<32x80x128xi32, #tpu.memory_space<hbm>> -> memref<1x80x128xi32, #tpu.memory_space<hbm>>
      %dma_start3A_84 = tpu.memref_squeeze %dma_start3A_83 : memref<1x80x128xi32, #tpu.memory_space<hbm>> -> memref<80x128xi32, #tpu.memory_space<hbm>>
      tpu.enqueue_dma source(%dma_start3A_84 : memref<80x128xi32, #tpu.memory_space<hbm>>) target(%arg7 : memref<80x128xi32, #tpu.memory_space<vmem>>) target_semaphore(%run_scoped3A : memref<!tpu.dma_semaphore, #tpu.memory_space<semaphore_mem>>)
      %dma_wait3A_85 = arith.constant 0 : i32
      %dma_wait3A_86 = arith.constant 0 : i32
      %dma_wait3A_87 = tpu.memref_slice %arg3[%add3A, %dma_wait3A_85, %dma_wait3A_86] : memref<32x80x128xi32, #tpu.memory_space<hbm>> -> memref<1x80x128xi32, #tpu.memory_space<hbm>>
      %dma_wait3A_88 = tpu.memref_squeeze %dma_wait3A_87 : memref<1x80x128xi32, #tpu.memory_space<hbm>> -> memref<80x128xi32, #tpu.memory_space<hbm>>
      %dma_wait3A_89 = arith.constant 0 : i32
      %dma_wait3A_90 = arith.constant 0 : i32
      %dma_wait3A_91 = tpu.memref_slice %arg3[%add3A, %dma_wait3A_89, %dma_wait3A_90] : memref<32x80x128xi32, #tpu.memory_space<hbm>> -> memref<1x80x128xi32, #tpu.memory_space<hbm>>
      %dma_wait3A_92 = tpu.memref_squeeze %dma_wait3A_91 : memref<1x80x128xi32, #tpu.memory_space<hbm>> -> memref<80x128xi32, #tpu.memory_space<hbm>>
      tpu.wait_dma2 semaphore(%run_scoped3A : memref<!tpu.dma_semaphore, #tpu.memory_space<semaphore_mem>>) src(%dma_wait3A_92 : memref<80x128xi32, #tpu.memory_space<hbm>>) dst(%arg7 : memref<80x128xi32, #tpu.memory_space<vmem>>)
      tpu.yield
    }) : () -> ()
    %scan3A = arith.constant 0 : i32
    %scan3A_8 = arith.constant 0 : i32
    %scan3A_9 = arith.constant 640 : i32
    %scan3A_10 = arith.addi %scan3A_8, %scan3A_9 : i32
    %scan3A_11 = arith.constant 1 : i32
    scf.for %scan3A_77 = %scan3A_8 to %scan3A_10 step %scan3A_11  : i32 {
      %broadcast_in_dim3A = arith.constant 0.000000e+00 : f32
      %broadcast_in_dim3A_78 = vector.broadcast %broadcast_in_dim3A : f32 to vector<16xf32>
      %swap3A = arith.index_cast %scan3A_77 : i32 to index
      %swap3A_79 = arith.constant 0 : index
      %swap3A_80 = tpu.vector_load %arg17[%swap3A, %swap3A_79] {strides = array<i32>} : memref<640x16xf32, #tpu.memory_space<vmem>>, vector<1x16xf32>,
      %swap3A_81 = vector.shape_cast %swap3A_80 : vector<1x16xf32> to vector<16xf32>
      %swap3A_82 = vector.shape_cast %broadcast_in_dim3A_78 : vector<16xf32> to vector<1x16xf32>
      tpu.vector_store %arg17[%swap3A, %swap3A_79], %swap3A_82 {strides = array<i32>} : memref<640x16xf32, #tpu.memory_space<vmem>>, vector<1x16xf32>,
    }
    %scan3A_12 = arith.constant 640 : i32
    %mul3A_13 = arith.constant 640 : i32
    %mul3A_14 = arith.muli %arg1, %mul3A_13 : i32
    "tpu.region"() ({
      %run_scoped3A = tpu.sem_alloc : memref<!tpu.dma_semaphore, #tpu.memory_space<semaphore_mem>>
      %dma_start3A_77 = arith.constant 0 : i32
      %dma_start3A_78 = tpu.memref_slice %arg19[%mul3A_14, %dma_start3A_77] : memref<10240x16xf32, #tpu.memory_space<vmem_shared>> -> memref<640x16xf32, #tpu.memory_space<vmem_shared>>
      %dma_start3A_79 = arith.constant 0 : i32
      %dma_start3A_80 = tpu.memref_slice %arg19[%mul3A_14, %dma_start3A_79] : memref<10240x16xf32, #tpu.memory_space<vmem_shared>> -> memref<640x16xf32, #tpu.memory_space<vmem_shared>>
      tpu.enqueue_dma source(%arg17 : memref<640x16xf32, #tpu.memory_space<vmem>>) target(%dma_start3A_80 : memref<640x16xf32, #tpu.memory_space<vmem_shared>>) target_semaphore(%run_scoped3A : memref<!tpu.dma_semaphore, #tpu.memory_space<semaphore_mem>>)
      %dma_wait3A_81 = arith.constant 0 : i32
      %dma_wait3A_82 = tpu.memref_slice %arg19[%mul3A_14, %dma_wait3A_81] : memref<10240x16xf32, #tpu.memory_space<vmem_shared>> -> memref<640x16xf32, #tpu.memory_space<vmem_shared>>
      %dma_wait3A_83 = arith.constant 0 : i32
      %dma_wait3A_84 = tpu.memref_slice %arg19[%mul3A_14, %dma_wait3A_83] : memref<10240x16xf32, #tpu.memory_space<vmem_shared>> -> memref<640x16xf32, #tpu.memory_space<vmem_shared>>
      tpu.wait_dma2 semaphore(%run_scoped3A : memref<!tpu.dma_semaphore, #tpu.memory_space<semaphore_mem>>) src(%arg17 : memref<640x16xf32, #tpu.memory_space<vmem>>) dst(%dma_wait3A_84 : memref<640x16xf32, #tpu.memory_space<vmem_shared>>)
      tpu.yield
    }) : () -> ()
    %mul3A_15 = arith.constant 80 : i32
    %mul3A_16 = arith.muli %arg1, %mul3A_15 : i32
    "tpu.region"() ({
      %run_scoped3A = tpu.sem_alloc : memref<!tpu.dma_semaphore, #tpu.memory_space<semaphore_mem>>
      %dma_start3A_77 = arith.constant 0 : i32
      %dma_start3A_78 = tpu.memref_slice %arg4[%mul3A_16, %dma_start3A_77] : memref<1280x128xf32, #tpu.memory_space<hbm>> -> memref<80x128xf32, #tpu.memory_space<hbm>>
      %dma_start3A_79 = arith.constant 0 : i32
      %dma_start3A_80 = tpu.memref_slice %arg4[%mul3A_16, %dma_start3A_79] : memref<1280x128xf32, #tpu.memory_space<hbm>> -> memref<80x128xf32, #tpu.memory_space<hbm>>
      tpu.enqueue_dma source(%dma_start3A_80 : memref<80x128xf32, #tpu.memory_space<hbm>>) target(%arg16 : memref<80x128xf32, #tpu.memory_space<vmem>>) target_semaphore(%run_scoped3A : memref<!tpu.dma_semaphore, #tpu.memory_space<semaphore_mem>>)
      %dma_wait3A_81 = arith.constant 0 : i32
      %dma_wait3A_82 = tpu.memref_slice %arg4[%mul3A_16, %dma_wait3A_81] : memref<1280x128xf32, #tpu.memory_space<hbm>> -> memref<80x128xf32, #tpu.memory_space<hbm>>
      %dma_wait3A_83 = arith.constant 0 : i32
      %dma_wait3A_84 = tpu.memref_slice %arg4[%mul3A_16, %dma_wait3A_83] : memref<1280x128xf32, #tpu.memory_space<hbm>> -> memref<80x128xf32, #tpu.memory_space<hbm>>
      tpu.wait_dma2 semaphore(%run_scoped3A : memref<!tpu.dma_semaphore, #tpu.memory_space<semaphore_mem>>) src(%dma_wait3A_84 : memref<80x128xf32, #tpu.memory_space<hbm>>) dst(%arg16 : memref<80x128xf32, #tpu.memory_space<vmem>>)
      tpu.yield
    }) : () -> ()
    %scan3A_17 = arith.constant 0 : i32
    %scan3A_18 = arith.constant 0 : i32
    %scan3A_19 = arith.constant 80 : i32
    %scan3A_20 = arith.addi %scan3A_18, %scan3A_19 : i32
    %scan3A_21 = arith.constant 1 : i32
    scf.for %scan3A_77 = %scan3A_18 to %scan3A_20 step %scan3A_21  : i32 {
      %get3A = arith.index_cast %scan3A_77 : i32 to index
      %get3A_78 = arith.constant 0 : index
      %get3A_79 = tpu.vector_load %arg16[%get3A, %get3A_78] {strides = array<i32>} : memref<80x128xf32, #tpu.memory_space<vmem>>, vector<1x16xf32>,
      %get3A_80 = vector.shape_cast %get3A_79 : vector<1x16xf32> to vector<16xf32>
      %mul3A_81 = arith.constant 8 : i32
      %mul3A_82 = arith.muli %mul3A_81, %scan3A_77 : i32
      %add3A_83 = arith.constant 0 : i32
      %add3A_84 = arith.addi %mul3A_82, %add3A_83 : i32
      %swap3A = arith.index_cast %add3A_84 : i32 to index
      %swap3A_85 = arith.constant 0 : index
      %swap3A_86 = tpu.vector_load %arg17[%swap3A, %swap3A_85] {strides = array<i32>} : memref<640x16xf32, #tpu.memory_space<vmem>>, vector<1x16xf32>,
      %swap3A_87 = vector.shape_cast %swap3A_86 : vector<1x16xf32> to vector<16xf32>
      %swap3A_88 = vector.shape_cast %get3A_80 : vector<16xf32> to vector<1x16xf32>
      tpu.vector_store %arg17[%swap3A, %swap3A_85], %swap3A_88 {strides = array<i32>} : memref<640x16xf32, #tpu.memory_space<vmem>>, vector<1x16xf32>,
      %get3A_89 = arith.index_cast %scan3A_77 : i32 to index
      %get3A_90 = arith.constant 16 : index
      %get3A_91 = tpu.vector_load %arg16[%get3A_89, %get3A_90] {strides = array<i32>} : memref<80x128xf32, #tpu.memory_space<vmem>>, vector<1x16xf32>,
      %get3A_92 = vector.shape_cast %get3A_91 : vector<1x16xf32> to vector<16xf32>
      %mul3A_93 = arith.constant 8 : i32
      %mul3A_94 = arith.muli %mul3A_93, %scan3A_77 : i32
      %add3A_95 = arith.constant 1 : i32
      %add3A_96 = arith.addi %mul3A_94, %add3A_95 : i32
      %swap3A_97 = arith.index_cast %add3A_96 : i32 to index
      %swap3A_98 = arith.constant 0 : index
      %swap3A_99 = tpu.vector_load %arg17[%swap3A_97, %swap3A_98] {strides = array<i32>} : memref<640x16xf32, #tpu.memory_space<vmem>>, vector<1x16xf32>,
      %swap3A_100 = vector.shape_cast %swap3A_99 : vector<1x16xf32> to vector<16xf32>
      %swap3A_101 = vector.shape_cast %get3A_92 : vector<16xf32> to vector<1x16xf32>
      tpu.vector_store %arg17[%swap3A_97, %swap3A_98], %swap3A_101 {strides = array<i32>} : memref<640x16xf32, #tpu.memory_space<vmem>>, vector<1x16xf32>,
      %get3A_102 = arith.index_cast %scan3A_77 : i32 to index
      %get3A_103 = arith.constant 32 : index
      %get3A_104 = tpu.vector_load %arg16[%get3A_102, %get3A_103] {strides = array<i32>} : memref<80x128xf32, #tpu.memory_space<vmem>>, vector<1x16xf32>,
      %get3A_105 = vector.shape_cast %get3A_104 : vector<1x16xf32> to vector<16xf32>
      %mul3A_106 = arith.constant 8 : i32
      %mul3A_107 = arith.muli %mul3A_106, %scan3A_77 : i32
      %add3A_108 = arith.constant 2 : i32
      %add3A_109 = arith.addi %mul3A_107, %add3A_108 : i32
      %swap3A_110 = arith.index_cast %add3A_109 : i32 to index
      %swap3A_111 = arith.constant 0 : index
      %swap3A_112 = tpu.vector_load %arg17[%swap3A_110, %swap3A_111] {strides = array<i32>} : memref<640x16xf32, #tpu.memory_space<vmem>>, vector<1x16xf32>,
      %swap3A_113 = vector.shape_cast %swap3A_112 : vector<1x16xf32> to vector<16xf32>
      %swap3A_114 = vector.shape_cast %get3A_105 : vector<16xf32> to vector<1x16xf32>
      tpu.vector_store %arg17[%swap3A_110, %swap3A_111], %swap3A_114 {strides = array<i32>} : memref<640x16xf32, #tpu.memory_space<vmem>>, vector<1x16xf32>,
      %get3A_115 = arith.index_cast %scan3A_77 : i32 to index
      %get3A_116 = arith.constant 48 : index
      %get3A_117 = tpu.vector_load %arg16[%get3A_115, %get3A_116] {strides = array<i32>} : memref<80x128xf32, #tpu.memory_space<vmem>>, vector<1x16xf32>,
      %get3A_118 = vector.shape_cast %get3A_117 : vector<1x16xf32> to vector<16xf32>
      %mul3A_119 = arith.constant 8 : i32
      %mul3A_120 = arith.muli %mul3A_119, %scan3A_77 : i32
      %add3A_121 = arith.constant 3 : i32
      %add3A_122 = arith.addi %mul3A_120, %add3A_121 : i32
      %swap3A_123 = arith.index_cast %add3A_122 : i32 to index
      %swap3A_124 = arith.constant 0 : index
      %swap3A_125 = tpu.vector_load %arg17[%swap3A_123, %swap3A_124] {strides = array<i32>} : memref<640x16xf32, #tpu.memory_space<vmem>>, vector<1x16xf32>,
      %swap3A_126 = vector.shape_cast %swap3A_125 : vector<1x16xf32> to vector<16xf32>
      %swap3A_127 = vector.shape_cast %get3A_118 : vector<16xf32> to vector<1x16xf32>
      tpu.vector_store %arg17[%swap3A_123, %swap3A_124], %swap3A_127 {strides = array<i32>} : memref<640x16xf32, #tpu.memory_space<vmem>>, vector<1x16xf32>,
      %get3A_128 = arith.index_cast %scan3A_77 : i32 to index
      %get3A_129 = arith.constant 64 : index
      %get3A_130 = tpu.vector_load %arg16[%get3A_128, %get3A_129] {strides = array<i32>} : memref<80x128xf32, #tpu.memory_space<vmem>>, vector<1x16xf32>,
      %get3A_131 = vector.shape_cast %get3A_130 : vector<1x16xf32> to vector<16xf32>
      %mul3A_132 = arith.constant 8 : i32
      %mul3A_133 = arith.muli %mul3A_132, %scan3A_77 : i32
      %add3A_134 = arith.constant 4 : i32
      %add3A_135 = arith.addi %mul3A_133, %add3A_134 : i32
      %swap3A_136 = arith.index_cast %add3A_135 : i32 to index
      %swap3A_137 = arith.constant 0 : index
      %swap3A_138 = tpu.vector_load %arg17[%swap3A_136, %swap3A_137] {strides = array<i32>} : memref<640x16xf32, #tpu.memory_space<vmem>>, vector<1x16xf32>,
      %swap3A_139 = vector.shape_cast %swap3A_138 : vector<1x16xf32> to vector<16xf32>
      %swap3A_140 = vector.shape_cast %get3A_131 : vector<16xf32> to vector<1x16xf32>
      tpu.vector_store %arg17[%swap3A_136, %swap3A_137], %swap3A_140 {strides = array<i32>} : memref<640x16xf32, #tpu.memory_space<vmem>>, vector<1x16xf32>,
      %get3A_141 = arith.index_cast %scan3A_77 : i32 to index
      %get3A_142 = arith.constant 80 : index
      %get3A_143 = tpu.vector_load %arg16[%get3A_141, %get3A_142] {strides = array<i32>} : memref<80x128xf32, #tpu.memory_space<vmem>>, vector<1x16xf32>,
      %get3A_144 = vector.shape_cast %get3A_143 : vector<1x16xf32> to vector<16xf32>
      %mul3A_145 = arith.constant 8 : i32
      %mul3A_146 = arith.muli %mul3A_145, %scan3A_77 : i32
      %add3A_147 = arith.constant 5 : i32
      %add3A_148 = arith.addi %mul3A_146, %add3A_147 : i32
      %swap3A_149 = arith.index_cast %add3A_148 : i32 to index
      %swap3A_150 = arith.constant 0 : index
      %swap3A_151 = tpu.vector_load %arg17[%swap3A_149, %swap3A_150] {strides = array<i32>} : memref<640x16xf32, #tpu.memory_space<vmem>>, vector<1x16xf32>,
      %swap3A_152 = vector.shape_cast %swap3A_151 : vector<1x16xf32> to vector<16xf32>
      %swap3A_153 = vector.shape_cast %get3A_144 : vector<16xf32> to vector<1x16xf32>
      tpu.vector_store %arg17[%swap3A_149, %swap3A_150], %swap3A_153 {strides = array<i32>} : memref<640x16xf32, #tpu.memory_space<vmem>>, vector<1x16xf32>,
      %get3A_154 = arith.index_cast %scan3A_77 : i32 to index
      %get3A_155 = arith.constant 96 : index
      %get3A_156 = tpu.vector_load %arg16[%get3A_154, %get3A_155] {strides = array<i32>} : memref<80x128xf32, #tpu.memory_space<vmem>>, vector<1x16xf32>,
      %get3A_157 = vector.shape_cast %get3A_156 : vector<1x16xf32> to vector<16xf32>
      %mul3A_158 = arith.constant 8 : i32
      %mul3A_159 = arith.muli %mul3A_158, %scan3A_77 : i32
      %add3A_160 = arith.constant 6 : i32
      %add3A_161 = arith.addi %mul3A_159, %add3A_160 : i32
      %swap3A_162 = arith.index_cast %add3A_161 : i32 to index
      %swap3A_163 = arith.constant 0 : index
      %swap3A_164 = tpu.vector_load %arg17[%swap3A_162, %swap3A_163] {strides = array<i32>} : memref<640x16xf32, #tpu.memory_space<vmem>>, vector<1x16xf32>,
      %swap3A_165 = vector.shape_cast %swap3A_164 : vector<1x16xf32> to vector<16xf32>
      %swap3A_166 = vector.shape_cast %get3A_157 : vector<16xf32> to vector<1x16xf32>
      tpu.vector_store %arg17[%swap3A_162, %swap3A_163], %swap3A_166 {strides = array<i32>} : memref<640x16xf32, #tpu.memory_space<vmem>>, vector<1x16xf32>,
      %get3A_167 = arith.index_cast %scan3A_77 : i32 to index
      %get3A_168 = arith.constant 112 : index
      %get3A_169 = tpu.vector_load %arg16[%get3A_167, %get3A_168] {strides = array<i32>} : memref<80x128xf32, #tpu.memory_space<vmem>>, vector<1x16xf32>,
      %get3A_170 = vector.shape_cast %get3A_169 : vector<1x16xf32> to vector<16xf32>
      %mul3A_171 = arith.constant 8 : i32
      %mul3A_172 = arith.muli %mul3A_171, %scan3A_77 : i32
      %add3A_173 = arith.constant 7 : i32
      %add3A_174 = arith.addi %mul3A_172, %add3A_173 : i32
      %swap3A_175 = arith.index_cast %add3A_174 : i32 to index
      %swap3A_176 = arith.constant 0 : index
      %swap3A_177 = tpu.vector_load %arg17[%swap3A_175, %swap3A_176] {strides = array<i32>} : memref<640x16xf32, #tpu.memory_space<vmem>>, vector<1x16xf32>,
      %swap3A_178 = vector.shape_cast %swap3A_177 : vector<1x16xf32> to vector<16xf32>
      %swap3A_179 = vector.shape_cast %get3A_170 : vector<16xf32> to vector<1x16xf32>
      tpu.vector_store %arg17[%swap3A_175, %swap3A_176], %swap3A_179 {strides = array<i32>} : memref<640x16xf32, #tpu.memory_space<vmem>>, vector<1x16xf32>,
    }
    %scan3A_22 = arith.constant 80 : i32
    %mul3A_23 = arith.constant 640 : i32
    %mul3A_24 = arith.muli %arg1, %mul3A_23 : i32
    "tpu.region"() ({
      %run_scoped3A = tpu.sem_alloc : memref<!tpu.dma_semaphore, #tpu.memory_space<semaphore_mem>>
      %dma_start3A_77 = arith.constant 0 : i32
      %dma_start3A_78 = tpu.memref_slice %arg18[%mul3A_24, %dma_start3A_77] : memref<10240x16xf32, #tpu.memory_space<vmem_shared>> -> memref<640x16xf32, #tpu.memory_space<vmem_shared>>
      %dma_start3A_79 = arith.constant 0 : i32
      %dma_start3A_80 = tpu.memref_slice %arg18[%mul3A_24, %dma_start3A_79] : memref<10240x16xf32, #tpu.memory_space<vmem_shared>> -> memref<640x16xf32, #tpu.memory_space<vmem_shared>>
      tpu.enqueue_dma source(%arg17 : memref<640x16xf32, #tpu.memory_space<vmem>>) target(%dma_start3A_80 : memref<640x16xf32, #tpu.memory_space<vmem_shared>>) target_semaphore(%run_scoped3A : memref<!tpu.dma_semaphore, #tpu.memory_space<semaphore_mem>>)
      %dma_wait3A_81 = arith.constant 0 : i32
      %dma_wait3A_82 = tpu.memref_slice %arg18[%mul3A_24, %dma_wait3A_81] : memref<10240x16xf32, #tpu.memory_space<vmem_shared>> -> memref<640x16xf32, #tpu.memory_space<vmem_shared>>
      %dma_wait3A_83 = arith.constant 0 : i32
      %dma_wait3A_84 = tpu.memref_slice %arg18[%mul3A_24, %dma_wait3A_83] : memref<10240x16xf32, #tpu.memory_space<vmem_shared>> -> memref<640x16xf32, #tpu.memory_space<vmem_shared>>
      tpu.wait_dma2 semaphore(%run_scoped3A : memref<!tpu.dma_semaphore, #tpu.memory_space<semaphore_mem>>) src(%arg17 : memref<640x16xf32, #tpu.memory_space<vmem>>) dst(%dma_wait3A_84 : memref<640x16xf32, #tpu.memory_space<vmem_shared>>)
      tpu.yield
    }) : () -> ()
    %dma_wait3A = arith.constant 0 : i32
    %dma_wait3A_25 = arith.constant 0 : i32
    %dma_wait3A_26 = tpu.memref_slice %arg2[%add3A, %dma_wait3A, %dma_wait3A_25] : memref<32x80x128xi32, #tpu.memory_space<hbm>> -> memref<1x80x128xi32, #tpu.memory_space<hbm>>
    %dma_wait3A_27 = tpu.memref_squeeze %dma_wait3A_26 : memref<1x80x128xi32, #tpu.memory_space<hbm>> -> memref<80x128xi32, #tpu.memory_space<hbm>>
    %dma_wait3A_28 = arith.constant 0 : i32
    %dma_wait3A_29 = arith.constant 0 : i32
    %dma_wait3A_30 = tpu.memref_slice %arg2[%add3A, %dma_wait3A_28, %dma_wait3A_29] : memref<32x80x128xi32, #tpu.memory_space<hbm>> -> memref<1x80x128xi32, #tpu.memory_space<hbm>>
    %dma_wait3A_31 = tpu.memref_squeeze %dma_wait3A_30 : memref<1x80x128xi32, #tpu.memory_space<hbm>> -> memref<80x128xi32, #tpu.memory_space<hbm>>
    tpu.wait_dma2 semaphore(%arg21 : memref<!tpu.dma_semaphore, #tpu.memory_space<semaphore_mem>>) src(%dma_wait3A_31 : memref<80x128xi32, #tpu.memory_space<hbm>>) dst(%arg6 : memref<80x128xi32, #tpu.memory_space<vmem>>)
    %barrier3A = arith.constant 0 : index
    tpu.barrier barrier_id(%barrier3A)
    %dma_start3A_32 = arith.constant 0 : i32
    %dma_start3A_33 = arith.constant 0 : i32
    %dma_start3A_34 = tpu.memref_slice %arg6[%dma_start3A_32, %dma_start3A_33] : memref<80x128xi32, #tpu.memory_space<vmem>> -> memref<1x128xi32, #tpu.memory_space<vmem>>
    %dma_start3A_35 = tpu.memref_squeeze %dma_start3A_34 : memref<1x128xi32, #tpu.memory_space<vmem>> -> memref<128xi32, #tpu.memory_space<vmem>>
    %dma_start3A_36 = arith.constant 0 : i32
    %dma_start3A_37 = arith.constant 0 : i32
    %dma_start3A_38 = tpu.memref_slice %arg18[%dma_start3A_36, %dma_start3A_37] : memref<10240x16xf32, #tpu.memory_space<vmem_shared>> -> memref<10240x16xf32, #tpu.memory_space<vmem_shared>>
    tpu.enqueue_indirect_dma source(%dma_start3A_38 : memref<10240x16xf32, #tpu.memory_space<vmem_shared>>) target(%arg8 : memref<128x16xf32, #tpu.memory_space<vmem>>) offsets(%dma_start3A_35 : memref<128xi32, #tpu.memory_space<vmem>>) semaphore(%arg20 : memref<!tpu.dma_semaphore, #tpu.memory_space<semaphore_mem>>)
    %dma_start3A_39 = arith.constant 1 : i32
    %dma_start3A_40 = arith.constant 0 : i32
    %dma_start3A_41 = tpu.memref_slice %arg6[%dma_start3A_39, %dma_start3A_40] : memref<80x128xi32, #tpu.memory_space<vmem>> -> memref<1x128xi32, #tpu.memory_space<vmem>>
    %dma_start3A_42 = tpu.memref_squeeze %dma_start3A_41 : memref<1x128xi32, #tpu.memory_space<vmem>> -> memref<128xi32, #tpu.memory_space<vmem>>
    %dma_start3A_43 = arith.constant 0 : i32
    %dma_start3A_44 = arith.constant 0 : i32
    %dma_start3A_45 = tpu.memref_slice %arg18[%dma_start3A_43, %dma_start3A_44] : memref<10240x16xf32, #tpu.memory_space<vmem_shared>> -> memref<10240x16xf32, #tpu.memory_space<vmem_shared>>
    tpu.enqueue_indirect_dma source(%dma_start3A_45 : memref<10240x16xf32, #tpu.memory_space<vmem_shared>>) target(%arg9 : memref<128x16xf32, #tpu.memory_space<vmem>>) offsets(%dma_start3A_42 : memref<128xi32, #tpu.memory_space<vmem>>) semaphore(%arg20 : memref<!tpu.dma_semaphore, #tpu.memory_space<semaphore_mem>>)
    %dma_start3A_46 = arith.constant 2 : i32
    %dma_start3A_47 = arith.constant 0 : i32
    %dma_start3A_48 = tpu.memref_slice %arg6[%dma_start3A_46, %dma_start3A_47] : memref<80x128xi32, #tpu.memory_space<vmem>> -> memref<1x128xi32, #tpu.memory_space<vmem>>
    %dma_start3A_49 = tpu.memref_squeeze %dma_start3A_48 : memref<1x128xi32, #tpu.memory_space<vmem>> -> memref<128xi32, #tpu.memory_space<vmem>>
    %dma_start3A_50 = arith.constant 0 : i32
    %dma_start3A_51 = arith.constant 0 : i32
    %dma_start3A_52 = tpu.memref_slice %arg18[%dma_start3A_50, %dma_start3A_51] : memref<10240x16xf32, #tpu.memory_space<vmem_shared>> -> memref<10240x16xf32, #tpu.memory_space<vmem_shared>>
    tpu.enqueue_indirect_dma source(%dma_start3A_52 : memref<10240x16xf32, #tpu.memory_space<vmem_shared>>) target(%arg10 : memref<128x16xf32, #tpu.memory_space<vmem>>) offsets(%dma_start3A_49 : memref<128xi32, #tpu.memory_space<vmem>>) semaphore(%arg20 : memref<!tpu.dma_semaphore, #tpu.memory_space<semaphore_mem>>)
    %dma_start3A_53 = arith.constant 3 : i32
    %dma_start3A_54 = arith.constant 0 : i32
    %dma_start3A_55 = tpu.memref_slice %arg6[%dma_start3A_53, %dma_start3A_54] : memref<80x128xi32, #tpu.memory_space<vmem>> -> memref<1x128xi32, #tpu.memory_space<vmem>>
    %dma_start3A_56 = tpu.memref_squeeze %dma_start3A_55 : memref<1x128xi32, #tpu.memory_space<vmem>> -> memref<128xi32, #tpu.memory_space<vmem>>
    %dma_start3A_57 = arith.constant 0 : i32
    %dma_start3A_58 = arith.constant 0 : i32
    %dma_start3A_59 = tpu.memref_slice %arg18[%dma_start3A_57, %dma_start3A_58] : memref<10240x16xf32, #tpu.memory_space<vmem_shared>> -> memref<10240x16xf32, #tpu.memory_space<vmem_shared>>
    tpu.enqueue_indirect_dma source(%dma_start3A_59 : memref<10240x16xf32, #tpu.memory_space<vmem_shared>>) target(%arg11 : memref<128x16xf32, #tpu.memory_space<vmem>>) offsets(%dma_start3A_56 : memref<128xi32, #tpu.memory_space<vmem>>) semaphore(%arg20 : memref<!tpu.dma_semaphore, #tpu.memory_space<semaphore_mem>>)
    %scan3A_60 = arith.constant 0 : i32
    %scan3A_61 = arith.constant 0 : i32
    %scan3A_62 = arith.constant 10 : i32
    %scan3A_63 = arith.addi %scan3A_61, %scan3A_62 : i32
    %scan3A_64 = arith.constant 1 : i32
    scf.for %scan3A_77 = %scan3A_61 to %scan3A_63 step %scan3A_64  : i32 {
      %mul3A_78 = arith.constant 8 : i32
      %mul3A_79 = arith.muli %mul3A_78, %scan3A_77 : i32
      %add3A_80 = arith.constant 0 : i32
      %add3A_81 = arith.addi %mul3A_79, %add3A_80 : i32
      %dma_wait3A_82 = arith.constant 0 : i32
      %dma_wait3A_83 = tpu.memref_slice %arg6[%add3A_81, %dma_wait3A_82] : memref<80x128xi32, #tpu.memory_space<vmem>> -> memref<1x128xi32, #tpu.memory_space<vmem>>
      %dma_wait3A_84 = tpu.memref_squeeze %dma_wait3A_83 : memref<1x128xi32, #tpu.memory_space<vmem>> -> memref<128xi32, #tpu.memory_space<vmem>>
      %dma_wait3A_85 = arith.constant 0 : i32
      %dma_wait3A_86 = arith.constant 0 : i32
      %dma_wait3A_87 = tpu.memref_slice %arg18[%dma_wait3A_85, %dma_wait3A_86] : memref<10240x16xf32, #tpu.memory_space<vmem_shared>> -> memref<10240x16xf32, #tpu.memory_space<vmem_shared>>
      tpu.wait_indirect_dma semaphore(%arg20 : memref<!tpu.dma_semaphore, #tpu.memory_space<semaphore_mem>>) src(%dma_wait3A_87 : memref<10240x16xf32, #tpu.memory_space<vmem_shared>>) dst(%arg8 : memref<128x16xf32, #tpu.memory_space<vmem>>)
      %add3A_88 = arith.constant 0 : i32
      %add3A_89 = arith.addi %mul3A_79, %add3A_88 : i32
      %dma_start3A_90 = arith.constant 0 : i32
      %dma_start3A_91 = tpu.memref_slice %arg7[%add3A_89, %dma_start3A_90] : memref<80x128xi32, #tpu.memory_space<vmem>> -> memref<1x128xi32, #tpu.memory_space<vmem>>
      %dma_start3A_92 = tpu.memref_squeeze %dma_start3A_91 : memref<1x128xi32, #tpu.memory_space<vmem>> -> memref<128xi32, #tpu.memory_space<vmem>>
      %dma_start3A_93 = arith.constant 0 : i32
      %dma_start3A_94 = arith.constant 0 : i32
      %dma_start3A_95 = tpu.memref_slice %arg19[%dma_start3A_93, %dma_start3A_94] : memref<10240x16xf32, #tpu.memory_space<vmem_shared>> -> memref<10240x16xf32, #tpu.memory_space<vmem_shared>>
      tpu.enqueue_indirect_dma source(%arg8 : memref<128x16xf32, #tpu.memory_space<vmem>>) target(%dma_start3A_95 : memref<10240x16xf32, #tpu.memory_space<vmem_shared>>) offsets(%dma_start3A_92 : memref<128xi32, #tpu.memory_space<vmem>>) semaphore(%arg21 : memref<!tpu.dma_semaphore, #tpu.memory_space<semaphore_mem>>) {add = true}
      %add3A_96 = arith.constant 1 : i32
      %add3A_97 = arith.addi %mul3A_79, %add3A_96 : i32
      %dma_wait3A_98 = arith.constant 0 : i32
      %dma_wait3A_99 = tpu.memref_slice %arg6[%add3A_97, %dma_wait3A_98] : memref<80x128xi32, #tpu.memory_space<vmem>> -> memref<1x128xi32, #tpu.memory_space<vmem>>
      %dma_wait3A_100 = tpu.memref_squeeze %dma_wait3A_99 : memref<1x128xi32, #tpu.memory_space<vmem>> -> memref<128xi32, #tpu.memory_space<vmem>>
      %dma_wait3A_101 = arith.constant 0 : i32
      %dma_wait3A_102 = arith.constant 0 : i32
      %dma_wait3A_103 = tpu.memref_slice %arg18[%dma_wait3A_101, %dma_wait3A_102] : memref<10240x16xf32, #tpu.memory_space<vmem_shared>> -> memref<10240x16xf32, #tpu.memory_space<vmem_shared>>
      tpu.wait_indirect_dma semaphore(%arg20 : memref<!tpu.dma_semaphore, #tpu.memory_space<semaphore_mem>>) src(%dma_wait3A_103 : memref<10240x16xf32, #tpu.memory_space<vmem_shared>>) dst(%arg9 : memref<128x16xf32, #tpu.memory_space<vmem>>)
      %add3A_104 = arith.constant 1 : i32
      %add3A_105 = arith.addi %mul3A_79, %add3A_104 : i32
      %dma_start3A_106 = arith.constant 0 : i32
      %dma_start3A_107 = tpu.memref_slice %arg7[%add3A_105, %dma_start3A_106] : memref<80x128xi32, #tpu.memory_space<vmem>> -> memref<1x128xi32, #tpu.memory_space<vmem>>
      %dma_start3A_108 = tpu.memref_squeeze %dma_start3A_107 : memref<1x128xi32, #tpu.memory_space<vmem>> -> memref<128xi32, #tpu.memory_space<vmem>>
      %dma_start3A_109 = arith.constant 0 : i32
      %dma_start3A_110 = arith.constant 0 : i32
      %dma_start3A_111 = tpu.memref_slice %arg19[%dma_start3A_109, %dma_start3A_110] : memref<10240x16xf32, #tpu.memory_space<vmem_shared>> -> memref<10240x16xf32, #tpu.memory_space<vmem_shared>>
      tpu.enqueue_indirect_dma source(%arg9 : memref<128x16xf32, #tpu.memory_space<vmem>>) target(%dma_start3A_111 : memref<10240x16xf32, #tpu.memory_space<vmem_shared>>) offsets(%dma_start3A_108 : memref<128xi32, #tpu.memory_space<vmem>>) semaphore(%arg21 : memref<!tpu.dma_semaphore, #tpu.memory_space<semaphore_mem>>) {add = true}
      %add3A_112 = arith.constant 2 : i32
      %add3A_113 = arith.addi %mul3A_79, %add3A_112 : i32
      %dma_wait3A_114 = arith.constant 0 : i32
      %dma_wait3A_115 = tpu.memref_slice %arg6[%add3A_113, %dma_wait3A_114] : memref<80x128xi32, #tpu.memory_space<vmem>> -> memref<1x128xi32, #tpu.memory_space<vmem>>
      %dma_wait3A_116 = tpu.memref_squeeze %dma_wait3A_115 : memref<1x128xi32, #tpu.memory_space<vmem>> -> memref<128xi32, #tpu.memory_space<vmem>>
      %dma_wait3A_117 = arith.constant 0 : i32
      %dma_wait3A_118 = arith.constant 0 : i32
      %dma_wait3A_119 = tpu.memref_slice %arg18[%dma_wait3A_117, %dma_wait3A_118] : memref<10240x16xf32, #tpu.memory_space<vmem_shared>> -> memref<10240x16xf32, #tpu.memory_space<vmem_shared>>
      tpu.wait_indirect_dma semaphore(%arg20 : memref<!tpu.dma_semaphore, #tpu.memory_space<semaphore_mem>>) src(%dma_wait3A_119 : memref<10240x16xf32, #tpu.memory_space<vmem_shared>>) dst(%arg10 : memref<128x16xf32, #tpu.memory_space<vmem>>)
      %add3A_120 = arith.constant 2 : i32
      %add3A_121 = arith.addi %mul3A_79, %add3A_120 : i32
      %dma_start3A_122 = arith.constant 0 : i32
      %dma_start3A_123 = tpu.memref_slice %arg7[%add3A_121, %dma_start3A_122] : memref<80x128xi32, #tpu.memory_space<vmem>> -> memref<1x128xi32, #tpu.memory_space<vmem>>
      %dma_start3A_124 = tpu.memref_squeeze %dma_start3A_123 : memref<1x128xi32, #tpu.memory_space<vmem>> -> memref<128xi32, #tpu.memory_space<vmem>>
      %dma_start3A_125 = arith.constant 0 : i32
      %dma_start3A_126 = arith.constant 0 : i32
      %dma_start3A_127 = tpu.memref_slice %arg19[%dma_start3A_125, %dma_start3A_126] : memref<10240x16xf32, #tpu.memory_space<vmem_shared>> -> memref<10240x16xf32, #tpu.memory_space<vmem_shared>>
      tpu.enqueue_indirect_dma source(%arg10 : memref<128x16xf32, #tpu.memory_space<vmem>>) target(%dma_start3A_127 : memref<10240x16xf32, #tpu.memory_space<vmem_shared>>) offsets(%dma_start3A_124 : memref<128xi32, #tpu.memory_space<vmem>>) semaphore(%arg21 : memref<!tpu.dma_semaphore, #tpu.memory_space<semaphore_mem>>) {add = true}
      %add3A_128 = arith.constant 3 : i32
      %add3A_129 = arith.addi %mul3A_79, %add3A_128 : i32
      %dma_wait3A_130 = arith.constant 0 : i32
      %dma_wait3A_131 = tpu.memref_slice %arg6[%add3A_129, %dma_wait3A_130] : memref<80x128xi32, #tpu.memory_space<vmem>> -> memref<1x128xi32, #tpu.memory_space<vmem>>
      %dma_wait3A_132 = tpu.memref_squeeze %dma_wait3A_131 : memref<1x128xi32, #tpu.memory_space<vmem>> -> memref<128xi32, #tpu.memory_space<vmem>>
      %dma_wait3A_133 = arith.constant 0 : i32
      %dma_wait3A_134 = arith.constant 0 : i32
      %dma_wait3A_135 = tpu.memref_slice %arg18[%dma_wait3A_133, %dma_wait3A_134] : memref<10240x16xf32, #tpu.memory_space<vmem_shared>> -> memref<10240x16xf32, #tpu.memory_space<vmem_shared>>
      tpu.wait_indirect_dma semaphore(%arg20 : memref<!tpu.dma_semaphore, #tpu.memory_space<semaphore_mem>>) src(%dma_wait3A_135 : memref<10240x16xf32, #tpu.memory_space<vmem_shared>>) dst(%arg11 : memref<128x16xf32, #tpu.memory_space<vmem>>)
      %add3A_136 = arith.constant 3 : i32
      %add3A_137 = arith.addi %mul3A_79, %add3A_136 : i32
      %dma_start3A_138 = arith.constant 0 : i32
      %dma_start3A_139 = tpu.memref_slice %arg7[%add3A_137, %dma_start3A_138] : memref<80x128xi32, #tpu.memory_space<vmem>> -> memref<1x128xi32, #tpu.memory_space<vmem>>
      %dma_start3A_140 = tpu.memref_squeeze %dma_start3A_139 : memref<1x128xi32, #tpu.memory_space<vmem>> -> memref<128xi32, #tpu.memory_space<vmem>>
      %dma_start3A_141 = arith.constant 0 : i32
      %dma_start3A_142 = arith.constant 0 : i32
      %dma_start3A_143 = tpu.memref_slice %arg19[%dma_start3A_141, %dma_start3A_142] : memref<10240x16xf32, #tpu.memory_space<vmem_shared>> -> memref<10240x16xf32, #tpu.memory_space<vmem_shared>>
      tpu.enqueue_indirect_dma source(%arg11 : memref<128x16xf32, #tpu.memory_space<vmem>>) target(%dma_start3A_143 : memref<10240x16xf32, #tpu.memory_space<vmem_shared>>) offsets(%dma_start3A_140 : memref<128xi32, #tpu.memory_space<vmem>>) semaphore(%arg21 : memref<!tpu.dma_semaphore, #tpu.memory_space<semaphore_mem>>) {add = true}
      %add3A_144 = arith.constant 4 : i32
      %add3A_145 = arith.addi %mul3A_79, %add3A_144 : i32
      %add3A_146 = arith.constant 0 : i32
      %add3A_147 = arith.addi %add3A_145, %add3A_146 : i32
      %dma_start3A_148 = arith.constant 0 : i32
      %dma_start3A_149 = tpu.memref_slice %arg6[%add3A_147, %dma_start3A_148] : memref<80x128xi32, #tpu.memory_space<vmem>> -> memref<1x128xi32, #tpu.memory_space<vmem>>
      %dma_start3A_150 = tpu.memref_squeeze %dma_start3A_149 : memref<1x128xi32, #tpu.memory_space<vmem>> -> memref<128xi32, #tpu.memory_space<vmem>>
      %dma_start3A_151 = arith.constant 0 : i32
      %dma_start3A_152 = arith.constant 0 : i32
      %dma_start3A_153 = tpu.memref_slice %arg18[%dma_start3A_151, %dma_start3A_152] : memref<10240x16xf32, #tpu.memory_space<vmem_shared>> -> memref<10240x16xf32, #tpu.memory_space<vmem_shared>>
      tpu.enqueue_indirect_dma source(%dma_start3A_153 : memref<10240x16xf32, #tpu.memory_space<vmem_shared>>) target(%arg12 : memref<128x16xf32, #tpu.memory_space<vmem>>) offsets(%dma_start3A_150 : memref<128xi32, #tpu.memory_space<vmem>>) semaphore(%arg20 : memref<!tpu.dma_semaphore, #tpu.memory_space<semaphore_mem>>)
      %add3A_154 = arith.constant 4 : i32
      %add3A_155 = arith.addi %mul3A_79, %add3A_154 : i32
      %add3A_156 = arith.constant 1 : i32
      %add3A_157 = arith.addi %add3A_155, %add3A_156 : i32
      %dma_start3A_158 = arith.constant 0 : i32
      %dma_start3A_159 = tpu.memref_slice %arg6[%add3A_157, %dma_start3A_158] : memref<80x128xi32, #tpu.memory_space<vmem>> -> memref<1x128xi32, #tpu.memory_space<vmem>>
      %dma_start3A_160 = tpu.memref_squeeze %dma_start3A_159 : memref<1x128xi32, #tpu.memory_space<vmem>> -> memref<128xi32, #tpu.memory_space<vmem>>
      %dma_start3A_161 = arith.constant 0 : i32
      %dma_start3A_162 = arith.constant 0 : i32
      %dma_start3A_163 = tpu.memref_slice %arg18[%dma_start3A_161, %dma_start3A_162] : memref<10240x16xf32, #tpu.memory_space<vmem_shared>> -> memref<10240x16xf32, #tpu.memory_space<vmem_shared>>
      tpu.enqueue_indirect_dma source(%dma_start3A_163 : memref<10240x16xf32, #tpu.memory_space<vmem_shared>>) target(%arg13 : memref<128x16xf32, #tpu.memory_space<vmem>>) offsets(%dma_start3A_160 : memref<128xi32, #tpu.memory_space<vmem>>) semaphore(%arg20 : memref<!tpu.dma_semaphore, #tpu.memory_space<semaphore_mem>>)
      %add3A_164 = arith.constant 4 : i32
      %add3A_165 = arith.addi %mul3A_79, %add3A_164 : i32
      %add3A_166 = arith.constant 2 : i32
      %add3A_167 = arith.addi %add3A_165, %add3A_166 : i32
      %dma_start3A_168 = arith.constant 0 : i32
      %dma_start3A_169 = tpu.memref_slice %arg6[%add3A_167, %dma_start3A_168] : memref<80x128xi32, #tpu.memory_space<vmem>> -> memref<1x128xi32, #tpu.memory_space<vmem>>
      %dma_start3A_170 = tpu.memref_squeeze %dma_start3A_169 : memref<1x128xi32, #tpu.memory_space<vmem>> -> memref<128xi32, #tpu.memory_space<vmem>>
      %dma_start3A_171 = arith.constant 0 : i32
      %dma_start3A_172 = arith.constant 0 : i32
      %dma_start3A_173 = tpu.memref_slice %arg18[%dma_start3A_171, %dma_start3A_172] : memref<10240x16xf32, #tpu.memory_space<vmem_shared>> -> memref<10240x16xf32, #tpu.memory_space<vmem_shared>>
      tpu.enqueue_indirect_dma source(%dma_start3A_173 : memref<10240x16xf32, #tpu.memory_space<vmem_shared>>) target(%arg14 : memref<128x16xf32, #tpu.memory_space<vmem>>) offsets(%dma_start3A_170 : memref<128xi32, #tpu.memory_space<vmem>>) semaphore(%arg20 : memref<!tpu.dma_semaphore, #tpu.memory_space<semaphore_mem>>)
      %add3A_174 = arith.constant 4 : i32
      %add3A_175 = arith.addi %mul3A_79, %add3A_174 : i32
      %add3A_176 = arith.constant 3 : i32
      %add3A_177 = arith.addi %add3A_175, %add3A_176 : i32
      %dma_start3A_178 = arith.constant 0 : i32
      %dma_start3A_179 = tpu.memref_slice %arg6[%add3A_177, %dma_start3A_178] : memref<80x128xi32, #tpu.memory_space<vmem>> -> memref<1x128xi32, #tpu.memory_space<vmem>>
      %dma_start3A_180 = tpu.memref_squeeze %dma_start3A_179 : memref<1x128xi32, #tpu.memory_space<vmem>> -> memref<128xi32, #tpu.memory_space<vmem>>
      %dma_start3A_181 = arith.constant 0 : i32
      %dma_start3A_182 = arith.constant 0 : i32
      %dma_start3A_183 = tpu.memref_slice %arg18[%dma_start3A_181, %dma_start3A_182] : memref<10240x16xf32, #tpu.memory_space<vmem_shared>> -> memref<10240x16xf32, #tpu.memory_space<vmem_shared>>
      tpu.enqueue_indirect_dma source(%dma_start3A_183 : memref<10240x16xf32, #tpu.memory_space<vmem_shared>>) target(%arg15 : memref<128x16xf32, #tpu.memory_space<vmem>>) offsets(%dma_start3A_180 : memref<128xi32, #tpu.memory_space<vmem>>) semaphore(%arg20 : memref<!tpu.dma_semaphore, #tpu.memory_space<semaphore_mem>>)
      %add3A_184 = arith.constant 4 : i32
      %add3A_185 = arith.addi %mul3A_79, %add3A_184 : i32
      %add3A_186 = arith.constant 0 : i32
      %add3A_187 = arith.addi %add3A_185, %add3A_186 : i32
      %dma_wait3A_188 = arith.constant 0 : i32
      %dma_wait3A_189 = tpu.memref_slice %arg6[%add3A_187, %dma_wait3A_188] : memref<80x128xi32, #tpu.memory_space<vmem>> -> memref<1x128xi32, #tpu.memory_space<vmem>>
      %dma_wait3A_190 = tpu.memref_squeeze %dma_wait3A_189 : memref<1x128xi32, #tpu.memory_space<vmem>> -> memref<128xi32, #tpu.memory_space<vmem>>
      %dma_wait3A_191 = arith.constant 0 : i32
      %dma_wait3A_192 = arith.constant 0 : i32
      %dma_wait3A_193 = tpu.memref_slice %arg18[%dma_wait3A_191, %dma_wait3A_192] : memref<10240x16xf32, #tpu.memory_space<vmem_shared>> -> memref<10240x16xf32, #tpu.memory_space<vmem_shared>>
      tpu.wait_indirect_dma semaphore(%arg20 : memref<!tpu.dma_semaphore, #tpu.memory_space<semaphore_mem>>) src(%dma_wait3A_193 : memref<10240x16xf32, #tpu.memory_space<vmem_shared>>) dst(%arg12 : memref<128x16xf32, #tpu.memory_space<vmem>>)
      %add3A_194 = arith.constant 4 : i32
      %add3A_195 = arith.addi %mul3A_79, %add3A_194 : i32
      %add3A_196 = arith.constant 0 : i32
      %add3A_197 = arith.addi %add3A_195, %add3A_196 : i32
      %dma_start3A_198 = arith.constant 0 : i32
      %dma_start3A_199 = tpu.memref_slice %arg7[%add3A_197, %dma_start3A_198] : memref<80x128xi32, #tpu.memory_space<vmem>> -> memref<1x128xi32, #tpu.memory_space<vmem>>
      %dma_start3A_200 = tpu.memref_squeeze %dma_start3A_199 : memref<1x128xi32, #tpu.memory_space<vmem>> -> memref<128xi32, #tpu.memory_space<vmem>>
      %dma_start3A_201 = arith.constant 0 : i32
      %dma_start3A_202 = arith.constant 0 : i32
      %dma_start3A_203 = tpu.memref_slice %arg19[%dma_start3A_201, %dma_start3A_202] : memref<10240x16xf32, #tpu.memory_space<vmem_shared>> -> memref<10240x16xf32, #tpu.memory_space<vmem_shared>>
      tpu.enqueue_indirect_dma source(%arg12 : memref<128x16xf32, #tpu.memory_space<vmem>>) target(%dma_start3A_203 : memref<10240x16xf32, #tpu.memory_space<vmem_shared>>) offsets(%dma_start3A_200 : memref<128xi32, #tpu.memory_space<vmem>>) semaphore(%arg21 : memref<!tpu.dma_semaphore, #tpu.memory_space<semaphore_mem>>) {add = true}
      %add3A_204 = arith.constant 4 : i32
      %add3A_205 = arith.addi %mul3A_79, %add3A_204 : i32
      %add3A_206 = arith.constant 1 : i32
      %add3A_207 = arith.addi %add3A_205, %add3A_206 : i32
      %dma_wait3A_208 = arith.constant 0 : i32
      %dma_wait3A_209 = tpu.memref_slice %arg6[%add3A_207, %dma_wait3A_208] : memref<80x128xi32, #tpu.memory_space<vmem>> -> memref<1x128xi32, #tpu.memory_space<vmem>>
      %dma_wait3A_210 = tpu.memref_squeeze %dma_wait3A_209 : memref<1x128xi32, #tpu.memory_space<vmem>> -> memref<128xi32, #tpu.memory_space<vmem>>
      %dma_wait3A_211 = arith.constant 0 : i32
      %dma_wait3A_212 = arith.constant 0 : i32
      %dma_wait3A_213 = tpu.memref_slice %arg18[%dma_wait3A_211, %dma_wait3A_212] : memref<10240x16xf32, #tpu.memory_space<vmem_shared>> -> memref<10240x16xf32, #tpu.memory_space<vmem_shared>>
      tpu.wait_indirect_dma semaphore(%arg20 : memref<!tpu.dma_semaphore, #tpu.memory_space<semaphore_mem>>) src(%dma_wait3A_213 : memref<10240x16xf32, #tpu.memory_space<vmem_shared>>) dst(%arg13 : memref<128x16xf32, #tpu.memory_space<vmem>>)
      %add3A_214 = arith.constant 4 : i32
      %add3A_215 = arith.addi %mul3A_79, %add3A_214 : i32
      %add3A_216 = arith.constant 1 : i32
      %add3A_217 = arith.addi %add3A_215, %add3A_216 : i32
      %dma_start3A_218 = arith.constant 0 : i32
      %dma_start3A_219 = tpu.memref_slice %arg7[%add3A_217, %dma_start3A_218] : memref<80x128xi32, #tpu.memory_space<vmem>> -> memref<1x128xi32, #tpu.memory_space<vmem>>
      %dma_start3A_220 = tpu.memref_squeeze %dma_start3A_219 : memref<1x128xi32, #tpu.memory_space<vmem>> -> memref<128xi32, #tpu.memory_space<vmem>>
      %dma_start3A_221 = arith.constant 0 : i32
      %dma_start3A_222 = arith.constant 0 : i32
      %dma_start3A_223 = tpu.memref_slice %arg19[%dma_start3A_221, %dma_start3A_222] : memref<10240x16xf32, #tpu.memory_space<vmem_shared>> -> memref<10240x16xf32, #tpu.memory_space<vmem_shared>>
      tpu.enqueue_indirect_dma source(%arg13 : memref<128x16xf32, #tpu.memory_space<vmem>>) target(%dma_start3A_223 : memref<10240x16xf32, #tpu.memory_space<vmem_shared>>) offsets(%dma_start3A_220 : memref<128xi32, #tpu.memory_space<vmem>>) semaphore(%arg21 : memref<!tpu.dma_semaphore, #tpu.memory_space<semaphore_mem>>) {add = true}
      %add3A_224 = arith.constant 4 : i32
      %add3A_225 = arith.addi %mul3A_79, %add3A_224 : i32
      %add3A_226 = arith.constant 2 : i32
      %add3A_227 = arith.addi %add3A_225, %add3A_226 : i32
      %dma_wait3A_228 = arith.constant 0 : i32
      %dma_wait3A_229 = tpu.memref_slice %arg6[%add3A_227, %dma_wait3A_228] : memref<80x128xi32, #tpu.memory_space<vmem>> -> memref<1x128xi32, #tpu.memory_space<vmem>>
      %dma_wait3A_230 = tpu.memref_squeeze %dma_wait3A_229 : memref<1x128xi32, #tpu.memory_space<vmem>> -> memref<128xi32, #tpu.memory_space<vmem>>
      %dma_wait3A_231 = arith.constant 0 : i32
      %dma_wait3A_232 = arith.constant 0 : i32
      %dma_wait3A_233 = tpu.memref_slice %arg18[%dma_wait3A_231, %dma_wait3A_232] : memref<10240x16xf32, #tpu.memory_space<vmem_shared>> -> memref<10240x16xf32, #tpu.memory_space<vmem_shared>>
      tpu.wait_indirect_dma semaphore(%arg20 : memref<!tpu.dma_semaphore, #tpu.memory_space<semaphore_mem>>) src(%dma_wait3A_233 : memref<10240x16xf32, #tpu.memory_space<vmem_shared>>) dst(%arg14 : memref<128x16xf32, #tpu.memory_space<vmem>>)
      %add3A_234 = arith.constant 4 : i32
      %add3A_235 = arith.addi %mul3A_79, %add3A_234 : i32
      %add3A_236 = arith.constant 2 : i32
      %add3A_237 = arith.addi %add3A_235, %add3A_236 : i32
      %dma_start3A_238 = arith.constant 0 : i32
      %dma_start3A_239 = tpu.memref_slice %arg7[%add3A_237, %dma_start3A_238] : memref<80x128xi32, #tpu.memory_space<vmem>> -> memref<1x128xi32, #tpu.memory_space<vmem>>
      %dma_start3A_240 = tpu.memref_squeeze %dma_start3A_239 : memref<1x128xi32, #tpu.memory_space<vmem>> -> memref<128xi32, #tpu.memory_space<vmem>>
      %dma_start3A_241 = arith.constant 0 : i32
      %dma_start3A_242 = arith.constant 0 : i32
      %dma_start3A_243 = tpu.memref_slice %arg19[%dma_start3A_241, %dma_start3A_242] : memref<10240x16xf32, #tpu.memory_space<vmem_shared>> -> memref<10240x16xf32, #tpu.memory_space<vmem_shared>>
      tpu.enqueue_indirect_dma source(%arg14 : memref<128x16xf32, #tpu.memory_space<vmem>>) target(%dma_start3A_243 : memref<10240x16xf32, #tpu.memory_space<vmem_shared>>) offsets(%dma_start3A_240 : memref<128xi32, #tpu.memory_space<vmem>>) semaphore(%arg21 : memref<!tpu.dma_semaphore, #tpu.memory_space<semaphore_mem>>) {add = true}
      %add3A_244 = arith.constant 4 : i32
      %add3A_245 = arith.addi %mul3A_79, %add3A_244 : i32
      %add3A_246 = arith.constant 3 : i32
      %add3A_247 = arith.addi %add3A_245, %add3A_246 : i32
      %dma_wait3A_248 = arith.constant 0 : i32
      %dma_wait3A_249 = tpu.memref_slice %arg6[%add3A_247, %dma_wait3A_248] : memref<80x128xi32, #tpu.memory_space<vmem>> -> memref<1x128xi32, #tpu.memory_space<vmem>>
      %dma_wait3A_250 = tpu.memref_squeeze %dma_wait3A_249 : memref<1x128xi32, #tpu.memory_space<vmem>> -> memref<128xi32, #tpu.memory_space<vmem>>
      %dma_wait3A_251 = arith.constant 0 : i32
      %dma_wait3A_252 = arith.constant 0 : i32
      %dma_wait3A_253 = tpu.memref_slice %arg18[%dma_wait3A_251, %dma_wait3A_252] : memref<10240x16xf32, #tpu.memory_space<vmem_shared>> -> memref<10240x16xf32, #tpu.memory_space<vmem_shared>>
      tpu.wait_indirect_dma semaphore(%arg20 : memref<!tpu.dma_semaphore, #tpu.memory_space<semaphore_mem>>) src(%dma_wait3A_253 : memref<10240x16xf32, #tpu.memory_space<vmem_shared>>) dst(%arg15 : memref<128x16xf32, #tpu.memory_space<vmem>>)
      %add3A_254 = arith.constant 4 : i32
      %add3A_255 = arith.addi %mul3A_79, %add3A_254 : i32
      %add3A_256 = arith.constant 3 : i32
      %add3A_257 = arith.addi %add3A_255, %add3A_256 : i32
      %dma_start3A_258 = arith.constant 0 : i32
      %dma_start3A_259 = tpu.memref_slice %arg7[%add3A_257, %dma_start3A_258] : memref<80x128xi32, #tpu.memory_space<vmem>> -> memref<1x128xi32, #tpu.memory_space<vmem>>
      %dma_start3A_260 = tpu.memref_squeeze %dma_start3A_259 : memref<1x128xi32, #tpu.memory_space<vmem>> -> memref<128xi32, #tpu.memory_space<vmem>>
      %dma_start3A_261 = arith.constant 0 : i32
      %dma_start3A_262 = arith.constant 0 : i32
      %dma_start3A_263 = tpu.memref_slice %arg19[%dma_start3A_261, %dma_start3A_262] : memref<10240x16xf32, #tpu.memory_space<vmem_shared>> -> memref<10240x16xf32, #tpu.memory_space<vmem_shared>>
      tpu.enqueue_indirect_dma source(%arg15 : memref<128x16xf32, #tpu.memory_space<vmem>>) target(%dma_start3A_263 : memref<10240x16xf32, #tpu.memory_space<vmem_shared>>) offsets(%dma_start3A_260 : memref<128xi32, #tpu.memory_space<vmem>>) semaphore(%arg21 : memref<!tpu.dma_semaphore, #tpu.memory_space<semaphore_mem>>) {add = true}
      %add3A_264 = arith.constant 0 : i32
      %add3A_265 = arith.addi %mul3A_79, %add3A_264 : i32
      %dma_wait3A_266 = arith.constant 0 : i32
      %dma_wait3A_267 = tpu.memref_slice %arg7[%add3A_265, %dma_wait3A_266] : memref<80x128xi32, #tpu.memory_space<vmem>> -> memref<1x128xi32, #tpu.memory_space<vmem>>
      %dma_wait3A_268 = tpu.memref_squeeze %dma_wait3A_267 : memref<1x128xi32, #tpu.memory_space<vmem>> -> memref<128xi32, #tpu.memory_space<vmem>>
      %dma_wait3A_269 = arith.constant 0 : i32
      %dma_wait3A_270 = arith.constant 0 : i32
      %dma_wait3A_271 = tpu.memref_slice %arg19[%dma_wait3A_269, %dma_wait3A_270] : memref<10240x16xf32, #tpu.memory_space<vmem_shared>> -> memref<10240x16xf32, #tpu.memory_space<vmem_shared>>
      tpu.wait_indirect_dma semaphore(%arg21 : memref<!tpu.dma_semaphore, #tpu.memory_space<semaphore_mem>>) src(%arg8 : memref<128x16xf32, #tpu.memory_space<vmem>>) dst(%dma_wait3A_271 : memref<10240x16xf32, #tpu.memory_space<vmem_shared>>)
      %add3A_272 = arith.constant 1 : i32
      %add3A_273 = arith.addi %mul3A_79, %add3A_272 : i32
      %dma_wait3A_274 = arith.constant 0 : i32
      %dma_wait3A_275 = tpu.memref_slice %arg7[%add3A_273, %dma_wait3A_274] : memref<80x128xi32, #tpu.memory_space<vmem>> -> memref<1x128xi32, #tpu.memory_space<vmem>>
      %dma_wait3A_276 = tpu.memref_squeeze %dma_wait3A_275 : memref<1x128xi32, #tpu.memory_space<vmem>> -> memref<128xi32, #tpu.memory_space<vmem>>
      %dma_wait3A_277 = arith.constant 0 : i32
      %dma_wait3A_278 = arith.constant 0 : i32
      %dma_wait3A_279 = tpu.memref_slice %arg19[%dma_wait3A_277, %dma_wait3A_278] : memref<10240x16xf32, #tpu.memory_space<vmem_shared>> -> memref<10240x16xf32, #tpu.memory_space<vmem_shared>>
      tpu.wait_indirect_dma semaphore(%arg21 : memref<!tpu.dma_semaphore, #tpu.memory_space<semaphore_mem>>) src(%arg9 : memref<128x16xf32, #tpu.memory_space<vmem>>) dst(%dma_wait3A_279 : memref<10240x16xf32, #tpu.memory_space<vmem_shared>>)
      %add3A_280 = arith.constant 2 : i32
      %add3A_281 = arith.addi %mul3A_79, %add3A_280 : i32
      %dma_wait3A_282 = arith.constant 0 : i32
      %dma_wait3A_283 = tpu.memref_slice %arg7[%add3A_281, %dma_wait3A_282] : memref<80x128xi32, #tpu.memory_space<vmem>> -> memref<1x128xi32, #tpu.memory_space<vmem>>
      %dma_wait3A_284 = tpu.memref_squeeze %dma_wait3A_283 : memref<1x128xi32, #tpu.memory_space<vmem>> -> memref<128xi32, #tpu.memory_space<vmem>>
      %dma_wait3A_285 = arith.constant 0 : i32
      %dma_wait3A_286 = arith.constant 0 : i32
      %dma_wait3A_287 = tpu.memref_slice %arg19[%dma_wait3A_285, %dma_wait3A_286] : memref<10240x16xf32, #tpu.memory_space<vmem_shared>> -> memref<10240x16xf32, #tpu.memory_space<vmem_shared>>
      tpu.wait_indirect_dma semaphore(%arg21 : memref<!tpu.dma_semaphore, #tpu.memory_space<semaphore_mem>>) src(%arg10 : memref<128x16xf32, #tpu.memory_space<vmem>>) dst(%dma_wait3A_287 : memref<10240x16xf32, #tpu.memory_space<vmem_shared>>)
      %add3A_288 = arith.constant 3 : i32
      %add3A_289 = arith.addi %mul3A_79, %add3A_288 : i32
      %dma_wait3A_290 = arith.constant 0 : i32
      %dma_wait3A_291 = tpu.memref_slice %arg7[%add3A_289, %dma_wait3A_290] : memref<80x128xi32, #tpu.memory_space<vmem>> -> memref<1x128xi32, #tpu.memory_space<vmem>>
      %dma_wait3A_292 = tpu.memref_squeeze %dma_wait3A_291 : memref<1x128xi32, #tpu.memory_space<vmem>> -> memref<128xi32, #tpu.memory_space<vmem>>
      %dma_wait3A_293 = arith.constant 0 : i32
      %dma_wait3A_294 = arith.constant 0 : i32
      %dma_wait3A_295 = tpu.memref_slice %arg19[%dma_wait3A_293, %dma_wait3A_294] : memref<10240x16xf32, #tpu.memory_space<vmem_shared>> -> memref<10240x16xf32, #tpu.memory_space<vmem_shared>>
      tpu.wait_indirect_dma semaphore(%arg21 : memref<!tpu.dma_semaphore, #tpu.memory_space<semaphore_mem>>) src(%arg11 : memref<128x16xf32, #tpu.memory_space<vmem>>) dst(%dma_wait3A_295 : memref<10240x16xf32, #tpu.memory_space<vmem_shared>>)
      %lt3A = arith.constant 9 : i32
      %lt3A_296 = arith.cmpi slt, %scan3A_77, %lt3A : i32
      %convert_element_type3A = arith.extui %lt3A_296 : i1 to i32
      %cond3A = arith.constant 0 : i32
      %cond3A_297 = arith.cmpi ne, %convert_element_type3A, %cond3A : i32
      scf.if %cond3A_297 {
        %add3A_338 = arith.constant 8 : i32
        %add3A_339 = arith.addi %mul3A_79, %add3A_338 : i32
        %add3A_340 = arith.constant 0 : i32
        %add3A_341 = arith.addi %add3A_339, %add3A_340 : i32
        %dma_start3A_342 = arith.constant 0 : i32
        %dma_start3A_343 = tpu.memref_slice %arg6[%add3A_341, %dma_start3A_342] : memref<80x128xi32, #tpu.memory_space<vmem>> -> memref<1x128xi32, #tpu.memory_space<vmem>>
        %dma_start3A_344 = tpu.memref_squeeze %dma_start3A_343 : memref<1x128xi32, #tpu.memory_space<vmem>> -> memref<128xi32, #tpu.memory_space<vmem>>
        %dma_start3A_345 = arith.constant 0 : i32
        %dma_start3A_346 = arith.constant 0 : i32
        %dma_start3A_347 = tpu.memref_slice %arg18[%dma_start3A_345, %dma_start3A_346] : memref<10240x16xf32, #tpu.memory_space<vmem_shared>> -> memref<10240x16xf32, #tpu.memory_space<vmem_shared>>
        tpu.enqueue_indirect_dma source(%dma_start3A_347 : memref<10240x16xf32, #tpu.memory_space<vmem_shared>>) target(%arg8 : memref<128x16xf32, #tpu.memory_space<vmem>>) offsets(%dma_start3A_344 : memref<128xi32, #tpu.memory_space<vmem>>) semaphore(%arg20 : memref<!tpu.dma_semaphore, #tpu.memory_space<semaphore_mem>>)
        %add3A_348 = arith.constant 8 : i32
        %add3A_349 = arith.addi %mul3A_79, %add3A_348 : i32
        %add3A_350 = arith.constant 1 : i32
        %add3A_351 = arith.addi %add3A_349, %add3A_350 : i32
        %dma_start3A_352 = arith.constant 0 : i32
        %dma_start3A_353 = tpu.memref_slice %arg6[%add3A_351, %dma_start3A_352] : memref<80x128xi32, #tpu.memory_space<vmem>> -> memref<1x128xi32, #tpu.memory_space<vmem>>
        %dma_start3A_354 = tpu.memref_squeeze %dma_start3A_353 : memref<1x128xi32, #tpu.memory_space<vmem>> -> memref<128xi32, #tpu.memory_space<vmem>>
        %dma_start3A_355 = arith.constant 0 : i32
        %dma_start3A_356 = arith.constant 0 : i32
        %dma_start3A_357 = tpu.memref_slice %arg18[%dma_start3A_355, %dma_start3A_356] : memref<10240x16xf32, #tpu.memory_space<vmem_shared>> -> memref<10240x16xf32, #tpu.memory_space<vmem_shared>>
        tpu.enqueue_indirect_dma source(%dma_start3A_357 : memref<10240x16xf32, #tpu.memory_space<vmem_shared>>) target(%arg9 : memref<128x16xf32, #tpu.memory_space<vmem>>) offsets(%dma_start3A_354 : memref<128xi32, #tpu.memory_space<vmem>>) semaphore(%arg20 : memref<!tpu.dma_semaphore, #tpu.memory_space<semaphore_mem>>)
        %add3A_358 = arith.constant 8 : i32
        %add3A_359 = arith.addi %mul3A_79, %add3A_358 : i32
        %add3A_360 = arith.constant 2 : i32
        %add3A_361 = arith.addi %add3A_359, %add3A_360 : i32
        %dma_start3A_362 = arith.constant 0 : i32
        %dma_start3A_363 = tpu.memref_slice %arg6[%add3A_361, %dma_start3A_362] : memref<80x128xi32, #tpu.memory_space<vmem>> -> memref<1x128xi32, #tpu.memory_space<vmem>>
        %dma_start3A_364 = tpu.memref_squeeze %dma_start3A_363 : memref<1x128xi32, #tpu.memory_space<vmem>> -> memref<128xi32, #tpu.memory_space<vmem>>
        %dma_start3A_365 = arith.constant 0 : i32
        %dma_start3A_366 = arith.constant 0 : i32
        %dma_start3A_367 = tpu.memref_slice %arg18[%dma_start3A_365, %dma_start3A_366] : memref<10240x16xf32, #tpu.memory_space<vmem_shared>> -> memref<10240x16xf32, #tpu.memory_space<vmem_shared>>
        tpu.enqueue_indirect_dma source(%dma_start3A_367 : memref<10240x16xf32, #tpu.memory_space<vmem_shared>>) target(%arg10 : memref<128x16xf32, #tpu.memory_space<vmem>>) offsets(%dma_start3A_364 : memref<128xi32, #tpu.memory_space<vmem>>) semaphore(%arg20 : memref<!tpu.dma_semaphore, #tpu.memory_space<semaphore_mem>>)
        %add3A_368 = arith.constant 8 : i32
        %add3A_369 = arith.addi %mul3A_79, %add3A_368 : i32
        %add3A_370 = arith.constant 3 : i32
        %add3A_371 = arith.addi %add3A_369, %add3A_370 : i32
        %dma_start3A_372 = arith.constant 0 : i32
        %dma_start3A_373 = tpu.memref_slice %arg6[%add3A_371, %dma_start3A_372] : memref<80x128xi32, #tpu.memory_space<vmem>> -> memref<1x128xi32, #tpu.memory_space<vmem>>
        %dma_start3A_374 = tpu.memref_squeeze %dma_start3A_373 : memref<1x128xi32, #tpu.memory_space<vmem>> -> memref<128xi32, #tpu.memory_space<vmem>>
        %dma_start3A_375 = arith.constant 0 : i32
        %dma_start3A_376 = arith.constant 0 : i32
        %dma_start3A_377 = tpu.memref_slice %arg18[%dma_start3A_375, %dma_start3A_376] : memref<10240x16xf32, #tpu.memory_space<vmem_shared>> -> memref<10240x16xf32, #tpu.memory_space<vmem_shared>>
        tpu.enqueue_indirect_dma source(%dma_start3A_377 : memref<10240x16xf32, #tpu.memory_space<vmem_shared>>) target(%arg11 : memref<128x16xf32, #tpu.memory_space<vmem>>) offsets(%dma_start3A_374 : memref<128xi32, #tpu.memory_space<vmem>>) semaphore(%arg20 : memref<!tpu.dma_semaphore, #tpu.memory_space<semaphore_mem>>)
      } else {
      }
      %add3A_298 = arith.constant 4 : i32
      %add3A_299 = arith.addi %mul3A_79, %add3A_298 : i32
      %add3A_300 = arith.constant 0 : i32
      %add3A_301 = arith.addi %add3A_299, %add3A_300 : i32
      %dma_wait3A_302 = arith.constant 0 : i32
      %dma_wait3A_303 = tpu.memref_slice %arg7[%add3A_301, %dma_wait3A_302] : memref<80x128xi32, #tpu.memory_space<vmem>> -> memref<1x128xi32, #tpu.memory_space<vmem>>
      %dma_wait3A_304 = tpu.memref_squeeze %dma_wait3A_303 : memref<1x128xi32, #tpu.memory_space<vmem>> -> memref<128xi32, #tpu.memory_space<vmem>>
      %dma_wait3A_305 = arith.constant 0 : i32
      %dma_wait3A_306 = arith.constant 0 : i32
      %dma_wait3A_307 = tpu.memref_slice %arg19[%dma_wait3A_305, %dma_wait3A_306] : memref<10240x16xf32, #tpu.memory_space<vmem_shared>> -> memref<10240x16xf32, #tpu.memory_space<vmem_shared>>
      tpu.wait_indirect_dma semaphore(%arg21 : memref<!tpu.dma_semaphore, #tpu.memory_space<semaphore_mem>>) src(%arg12 : memref<128x16xf32, #tpu.memory_space<vmem>>) dst(%dma_wait3A_307 : memref<10240x16xf32, #tpu.memory_space<vmem_shared>>)
      %add3A_308 = arith.constant 4 : i32
      %add3A_309 = arith.addi %mul3A_79, %add3A_308 : i32
      %add3A_310 = arith.constant 1 : i32
      %add3A_311 = arith.addi %add3A_309, %add3A_310 : i32
      %dma_wait3A_312 = arith.constant 0 : i32
      %dma_wait3A_313 = tpu.memref_slice %arg7[%add3A_311, %dma_wait3A_312] : memref<80x128xi32, #tpu.memory_space<vmem>> -> memref<1x128xi32, #tpu.memory_space<vmem>>
      %dma_wait3A_314 = tpu.memref_squeeze %dma_wait3A_313 : memref<1x128xi32, #tpu.memory_space<vmem>> -> memref<128xi32, #tpu.memory_space<vmem>>
      %dma_wait3A_315 = arith.constant 0 : i32
      %dma_wait3A_316 = arith.constant 0 : i32
      %dma_wait3A_317 = tpu.memref_slice %arg19[%dma_wait3A_315, %dma_wait3A_316] : memref<10240x16xf32, #tpu.memory_space<vmem_shared>> -> memref<10240x16xf32, #tpu.memory_space<vmem_shared>>
      tpu.wait_indirect_dma semaphore(%arg21 : memref<!tpu.dma_semaphore, #tpu.memory_space<semaphore_mem>>) src(%arg13 : memref<128x16xf32, #tpu.memory_space<vmem>>) dst(%dma_wait3A_317 : memref<10240x16xf32, #tpu.memory_space<vmem_shared>>)
      %add3A_318 = arith.constant 4 : i32
      %add3A_319 = arith.addi %mul3A_79, %add3A_318 : i32
      %add3A_320 = arith.constant 2 : i32
      %add3A_321 = arith.addi %add3A_319, %add3A_320 : i32
      %dma_wait3A_322 = arith.constant 0 : i32
      %dma_wait3A_323 = tpu.memref_slice %arg7[%add3A_321, %dma_wait3A_322] : memref<80x128xi32, #tpu.memory_space<vmem>> -> memref<1x128xi32, #tpu.memory_space<vmem>>
      %dma_wait3A_324 = tpu.memref_squeeze %dma_wait3A_323 : memref<1x128xi32, #tpu.memory_space<vmem>> -> memref<128xi32, #tpu.memory_space<vmem>>
      %dma_wait3A_325 = arith.constant 0 : i32
      %dma_wait3A_326 = arith.constant 0 : i32
      %dma_wait3A_327 = tpu.memref_slice %arg19[%dma_wait3A_325, %dma_wait3A_326] : memref<10240x16xf32, #tpu.memory_space<vmem_shared>> -> memref<10240x16xf32, #tpu.memory_space<vmem_shared>>
      tpu.wait_indirect_dma semaphore(%arg21 : memref<!tpu.dma_semaphore, #tpu.memory_space<semaphore_mem>>) src(%arg14 : memref<128x16xf32, #tpu.memory_space<vmem>>) dst(%dma_wait3A_327 : memref<10240x16xf32, #tpu.memory_space<vmem_shared>>)
      %add3A_328 = arith.constant 4 : i32
      %add3A_329 = arith.addi %mul3A_79, %add3A_328 : i32
      %add3A_330 = arith.constant 3 : i32
      %add3A_331 = arith.addi %add3A_329, %add3A_330 : i32
      %dma_wait3A_332 = arith.constant 0 : i32
      %dma_wait3A_333 = tpu.memref_slice %arg7[%add3A_331, %dma_wait3A_332] : memref<80x128xi32, #tpu.memory_space<vmem>> -> memref<1x128xi32, #tpu.memory_space<vmem>>
      %dma_wait3A_334 = tpu.memref_squeeze %dma_wait3A_333 : memref<1x128xi32, #tpu.memory_space<vmem>> -> memref<128xi32, #tpu.memory_space<vmem>>
      %dma_wait3A_335 = arith.constant 0 : i32
      %dma_wait3A_336 = arith.constant 0 : i32
      %dma_wait3A_337 = tpu.memref_slice %arg19[%dma_wait3A_335, %dma_wait3A_336] : memref<10240x16xf32, #tpu.memory_space<vmem_shared>> -> memref<10240x16xf32, #tpu.memory_space<vmem_shared>>
      tpu.wait_indirect_dma semaphore(%arg21 : memref<!tpu.dma_semaphore, #tpu.memory_space<semaphore_mem>>) src(%arg15 : memref<128x16xf32, #tpu.memory_space<vmem>>) dst(%dma_wait3A_337 : memref<10240x16xf32, #tpu.memory_space<vmem_shared>>)
    }
    %scan3A_65 = arith.constant 10 : i32
    %barrier3A_66 = arith.constant 0 : index
    tpu.barrier barrier_id(%barrier3A_66)
    %mul3A_67 = arith.constant 640 : i32
    %mul3A_68 = arith.muli %arg1, %mul3A_67 : i32
    "tpu.region"() ({
      %run_scoped3A = tpu.sem_alloc : memref<!tpu.dma_semaphore, #tpu.memory_space<semaphore_mem>>
      %dma_start3A_77 = arith.constant 0 : i32
      %dma_start3A_78 = tpu.memref_slice %arg19[%mul3A_68, %dma_start3A_77] : memref<10240x16xf32, #tpu.memory_space<vmem_shared>> -> memref<640x16xf32, #tpu.memory_space<vmem_shared>>
      %dma_start3A_79 = arith.constant 0 : i32
      %dma_start3A_80 = tpu.memref_slice %arg19[%mul3A_68, %dma_start3A_79] : memref<10240x16xf32, #tpu.memory_space<vmem_shared>> -> memref<640x16xf32, #tpu.memory_space<vmem_shared>>
      tpu.enqueue_dma source(%dma_start3A_80 : memref<640x16xf32, #tpu.memory_space<vmem_shared>>) target(%arg17 : memref<640x16xf32, #tpu.memory_space<vmem>>) target_semaphore(%run_scoped3A : memref<!tpu.dma_semaphore, #tpu.memory_space<semaphore_mem>>)
      %dma_wait3A_81 = arith.constant 0 : i32
      %dma_wait3A_82 = tpu.memref_slice %arg19[%mul3A_68, %dma_wait3A_81] : memref<10240x16xf32, #tpu.memory_space<vmem_shared>> -> memref<640x16xf32, #tpu.memory_space<vmem_shared>>
      %dma_wait3A_83 = arith.constant 0 : i32
      %dma_wait3A_84 = tpu.memref_slice %arg19[%mul3A_68, %dma_wait3A_83] : memref<10240x16xf32, #tpu.memory_space<vmem_shared>> -> memref<640x16xf32, #tpu.memory_space<vmem_shared>>
      tpu.wait_dma2 semaphore(%run_scoped3A : memref<!tpu.dma_semaphore, #tpu.memory_space<semaphore_mem>>) src(%dma_wait3A_84 : memref<640x16xf32, #tpu.memory_space<vmem_shared>>) dst(%arg17 : memref<640x16xf32, #tpu.memory_space<vmem>>)
      tpu.yield
    }) : () -> ()
    %scan3A_69 = arith.constant 0 : i32
    %scan3A_70 = arith.constant 0 : i32
    %scan3A_71 = arith.constant 80 : i32
    %scan3A_72 = arith.addi %scan3A_70, %scan3A_71 : i32
    %scan3A_73 = arith.constant 1 : i32
    scf.for %scan3A_77 = %scan3A_70 to %scan3A_72 step %scan3A_73  : i32 {
      %mul3A_78 = arith.constant 8 : i32
      %mul3A_79 = arith.muli %mul3A_78, %scan3A_77 : i32
      %add3A_80 = arith.constant 0 : i32
      %add3A_81 = arith.addi %mul3A_79, %add3A_80 : i32
      %get3A = arith.index_cast %add3A_81 : i32 to index
      %get3A_82 = arith.constant 0 : index
      %get3A_83 = tpu.vector_load %arg17[%get3A, %get3A_82] {strides = array<i32>} : memref<640x16xf32, #tpu.memory_space<vmem>>, vector<1x16xf32>,
      %get3A_84 = vector.shape_cast %get3A_83 : vector<1x16xf32> to vector<16xf32>
      %swap3A = arith.index_cast %scan3A_77 : i32 to index
      %swap3A_85 = arith.constant 0 : index
      %swap3A_86 = tpu.vector_load %arg16[%swap3A, %swap3A_85] {strides = array<i32>} : memref<80x128xf32, #tpu.memory_space<vmem>>, vector<1x16xf32>,
      %swap3A_87 = vector.shape_cast %swap3A_86 : vector<1x16xf32> to vector<16xf32>
      %swap3A_88 = vector.shape_cast %get3A_84 : vector<16xf32> to vector<1x16xf32>
      tpu.vector_store %arg16[%swap3A, %swap3A_85], %swap3A_88 {strides = array<i32>} : memref<80x128xf32, #tpu.memory_space<vmem>>, vector<1x16xf32>,
      %mul3A_89 = arith.constant 8 : i32
      %mul3A_90 = arith.muli %mul3A_89, %scan3A_77 : i32
      %add3A_91 = arith.constant 1 : i32
      %add3A_92 = arith.addi %mul3A_90, %add3A_91 : i32
      %get3A_93 = arith.index_cast %add3A_92 : i32 to index
      %get3A_94 = arith.constant 0 : index
      %get3A_95 = tpu.vector_load %arg17[%get3A_93, %get3A_94] {strides = array<i32>} : memref<640x16xf32, #tpu.memory_space<vmem>>, vector<1x16xf32>,
      %get3A_96 = vector.shape_cast %get3A_95 : vector<1x16xf32> to vector<16xf32>
      %swap3A_97 = arith.index_cast %scan3A_77 : i32 to index
      %swap3A_98 = arith.constant 16 : index
      %swap3A_99 = tpu.vector_load %arg16[%swap3A_97, %swap3A_98] {strides = array<i32>} : memref<80x128xf32, #tpu.memory_space<vmem>>, vector<1x16xf32>,
      %swap3A_100 = vector.shape_cast %swap3A_99 : vector<1x16xf32> to vector<16xf32>
      %swap3A_101 = vector.shape_cast %get3A_96 : vector<16xf32> to vector<1x16xf32>
      tpu.vector_store %arg16[%swap3A_97, %swap3A_98], %swap3A_101 {strides = array<i32>} : memref<80x128xf32, #tpu.memory_space<vmem>>, vector<1x16xf32>,
      %mul3A_102 = arith.constant 8 : i32
      %mul3A_103 = arith.muli %mul3A_102, %scan3A_77 : i32
      %add3A_104 = arith.constant 2 : i32
      %add3A_105 = arith.addi %mul3A_103, %add3A_104 : i32
      %get3A_106 = arith.index_cast %add3A_105 : i32 to index
      %get3A_107 = arith.constant 0 : index
      %get3A_108 = tpu.vector_load %arg17[%get3A_106, %get3A_107] {strides = array<i32>} : memref<640x16xf32, #tpu.memory_space<vmem>>, vector<1x16xf32>,
      %get3A_109 = vector.shape_cast %get3A_108 : vector<1x16xf32> to vector<16xf32>
      %swap3A_110 = arith.index_cast %scan3A_77 : i32 to index
      %swap3A_111 = arith.constant 32 : index
      %swap3A_112 = tpu.vector_load %arg16[%swap3A_110, %swap3A_111] {strides = array<i32>} : memref<80x128xf32, #tpu.memory_space<vmem>>, vector<1x16xf32>,
      %swap3A_113 = vector.shape_cast %swap3A_112 : vector<1x16xf32> to vector<16xf32>
      %swap3A_114 = vector.shape_cast %get3A_109 : vector<16xf32> to vector<1x16xf32>
      tpu.vector_store %arg16[%swap3A_110, %swap3A_111], %swap3A_114 {strides = array<i32>} : memref<80x128xf32, #tpu.memory_space<vmem>>, vector<1x16xf32>,
      %mul3A_115 = arith.constant 8 : i32
      %mul3A_116 = arith.muli %mul3A_115, %scan3A_77 : i32
      %add3A_117 = arith.constant 3 : i32
      %add3A_118 = arith.addi %mul3A_116, %add3A_117 : i32
      %get3A_119 = arith.index_cast %add3A_118 : i32 to index
      %get3A_120 = arith.constant 0 : index
      %get3A_121 = tpu.vector_load %arg17[%get3A_119, %get3A_120] {strides = array<i32>} : memref<640x16xf32, #tpu.memory_space<vmem>>, vector<1x16xf32>,
      %get3A_122 = vector.shape_cast %get3A_121 : vector<1x16xf32> to vector<16xf32>
      %swap3A_123 = arith.index_cast %scan3A_77 : i32 to index
      %swap3A_124 = arith.constant 48 : index
      %swap3A_125 = tpu.vector_load %arg16[%swap3A_123, %swap3A_124] {strides = array<i32>} : memref<80x128xf32, #tpu.memory_space<vmem>>, vector<1x16xf32>,
      %swap3A_126 = vector.shape_cast %swap3A_125 : vector<1x16xf32> to vector<16xf32>
      %swap3A_127 = vector.shape_cast %get3A_122 : vector<16xf32> to vector<1x16xf32>
      tpu.vector_store %arg16[%swap3A_123, %swap3A_124], %swap3A_127 {strides = array<i32>} : memref<80x128xf32, #tpu.memory_space<vmem>>, vector<1x16xf32>,
      %mul3A_128 = arith.constant 8 : i32
      %mul3A_129 = arith.muli %mul3A_128, %scan3A_77 : i32
      %add3A_130 = arith.constant 4 : i32
      %add3A_131 = arith.addi %mul3A_129, %add3A_130 : i32
      %get3A_132 = arith.index_cast %add3A_131 : i32 to index
      %get3A_133 = arith.constant 0 : index
      %get3A_134 = tpu.vector_load %arg17[%get3A_132, %get3A_133] {strides = array<i32>} : memref<640x16xf32, #tpu.memory_space<vmem>>, vector<1x16xf32>,
      %get3A_135 = vector.shape_cast %get3A_134 : vector<1x16xf32> to vector<16xf32>
      %swap3A_136 = arith.index_cast %scan3A_77 : i32 to index
      %swap3A_137 = arith.constant 64 : index
      %swap3A_138 = tpu.vector_load %arg16[%swap3A_136, %swap3A_137] {strides = array<i32>} : memref<80x128xf32, #tpu.memory_space<vmem>>, vector<1x16xf32>,
      %swap3A_139 = vector.shape_cast %swap3A_138 : vector<1x16xf32> to vector<16xf32>
      %swap3A_140 = vector.shape_cast %get3A_135 : vector<16xf32> to vector<1x16xf32>
      tpu.vector_store %arg16[%swap3A_136, %swap3A_137], %swap3A_140 {strides = array<i32>} : memref<80x128xf32, #tpu.memory_space<vmem>>, vector<1x16xf32>,
      %mul3A_141 = arith.constant 8 : i32
      %mul3A_142 = arith.muli %mul3A_141, %scan3A_77 : i32
      %add3A_143 = arith.constant 5 : i32
      %add3A_144 = arith.addi %mul3A_142, %add3A_143 : i32
      %get3A_145 = arith.index_cast %add3A_144 : i32 to index
      %get3A_146 = arith.constant 0 : index
      %get3A_147 = tpu.vector_load %arg17[%get3A_145, %get3A_146] {strides = array<i32>} : memref<640x16xf32, #tpu.memory_space<vmem>>, vector<1x16xf32>,
      %get3A_148 = vector.shape_cast %get3A_147 : vector<1x16xf32> to vector<16xf32>
      %swap3A_149 = arith.index_cast %scan3A_77 : i32 to index
      %swap3A_150 = arith.constant 80 : index
      %swap3A_151 = tpu.vector_load %arg16[%swap3A_149, %swap3A_150] {strides = array<i32>} : memref<80x128xf32, #tpu.memory_space<vmem>>, vector<1x16xf32>,
      %swap3A_152 = vector.shape_cast %swap3A_151 : vector<1x16xf32> to vector<16xf32>
      %swap3A_153 = vector.shape_cast %get3A_148 : vector<16xf32> to vector<1x16xf32>
      tpu.vector_store %arg16[%swap3A_149, %swap3A_150], %swap3A_153 {strides = array<i32>} : memref<80x128xf32, #tpu.memory_space<vmem>>, vector<1x16xf32>,
      %mul3A_154 = arith.constant 8 : i32
      %mul3A_155 = arith.muli %mul3A_154, %scan3A_77 : i32
      %add3A_156 = arith.constant 6 : i32
      %add3A_157 = arith.addi %mul3A_155, %add3A_156 : i32
      %get3A_158 = arith.index_cast %add3A_157 : i32 to index
      %get3A_159 = arith.constant 0 : index
      %get3A_160 = tpu.vector_load %arg17[%get3A_158, %get3A_159] {strides = array<i32>} : memref<640x16xf32, #tpu.memory_space<vmem>>, vector<1x16xf32>,
      %get3A_161 = vector.shape_cast %get3A_160 : vector<1x16xf32> to vector<16xf32>
      %swap3A_162 = arith.index_cast %scan3A_77 : i32 to index
      %swap3A_163 = arith.constant 96 : index
      %swap3A_164 = tpu.vector_load %arg16[%swap3A_162, %swap3A_163] {strides = array<i32>} : memref<80x128xf32, #tpu.memory_space<vmem>>, vector<1x16xf32>,
      %swap3A_165 = vector.shape_cast %swap3A_164 : vector<1x16xf32> to vector<16xf32>
      %swap3A_166 = vector.shape_cast %get3A_161 : vector<16xf32> to vector<1x16xf32>
      tpu.vector_store %arg16[%swap3A_162, %swap3A_163], %swap3A_166 {strides = array<i32>} : memref<80x128xf32, #tpu.memory_space<vmem>>, vector<1x16xf32>,
      %mul3A_167 = arith.constant 8 : i32
      %mul3A_168 = arith.muli %mul3A_167, %scan3A_77 : i32
      %add3A_169 = arith.constant 7 : i32
      %add3A_170 = arith.addi %mul3A_168, %add3A_169 : i32
      %get3A_171 = arith.index_cast %add3A_170 : i32 to index
      %get3A_172 = arith.constant 0 : index
      %get3A_173 = tpu.vector_load %arg17[%get3A_171, %get3A_172] {strides = array<i32>} : memref<640x16xf32, #tpu.memory_space<vmem>>, vector<1x16xf32>,
      %get3A_174 = vector.shape_cast %get3A_173 : vector<1x16xf32> to vector<16xf32>
      %swap3A_175 = arith.index_cast %scan3A_77 : i32 to index
      %swap3A_176 = arith.constant 112 : index
      %swap3A_177 = tpu.vector_load %arg16[%swap3A_175, %swap3A_176] {strides = array<i32>} : memref<80x128xf32, #tpu.memory_space<vmem>>, vector<1x16xf32>,
      %swap3A_178 = vector.shape_cast %swap3A_177 : vector<1x16xf32> to vector<16xf32>
      %swap3A_179 = vector.shape_cast %get3A_174 : vector<16xf32> to vector<1x16xf32>
      tpu.vector_store %arg16[%swap3A_175, %swap3A_176], %swap3A_179 {strides = array<i32>} : memref<80x128xf32, #tpu.memory_space<vmem>>, vector<1x16xf32>,
    }
    %scan3A_74 = arith.constant 80 : i32
    %mul3A_75 = arith.constant 80 : i32
    %mul3A_76 = arith.muli %arg1, %mul3A_75 : i32
    "tpu.region"() ({
      %run_scoped3A = tpu.sem_alloc : memref<!tpu.dma_semaphore, #tpu.memory_space<semaphore_mem>>
      %dma_start3A_77 = arith.constant 0 : i32
      %dma_start3A_78 = arith.constant 0 : i32
      %dma_start3A_79 = tpu.memref_slice %arg5[%arg0, %dma_start3A_77, %dma_start3A_78] : memref<2x1280x128xf32, #tpu.memory_space<hbm>> -> memref<1x1280x128xf32, #tpu.memory_space<hbm>>
      %dma_start3A_80 = tpu.memref_squeeze %dma_start3A_79 : memref<1x1280x128xf32, #tpu.memory_space<hbm>> -> memref<1280x128xf32, #tpu.memory_space<hbm>>
      %dma_start3A_81 = arith.constant 0 : i32
      %dma_start3A_82 = tpu.memref_slice %dma_start3A_80[%mul3A_76, %dma_start3A_81] : memref<1280x128xf32, #tpu.memory_space<hbm>> -> memref<80x128xf32, #tpu.memory_space<hbm>>
      %dma_start3A_83 = arith.constant 0 : i32
      %dma_start3A_84 = arith.constant 0 : i32
      %dma_start3A_85 = tpu.memref_slice %arg5[%arg0, %dma_start3A_83, %dma_start3A_84] : memref<2x1280x128xf32, #tpu.memory_space<hbm>> -> memref<1x1280x128xf32, #tpu.memory_space<hbm>>
      %dma_start3A_86 = tpu.memref_squeeze %dma_start3A_85 : memref<1x1280x128xf32, #tpu.memory_space<hbm>> -> memref<1280x128xf32, #tpu.memory_space<hbm>>
      %dma_start3A_87 = arith.constant 0 : i32
      %dma_start3A_88 = tpu.memref_slice %dma_start3A_86[%mul3A_76, %dma_start3A_87] : memref<1280x128xf32, #tpu.memory_space<hbm>> -> memref<80x128xf32, #tpu.memory_space<hbm>>
      tpu.enqueue_dma source(%arg16 : memref<80x128xf32, #tpu.memory_space<vmem>>) target(%dma_start3A_88 : memref<80x128xf32, #tpu.memory_space<hbm>>) target_semaphore(%run_scoped3A : memref<!tpu.dma_semaphore, #tpu.memory_space<semaphore_mem>>)
      %dma_wait3A_89 = arith.constant 0 : i32
      %dma_wait3A_90 = arith.constant 0 : i32
      %dma_wait3A_91 = tpu.memref_slice %arg5[%arg0, %dma_wait3A_89, %dma_wait3A_90] : memref<2x1280x128xf32, #tpu.memory_space<hbm>> -> memref<1x1280x128xf32, #tpu.memory_space<hbm>>
      %dma_wait3A_92 = tpu.memref_squeeze %dma_wait3A_91 : memref<1x1280x128xf32, #tpu.memory_space<hbm>> -> memref<1280x128xf32, #tpu.memory_space<hbm>>
      %dma_wait3A_93 = arith.constant 0 : i32
      %dma_wait3A_94 = tpu.memref_slice %dma_wait3A_92[%mul3A_76, %dma_wait3A_93] : memref<1280x128xf32, #tpu.memory_space<hbm>> -> memref<80x128xf32, #tpu.memory_space<hbm>>
      %dma_wait3A_95 = arith.constant 0 : i32
      %dma_wait3A_96 = arith.constant 0 : i32
      %dma_wait3A_97 = tpu.memref_slice %arg5[%arg0, %dma_wait3A_95, %dma_wait3A_96] : memref<2x1280x128xf32, #tpu.memory_space<hbm>> -> memref<1x1280x128xf32, #tpu.memory_space<hbm>>
      %dma_wait3A_98 = tpu.memref_squeeze %dma_wait3A_97 : memref<1x1280x128xf32, #tpu.memory_space<hbm>> -> memref<1280x128xf32, #tpu.memory_space<hbm>>
      %dma_wait3A_99 = arith.constant 0 : i32
      %dma_wait3A_100 = tpu.memref_slice %dma_wait3A_98[%mul3A_76, %dma_wait3A_99] : memref<1280x128xf32, #tpu.memory_space<hbm>> -> memref<80x128xf32, #tpu.memory_space<hbm>>
      tpu.wait_dma2 semaphore(%run_scoped3A : memref<!tpu.dma_semaphore, #tpu.memory_space<semaphore_mem>>) src(%arg16 : memref<80x128xf32, #tpu.memory_space<vmem>>) dst(%dma_wait3A_100 : memref<80x128xf32, #tpu.memory_space<hbm>>)
      tpu.yield
    }) : () -> ()
    return
  }
}

#map = affine_map<(d0, d1) -> (0, 0, 0)>
#map1 = affine_map<(d0, d1) -> (0, 0)>
module attributes {stable_mosaic.version = 14 : i64} {
  func.func @seg(%arg0: i32, %arg1: i32, %arg2: memref<32x80x128xi32, #tpu.memory_space<hbm>>, %arg3: memref<32x80x128xi32, #tpu.memory_space<hbm>>, %arg4: memref<1280x128xf32, #tpu.memory_space<hbm>>, %arg5: memref<2x1280x128xf32, #tpu.memory_space<hbm>>, %arg6: memref<80x128xi32, #tpu.memory_space<vmem>>, %arg7: memref<80x128xi32, #tpu.memory_space<vmem>>, %arg8: memref<128x16xf32, #tpu.memory_space<vmem>>, %arg9: memref<128x16xf32, #tpu.memory_space<vmem>>, %arg10: memref<128x16xf32, #tpu.memory_space<vmem>>, %arg11: memref<128x16xf32, #tpu.memory_space<vmem>>, %arg12: memref<128x16xf32, #tpu.memory_space<vmem>>, %arg13: memref<128x16xf32, #tpu.memory_space<vmem>>, %arg14: memref<128x16xf32, #tpu.memory_space<vmem>>, %arg15: memref<128x16xf32, #tpu.memory_space<vmem>>, %arg16: memref<80x128xf32, #tpu.memory_space<vmem>>, %arg17: memref<640x16xf32, #tpu.memory_space<vmem>>, %arg18: memref<10240x16xf32, #tpu.memory_space<vmem_shared>>, %arg19: memref<10240x16xf32, #tpu.memory_space<vmem_shared>>, %arg20: memref<!tpu.dma_semaphore, #tpu.memory_space<semaphore_mem>>, %arg21: memref<!tpu.dma_semaphore, #tpu.memory_space<semaphore_mem>>) attributes {dimension_semantics = [#tpu.dimension_semantics<core_parallel>, #tpu.dimension_semantics<subcore_parallel>], iteration_bounds = array<i64: 2, 16>, scalar_prefetch = 0 : i64, scratch_operands = 16 : i64, tpu.core_type = #tpu.core_type<sc_vector_subcore>, window_params = [{transform_indices = #map}, {transform_indices = #map}, {transform_indices = #map1}, {transform_indices = #map}]} {
    %mul3A = arith.constant 16 : i32
    %mul3A_0 = arith.muli %arg0, %mul3A : i32
    %add3A = arith.addi %mul3A_0, %arg1 : i32
    %dma_start3A = arith.constant 0 : i32
    %dma_start3A_1 = arith.constant 0 : i32
    %dma_start3A_2 = tpu.memref_slice %arg2[%add3A, %dma_start3A, %dma_start3A_1] : memref<32x80x128xi32, #tpu.memory_space<hbm>> -> memref<1x80x128xi32, #tpu.memory_space<hbm>>
    %dma_start3A_3 = tpu.memref_squeeze %dma_start3A_2 : memref<1x80x128xi32, #tpu.memory_space<hbm>> -> memref<80x128xi32, #tpu.memory_space<hbm>>
    %dma_start3A_4 = arith.constant 0 : i32
    %dma_start3A_5 = arith.constant 0 : i32
    %dma_start3A_6 = tpu.memref_slice %arg2[%add3A, %dma_start3A_4, %dma_start3A_5] : memref<32x80x128xi32, #tpu.memory_space<hbm>> -> memref<1x80x128xi32, #tpu.memory_space<hbm>>
    %dma_start3A_7 = tpu.memref_squeeze %dma_start3A_6 : memref<1x80x128xi32, #tpu.memory_space<hbm>> -> memref<80x128xi32, #tpu.memory_space<hbm>>
    tpu.enqueue_dma source(%dma_start3A_7 : memref<80x128xi32, #tpu.memory_space<hbm>>) target(%arg6 : memref<80x128xi32, #tpu.memory_space<vmem>>) target_semaphore(%arg21 : memref<!tpu.dma_semaphore, #tpu.memory_space<semaphore_mem>>)
    "tpu.region"() ({
      %run_scoped3A = tpu.sem_alloc : memref<!tpu.dma_semaphore, #tpu.memory_space<semaphore_mem>>
      %dma_start3A_77 = arith.constant 0 : i32
      %dma_start3A_78 = arith.constant 0 : i32
      %dma_start3A_79 = tpu.memref_slice %arg3[%add3A, %dma_start3A_77, %dma_start3A_78] : memref<32x80x128xi32, #tpu.memory_space<hbm>> -> memref<1x80x128xi32, #tpu.memory_space<hbm>>
      %dma_start3A_80 = tpu.memref_squeeze %dma_start3A_79 : memref<1x80x128xi32, #tpu.memory_space<hbm>> -> memref<80x128xi32, #tpu.memory_space<hbm>>
      %dma_start3A_81 = arith.constant 0 : i32
      %dma_start3A_82 = arith.constant 0 : i32
      %dma_start3A_83 = tpu.memref_slice %arg3[%add3A, %dma_start3A_81, %dma_start3A_82] : memref<32x80x128xi32, #tpu.memory_space<hbm>> -> memref<1x80x128xi32, #tpu.memory_space<hbm>>
      %dma_start3A_84 = tpu.memref_squeeze %dma_start3A_83 : memref<1x80x128xi32, #tpu.memory_space<hbm>> -> memref<80x128xi32, #tpu.memory_space<hbm>>
      tpu.enqueue_dma source(%dma_start3A_84 : memref<80x128xi32, #tpu.memory_space<hbm>>) target(%arg7 : memref<80x128xi32, #tpu.memory_space<vmem>>) target_semaphore(%run_scoped3A : memref<!tpu.dma_semaphore, #tpu.memory_space<semaphore_mem>>)
      %dma_wait3A_85 = arith.constant 0 : i32
      %dma_wait3A_86 = arith.constant 0 : i32
      %dma_wait3A_87 = tpu.memref_slice %arg3[%add3A, %dma_wait3A_85, %dma_wait3A_86] : memref<32x80x128xi32, #tpu.memory_space<hbm>> -> memref<1x80x128xi32, #tpu.memory_space<hbm>>
      %dma_wait3A_88 = tpu.memref_squeeze %dma_wait3A_87 : memref<1x80x128xi32, #tpu.memory_space<hbm>> -> memref<80x128xi32, #tpu.memory_space<hbm>>
      %dma_wait3A_89 = arith.constant 0 : i32
      %dma_wait3A_90 = arith.constant 0 : i32
      %dma_wait3A_91 = tpu.memref_slice %arg3[%add3A, %dma_wait3A_89, %dma_wait3A_90] : memref<32x80x128xi32, #tpu.memory_space<hbm>> -> memref<1x80x128xi32, #tpu.memory_space<hbm>>
      %dma_wait3A_92 = tpu.memref_squeeze %dma_wait3A_91 : memref<1x80x128xi32, #tpu.memory_space<hbm>> -> memref<80x128xi32, #tpu.memory_space<hbm>>
      tpu.wait_dma2 semaphore(%run_scoped3A : memref<!tpu.dma_semaphore, #tpu.memory_space<semaphore_mem>>) src(%dma_wait3A_92 : memref<80x128xi32, #tpu.memory_space<hbm>>) dst(%arg7 : memref<80x128xi32, #tpu.memory_space<vmem>>)
      tpu.yield
    }) : () -> ()
    %scan3A = arith.constant 0 : i32
    %scan3A_8 = arith.constant 0 : i32
    %scan3A_9 = arith.constant 640 : i32
    %scan3A_10 = arith.addi %scan3A_8, %scan3A_9 : i32
    %scan3A_11 = arith.constant 1 : i32
    scf.for %scan3A_77 = %scan3A_8 to %scan3A_10 step %scan3A_11  : i32 {
      %broadcast_in_dim3A = arith.constant 0.000000e+00 : f32
      %broadcast_in_dim3A_78 = vector.broadcast %broadcast_in_dim3A : f32 to vector<16xf32>
      %swap3A = arith.index_cast %scan3A_77 : i32 to index
      %swap3A_79 = arith.constant 0 : index
      %swap3A_80 = tpu.vector_load %arg17[%swap3A, %swap3A_79] {strides = array<i32>} : memref<640x16xf32, #tpu.memory_space<vmem>>, vector<1x16xf32>,
      %swap3A_81 = vector.shape_cast %swap3A_80 : vector<1x16xf32> to vector<16xf32>
      %swap3A_82 = vector.shape_cast %broadcast_in_dim3A_78 : vector<16xf32> to vector<1x16xf32>
      tpu.vector_store %arg17[%swap3A, %swap3A_79], %swap3A_82 {strides = array<i32>} : memref<640x16xf32, #tpu.memory_space<vmem>>, vector<1x16xf32>,
    }
    %scan3A_12 = arith.constant 640 : i32
    %mul3A_13 = arith.constant 640 : i32
    %mul3A_14 = arith.muli %arg1, %mul3A_13 : i32
    "tpu.region"() ({
      %run_scoped3A = tpu.sem_alloc : memref<!tpu.dma_semaphore, #tpu.memory_space<semaphore_mem>>
      %dma_start3A_77 = arith.constant 0 : i32
      %dma_start3A_78 = tpu.memref_slice %arg19[%mul3A_14, %dma_start3A_77] : memref<10240x16xf32, #tpu.memory_space<vmem_shared>> -> memref<640x16xf32, #tpu.memory_space<vmem_shared>>
      %dma_start3A_79 = arith.constant 0 : i32
      %dma_start3A_80 = tpu.memref_slice %arg19[%mul3A_14, %dma_start3A_79] : memref<10240x16xf32, #tpu.memory_space<vmem_shared>> -> memref<640x16xf32, #tpu.memory_space<vmem_shared>>
      tpu.enqueue_dma source(%arg17 : memref<640x16xf32, #tpu.memory_space<vmem>>) target(%dma_start3A_80 : memref<640x16xf32, #tpu.memory_space<vmem_shared>>) target_semaphore(%run_scoped3A : memref<!tpu.dma_semaphore, #tpu.memory_space<semaphore_mem>>)
      %dma_wait3A_81 = arith.constant 0 : i32
      %dma_wait3A_82 = tpu.memref_slice %arg19[%mul3A_14, %dma_wait3A_81] : memref<10240x16xf32, #tpu.memory_space<vmem_shared>> -> memref<640x16xf32, #tpu.memory_space<vmem_shared>>
      %dma_wait3A_83 = arith.constant 0 : i32
      %dma_wait3A_84 = tpu.memref_slice %arg19[%mul3A_14, %dma_wait3A_83] : memref<10240x16xf32, #tpu.memory_space<vmem_shared>> -> memref<640x16xf32, #tpu.memory_space<vmem_shared>>
      tpu.wait_dma2 semaphore(%run_scoped3A : memref<!tpu.dma_semaphore, #tpu.memory_space<semaphore_mem>>) src(%arg17 : memref<640x16xf32, #tpu.memory_space<vmem>>) dst(%dma_wait3A_84 : memref<640x16xf32, #tpu.memory_space<vmem_shared>>)
      tpu.yield
    }) : () -> ()
    %mul3A_15 = arith.constant 80 : i32
    %mul3A_16 = arith.muli %arg1, %mul3A_15 : i32
    "tpu.region"() ({
      %run_scoped3A = tpu.sem_alloc : memref<!tpu.dma_semaphore, #tpu.memory_space<semaphore_mem>>
      %dma_start3A_77 = arith.constant 0 : i32
      %dma_start3A_78 = tpu.memref_slice %arg4[%mul3A_16, %dma_start3A_77] : memref<1280x128xf32, #tpu.memory_space<hbm>> -> memref<80x128xf32, #tpu.memory_space<hbm>>
      %dma_start3A_79 = arith.constant 0 : i32
      %dma_start3A_80 = tpu.memref_slice %arg4[%mul3A_16, %dma_start3A_79] : memref<1280x128xf32, #tpu.memory_space<hbm>> -> memref<80x128xf32, #tpu.memory_space<hbm>>
      tpu.enqueue_dma source(%dma_start3A_80 : memref<80x128xf32, #tpu.memory_space<hbm>>) target(%arg16 : memref<80x128xf32, #tpu.memory_space<vmem>>) target_semaphore(%run_scoped3A : memref<!tpu.dma_semaphore, #tpu.memory_space<semaphore_mem>>)
      %dma_wait3A_81 = arith.constant 0 : i32
      %dma_wait3A_82 = tpu.memref_slice %arg4[%mul3A_16, %dma_wait3A_81] : memref<1280x128xf32, #tpu.memory_space<hbm>> -> memref<80x128xf32, #tpu.memory_space<hbm>>
      %dma_wait3A_83 = arith.constant 0 : i32
      %dma_wait3A_84 = tpu.memref_slice %arg4[%mul3A_16, %dma_wait3A_83] : memref<1280x128xf32, #tpu.memory_space<hbm>> -> memref<80x128xf32, #tpu.memory_space<hbm>>
      tpu.wait_dma2 semaphore(%run_scoped3A : memref<!tpu.dma_semaphore, #tpu.memory_space<semaphore_mem>>) src(%dma_wait3A_84 : memref<80x128xf32, #tpu.memory_space<hbm>>) dst(%arg16 : memref<80x128xf32, #tpu.memory_space<vmem>>)
      tpu.yield
    }) : () -> ()
    %scan3A_17 = arith.constant 0 : i32
    %scan3A_18 = arith.constant 0 : i32
    %scan3A_19 = arith.constant 80 : i32
    %scan3A_20 = arith.addi %scan3A_18, %scan3A_19 : i32
    %scan3A_21 = arith.constant 1 : i32
    scf.for %scan3A_77 = %scan3A_18 to %scan3A_20 step %scan3A_21  : i32 {
      %get3A = arith.index_cast %scan3A_77 : i32 to index
      %get3A_78 = arith.constant 0 : index
      %get3A_79 = tpu.vector_load %arg16[%get3A, %get3A_78] {strides = array<i32>} : memref<80x128xf32, #tpu.memory_space<vmem>>, vector<1x16xf32>,
      %get3A_80 = vector.shape_cast %get3A_79 : vector<1x16xf32> to vector<16xf32>
      %mul3A_81 = arith.constant 8 : i32
      %mul3A_82 = arith.muli %mul3A_81, %scan3A_77 : i32
      %add3A_83 = arith.constant 0 : i32
      %add3A_84 = arith.addi %mul3A_82, %add3A_83 : i32
      %swap3A = arith.index_cast %add3A_84 : i32 to index
      %swap3A_85 = arith.constant 0 : index
      %swap3A_86 = tpu.vector_load %arg17[%swap3A, %swap3A_85] {strides = array<i32>} : memref<640x16xf32, #tpu.memory_space<vmem>>, vector<1x16xf32>,
      %swap3A_87 = vector.shape_cast %swap3A_86 : vector<1x16xf32> to vector<16xf32>
      %swap3A_88 = vector.shape_cast %get3A_80 : vector<16xf32> to vector<1x16xf32>
      tpu.vector_store %arg17[%swap3A, %swap3A_85], %swap3A_88 {strides = array<i32>} : memref<640x16xf32, #tpu.memory_space<vmem>>, vector<1x16xf32>,
      %get3A_89 = arith.index_cast %scan3A_77 : i32 to index
      %get3A_90 = arith.constant 16 : index
      %get3A_91 = tpu.vector_load %arg16[%get3A_89, %get3A_90] {strides = array<i32>} : memref<80x128xf32, #tpu.memory_space<vmem>>, vector<1x16xf32>,
      %get3A_92 = vector.shape_cast %get3A_91 : vector<1x16xf32> to vector<16xf32>
      %mul3A_93 = arith.constant 8 : i32
      %mul3A_94 = arith.muli %mul3A_93, %scan3A_77 : i32
      %add3A_95 = arith.constant 1 : i32
      %add3A_96 = arith.addi %mul3A_94, %add3A_95 : i32
      %swap3A_97 = arith.index_cast %add3A_96 : i32 to index
      %swap3A_98 = arith.constant 0 : index
      %swap3A_99 = tpu.vector_load %arg17[%swap3A_97, %swap3A_98] {strides = array<i32>} : memref<640x16xf32, #tpu.memory_space<vmem>>, vector<1x16xf32>,
      %swap3A_100 = vector.shape_cast %swap3A_99 : vector<1x16xf32> to vector<16xf32>
      %swap3A_101 = vector.shape_cast %get3A_92 : vector<16xf32> to vector<1x16xf32>
      tpu.vector_store %arg17[%swap3A_97, %swap3A_98], %swap3A_101 {strides = array<i32>} : memref<640x16xf32, #tpu.memory_space<vmem>>, vector<1x16xf32>,
      %get3A_102 = arith.index_cast %scan3A_77 : i32 to index
      %get3A_103 = arith.constant 32 : index
      %get3A_104 = tpu.vector_load %arg16[%get3A_102, %get3A_103] {strides = array<i32>} : memref<80x128xf32, #tpu.memory_space<vmem>>, vector<1x16xf32>,
      %get3A_105 = vector.shape_cast %get3A_104 : vector<1x16xf32> to vector<16xf32>
      %mul3A_106 = arith.constant 8 : i32
      %mul3A_107 = arith.muli %mul3A_106, %scan3A_77 : i32
      %add3A_108 = arith.constant 2 : i32
      %add3A_109 = arith.addi %mul3A_107, %add3A_108 : i32
      %swap3A_110 = arith.index_cast %add3A_109 : i32 to index
      %swap3A_111 = arith.constant 0 : index
      %swap3A_112 = tpu.vector_load %arg17[%swap3A_110, %swap3A_111] {strides = array<i32>} : memref<640x16xf32, #tpu.memory_space<vmem>>, vector<1x16xf32>,
      %swap3A_113 = vector.shape_cast %swap3A_112 : vector<1x16xf32> to vector<16xf32>
      %swap3A_114 = vector.shape_cast %get3A_105 : vector<16xf32> to vector<1x16xf32>
      tpu.vector_store %arg17[%swap3A_110, %swap3A_111], %swap3A_114 {strides = array<i32>} : memref<640x16xf32, #tpu.memory_space<vmem>>, vector<1x16xf32>,
      %get3A_115 = arith.index_cast %scan3A_77 : i32 to index
      %get3A_116 = arith.constant 48 : index
      %get3A_117 = tpu.vector_load %arg16[%get3A_115, %get3A_116] {strides = array<i32>} : memref<80x128xf32, #tpu.memory_space<vmem>>, vector<1x16xf32>,
      %get3A_118 = vector.shape_cast %get3A_117 : vector<1x16xf32> to vector<16xf32>
      %mul3A_119 = arith.constant 8 : i32
      %mul3A_120 = arith.muli %mul3A_119, %scan3A_77 : i32
      %add3A_121 = arith.constant 3 : i32
      %add3A_122 = arith.addi %mul3A_120, %add3A_121 : i32
      %swap3A_123 = arith.index_cast %add3A_122 : i32 to index
      %swap3A_124 = arith.constant 0 : index
      %swap3A_125 = tpu.vector_load %arg17[%swap3A_123, %swap3A_124] {strides = array<i32>} : memref<640x16xf32, #tpu.memory_space<vmem>>, vector<1x16xf32>,
      %swap3A_126 = vector.shape_cast %swap3A_125 : vector<1x16xf32> to vector<16xf32>
      %swap3A_127 = vector.shape_cast %get3A_118 : vector<16xf32> to vector<1x16xf32>
      tpu.vector_store %arg17[%swap3A_123, %swap3A_124], %swap3A_127 {strides = array<i32>} : memref<640x16xf32, #tpu.memory_space<vmem>>, vector<1x16xf32>,
      %get3A_128 = arith.index_cast %scan3A_77 : i32 to index
      %get3A_129 = arith.constant 64 : index
      %get3A_130 = tpu.vector_load %arg16[%get3A_128, %get3A_129] {strides = array<i32>} : memref<80x128xf32, #tpu.memory_space<vmem>>, vector<1x16xf32>,
      %get3A_131 = vector.shape_cast %get3A_130 : vector<1x16xf32> to vector<16xf32>
      %mul3A_132 = arith.constant 8 : i32
      %mul3A_133 = arith.muli %mul3A_132, %scan3A_77 : i32
      %add3A_134 = arith.constant 4 : i32
      %add3A_135 = arith.addi %mul3A_133, %add3A_134 : i32
      %swap3A_136 = arith.index_cast %add3A_135 : i32 to index
      %swap3A_137 = arith.constant 0 : index
      %swap3A_138 = tpu.vector_load %arg17[%swap3A_136, %swap3A_137] {strides = array<i32>} : memref<640x16xf32, #tpu.memory_space<vmem>>, vector<1x16xf32>,
      %swap3A_139 = vector.shape_cast %swap3A_138 : vector<1x16xf32> to vector<16xf32>
      %swap3A_140 = vector.shape_cast %get3A_131 : vector<16xf32> to vector<1x16xf32>
      tpu.vector_store %arg17[%swap3A_136, %swap3A_137], %swap3A_140 {strides = array<i32>} : memref<640x16xf32, #tpu.memory_space<vmem>>, vector<1x16xf32>,
      %get3A_141 = arith.index_cast %scan3A_77 : i32 to index
      %get3A_142 = arith.constant 80 : index
      %get3A_143 = tpu.vector_load %arg16[%get3A_141, %get3A_142] {strides = array<i32>} : memref<80x128xf32, #tpu.memory_space<vmem>>, vector<1x16xf32>,
      %get3A_144 = vector.shape_cast %get3A_143 : vector<1x16xf32> to vector<16xf32>
      %mul3A_145 = arith.constant 8 : i32
      %mul3A_146 = arith.muli %mul3A_145, %scan3A_77 : i32
      %add3A_147 = arith.constant 5 : i32
      %add3A_148 = arith.addi %mul3A_146, %add3A_147 : i32
      %swap3A_149 = arith.index_cast %add3A_148 : i32 to index
      %swap3A_150 = arith.constant 0 : index
      %swap3A_151 = tpu.vector_load %arg17[%swap3A_149, %swap3A_150] {strides = array<i32>} : memref<640x16xf32, #tpu.memory_space<vmem>>, vector<1x16xf32>,
      %swap3A_152 = vector.shape_cast %swap3A_151 : vector<1x16xf32> to vector<16xf32>
      %swap3A_153 = vector.shape_cast %get3A_144 : vector<16xf32> to vector<1x16xf32>
      tpu.vector_store %arg17[%swap3A_149, %swap3A_150], %swap3A_153 {strides = array<i32>} : memref<640x16xf32, #tpu.memory_space<vmem>>, vector<1x16xf32>,
      %get3A_154 = arith.index_cast %scan3A_77 : i32 to index
      %get3A_155 = arith.constant 96 : index
      %get3A_156 = tpu.vector_load %arg16[%get3A_154, %get3A_155] {strides = array<i32>} : memref<80x128xf32, #tpu.memory_space<vmem>>, vector<1x16xf32>,
      %get3A_157 = vector.shape_cast %get3A_156 : vector<1x16xf32> to vector<16xf32>
      %mul3A_158 = arith.constant 8 : i32
      %mul3A_159 = arith.muli %mul3A_158, %scan3A_77 : i32
      %add3A_160 = arith.constant 6 : i32
      %add3A_161 = arith.addi %mul3A_159, %add3A_160 : i32
      %swap3A_162 = arith.index_cast %add3A_161 : i32 to index
      %swap3A_163 = arith.constant 0 : index
      %swap3A_164 = tpu.vector_load %arg17[%swap3A_162, %swap3A_163] {strides = array<i32>} : memref<640x16xf32, #tpu.memory_space<vmem>>, vector<1x16xf32>,
      %swap3A_165 = vector.shape_cast %swap3A_164 : vector<1x16xf32> to vector<16xf32>
      %swap3A_166 = vector.shape_cast %get3A_157 : vector<16xf32> to vector<1x16xf32>
      tpu.vector_store %arg17[%swap3A_162, %swap3A_163], %swap3A_166 {strides = array<i32>} : memref<640x16xf32, #tpu.memory_space<vmem>>, vector<1x16xf32>,
      %get3A_167 = arith.index_cast %scan3A_77 : i32 to index
      %get3A_168 = arith.constant 112 : index
      %get3A_169 = tpu.vector_load %arg16[%get3A_167, %get3A_168] {strides = array<i32>} : memref<80x128xf32, #tpu.memory_space<vmem>>, vector<1x16xf32>,
      %get3A_170 = vector.shape_cast %get3A_169 : vector<1x16xf32> to vector<16xf32>
      %mul3A_171 = arith.constant 8 : i32
      %mul3A_172 = arith.muli %mul3A_171, %scan3A_77 : i32
      %add3A_173 = arith.constant 7 : i32
      %add3A_174 = arith.addi %mul3A_172, %add3A_173 : i32
      %swap3A_175 = arith.index_cast %add3A_174 : i32 to index
      %swap3A_176 = arith.constant 0 : index
      %swap3A_177 = tpu.vector_load %arg17[%swap3A_175, %swap3A_176] {strides = array<i32>} : memref<640x16xf32, #tpu.memory_space<vmem>>, vector<1x16xf32>,
      %swap3A_178 = vector.shape_cast %swap3A_177 : vector<1x16xf32> to vector<16xf32>
      %swap3A_179 = vector.shape_cast %get3A_170 : vector<16xf32> to vector<1x16xf32>
      tpu.vector_store %arg17[%swap3A_175, %swap3A_176], %swap3A_179 {strides = array<i32>} : memref<640x16xf32, #tpu.memory_space<vmem>>, vector<1x16xf32>,
    }
    %scan3A_22 = arith.constant 80 : i32
    %mul3A_23 = arith.constant 640 : i32
    %mul3A_24 = arith.muli %arg1, %mul3A_23 : i32
    "tpu.region"() ({
      %run_scoped3A = tpu.sem_alloc : memref<!tpu.dma_semaphore, #tpu.memory_space<semaphore_mem>>
      %dma_start3A_77 = arith.constant 0 : i32
      %dma_start3A_78 = tpu.memref_slice %arg18[%mul3A_24, %dma_start3A_77] : memref<10240x16xf32, #tpu.memory_space<vmem_shared>> -> memref<640x16xf32, #tpu.memory_space<vmem_shared>>
      %dma_start3A_79 = arith.constant 0 : i32
      %dma_start3A_80 = tpu.memref_slice %arg18[%mul3A_24, %dma_start3A_79] : memref<10240x16xf32, #tpu.memory_space<vmem_shared>> -> memref<640x16xf32, #tpu.memory_space<vmem_shared>>
      tpu.enqueue_dma source(%arg17 : memref<640x16xf32, #tpu.memory_space<vmem>>) target(%dma_start3A_80 : memref<640x16xf32, #tpu.memory_space<vmem_shared>>) target_semaphore(%run_scoped3A : memref<!tpu.dma_semaphore, #tpu.memory_space<semaphore_mem>>)
      %dma_wait3A_81 = arith.constant 0 : i32
      %dma_wait3A_82 = tpu.memref_slice %arg18[%mul3A_24, %dma_wait3A_81] : memref<10240x16xf32, #tpu.memory_space<vmem_shared>> -> memref<640x16xf32, #tpu.memory_space<vmem_shared>>
      %dma_wait3A_83 = arith.constant 0 : i32
      %dma_wait3A_84 = tpu.memref_slice %arg18[%mul3A_24, %dma_wait3A_83] : memref<10240x16xf32, #tpu.memory_space<vmem_shared>> -> memref<640x16xf32, #tpu.memory_space<vmem_shared>>
      tpu.wait_dma2 semaphore(%run_scoped3A : memref<!tpu.dma_semaphore, #tpu.memory_space<semaphore_mem>>) src(%arg17 : memref<640x16xf32, #tpu.memory_space<vmem>>) dst(%dma_wait3A_84 : memref<640x16xf32, #tpu.memory_space<vmem_shared>>)
      tpu.yield
    }) : () -> ()
    %dma_wait3A = arith.constant 0 : i32
    %dma_wait3A_25 = arith.constant 0 : i32
    %dma_wait3A_26 = tpu.memref_slice %arg2[%add3A, %dma_wait3A, %dma_wait3A_25] : memref<32x80x128xi32, #tpu.memory_space<hbm>> -> memref<1x80x128xi32, #tpu.memory_space<hbm>>
    %dma_wait3A_27 = tpu.memref_squeeze %dma_wait3A_26 : memref<1x80x128xi32, #tpu.memory_space<hbm>> -> memref<80x128xi32, #tpu.memory_space<hbm>>
    %dma_wait3A_28 = arith.constant 0 : i32
    %dma_wait3A_29 = arith.constant 0 : i32
    %dma_wait3A_30 = tpu.memref_slice %arg2[%add3A, %dma_wait3A_28, %dma_wait3A_29] : memref<32x80x128xi32, #tpu.memory_space<hbm>> -> memref<1x80x128xi32, #tpu.memory_space<hbm>>
    %dma_wait3A_31 = tpu.memref_squeeze %dma_wait3A_30 : memref<1x80x128xi32, #tpu.memory_space<hbm>> -> memref<80x128xi32, #tpu.memory_space<hbm>>
    tpu.wait_dma2 semaphore(%arg21 : memref<!tpu.dma_semaphore, #tpu.memory_space<semaphore_mem>>) src(%dma_wait3A_31 : memref<80x128xi32, #tpu.memory_space<hbm>>) dst(%arg6 : memref<80x128xi32, #tpu.memory_space<vmem>>)
    %barrier3A = arith.constant 0 : index
    tpu.barrier barrier_id(%barrier3A)
    %dma_start3A_32 = arith.constant 0 : i32
    %dma_start3A_33 = arith.constant 0 : i32
    %dma_start3A_34 = tpu.memref_slice %arg6[%dma_start3A_32, %dma_start3A_33] : memref<80x128xi32, #tpu.memory_space<vmem>> -> memref<1x128xi32, #tpu.memory_space<vmem>>
    %dma_start3A_35 = tpu.memref_squeeze %dma_start3A_34 : memref<1x128xi32, #tpu.memory_space<vmem>> -> memref<128xi32, #tpu.memory_space<vmem>>
    %dma_start3A_36 = arith.constant 0 : i32
    %dma_start3A_37 = arith.constant 0 : i32
    %dma_start3A_38 = tpu.memref_slice %arg18[%dma_start3A_36, %dma_start3A_37] : memref<10240x16xf32, #tpu.memory_space<vmem_shared>> -> memref<10240x16xf32, #tpu.memory_space<vmem_shared>>
    tpu.enqueue_indirect_dma source(%dma_start3A_38 : memref<10240x16xf32, #tpu.memory_space<vmem_shared>>) target(%arg8 : memref<128x16xf32, #tpu.memory_space<vmem>>) offsets(%dma_start3A_35 : memref<128xi32, #tpu.memory_space<vmem>>) semaphore(%arg20 : memref<!tpu.dma_semaphore, #tpu.memory_space<semaphore_mem>>)
    %dma_start3A_39 = arith.constant 1 : i32
    %dma_start3A_40 = arith.constant 0 : i32
    %dma_start3A_41 = tpu.memref_slice %arg6[%dma_start3A_39, %dma_start3A_40] : memref<80x128xi32, #tpu.memory_space<vmem>> -> memref<1x128xi32, #tpu.memory_space<vmem>>
    %dma_start3A_42 = tpu.memref_squeeze %dma_start3A_41 : memref<1x128xi32, #tpu.memory_space<vmem>> -> memref<128xi32, #tpu.memory_space<vmem>>
    %dma_start3A_43 = arith.constant 0 : i32
    %dma_start3A_44 = arith.constant 0 : i32
    %dma_start3A_45 = tpu.memref_slice %arg18[%dma_start3A_43, %dma_start3A_44] : memref<10240x16xf32, #tpu.memory_space<vmem_shared>> -> memref<10240x16xf32, #tpu.memory_space<vmem_shared>>
    tpu.enqueue_indirect_dma source(%dma_start3A_45 : memref<10240x16xf32, #tpu.memory_space<vmem_shared>>) target(%arg9 : memref<128x16xf32, #tpu.memory_space<vmem>>) offsets(%dma_start3A_42 : memref<128xi32, #tpu.memory_space<vmem>>) semaphore(%arg20 : memref<!tpu.dma_semaphore, #tpu.memory_space<semaphore_mem>>)
    %dma_start3A_46 = arith.constant 2 : i32
    %dma_start3A_47 = arith.constant 0 : i32
    %dma_start3A_48 = tpu.memref_slice %arg6[%dma_start3A_46, %dma_start3A_47] : memref<80x128xi32, #tpu.memory_space<vmem>> -> memref<1x128xi32, #tpu.memory_space<vmem>>
    %dma_start3A_49 = tpu.memref_squeeze %dma_start3A_48 : memref<1x128xi32, #tpu.memory_space<vmem>> -> memref<128xi32, #tpu.memory_space<vmem>>
    %dma_start3A_50 = arith.constant 0 : i32
    %dma_start3A_51 = arith.constant 0 : i32
    %dma_start3A_52 = tpu.memref_slice %arg18[%dma_start3A_50, %dma_start3A_51] : memref<10240x16xf32, #tpu.memory_space<vmem_shared>> -> memref<10240x16xf32, #tpu.memory_space<vmem_shared>>
    tpu.enqueue_indirect_dma source(%dma_start3A_52 : memref<10240x16xf32, #tpu.memory_space<vmem_shared>>) target(%arg10 : memref<128x16xf32, #tpu.memory_space<vmem>>) offsets(%dma_start3A_49 : memref<128xi32, #tpu.memory_space<vmem>>) semaphore(%arg20 : memref<!tpu.dma_semaphore, #tpu.memory_space<semaphore_mem>>)
    %dma_start3A_53 = arith.constant 3 : i32
    %dma_start3A_54 = arith.constant 0 : i32
    %dma_start3A_55 = tpu.memref_slice %arg6[%dma_start3A_53, %dma_start3A_54] : memref<80x128xi32, #tpu.memory_space<vmem>> -> memref<1x128xi32, #tpu.memory_space<vmem>>
    %dma_start3A_56 = tpu.memref_squeeze %dma_start3A_55 : memref<1x128xi32, #tpu.memory_space<vmem>> -> memref<128xi32, #tpu.memory_space<vmem>>
    %dma_start3A_57 = arith.constant 0 : i32
    %dma_start3A_58 = arith.constant 0 : i32
    %dma_start3A_59 = tpu.memref_slice %arg18[%dma_start3A_57, %dma_start3A_58] : memref<10240x16xf32, #tpu.memory_space<vmem_shared>> -> memref<10240x16xf32, #tpu.memory_space<vmem_shared>>
    tpu.enqueue_indirect_dma source(%dma_start3A_59 : memref<10240x16xf32, #tpu.memory_space<vmem_shared>>) target(%arg11 : memref<128x16xf32, #tpu.memory_space<vmem>>) offsets(%dma_start3A_56 : memref<128xi32, #tpu.memory_space<vmem>>) semaphore(%arg20 : memref<!tpu.dma_semaphore, #tpu.memory_space<semaphore_mem>>)
    %scan3A_60 = arith.constant 0 : i32
    %scan3A_61 = arith.constant 0 : i32
    %scan3A_62 = arith.constant 10 : i32
    %scan3A_63 = arith.addi %scan3A_61, %scan3A_62 : i32
    %scan3A_64 = arith.constant 1 : i32
    scf.for %scan3A_77 = %scan3A_61 to %scan3A_63 step %scan3A_64  : i32 {
      %mul3A_78 = arith.constant 8 : i32
      %mul3A_79 = arith.muli %mul3A_78, %scan3A_77 : i32
      %add3A_80 = arith.constant 0 : i32
      %add3A_81 = arith.addi %mul3A_79, %add3A_80 : i32
      %dma_wait3A_82 = arith.constant 0 : i32
      %dma_wait3A_83 = tpu.memref_slice %arg6[%add3A_81, %dma_wait3A_82] : memref<80x128xi32, #tpu.memory_space<vmem>> -> memref<1x128xi32, #tpu.memory_space<vmem>>
      %dma_wait3A_84 = tpu.memref_squeeze %dma_wait3A_83 : memref<1x128xi32, #tpu.memory_space<vmem>> -> memref<128xi32, #tpu.memory_space<vmem>>
      %dma_wait3A_85 = arith.constant 0 : i32
      %dma_wait3A_86 = arith.constant 0 : i32
      %dma_wait3A_87 = tpu.memref_slice %arg18[%dma_wait3A_85, %dma_wait3A_86] : memref<10240x16xf32, #tpu.memory_space<vmem_shared>> -> memref<10240x16xf32, #tpu.memory_space<vmem_shared>>
      tpu.wait_indirect_dma semaphore(%arg20 : memref<!tpu.dma_semaphore, #tpu.memory_space<semaphore_mem>>) src(%dma_wait3A_87 : memref<10240x16xf32, #tpu.memory_space<vmem_shared>>) dst(%arg8 : memref<128x16xf32, #tpu.memory_space<vmem>>)
      %add3A_88 = arith.constant 0 : i32
      %add3A_89 = arith.addi %mul3A_79, %add3A_88 : i32
      %dma_start3A_90 = arith.constant 0 : i32
      %dma_start3A_91 = tpu.memref_slice %arg7[%add3A_89, %dma_start3A_90] : memref<80x128xi32, #tpu.memory_space<vmem>> -> memref<1x128xi32, #tpu.memory_space<vmem>>
      %dma_start3A_92 = tpu.memref_squeeze %dma_start3A_91 : memref<1x128xi32, #tpu.memory_space<vmem>> -> memref<128xi32, #tpu.memory_space<vmem>>
      %dma_start3A_93 = arith.constant 0 : i32
      %dma_start3A_94 = arith.constant 0 : i32
      %dma_start3A_95 = tpu.memref_slice %arg19[%dma_start3A_93, %dma_start3A_94] : memref<10240x16xf32, #tpu.memory_space<vmem_shared>> -> memref<10240x16xf32, #tpu.memory_space<vmem_shared>>
      tpu.enqueue_indirect_dma source(%arg8 : memref<128x16xf32, #tpu.memory_space<vmem>>) target(%dma_start3A_95 : memref<10240x16xf32, #tpu.memory_space<vmem_shared>>) offsets(%dma_start3A_92 : memref<128xi32, #tpu.memory_space<vmem>>) semaphore(%arg21 : memref<!tpu.dma_semaphore, #tpu.memory_space<semaphore_mem>>) {add = true}
      %add3A_96 = arith.constant 1 : i32
      %add3A_97 = arith.addi %mul3A_79, %add3A_96 : i32
      %dma_wait3A_98 = arith.constant 0 : i32
      %dma_wait3A_99 = tpu.memref_slice %arg6[%add3A_97, %dma_wait3A_98] : memref<80x128xi32, #tpu.memory_space<vmem>> -> memref<1x128xi32, #tpu.memory_space<vmem>>
      %dma_wait3A_100 = tpu.memref_squeeze %dma_wait3A_99 : memref<1x128xi32, #tpu.memory_space<vmem>> -> memref<128xi32, #tpu.memory_space<vmem>>
      %dma_wait3A_101 = arith.constant 0 : i32
      %dma_wait3A_102 = arith.constant 0 : i32
      %dma_wait3A_103 = tpu.memref_slice %arg18[%dma_wait3A_101, %dma_wait3A_102] : memref<10240x16xf32, #tpu.memory_space<vmem_shared>> -> memref<10240x16xf32, #tpu.memory_space<vmem_shared>>
      tpu.wait_indirect_dma semaphore(%arg20 : memref<!tpu.dma_semaphore, #tpu.memory_space<semaphore_mem>>) src(%dma_wait3A_103 : memref<10240x16xf32, #tpu.memory_space<vmem_shared>>) dst(%arg9 : memref<128x16xf32, #tpu.memory_space<vmem>>)
      %add3A_104 = arith.constant 1 : i32
      %add3A_105 = arith.addi %mul3A_79, %add3A_104 : i32
      %dma_start3A_106 = arith.constant 0 : i32
      %dma_start3A_107 = tpu.memref_slice %arg7[%add3A_105, %dma_start3A_106] : memref<80x128xi32, #tpu.memory_space<vmem>> -> memref<1x128xi32, #tpu.memory_space<vmem>>
      %dma_start3A_108 = tpu.memref_squeeze %dma_start3A_107 : memref<1x128xi32, #tpu.memory_space<vmem>> -> memref<128xi32, #tpu.memory_space<vmem>>
      %dma_start3A_109 = arith.constant 0 : i32
      %dma_start3A_110 = arith.constant 0 : i32
      %dma_start3A_111 = tpu.memref_slice %arg19[%dma_start3A_109, %dma_start3A_110] : memref<10240x16xf32, #tpu.memory_space<vmem_shared>> -> memref<10240x16xf32, #tpu.memory_space<vmem_shared>>
      tpu.enqueue_indirect_dma source(%arg9 : memref<128x16xf32, #tpu.memory_space<vmem>>) target(%dma_start3A_111 : memref<10240x16xf32, #tpu.memory_space<vmem_shared>>) offsets(%dma_start3A_108 : memref<128xi32, #tpu.memory_space<vmem>>) semaphore(%arg21 : memref<!tpu.dma_semaphore, #tpu.memory_space<semaphore_mem>>) {add = true}
      %add3A_112 = arith.constant 2 : i32
      %add3A_113 = arith.addi %mul3A_79, %add3A_112 : i32
      %dma_wait3A_114 = arith.constant 0 : i32
      %dma_wait3A_115 = tpu.memref_slice %arg6[%add3A_113, %dma_wait3A_114] : memref<80x128xi32, #tpu.memory_space<vmem>> -> memref<1x128xi32, #tpu.memory_space<vmem>>
      %dma_wait3A_116 = tpu.memref_squeeze %dma_wait3A_115 : memref<1x128xi32, #tpu.memory_space<vmem>> -> memref<128xi32, #tpu.memory_space<vmem>>
      %dma_wait3A_117 = arith.constant 0 : i32
      %dma_wait3A_118 = arith.constant 0 : i32
      %dma_wait3A_119 = tpu.memref_slice %arg18[%dma_wait3A_117, %dma_wait3A_118] : memref<10240x16xf32, #tpu.memory_space<vmem_shared>> -> memref<10240x16xf32, #tpu.memory_space<vmem_shared>>
      tpu.wait_indirect_dma semaphore(%arg20 : memref<!tpu.dma_semaphore, #tpu.memory_space<semaphore_mem>>) src(%dma_wait3A_119 : memref<10240x16xf32, #tpu.memory_space<vmem_shared>>) dst(%arg10 : memref<128x16xf32, #tpu.memory_space<vmem>>)
      %add3A_120 = arith.constant 2 : i32
      %add3A_121 = arith.addi %mul3A_79, %add3A_120 : i32
      %dma_start3A_122 = arith.constant 0 : i32
      %dma_start3A_123 = tpu.memref_slice %arg7[%add3A_121, %dma_start3A_122] : memref<80x128xi32, #tpu.memory_space<vmem>> -> memref<1x128xi32, #tpu.memory_space<vmem>>
      %dma_start3A_124 = tpu.memref_squeeze %dma_start3A_123 : memref<1x128xi32, #tpu.memory_space<vmem>> -> memref<128xi32, #tpu.memory_space<vmem>>
      %dma_start3A_125 = arith.constant 0 : i32
      %dma_start3A_126 = arith.constant 0 : i32
      %dma_start3A_127 = tpu.memref_slice %arg19[%dma_start3A_125, %dma_start3A_126] : memref<10240x16xf32, #tpu.memory_space<vmem_shared>> -> memref<10240x16xf32, #tpu.memory_space<vmem_shared>>
      tpu.enqueue_indirect_dma source(%arg10 : memref<128x16xf32, #tpu.memory_space<vmem>>) target(%dma_start3A_127 : memref<10240x16xf32, #tpu.memory_space<vmem_shared>>) offsets(%dma_start3A_124 : memref<128xi32, #tpu.memory_space<vmem>>) semaphore(%arg21 : memref<!tpu.dma_semaphore, #tpu.memory_space<semaphore_mem>>) {add = true}
      %add3A_128 = arith.constant 3 : i32
      %add3A_129 = arith.addi %mul3A_79, %add3A_128 : i32
      %dma_wait3A_130 = arith.constant 0 : i32
      %dma_wait3A_131 = tpu.memref_slice %arg6[%add3A_129, %dma_wait3A_130] : memref<80x128xi32, #tpu.memory_space<vmem>> -> memref<1x128xi32, #tpu.memory_space<vmem>>
      %dma_wait3A_132 = tpu.memref_squeeze %dma_wait3A_131 : memref<1x128xi32, #tpu.memory_space<vmem>> -> memref<128xi32, #tpu.memory_space<vmem>>
      %dma_wait3A_133 = arith.constant 0 : i32
      %dma_wait3A_134 = arith.constant 0 : i32
      %dma_wait3A_135 = tpu.memref_slice %arg18[%dma_wait3A_133, %dma_wait3A_134] : memref<10240x16xf32, #tpu.memory_space<vmem_shared>> -> memref<10240x16xf32, #tpu.memory_space<vmem_shared>>
      tpu.wait_indirect_dma semaphore(%arg20 : memref<!tpu.dma_semaphore, #tpu.memory_space<semaphore_mem>>) src(%dma_wait3A_135 : memref<10240x16xf32, #tpu.memory_space<vmem_shared>>) dst(%arg11 : memref<128x16xf32, #tpu.memory_space<vmem>>)
      %add3A_136 = arith.constant 3 : i32
      %add3A_137 = arith.addi %mul3A_79, %add3A_136 : i32
      %dma_start3A_138 = arith.constant 0 : i32
      %dma_start3A_139 = tpu.memref_slice %arg7[%add3A_137, %dma_start3A_138] : memref<80x128xi32, #tpu.memory_space<vmem>> -> memref<1x128xi32, #tpu.memory_space<vmem>>
      %dma_start3A_140 = tpu.memref_squeeze %dma_start3A_139 : memref<1x128xi32, #tpu.memory_space<vmem>> -> memref<128xi32, #tpu.memory_space<vmem>>
      %dma_start3A_141 = arith.constant 0 : i32
      %dma_start3A_142 = arith.constant 0 : i32
      %dma_start3A_143 = tpu.memref_slice %arg19[%dma_start3A_141, %dma_start3A_142] : memref<10240x16xf32, #tpu.memory_space<vmem_shared>> -> memref<10240x16xf32, #tpu.memory_space<vmem_shared>>
      tpu.enqueue_indirect_dma source(%arg11 : memref<128x16xf32, #tpu.memory_space<vmem>>) target(%dma_start3A_143 : memref<10240x16xf32, #tpu.memory_space<vmem_shared>>) offsets(%dma_start3A_140 : memref<128xi32, #tpu.memory_space<vmem>>) semaphore(%arg21 : memref<!tpu.dma_semaphore, #tpu.memory_space<semaphore_mem>>) {add = true}
      %add3A_144 = arith.constant 4 : i32
      %add3A_145 = arith.addi %mul3A_79, %add3A_144 : i32
      %add3A_146 = arith.constant 0 : i32
      %add3A_147 = arith.addi %add3A_145, %add3A_146 : i32
      %dma_start3A_148 = arith.constant 0 : i32
      %dma_start3A_149 = tpu.memref_slice %arg6[%add3A_147, %dma_start3A_148] : memref<80x128xi32, #tpu.memory_space<vmem>> -> memref<1x128xi32, #tpu.memory_space<vmem>>
      %dma_start3A_150 = tpu.memref_squeeze %dma_start3A_149 : memref<1x128xi32, #tpu.memory_space<vmem>> -> memref<128xi32, #tpu.memory_space<vmem>>
      %dma_start3A_151 = arith.constant 0 : i32
      %dma_start3A_152 = arith.constant 0 : i32
      %dma_start3A_153 = tpu.memref_slice %arg18[%dma_start3A_151, %dma_start3A_152] : memref<10240x16xf32, #tpu.memory_space<vmem_shared>> -> memref<10240x16xf32, #tpu.memory_space<vmem_shared>>
      tpu.enqueue_indirect_dma source(%dma_start3A_153 : memref<10240x16xf32, #tpu.memory_space<vmem_shared>>) target(%arg12 : memref<128x16xf32, #tpu.memory_space<vmem>>) offsets(%dma_start3A_150 : memref<128xi32, #tpu.memory_space<vmem>>) semaphore(%arg20 : memref<!tpu.dma_semaphore, #tpu.memory_space<semaphore_mem>>)
      %add3A_154 = arith.constant 4 : i32
      %add3A_155 = arith.addi %mul3A_79, %add3A_154 : i32
      %add3A_156 = arith.constant 1 : i32
      %add3A_157 = arith.addi %add3A_155, %add3A_156 : i32
      %dma_start3A_158 = arith.constant 0 : i32
      %dma_start3A_159 = tpu.memref_slice %arg6[%add3A_157, %dma_start3A_158] : memref<80x128xi32, #tpu.memory_space<vmem>> -> memref<1x128xi32, #tpu.memory_space<vmem>>
      %dma_start3A_160 = tpu.memref_squeeze %dma_start3A_159 : memref<1x128xi32, #tpu.memory_space<vmem>> -> memref<128xi32, #tpu.memory_space<vmem>>
      %dma_start3A_161 = arith.constant 0 : i32
      %dma_start3A_162 = arith.constant 0 : i32
      %dma_start3A_163 = tpu.memref_slice %arg18[%dma_start3A_161, %dma_start3A_162] : memref<10240x16xf32, #tpu.memory_space<vmem_shared>> -> memref<10240x16xf32, #tpu.memory_space<vmem_shared>>
      tpu.enqueue_indirect_dma source(%dma_start3A_163 : memref<10240x16xf32, #tpu.memory_space<vmem_shared>>) target(%arg13 : memref<128x16xf32, #tpu.memory_space<vmem>>) offsets(%dma_start3A_160 : memref<128xi32, #tpu.memory_space<vmem>>) semaphore(%arg20 : memref<!tpu.dma_semaphore, #tpu.memory_space<semaphore_mem>>)
      %add3A_164 = arith.constant 4 : i32
      %add3A_165 = arith.addi %mul3A_79, %add3A_164 : i32
      %add3A_166 = arith.constant 2 : i32
      %add3A_167 = arith.addi %add3A_165, %add3A_166 : i32
      %dma_start3A_168 = arith.constant 0 : i32
      %dma_start3A_169 = tpu.memref_slice %arg6[%add3A_167, %dma_start3A_168] : memref<80x128xi32, #tpu.memory_space<vmem>> -> memref<1x128xi32, #tpu.memory_space<vmem>>
      %dma_start3A_170 = tpu.memref_squeeze %dma_start3A_169 : memref<1x128xi32, #tpu.memory_space<vmem>> -> memref<128xi32, #tpu.memory_space<vmem>>
      %dma_start3A_171 = arith.constant 0 : i32
      %dma_start3A_172 = arith.constant 0 : i32
      %dma_start3A_173 = tpu.memref_slice %arg18[%dma_start3A_171, %dma_start3A_172] : memref<10240x16xf32, #tpu.memory_space<vmem_shared>> -> memref<10240x16xf32, #tpu.memory_space<vmem_shared>>
      tpu.enqueue_indirect_dma source(%dma_start3A_173 : memref<10240x16xf32, #tpu.memory_space<vmem_shared>>) target(%arg14 : memref<128x16xf32, #tpu.memory_space<vmem>>) offsets(%dma_start3A_170 : memref<128xi32, #tpu.memory_space<vmem>>) semaphore(%arg20 : memref<!tpu.dma_semaphore, #tpu.memory_space<semaphore_mem>>)
      %add3A_174 = arith.constant 4 : i32
      %add3A_175 = arith.addi %mul3A_79, %add3A_174 : i32
      %add3A_176 = arith.constant 3 : i32
      %add3A_177 = arith.addi %add3A_175, %add3A_176 : i32
      %dma_start3A_178 = arith.constant 0 : i32
      %dma_start3A_179 = tpu.memref_slice %arg6[%add3A_177, %dma_start3A_178] : memref<80x128xi32, #tpu.memory_space<vmem>> -> memref<1x128xi32, #tpu.memory_space<vmem>>
      %dma_start3A_180 = tpu.memref_squeeze %dma_start3A_179 : memref<1x128xi32, #tpu.memory_space<vmem>> -> memref<128xi32, #tpu.memory_space<vmem>>
      %dma_start3A_181 = arith.constant 0 : i32
      %dma_start3A_182 = arith.constant 0 : i32
      %dma_start3A_183 = tpu.memref_slice %arg18[%dma_start3A_181, %dma_start3A_182] : memref<10240x16xf32, #tpu.memory_space<vmem_shared>> -> memref<10240x16xf32, #tpu.memory_space<vmem_shared>>
      tpu.enqueue_indirect_dma source(%dma_start3A_183 : memref<10240x16xf32, #tpu.memory_space<vmem_shared>>) target(%arg15 : memref<128x16xf32, #tpu.memory_space<vmem>>) offsets(%dma_start3A_180 : memref<128xi32, #tpu.memory_space<vmem>>) semaphore(%arg20 : memref<!tpu.dma_semaphore, #tpu.memory_space<semaphore_mem>>)
      %add3A_184 = arith.constant 4 : i32
      %add3A_185 = arith.addi %mul3A_79, %add3A_184 : i32
      %add3A_186 = arith.constant 0 : i32
      %add3A_187 = arith.addi %add3A_185, %add3A_186 : i32
      %dma_wait3A_188 = arith.constant 0 : i32
      %dma_wait3A_189 = tpu.memref_slice %arg6[%add3A_187, %dma_wait3A_188] : memref<80x128xi32, #tpu.memory_space<vmem>> -> memref<1x128xi32, #tpu.memory_space<vmem>>
      %dma_wait3A_190 = tpu.memref_squeeze %dma_wait3A_189 : memref<1x128xi32, #tpu.memory_space<vmem>> -> memref<128xi32, #tpu.memory_space<vmem>>
      %dma_wait3A_191 = arith.constant 0 : i32
      %dma_wait3A_192 = arith.constant 0 : i32
      %dma_wait3A_193 = tpu.memref_slice %arg18[%dma_wait3A_191, %dma_wait3A_192] : memref<10240x16xf32, #tpu.memory_space<vmem_shared>> -> memref<10240x16xf32, #tpu.memory_space<vmem_shared>>
      tpu.wait_indirect_dma semaphore(%arg20 : memref<!tpu.dma_semaphore, #tpu.memory_space<semaphore_mem>>) src(%dma_wait3A_193 : memref<10240x16xf32, #tpu.memory_space<vmem_shared>>) dst(%arg12 : memref<128x16xf32, #tpu.memory_space<vmem>>)
      %add3A_194 = arith.constant 4 : i32
      %add3A_195 = arith.addi %mul3A_79, %add3A_194 : i32
      %add3A_196 = arith.constant 0 : i32
      %add3A_197 = arith.addi %add3A_195, %add3A_196 : i32
      %dma_start3A_198 = arith.constant 0 : i32
      %dma_start3A_199 = tpu.memref_slice %arg7[%add3A_197, %dma_start3A_198] : memref<80x128xi32, #tpu.memory_space<vmem>> -> memref<1x128xi32, #tpu.memory_space<vmem>>
      %dma_start3A_200 = tpu.memref_squeeze %dma_start3A_199 : memref<1x128xi32, #tpu.memory_space<vmem>> -> memref<128xi32, #tpu.memory_space<vmem>>
      %dma_start3A_201 = arith.constant 0 : i32
      %dma_start3A_202 = arith.constant 0 : i32
      %dma_start3A_203 = tpu.memref_slice %arg19[%dma_start3A_201, %dma_start3A_202] : memref<10240x16xf32, #tpu.memory_space<vmem_shared>> -> memref<10240x16xf32, #tpu.memory_space<vmem_shared>>
      tpu.enqueue_indirect_dma source(%arg12 : memref<128x16xf32, #tpu.memory_space<vmem>>) target(%dma_start3A_203 : memref<10240x16xf32, #tpu.memory_space<vmem_shared>>) offsets(%dma_start3A_200 : memref<128xi32, #tpu.memory_space<vmem>>) semaphore(%arg21 : memref<!tpu.dma_semaphore, #tpu.memory_space<semaphore_mem>>) {add = true}
      %add3A_204 = arith.constant 4 : i32
      %add3A_205 = arith.addi %mul3A_79, %add3A_204 : i32
      %add3A_206 = arith.constant 1 : i32
      %add3A_207 = arith.addi %add3A_205, %add3A_206 : i32
      %dma_wait3A_208 = arith.constant 0 : i32
      %dma_wait3A_209 = tpu.memref_slice %arg6[%add3A_207, %dma_wait3A_208] : memref<80x128xi32, #tpu.memory_space<vmem>> -> memref<1x128xi32, #tpu.memory_space<vmem>>
      %dma_wait3A_210 = tpu.memref_squeeze %dma_wait3A_209 : memref<1x128xi32, #tpu.memory_space<vmem>> -> memref<128xi32, #tpu.memory_space<vmem>>
      %dma_wait3A_211 = arith.constant 0 : i32
      %dma_wait3A_212 = arith.constant 0 : i32
      %dma_wait3A_213 = tpu.memref_slice %arg18[%dma_wait3A_211, %dma_wait3A_212] : memref<10240x16xf32, #tpu.memory_space<vmem_shared>> -> memref<10240x16xf32, #tpu.memory_space<vmem_shared>>
      tpu.wait_indirect_dma semaphore(%arg20 : memref<!tpu.dma_semaphore, #tpu.memory_space<semaphore_mem>>) src(%dma_wait3A_213 : memref<10240x16xf32, #tpu.memory_space<vmem_shared>>) dst(%arg13 : memref<128x16xf32, #tpu.memory_space<vmem>>)
      %add3A_214 = arith.constant 4 : i32
      %add3A_215 = arith.addi %mul3A_79, %add3A_214 : i32
      %add3A_216 = arith.constant 1 : i32
      %add3A_217 = arith.addi %add3A_215, %add3A_216 : i32
      %dma_start3A_218 = arith.constant 0 : i32
      %dma_start3A_219 = tpu.memref_slice %arg7[%add3A_217, %dma_start3A_218] : memref<80x128xi32, #tpu.memory_space<vmem>> -> memref<1x128xi32, #tpu.memory_space<vmem>>
      %dma_start3A_220 = tpu.memref_squeeze %dma_start3A_219 : memref<1x128xi32, #tpu.memory_space<vmem>> -> memref<128xi32, #tpu.memory_space<vmem>>
      %dma_start3A_221 = arith.constant 0 : i32
      %dma_start3A_222 = arith.constant 0 : i32
      %dma_start3A_223 = tpu.memref_slice %arg19[%dma_start3A_221, %dma_start3A_222] : memref<10240x16xf32, #tpu.memory_space<vmem_shared>> -> memref<10240x16xf32, #tpu.memory_space<vmem_shared>>
      tpu.enqueue_indirect_dma source(%arg13 : memref<128x16xf32, #tpu.memory_space<vmem>>) target(%dma_start3A_223 : memref<10240x16xf32, #tpu.memory_space<vmem_shared>>) offsets(%dma_start3A_220 : memref<128xi32, #tpu.memory_space<vmem>>) semaphore(%arg21 : memref<!tpu.dma_semaphore, #tpu.memory_space<semaphore_mem>>) {add = true}
      %add3A_224 = arith.constant 4 : i32
      %add3A_225 = arith.addi %mul3A_79, %add3A_224 : i32
      %add3A_226 = arith.constant 2 : i32
      %add3A_227 = arith.addi %add3A_225, %add3A_226 : i32
      %dma_wait3A_228 = arith.constant 0 : i32
      %dma_wait3A_229 = tpu.memref_slice %arg6[%add3A_227, %dma_wait3A_228] : memref<80x128xi32, #tpu.memory_space<vmem>> -> memref<1x128xi32, #tpu.memory_space<vmem>>
      %dma_wait3A_230 = tpu.memref_squeeze %dma_wait3A_229 : memref<1x128xi32, #tpu.memory_space<vmem>> -> memref<128xi32, #tpu.memory_space<vmem>>
      %dma_wait3A_231 = arith.constant 0 : i32
      %dma_wait3A_232 = arith.constant 0 : i32
      %dma_wait3A_233 = tpu.memref_slice %arg18[%dma_wait3A_231, %dma_wait3A_232] : memref<10240x16xf32, #tpu.memory_space<vmem_shared>> -> memref<10240x16xf32, #tpu.memory_space<vmem_shared>>
      tpu.wait_indirect_dma semaphore(%arg20 : memref<!tpu.dma_semaphore, #tpu.memory_space<semaphore_mem>>) src(%dma_wait3A_233 : memref<10240x16xf32, #tpu.memory_space<vmem_shared>>) dst(%arg14 : memref<128x16xf32, #tpu.memory_space<vmem>>)
      %add3A_234 = arith.constant 4 : i32
      %add3A_235 = arith.addi %mul3A_79, %add3A_234 : i32
      %add3A_236 = arith.constant 2 : i32
      %add3A_237 = arith.addi %add3A_235, %add3A_236 : i32
      %dma_start3A_238 = arith.constant 0 : i32
      %dma_start3A_239 = tpu.memref_slice %arg7[%add3A_237, %dma_start3A_238] : memref<80x128xi32, #tpu.memory_space<vmem>> -> memref<1x128xi32, #tpu.memory_space<vmem>>
      %dma_start3A_240 = tpu.memref_squeeze %dma_start3A_239 : memref<1x128xi32, #tpu.memory_space<vmem>> -> memref<128xi32, #tpu.memory_space<vmem>>
      %dma_start3A_241 = arith.constant 0 : i32
      %dma_start3A_242 = arith.constant 0 : i32
      %dma_start3A_243 = tpu.memref_slice %arg19[%dma_start3A_241, %dma_start3A_242] : memref<10240x16xf32, #tpu.memory_space<vmem_shared>> -> memref<10240x16xf32, #tpu.memory_space<vmem_shared>>
      tpu.enqueue_indirect_dma source(%arg14 : memref<128x16xf32, #tpu.memory_space<vmem>>) target(%dma_start3A_243 : memref<10240x16xf32, #tpu.memory_space<vmem_shared>>) offsets(%dma_start3A_240 : memref<128xi32, #tpu.memory_space<vmem>>) semaphore(%arg21 : memref<!tpu.dma_semaphore, #tpu.memory_space<semaphore_mem>>) {add = true}
      %add3A_244 = arith.constant 4 : i32
      %add3A_245 = arith.addi %mul3A_79, %add3A_244 : i32
      %add3A_246 = arith.constant 3 : i32
      %add3A_247 = arith.addi %add3A_245, %add3A_246 : i32
      %dma_wait3A_248 = arith.constant 0 : i32
      %dma_wait3A_249 = tpu.memref_slice %arg6[%add3A_247, %dma_wait3A_248] : memref<80x128xi32, #tpu.memory_space<vmem>> -> memref<1x128xi32, #tpu.memory_space<vmem>>
      %dma_wait3A_250 = tpu.memref_squeeze %dma_wait3A_249 : memref<1x128xi32, #tpu.memory_space<vmem>> -> memref<128xi32, #tpu.memory_space<vmem>>
      %dma_wait3A_251 = arith.constant 0 : i32
      %dma_wait3A_252 = arith.constant 0 : i32
      %dma_wait3A_253 = tpu.memref_slice %arg18[%dma_wait3A_251, %dma_wait3A_252] : memref<10240x16xf32, #tpu.memory_space<vmem_shared>> -> memref<10240x16xf32, #tpu.memory_space<vmem_shared>>
      tpu.wait_indirect_dma semaphore(%arg20 : memref<!tpu.dma_semaphore, #tpu.memory_space<semaphore_mem>>) src(%dma_wait3A_253 : memref<10240x16xf32, #tpu.memory_space<vmem_shared>>) dst(%arg15 : memref<128x16xf32, #tpu.memory_space<vmem>>)
      %add3A_254 = arith.constant 4 : i32
      %add3A_255 = arith.addi %mul3A_79, %add3A_254 : i32
      %add3A_256 = arith.constant 3 : i32
      %add3A_257 = arith.addi %add3A_255, %add3A_256 : i32
      %dma_start3A_258 = arith.constant 0 : i32
      %dma_start3A_259 = tpu.memref_slice %arg7[%add3A_257, %dma_start3A_258] : memref<80x128xi32, #tpu.memory_space<vmem>> -> memref<1x128xi32, #tpu.memory_space<vmem>>
      %dma_start3A_260 = tpu.memref_squeeze %dma_start3A_259 : memref<1x128xi32, #tpu.memory_space<vmem>> -> memref<128xi32, #tpu.memory_space<vmem>>
      %dma_start3A_261 = arith.constant 0 : i32
      %dma_start3A_262 = arith.constant 0 : i32
      %dma_start3A_263 = tpu.memref_slice %arg19[%dma_start3A_261, %dma_start3A_262] : memref<10240x16xf32, #tpu.memory_space<vmem_shared>> -> memref<10240x16xf32, #tpu.memory_space<vmem_shared>>
      tpu.enqueue_indirect_dma source(%arg15 : memref<128x16xf32, #tpu.memory_space<vmem>>) target(%dma_start3A_263 : memref<10240x16xf32, #tpu.memory_space<vmem_shared>>) offsets(%dma_start3A_260 : memref<128xi32, #tpu.memory_space<vmem>>) semaphore(%arg21 : memref<!tpu.dma_semaphore, #tpu.memory_space<semaphore_mem>>) {add = true}
      %add3A_264 = arith.constant 0 : i32
      %add3A_265 = arith.addi %mul3A_79, %add3A_264 : i32
      %dma_wait3A_266 = arith.constant 0 : i32
      %dma_wait3A_267 = tpu.memref_slice %arg7[%add3A_265, %dma_wait3A_266] : memref<80x128xi32, #tpu.memory_space<vmem>> -> memref<1x128xi32, #tpu.memory_space<vmem>>
      %dma_wait3A_268 = tpu.memref_squeeze %dma_wait3A_267 : memref<1x128xi32, #tpu.memory_space<vmem>> -> memref<128xi32, #tpu.memory_space<vmem>>
      %dma_wait3A_269 = arith.constant 0 : i32
      %dma_wait3A_270 = arith.constant 0 : i32
      %dma_wait3A_271 = tpu.memref_slice %arg19[%dma_wait3A_269, %dma_wait3A_270] : memref<10240x16xf32, #tpu.memory_space<vmem_shared>> -> memref<10240x16xf32, #tpu.memory_space<vmem_shared>>
      tpu.wait_indirect_dma semaphore(%arg21 : memref<!tpu.dma_semaphore, #tpu.memory_space<semaphore_mem>>) src(%arg8 : memref<128x16xf32, #tpu.memory_space<vmem>>) dst(%dma_wait3A_271 : memref<10240x16xf32, #tpu.memory_space<vmem_shared>>)
      %add3A_272 = arith.constant 1 : i32
      %add3A_273 = arith.addi %mul3A_79, %add3A_272 : i32
      %dma_wait3A_274 = arith.constant 0 : i32
      %dma_wait3A_275 = tpu.memref_slice %arg7[%add3A_273, %dma_wait3A_274] : memref<80x128xi32, #tpu.memory_space<vmem>> -> memref<1x128xi32, #tpu.memory_space<vmem>>
      %dma_wait3A_276 = tpu.memref_squeeze %dma_wait3A_275 : memref<1x128xi32, #tpu.memory_space<vmem>> -> memref<128xi32, #tpu.memory_space<vmem>>
      %dma_wait3A_277 = arith.constant 0 : i32
      %dma_wait3A_278 = arith.constant 0 : i32
      %dma_wait3A_279 = tpu.memref_slice %arg19[%dma_wait3A_277, %dma_wait3A_278] : memref<10240x16xf32, #tpu.memory_space<vmem_shared>> -> memref<10240x16xf32, #tpu.memory_space<vmem_shared>>
      tpu.wait_indirect_dma semaphore(%arg21 : memref<!tpu.dma_semaphore, #tpu.memory_space<semaphore_mem>>) src(%arg9 : memref<128x16xf32, #tpu.memory_space<vmem>>) dst(%dma_wait3A_279 : memref<10240x16xf32, #tpu.memory_space<vmem_shared>>)
      %add3A_280 = arith.constant 2 : i32
      %add3A_281 = arith.addi %mul3A_79, %add3A_280 : i32
      %dma_wait3A_282 = arith.constant 0 : i32
      %dma_wait3A_283 = tpu.memref_slice %arg7[%add3A_281, %dma_wait3A_282] : memref<80x128xi32, #tpu.memory_space<vmem>> -> memref<1x128xi32, #tpu.memory_space<vmem>>
      %dma_wait3A_284 = tpu.memref_squeeze %dma_wait3A_283 : memref<1x128xi32, #tpu.memory_space<vmem>> -> memref<128xi32, #tpu.memory_space<vmem>>
      %dma_wait3A_285 = arith.constant 0 : i32
      %dma_wait3A_286 = arith.constant 0 : i32
      %dma_wait3A_287 = tpu.memref_slice %arg19[%dma_wait3A_285, %dma_wait3A_286] : memref<10240x16xf32, #tpu.memory_space<vmem_shared>> -> memref<10240x16xf32, #tpu.memory_space<vmem_shared>>
      tpu.wait_indirect_dma semaphore(%arg21 : memref<!tpu.dma_semaphore, #tpu.memory_space<semaphore_mem>>) src(%arg10 : memref<128x16xf32, #tpu.memory_space<vmem>>) dst(%dma_wait3A_287 : memref<10240x16xf32, #tpu.memory_space<vmem_shared>>)
      %add3A_288 = arith.constant 3 : i32
      %add3A_289 = arith.addi %mul3A_79, %add3A_288 : i32
      %dma_wait3A_290 = arith.constant 0 : i32
      %dma_wait3A_291 = tpu.memref_slice %arg7[%add3A_289, %dma_wait3A_290] : memref<80x128xi32, #tpu.memory_space<vmem>> -> memref<1x128xi32, #tpu.memory_space<vmem>>
      %dma_wait3A_292 = tpu.memref_squeeze %dma_wait3A_291 : memref<1x128xi32, #tpu.memory_space<vmem>> -> memref<128xi32, #tpu.memory_space<vmem>>
      %dma_wait3A_293 = arith.constant 0 : i32
      %dma_wait3A_294 = arith.constant 0 : i32
      %dma_wait3A_295 = tpu.memref_slice %arg19[%dma_wait3A_293, %dma_wait3A_294] : memref<10240x16xf32, #tpu.memory_space<vmem_shared>> -> memref<10240x16xf32, #tpu.memory_space<vmem_shared>>
      tpu.wait_indirect_dma semaphore(%arg21 : memref<!tpu.dma_semaphore, #tpu.memory_space<semaphore_mem>>) src(%arg11 : memref<128x16xf32, #tpu.memory_space<vmem>>) dst(%dma_wait3A_295 : memref<10240x16xf32, #tpu.memory_space<vmem_shared>>)
      %lt3A = arith.constant 9 : i32
      %lt3A_296 = arith.cmpi slt, %scan3A_77, %lt3A : i32
      %convert_element_type3A = arith.extui %lt3A_296 : i1 to i32
      %cond3A = arith.constant 0 : i32
      %cond3A_297 = arith.cmpi ne, %convert_element_type3A, %cond3A : i32
      scf.if %cond3A_297 {
        %add3A_338 = arith.constant 8 : i32
        %add3A_339 = arith.addi %mul3A_79, %add3A_338 : i32
        %add3A_340 = arith.constant 0 : i32
        %add3A_341 = arith.addi %add3A_339, %add3A_340 : i32
        %dma_start3A_342 = arith.constant 0 : i32
        %dma_start3A_343 = tpu.memref_slice %arg6[%add3A_341, %dma_start3A_342] : memref<80x128xi32, #tpu.memory_space<vmem>> -> memref<1x128xi32, #tpu.memory_space<vmem>>
        %dma_start3A_344 = tpu.memref_squeeze %dma_start3A_343 : memref<1x128xi32, #tpu.memory_space<vmem>> -> memref<128xi32, #tpu.memory_space<vmem>>
        %dma_start3A_345 = arith.constant 0 : i32
        %dma_start3A_346 = arith.constant 0 : i32
        %dma_start3A_347 = tpu.memref_slice %arg18[%dma_start3A_345, %dma_start3A_346] : memref<10240x16xf32, #tpu.memory_space<vmem_shared>> -> memref<10240x16xf32, #tpu.memory_space<vmem_shared>>
        tpu.enqueue_indirect_dma source(%dma_start3A_347 : memref<10240x16xf32, #tpu.memory_space<vmem_shared>>) target(%arg8 : memref<128x16xf32, #tpu.memory_space<vmem>>) offsets(%dma_start3A_344 : memref<128xi32, #tpu.memory_space<vmem>>) semaphore(%arg20 : memref<!tpu.dma_semaphore, #tpu.memory_space<semaphore_mem>>)
        %add3A_348 = arith.constant 8 : i32
        %add3A_349 = arith.addi %mul3A_79, %add3A_348 : i32
        %add3A_350 = arith.constant 1 : i32
        %add3A_351 = arith.addi %add3A_349, %add3A_350 : i32
        %dma_start3A_352 = arith.constant 0 : i32
        %dma_start3A_353 = tpu.memref_slice %arg6[%add3A_351, %dma_start3A_352] : memref<80x128xi32, #tpu.memory_space<vmem>> -> memref<1x128xi32, #tpu.memory_space<vmem>>
        %dma_start3A_354 = tpu.memref_squeeze %dma_start3A_353 : memref<1x128xi32, #tpu.memory_space<vmem>> -> memref<128xi32, #tpu.memory_space<vmem>>
        %dma_start3A_355 = arith.constant 0 : i32
        %dma_start3A_356 = arith.constant 0 : i32
        %dma_start3A_357 = tpu.memref_slice %arg18[%dma_start3A_355, %dma_start3A_356] : memref<10240x16xf32, #tpu.memory_space<vmem_shared>> -> memref<10240x16xf32, #tpu.memory_space<vmem_shared>>
        tpu.enqueue_indirect_dma source(%dma_start3A_357 : memref<10240x16xf32, #tpu.memory_space<vmem_shared>>) target(%arg9 : memref<128x16xf32, #tpu.memory_space<vmem>>) offsets(%dma_start3A_354 : memref<128xi32, #tpu.memory_space<vmem>>) semaphore(%arg20 : memref<!tpu.dma_semaphore, #tpu.memory_space<semaphore_mem>>)
        %add3A_358 = arith.constant 8 : i32
        %add3A_359 = arith.addi %mul3A_79, %add3A_358 : i32
        %add3A_360 = arith.constant 2 : i32
        %add3A_361 = arith.addi %add3A_359, %add3A_360 : i32
        %dma_start3A_362 = arith.constant 0 : i32
        %dma_start3A_363 = tpu.memref_slice %arg6[%add3A_361, %dma_start3A_362] : memref<80x128xi32, #tpu.memory_space<vmem>> -> memref<1x128xi32, #tpu.memory_space<vmem>>
        %dma_start3A_364 = tpu.memref_squeeze %dma_start3A_363 : memref<1x128xi32, #tpu.memory_space<vmem>> -> memref<128xi32, #tpu.memory_space<vmem>>
        %dma_start3A_365 = arith.constant 0 : i32
        %dma_start3A_366 = arith.constant 0 : i32
        %dma_start3A_367 = tpu.memref_slice %arg18[%dma_start3A_365, %dma_start3A_366] : memref<10240x16xf32, #tpu.memory_space<vmem_shared>> -> memref<10240x16xf32, #tpu.memory_space<vmem_shared>>
        tpu.enqueue_indirect_dma source(%dma_start3A_367 : memref<10240x16xf32, #tpu.memory_space<vmem_shared>>) target(%arg10 : memref<128x16xf32, #tpu.memory_space<vmem>>) offsets(%dma_start3A_364 : memref<128xi32, #tpu.memory_space<vmem>>) semaphore(%arg20 : memref<!tpu.dma_semaphore, #tpu.memory_space<semaphore_mem>>)
        %add3A_368 = arith.constant 8 : i32
        %add3A_369 = arith.addi %mul3A_79, %add3A_368 : i32
        %add3A_370 = arith.constant 3 : i32
        %add3A_371 = arith.addi %add3A_369, %add3A_370 : i32
        %dma_start3A_372 = arith.constant 0 : i32
        %dma_start3A_373 = tpu.memref_slice %arg6[%add3A_371, %dma_start3A_372] : memref<80x128xi32, #tpu.memory_space<vmem>> -> memref<1x128xi32, #tpu.memory_space<vmem>>
        %dma_start3A_374 = tpu.memref_squeeze %dma_start3A_373 : memref<1x128xi32, #tpu.memory_space<vmem>> -> memref<128xi32, #tpu.memory_space<vmem>>
        %dma_start3A_375 = arith.constant 0 : i32
        %dma_start3A_376 = arith.constant 0 : i32
        %dma_start3A_377 = tpu.memref_slice %arg18[%dma_start3A_375, %dma_start3A_376] : memref<10240x16xf32, #tpu.memory_space<vmem_shared>> -> memref<10240x16xf32, #tpu.memory_space<vmem_shared>>
        tpu.enqueue_indirect_dma source(%dma_start3A_377 : memref<10240x16xf32, #tpu.memory_space<vmem_shared>>) target(%arg11 : memref<128x16xf32, #tpu.memory_space<vmem>>) offsets(%dma_start3A_374 : memref<128xi32, #tpu.memory_space<vmem>>) semaphore(%arg20 : memref<!tpu.dma_semaphore, #tpu.memory_space<semaphore_mem>>)
      } else {
      }
      %add3A_298 = arith.constant 4 : i32
      %add3A_299 = arith.addi %mul3A_79, %add3A_298 : i32
      %add3A_300 = arith.constant 0 : i32
      %add3A_301 = arith.addi %add3A_299, %add3A_300 : i32
      %dma_wait3A_302 = arith.constant 0 : i32
      %dma_wait3A_303 = tpu.memref_slice %arg7[%add3A_301, %dma_wait3A_302] : memref<80x128xi32, #tpu.memory_space<vmem>> -> memref<1x128xi32, #tpu.memory_space<vmem>>
      %dma_wait3A_304 = tpu.memref_squeeze %dma_wait3A_303 : memref<1x128xi32, #tpu.memory_space<vmem>> -> memref<128xi32, #tpu.memory_space<vmem>>
      %dma_wait3A_305 = arith.constant 0 : i32
      %dma_wait3A_306 = arith.constant 0 : i32
      %dma_wait3A_307 = tpu.memref_slice %arg19[%dma_wait3A_305, %dma_wait3A_306] : memref<10240x16xf32, #tpu.memory_space<vmem_shared>> -> memref<10240x16xf32, #tpu.memory_space<vmem_shared>>
      tpu.wait_indirect_dma semaphore(%arg21 : memref<!tpu.dma_semaphore, #tpu.memory_space<semaphore_mem>>) src(%arg12 : memref<128x16xf32, #tpu.memory_space<vmem>>) dst(%dma_wait3A_307 : memref<10240x16xf32, #tpu.memory_space<vmem_shared>>)
      %add3A_308 = arith.constant 4 : i32
      %add3A_309 = arith.addi %mul3A_79, %add3A_308 : i32
      %add3A_310 = arith.constant 1 : i32
      %add3A_311 = arith.addi %add3A_309, %add3A_310 : i32
      %dma_wait3A_312 = arith.constant 0 : i32
      %dma_wait3A_313 = tpu.memref_slice %arg7[%add3A_311, %dma_wait3A_312] : memref<80x128xi32, #tpu.memory_space<vmem>> -> memref<1x128xi32, #tpu.memory_space<vmem>>
      %dma_wait3A_314 = tpu.memref_squeeze %dma_wait3A_313 : memref<1x128xi32, #tpu.memory_space<vmem>> -> memref<128xi32, #tpu.memory_space<vmem>>
      %dma_wait3A_315 = arith.constant 0 : i32
      %dma_wait3A_316 = arith.constant 0 : i32
      %dma_wait3A_317 = tpu.memref_slice %arg19[%dma_wait3A_315, %dma_wait3A_316] : memref<10240x16xf32, #tpu.memory_space<vmem_shared>> -> memref<10240x16xf32, #tpu.memory_space<vmem_shared>>
      tpu.wait_indirect_dma semaphore(%arg21 : memref<!tpu.dma_semaphore, #tpu.memory_space<semaphore_mem>>) src(%arg13 : memref<128x16xf32, #tpu.memory_space<vmem>>) dst(%dma_wait3A_317 : memref<10240x16xf32, #tpu.memory_space<vmem_shared>>)
      %add3A_318 = arith.constant 4 : i32
      %add3A_319 = arith.addi %mul3A_79, %add3A_318 : i32
      %add3A_320 = arith.constant 2 : i32
      %add3A_321 = arith.addi %add3A_319, %add3A_320 : i32
      %dma_wait3A_322 = arith.constant 0 : i32
      %dma_wait3A_323 = tpu.memref_slice %arg7[%add3A_321, %dma_wait3A_322] : memref<80x128xi32, #tpu.memory_space<vmem>> -> memref<1x128xi32, #tpu.memory_space<vmem>>
      %dma_wait3A_324 = tpu.memref_squeeze %dma_wait3A_323 : memref<1x128xi32, #tpu.memory_space<vmem>> -> memref<128xi32, #tpu.memory_space<vmem>>
      %dma_wait3A_325 = arith.constant 0 : i32
      %dma_wait3A_326 = arith.constant 0 : i32
      %dma_wait3A_327 = tpu.memref_slice %arg19[%dma_wait3A_325, %dma_wait3A_326] : memref<10240x16xf32, #tpu.memory_space<vmem_shared>> -> memref<10240x16xf32, #tpu.memory_space<vmem_shared>>
      tpu.wait_indirect_dma semaphore(%arg21 : memref<!tpu.dma_semaphore, #tpu.memory_space<semaphore_mem>>) src(%arg14 : memref<128x16xf32, #tpu.memory_space<vmem>>) dst(%dma_wait3A_327 : memref<10240x16xf32, #tpu.memory_space<vmem_shared>>)
      %add3A_328 = arith.constant 4 : i32
      %add3A_329 = arith.addi %mul3A_79, %add3A_328 : i32
      %add3A_330 = arith.constant 3 : i32
      %add3A_331 = arith.addi %add3A_329, %add3A_330 : i32
      %dma_wait3A_332 = arith.constant 0 : i32
      %dma_wait3A_333 = tpu.memref_slice %arg7[%add3A_331, %dma_wait3A_332] : memref<80x128xi32, #tpu.memory_space<vmem>> -> memref<1x128xi32, #tpu.memory_space<vmem>>
      %dma_wait3A_334 = tpu.memref_squeeze %dma_wait3A_333 : memref<1x128xi32, #tpu.memory_space<vmem>> -> memref<128xi32, #tpu.memory_space<vmem>>
      %dma_wait3A_335 = arith.constant 0 : i32
      %dma_wait3A_336 = arith.constant 0 : i32
      %dma_wait3A_337 = tpu.memref_slice %arg19[%dma_wait3A_335, %dma_wait3A_336] : memref<10240x16xf32, #tpu.memory_space<vmem_shared>> -> memref<10240x16xf32, #tpu.memory_space<vmem_shared>>
      tpu.wait_indirect_dma semaphore(%arg21 : memref<!tpu.dma_semaphore, #tpu.memory_space<semaphore_mem>>) src(%arg15 : memref<128x16xf32, #tpu.memory_space<vmem>>) dst(%dma_wait3A_337 : memref<10240x16xf32, #tpu.memory_space<vmem_shared>>)
    }
    %scan3A_65 = arith.constant 10 : i32
    %barrier3A_66 = arith.constant 0 : index
    tpu.barrier barrier_id(%barrier3A_66)
    %mul3A_67 = arith.constant 640 : i32
    %mul3A_68 = arith.muli %arg1, %mul3A_67 : i32
    "tpu.region"() ({
      %run_scoped3A = tpu.sem_alloc : memref<!tpu.dma_semaphore, #tpu.memory_space<semaphore_mem>>
      %dma_start3A_77 = arith.constant 0 : i32
      %dma_start3A_78 = tpu.memref_slice %arg19[%mul3A_68, %dma_start3A_77] : memref<10240x16xf32, #tpu.memory_space<vmem_shared>> -> memref<640x16xf32, #tpu.memory_space<vmem_shared>>
      %dma_start3A_79 = arith.constant 0 : i32
      %dma_start3A_80 = tpu.memref_slice %arg19[%mul3A_68, %dma_start3A_79] : memref<10240x16xf32, #tpu.memory_space<vmem_shared>> -> memref<640x16xf32, #tpu.memory_space<vmem_shared>>
      tpu.enqueue_dma source(%dma_start3A_80 : memref<640x16xf32, #tpu.memory_space<vmem_shared>>) target(%arg17 : memref<640x16xf32, #tpu.memory_space<vmem>>) target_semaphore(%run_scoped3A : memref<!tpu.dma_semaphore, #tpu.memory_space<semaphore_mem>>)
      %dma_wait3A_81 = arith.constant 0 : i32
      %dma_wait3A_82 = tpu.memref_slice %arg19[%mul3A_68, %dma_wait3A_81] : memref<10240x16xf32, #tpu.memory_space<vmem_shared>> -> memref<640x16xf32, #tpu.memory_space<vmem_shared>>
      %dma_wait3A_83 = arith.constant 0 : i32
      %dma_wait3A_84 = tpu.memref_slice %arg19[%mul3A_68, %dma_wait3A_83] : memref<10240x16xf32, #tpu.memory_space<vmem_shared>> -> memref<640x16xf32, #tpu.memory_space<vmem_shared>>
      tpu.wait_dma2 semaphore(%run_scoped3A : memref<!tpu.dma_semaphore, #tpu.memory_space<semaphore_mem>>) src(%dma_wait3A_84 : memref<640x16xf32, #tpu.memory_space<vmem_shared>>) dst(%arg17 : memref<640x16xf32, #tpu.memory_space<vmem>>)
      tpu.yield
    }) : () -> ()
    %scan3A_69 = arith.constant 0 : i32
    %scan3A_70 = arith.constant 0 : i32
    %scan3A_71 = arith.constant 80 : i32
    %scan3A_72 = arith.addi %scan3A_70, %scan3A_71 : i32
    %scan3A_73 = arith.constant 1 : i32
    scf.for %scan3A_77 = %scan3A_70 to %scan3A_72 step %scan3A_73  : i32 {
      %mul3A_78 = arith.constant 8 : i32
      %mul3A_79 = arith.muli %mul3A_78, %scan3A_77 : i32
      %add3A_80 = arith.constant 0 : i32
      %add3A_81 = arith.addi %mul3A_79, %add3A_80 : i32
      %get3A = arith.index_cast %add3A_81 : i32 to index
      %get3A_82 = arith.constant 0 : index
      %get3A_83 = tpu.vector_load %arg17[%get3A, %get3A_82] {strides = array<i32>} : memref<640x16xf32, #tpu.memory_space<vmem>>, vector<1x16xf32>,
      %get3A_84 = vector.shape_cast %get3A_83 : vector<1x16xf32> to vector<16xf32>
      %swap3A = arith.index_cast %scan3A_77 : i32 to index
      %swap3A_85 = arith.constant 0 : index
      %swap3A_86 = tpu.vector_load %arg16[%swap3A, %swap3A_85] {strides = array<i32>} : memref<80x128xf32, #tpu.memory_space<vmem>>, vector<1x16xf32>,
      %swap3A_87 = vector.shape_cast %swap3A_86 : vector<1x16xf32> to vector<16xf32>
      %swap3A_88 = vector.shape_cast %get3A_84 : vector<16xf32> to vector<1x16xf32>
      tpu.vector_store %arg16[%swap3A, %swap3A_85], %swap3A_88 {strides = array<i32>} : memref<80x128xf32, #tpu.memory_space<vmem>>, vector<1x16xf32>,
      %mul3A_89 = arith.constant 8 : i32
      %mul3A_90 = arith.muli %mul3A_89, %scan3A_77 : i32
      %add3A_91 = arith.constant 1 : i32
      %add3A_92 = arith.addi %mul3A_90, %add3A_91 : i32
      %get3A_93 = arith.index_cast %add3A_92 : i32 to index
      %get3A_94 = arith.constant 0 : index
      %get3A_95 = tpu.vector_load %arg17[%get3A_93, %get3A_94] {strides = array<i32>} : memref<640x16xf32, #tpu.memory_space<vmem>>, vector<1x16xf32>,
      %get3A_96 = vector.shape_cast %get3A_95 : vector<1x16xf32> to vector<16xf32>
      %swap3A_97 = arith.index_cast %scan3A_77 : i32 to index
      %swap3A_98 = arith.constant 16 : index
      %swap3A_99 = tpu.vector_load %arg16[%swap3A_97, %swap3A_98] {strides = array<i32>} : memref<80x128xf32, #tpu.memory_space<vmem>>, vector<1x16xf32>,
      %swap3A_100 = vector.shape_cast %swap3A_99 : vector<1x16xf32> to vector<16xf32>
      %swap3A_101 = vector.shape_cast %get3A_96 : vector<16xf32> to vector<1x16xf32>
      tpu.vector_store %arg16[%swap3A_97, %swap3A_98], %swap3A_101 {strides = array<i32>} : memref<80x128xf32, #tpu.memory_space<vmem>>, vector<1x16xf32>,
      %mul3A_102 = arith.constant 8 : i32
      %mul3A_103 = arith.muli %mul3A_102, %scan3A_77 : i32
      %add3A_104 = arith.constant 2 : i32
      %add3A_105 = arith.addi %mul3A_103, %add3A_104 : i32
      %get3A_106 = arith.index_cast %add3A_105 : i32 to index
      %get3A_107 = arith.constant 0 : index
      %get3A_108 = tpu.vector_load %arg17[%get3A_106, %get3A_107] {strides = array<i32>} : memref<640x16xf32, #tpu.memory_space<vmem>>, vector<1x16xf32>,
      %get3A_109 = vector.shape_cast %get3A_108 : vector<1x16xf32> to vector<16xf32>
      %swap3A_110 = arith.index_cast %scan3A_77 : i32 to index
      %swap3A_111 = arith.constant 32 : index
      %swap3A_112 = tpu.vector_load %arg16[%swap3A_110, %swap3A_111] {strides = array<i32>} : memref<80x128xf32, #tpu.memory_space<vmem>>, vector<1x16xf32>,
      %swap3A_113 = vector.shape_cast %swap3A_112 : vector<1x16xf32> to vector<16xf32>
      %swap3A_114 = vector.shape_cast %get3A_109 : vector<16xf32> to vector<1x16xf32>
      tpu.vector_store %arg16[%swap3A_110, %swap3A_111], %swap3A_114 {strides = array<i32>} : memref<80x128xf32, #tpu.memory_space<vmem>>, vector<1x16xf32>,
      %mul3A_115 = arith.constant 8 : i32
      %mul3A_116 = arith.muli %mul3A_115, %scan3A_77 : i32
      %add3A_117 = arith.constant 3 : i32
      %add3A_118 = arith.addi %mul3A_116, %add3A_117 : i32
      %get3A_119 = arith.index_cast %add3A_118 : i32 to index
      %get3A_120 = arith.constant 0 : index
      %get3A_121 = tpu.vector_load %arg17[%get3A_119, %get3A_120] {strides = array<i32>} : memref<640x16xf32, #tpu.memory_space<vmem>>, vector<1x16xf32>,
      %get3A_122 = vector.shape_cast %get3A_121 : vector<1x16xf32> to vector<16xf32>
      %swap3A_123 = arith.index_cast %scan3A_77 : i32 to index
      %swap3A_124 = arith.constant 48 : index
      %swap3A_125 = tpu.vector_load %arg16[%swap3A_123, %swap3A_124] {strides = array<i32>} : memref<80x128xf32, #tpu.memory_space<vmem>>, vector<1x16xf32>,
      %swap3A_126 = vector.shape_cast %swap3A_125 : vector<1x16xf32> to vector<16xf32>
      %swap3A_127 = vector.shape_cast %get3A_122 : vector<16xf32> to vector<1x16xf32>
      tpu.vector_store %arg16[%swap3A_123, %swap3A_124], %swap3A_127 {strides = array<i32>} : memref<80x128xf32, #tpu.memory_space<vmem>>, vector<1x16xf32>,
      %mul3A_128 = arith.constant 8 : i32
      %mul3A_129 = arith.muli %mul3A_128, %scan3A_77 : i32
      %add3A_130 = arith.constant 4 : i32
      %add3A_131 = arith.addi %mul3A_129, %add3A_130 : i32
      %get3A_132 = arith.index_cast %add3A_131 : i32 to index
      %get3A_133 = arith.constant 0 : index
      %get3A_134 = tpu.vector_load %arg17[%get3A_132, %get3A_133] {strides = array<i32>} : memref<640x16xf32, #tpu.memory_space<vmem>>, vector<1x16xf32>,
      %get3A_135 = vector.shape_cast %get3A_134 : vector<1x16xf32> to vector<16xf32>
      %swap3A_136 = arith.index_cast %scan3A_77 : i32 to index
      %swap3A_137 = arith.constant 64 : index
      %swap3A_138 = tpu.vector_load %arg16[%swap3A_136, %swap3A_137] {strides = array<i32>} : memref<80x128xf32, #tpu.memory_space<vmem>>, vector<1x16xf32>,
      %swap3A_139 = vector.shape_cast %swap3A_138 : vector<1x16xf32> to vector<16xf32>
      %swap3A_140 = vector.shape_cast %get3A_135 : vector<16xf32> to vector<1x16xf32>
      tpu.vector_store %arg16[%swap3A_136, %swap3A_137], %swap3A_140 {strides = array<i32>} : memref<80x128xf32, #tpu.memory_space<vmem>>, vector<1x16xf32>,
      %mul3A_141 = arith.constant 8 : i32
      %mul3A_142 = arith.muli %mul3A_141, %scan3A_77 : i32
      %add3A_143 = arith.constant 5 : i32
      %add3A_144 = arith.addi %mul3A_142, %add3A_143 : i32
      %get3A_145 = arith.index_cast %add3A_144 : i32 to index
      %get3A_146 = arith.constant 0 : index
      %get3A_147 = tpu.vector_load %arg17[%get3A_145, %get3A_146] {strides = array<i32>} : memref<640x16xf32, #tpu.memory_space<vmem>>, vector<1x16xf32>,
      %get3A_148 = vector.shape_cast %get3A_147 : vector<1x16xf32> to vector<16xf32>
      %swap3A_149 = arith.index_cast %scan3A_77 : i32 to index
      %swap3A_150 = arith.constant 80 : index
      %swap3A_151 = tpu.vector_load %arg16[%swap3A_149, %swap3A_150] {strides = array<i32>} : memref<80x128xf32, #tpu.memory_space<vmem>>, vector<1x16xf32>,
      %swap3A_152 = vector.shape_cast %swap3A_151 : vector<1x16xf32> to vector<16xf32>
      %swap3A_153 = vector.shape_cast %get3A_148 : vector<16xf32> to vector<1x16xf32>
      tpu.vector_store %arg16[%swap3A_149, %swap3A_150], %swap3A_153 {strides = array<i32>} : memref<80x128xf32, #tpu.memory_space<vmem>>, vector<1x16xf32>,
      %mul3A_154 = arith.constant 8 : i32
      %mul3A_155 = arith.muli %mul3A_154, %scan3A_77 : i32
      %add3A_156 = arith.constant 6 : i32
      %add3A_157 = arith.addi %mul3A_155, %add3A_156 : i32
      %get3A_158 = arith.index_cast %add3A_157 : i32 to index
      %get3A_159 = arith.constant 0 : index
      %get3A_160 = tpu.vector_load %arg17[%get3A_158, %get3A_159] {strides = array<i32>} : memref<640x16xf32, #tpu.memory_space<vmem>>, vector<1x16xf32>,
      %get3A_161 = vector.shape_cast %get3A_160 : vector<1x16xf32> to vector<16xf32>
      %swap3A_162 = arith.index_cast %scan3A_77 : i32 to index
      %swap3A_163 = arith.constant 96 : index
      %swap3A_164 = tpu.vector_load %arg16[%swap3A_162, %swap3A_163] {strides = array<i32>} : memref<80x128xf32, #tpu.memory_space<vmem>>, vector<1x16xf32>,
      %swap3A_165 = vector.shape_cast %swap3A_164 : vector<1x16xf32> to vector<16xf32>
      %swap3A_166 = vector.shape_cast %get3A_161 : vector<16xf32> to vector<1x16xf32>
      tpu.vector_store %arg16[%swap3A_162, %swap3A_163], %swap3A_166 {strides = array<i32>} : memref<80x128xf32, #tpu.memory_space<vmem>>, vector<1x16xf32>,
      %mul3A_167 = arith.constant 8 : i32
      %mul3A_168 = arith.muli %mul3A_167, %scan3A_77 : i32
      %add3A_169 = arith.constant 7 : i32
      %add3A_170 = arith.addi %mul3A_168, %add3A_169 : i32
      %get3A_171 = arith.index_cast %add3A_170 : i32 to index
      %get3A_172 = arith.constant 0 : index
      %get3A_173 = tpu.vector_load %arg17[%get3A_171, %get3A_172] {strides = array<i32>} : memref<640x16xf32, #tpu.memory_space<vmem>>, vector<1x16xf32>,
      %get3A_174 = vector.shape_cast %get3A_173 : vector<1x16xf32> to vector<16xf32>
      %swap3A_175 = arith.index_cast %scan3A_77 : i32 to index
      %swap3A_176 = arith.constant 112 : index
      %swap3A_177 = tpu.vector_load %arg16[%swap3A_175, %swap3A_176] {strides = array<i32>} : memref<80x128xf32, #tpu.memory_space<vmem>>, vector<1x16xf32>,
      %swap3A_178 = vector.shape_cast %swap3A_177 : vector<1x16xf32> to vector<16xf32>
      %swap3A_179 = vector.shape_cast %get3A_174 : vector<16xf32> to vector<1x16xf32>
      tpu.vector_store %arg16[%swap3A_175, %swap3A_176], %swap3A_179 {strides = array<i32>} : memref<80x128xf32, #tpu.memory_space<vmem>>, vector<1x16xf32>,
    }
    %scan3A_74 = arith.constant 80 : i32
    %mul3A_75 = arith.constant 80 : i32
    %mul3A_76 = arith.muli %arg1, %mul3A_75 : i32
    "tpu.region"() ({
      %run_scoped3A = tpu.sem_alloc : memref<!tpu.dma_semaphore, #tpu.memory_space<semaphore_mem>>
      %dma_start3A_77 = arith.constant 0 : i32
      %dma_start3A_78 = arith.constant 0 : i32
      %dma_start3A_79 = tpu.memref_slice %arg5[%arg0, %dma_start3A_77, %dma_start3A_78] : memref<2x1280x128xf32, #tpu.memory_space<hbm>> -> memref<1x1280x128xf32, #tpu.memory_space<hbm>>
      %dma_start3A_80 = tpu.memref_squeeze %dma_start3A_79 : memref<1x1280x128xf32, #tpu.memory_space<hbm>> -> memref<1280x128xf32, #tpu.memory_space<hbm>>
      %dma_start3A_81 = arith.constant 0 : i32
      %dma_start3A_82 = tpu.memref_slice %dma_start3A_80[%mul3A_76, %dma_start3A_81] : memref<1280x128xf32, #tpu.memory_space<hbm>> -> memref<80x128xf32, #tpu.memory_space<hbm>>
      %dma_start3A_83 = arith.constant 0 : i32
      %dma_start3A_84 = arith.constant 0 : i32
      %dma_start3A_85 = tpu.memref_slice %arg5[%arg0, %dma_start3A_83, %dma_start3A_84] : memref<2x1280x128xf32, #tpu.memory_space<hbm>> -> memref<1x1280x128xf32, #tpu.memory_space<hbm>>
      %dma_start3A_86 = tpu.memref_squeeze %dma_start3A_85 : memref<1x1280x128xf32, #tpu.memory_space<hbm>> -> memref<1280x128xf32, #tpu.memory_space<hbm>>
      %dma_start3A_87 = arith.constant 0 : i32
      %dma_start3A_88 = tpu.memref_slice %dma_start3A_86[%mul3A_76, %dma_start3A_87] : memref<1280x128xf32, #tpu.memory_space<hbm>> -> memref<80x128xf32, #tpu.memory_space<hbm>>
      tpu.enqueue_dma source(%arg16 : memref<80x128xf32, #tpu.memory_space<vmem>>) target(%dma_start3A_88 : memref<80x128xf32, #tpu.memory_space<hbm>>) target_semaphore(%run_scoped3A : memref<!tpu.dma_semaphore, #tpu.memory_space<semaphore_mem>>)
      %dma_wait3A_89 = arith.constant 0 : i32
      %dma_wait3A_90 = arith.constant 0 : i32
      %dma_wait3A_91 = tpu.memref_slice %arg5[%arg0, %dma_wait3A_89, %dma_wait3A_90] : memref<2x1280x128xf32, #tpu.memory_space<hbm>> -> memref<1x1280x128xf32, #tpu.memory_space<hbm>>
      %dma_wait3A_92 = tpu.memref_squeeze %dma_wait3A_91 : memref<1x1280x128xf32, #tpu.memory_space<hbm>> -> memref<1280x128xf32, #tpu.memory_space<hbm>>
      %dma_wait3A_93 = arith.constant 0 : i32
      %dma_wait3A_94 = tpu.memref_slice %dma_wait3A_92[%mul3A_76, %dma_wait3A_93] : memref<1280x128xf32, #tpu.memory_space<hbm>> -> memref<80x128xf32, #tpu.memory_space<hbm>>
      %dma_wait3A_95 = arith.constant 0 : i32
      %dma_wait3A_96 = arith.constant 0 : i32
      %dma_wait3A_97 = tpu.memref_slice %arg5[%arg0, %dma_wait3A_95, %dma_wait3A_96] : memref<2x1280x128xf32, #tpu.memory_space<hbm>> -> memref<1x1280x128xf32, #tpu.memory_space<hbm>>
      %dma_wait3A_98 = tpu.memref_squeeze %dma_wait3A_97 : memref<1x1280x128xf32, #tpu.memory_space<hbm>> -> memref<1280x128xf32, #tpu.memory_space<hbm>>
      %dma_wait3A_99 = arith.constant 0 : i32
      %dma_wait3A_100 = tpu.memref_slice %dma_wait3A_98[%mul3A_76, %dma_wait3A_99] : memref<1280x128xf32, #tpu.memory_space<hbm>> -> memref<80x128xf32, #tpu.memory_space<hbm>>
      tpu.wait_dma2 semaphore(%run_scoped3A : memref<!tpu.dma_semaphore, #tpu.memory_space<semaphore_mem>>) src(%arg16 : memref<80x128xf32, #tpu.memory_space<vmem>>) dst(%dma_wait3A_100 : memref<80x128xf32, #tpu.memory_space<hbm>>)
      tpu.yield
    }) : () -> ()
    return
  }
}

#map = affine_map<(d0, d1) -> (0, 0, 0)>
#map1 = affine_map<(d0, d1) -> (0, 0)>
module attributes {stable_mosaic.version = 14 : i64} {
  func.func @seg(%arg0: i32, %arg1: i32, %arg2: memref<32x80x128xi32, #tpu.memory_space<hbm>>, %arg3: memref<32x80x128xi32, #tpu.memory_space<hbm>>, %arg4: memref<1280x128xf32, #tpu.memory_space<hbm>>, %arg5: memref<2x1280x128xf32, #tpu.memory_space<hbm>>, %arg6: memref<80x128xi32, #tpu.memory_space<vmem>>, %arg7: memref<80x128xi32, #tpu.memory_space<vmem>>, %arg8: memref<128x16xf32, #tpu.memory_space<vmem>>, %arg9: memref<128x16xf32, #tpu.memory_space<vmem>>, %arg10: memref<128x16xf32, #tpu.memory_space<vmem>>, %arg11: memref<128x16xf32, #tpu.memory_space<vmem>>, %arg12: memref<128x16xf32, #tpu.memory_space<vmem>>, %arg13: memref<128x16xf32, #tpu.memory_space<vmem>>, %arg14: memref<128x16xf32, #tpu.memory_space<vmem>>, %arg15: memref<128x16xf32, #tpu.memory_space<vmem>>, %arg16: memref<80x128xf32, #tpu.memory_space<vmem>>, %arg17: memref<640x16xf32, #tpu.memory_space<vmem>>, %arg18: memref<10240x16xf32, #tpu.memory_space<vmem_shared>>, %arg19: memref<10240x16xf32, #tpu.memory_space<vmem_shared>>, %arg20: memref<!tpu.dma_semaphore, #tpu.memory_space<semaphore_mem>>, %arg21: memref<!tpu.dma_semaphore, #tpu.memory_space<semaphore_mem>>) attributes {dimension_semantics = [#tpu.dimension_semantics<core_parallel>, #tpu.dimension_semantics<subcore_parallel>], iteration_bounds = array<i64: 2, 16>, scalar_prefetch = 0 : i64, scratch_operands = 16 : i64, tpu.core_type = #tpu.core_type<sc_vector_subcore>, window_params = [{transform_indices = #map}, {transform_indices = #map}, {transform_indices = #map1}, {transform_indices = #map}]} {
    %mul3A = arith.constant 16 : i32
    %mul3A_0 = arith.muli %arg0, %mul3A : i32
    %add3A = arith.addi %mul3A_0, %arg1 : i32
    %dma_start3A = arith.constant 0 : i32
    %dma_start3A_1 = arith.constant 0 : i32
    %dma_start3A_2 = tpu.memref_slice %arg2[%add3A, %dma_start3A, %dma_start3A_1] : memref<32x80x128xi32, #tpu.memory_space<hbm>> -> memref<1x80x128xi32, #tpu.memory_space<hbm>>
    %dma_start3A_3 = tpu.memref_squeeze %dma_start3A_2 : memref<1x80x128xi32, #tpu.memory_space<hbm>> -> memref<80x128xi32, #tpu.memory_space<hbm>>
    %dma_start3A_4 = arith.constant 0 : i32
    %dma_start3A_5 = arith.constant 0 : i32
    %dma_start3A_6 = tpu.memref_slice %arg2[%add3A, %dma_start3A_4, %dma_start3A_5] : memref<32x80x128xi32, #tpu.memory_space<hbm>> -> memref<1x80x128xi32, #tpu.memory_space<hbm>>
    %dma_start3A_7 = tpu.memref_squeeze %dma_start3A_6 : memref<1x80x128xi32, #tpu.memory_space<hbm>> -> memref<80x128xi32, #tpu.memory_space<hbm>>
    tpu.enqueue_dma source(%dma_start3A_7 : memref<80x128xi32, #tpu.memory_space<hbm>>) target(%arg6 : memref<80x128xi32, #tpu.memory_space<vmem>>) target_semaphore(%arg21 : memref<!tpu.dma_semaphore, #tpu.memory_space<semaphore_mem>>)
    "tpu.region"() ({
      %run_scoped3A = tpu.sem_alloc : memref<!tpu.dma_semaphore, #tpu.memory_space<semaphore_mem>>
      %dma_start3A_77 = arith.constant 0 : i32
      %dma_start3A_78 = arith.constant 0 : i32
      %dma_start3A_79 = tpu.memref_slice %arg3[%add3A, %dma_start3A_77, %dma_start3A_78] : memref<32x80x128xi32, #tpu.memory_space<hbm>> -> memref<1x80x128xi32, #tpu.memory_space<hbm>>
      %dma_start3A_80 = tpu.memref_squeeze %dma_start3A_79 : memref<1x80x128xi32, #tpu.memory_space<hbm>> -> memref<80x128xi32, #tpu.memory_space<hbm>>
      %dma_start3A_81 = arith.constant 0 : i32
      %dma_start3A_82 = arith.constant 0 : i32
      %dma_start3A_83 = tpu.memref_slice %arg3[%add3A, %dma_start3A_81, %dma_start3A_82] : memref<32x80x128xi32, #tpu.memory_space<hbm>> -> memref<1x80x128xi32, #tpu.memory_space<hbm>>
      %dma_start3A_84 = tpu.memref_squeeze %dma_start3A_83 : memref<1x80x128xi32, #tpu.memory_space<hbm>> -> memref<80x128xi32, #tpu.memory_space<hbm>>
      tpu.enqueue_dma source(%dma_start3A_84 : memref<80x128xi32, #tpu.memory_space<hbm>>) target(%arg7 : memref<80x128xi32, #tpu.memory_space<vmem>>) target_semaphore(%run_scoped3A : memref<!tpu.dma_semaphore, #tpu.memory_space<semaphore_mem>>)
      %dma_wait3A_85 = arith.constant 0 : i32
      %dma_wait3A_86 = arith.constant 0 : i32
      %dma_wait3A_87 = tpu.memref_slice %arg3[%add3A, %dma_wait3A_85, %dma_wait3A_86] : memref<32x80x128xi32, #tpu.memory_space<hbm>> -> memref<1x80x128xi32, #tpu.memory_space<hbm>>
      %dma_wait3A_88 = tpu.memref_squeeze %dma_wait3A_87 : memref<1x80x128xi32, #tpu.memory_space<hbm>> -> memref<80x128xi32, #tpu.memory_space<hbm>>
      %dma_wait3A_89 = arith.constant 0 : i32
      %dma_wait3A_90 = arith.constant 0 : i32
      %dma_wait3A_91 = tpu.memref_slice %arg3[%add3A, %dma_wait3A_89, %dma_wait3A_90] : memref<32x80x128xi32, #tpu.memory_space<hbm>> -> memref<1x80x128xi32, #tpu.memory_space<hbm>>
      %dma_wait3A_92 = tpu.memref_squeeze %dma_wait3A_91 : memref<1x80x128xi32, #tpu.memory_space<hbm>> -> memref<80x128xi32, #tpu.memory_space<hbm>>
      tpu.wait_dma2 semaphore(%run_scoped3A : memref<!tpu.dma_semaphore, #tpu.memory_space<semaphore_mem>>) src(%dma_wait3A_92 : memref<80x128xi32, #tpu.memory_space<hbm>>) dst(%arg7 : memref<80x128xi32, #tpu.memory_space<vmem>>)
      tpu.yield
    }) : () -> ()
    %scan3A = arith.constant 0 : i32
    %scan3A_8 = arith.constant 0 : i32
    %scan3A_9 = arith.constant 640 : i32
    %scan3A_10 = arith.addi %scan3A_8, %scan3A_9 : i32
    %scan3A_11 = arith.constant 1 : i32
    scf.for %scan3A_77 = %scan3A_8 to %scan3A_10 step %scan3A_11  : i32 {
      %broadcast_in_dim3A = arith.constant 0.000000e+00 : f32
      %broadcast_in_dim3A_78 = vector.broadcast %broadcast_in_dim3A : f32 to vector<16xf32>
      %swap3A = arith.index_cast %scan3A_77 : i32 to index
      %swap3A_79 = arith.constant 0 : index
      %swap3A_80 = tpu.vector_load %arg17[%swap3A, %swap3A_79] {strides = array<i32>} : memref<640x16xf32, #tpu.memory_space<vmem>>, vector<1x16xf32>,
      %swap3A_81 = vector.shape_cast %swap3A_80 : vector<1x16xf32> to vector<16xf32>
      %swap3A_82 = vector.shape_cast %broadcast_in_dim3A_78 : vector<16xf32> to vector<1x16xf32>
      tpu.vector_store %arg17[%swap3A, %swap3A_79], %swap3A_82 {strides = array<i32>} : memref<640x16xf32, #tpu.memory_space<vmem>>, vector<1x16xf32>,
    }
    %scan3A_12 = arith.constant 640 : i32
    %mul3A_13 = arith.constant 640 : i32
    %mul3A_14 = arith.muli %arg1, %mul3A_13 : i32
    "tpu.region"() ({
      %run_scoped3A = tpu.sem_alloc : memref<!tpu.dma_semaphore, #tpu.memory_space<semaphore_mem>>
      %dma_start3A_77 = arith.constant 0 : i32
      %dma_start3A_78 = tpu.memref_slice %arg19[%mul3A_14, %dma_start3A_77] : memref<10240x16xf32, #tpu.memory_space<vmem_shared>> -> memref<640x16xf32, #tpu.memory_space<vmem_shared>>
      %dma_start3A_79 = arith.constant 0 : i32
      %dma_start3A_80 = tpu.memref_slice %arg19[%mul3A_14, %dma_start3A_79] : memref<10240x16xf32, #tpu.memory_space<vmem_shared>> -> memref<640x16xf32, #tpu.memory_space<vmem_shared>>
      tpu.enqueue_dma source(%arg17 : memref<640x16xf32, #tpu.memory_space<vmem>>) target(%dma_start3A_80 : memref<640x16xf32, #tpu.memory_space<vmem_shared>>) target_semaphore(%run_scoped3A : memref<!tpu.dma_semaphore, #tpu.memory_space<semaphore_mem>>)
      %dma_wait3A_81 = arith.constant 0 : i32
      %dma_wait3A_82 = tpu.memref_slice %arg19[%mul3A_14, %dma_wait3A_81] : memref<10240x16xf32, #tpu.memory_space<vmem_shared>> -> memref<640x16xf32, #tpu.memory_space<vmem_shared>>
      %dma_wait3A_83 = arith.constant 0 : i32
      %dma_wait3A_84 = tpu.memref_slice %arg19[%mul3A_14, %dma_wait3A_83] : memref<10240x16xf32, #tpu.memory_space<vmem_shared>> -> memref<640x16xf32, #tpu.memory_space<vmem_shared>>
      tpu.wait_dma2 semaphore(%run_scoped3A : memref<!tpu.dma_semaphore, #tpu.memory_space<semaphore_mem>>) src(%arg17 : memref<640x16xf32, #tpu.memory_space<vmem>>) dst(%dma_wait3A_84 : memref<640x16xf32, #tpu.memory_space<vmem_shared>>)
      tpu.yield
    }) : () -> ()
    %mul3A_15 = arith.constant 80 : i32
    %mul3A_16 = arith.muli %arg1, %mul3A_15 : i32
    "tpu.region"() ({
      %run_scoped3A = tpu.sem_alloc : memref<!tpu.dma_semaphore, #tpu.memory_space<semaphore_mem>>
      %dma_start3A_77 = arith.constant 0 : i32
      %dma_start3A_78 = tpu.memref_slice %arg4[%mul3A_16, %dma_start3A_77] : memref<1280x128xf32, #tpu.memory_space<hbm>> -> memref<80x128xf32, #tpu.memory_space<hbm>>
      %dma_start3A_79 = arith.constant 0 : i32
      %dma_start3A_80 = tpu.memref_slice %arg4[%mul3A_16, %dma_start3A_79] : memref<1280x128xf32, #tpu.memory_space<hbm>> -> memref<80x128xf32, #tpu.memory_space<hbm>>
      tpu.enqueue_dma source(%dma_start3A_80 : memref<80x128xf32, #tpu.memory_space<hbm>>) target(%arg16 : memref<80x128xf32, #tpu.memory_space<vmem>>) target_semaphore(%run_scoped3A : memref<!tpu.dma_semaphore, #tpu.memory_space<semaphore_mem>>)
      %dma_wait3A_81 = arith.constant 0 : i32
      %dma_wait3A_82 = tpu.memref_slice %arg4[%mul3A_16, %dma_wait3A_81] : memref<1280x128xf32, #tpu.memory_space<hbm>> -> memref<80x128xf32, #tpu.memory_space<hbm>>
      %dma_wait3A_83 = arith.constant 0 : i32
      %dma_wait3A_84 = tpu.memref_slice %arg4[%mul3A_16, %dma_wait3A_83] : memref<1280x128xf32, #tpu.memory_space<hbm>> -> memref<80x128xf32, #tpu.memory_space<hbm>>
      tpu.wait_dma2 semaphore(%run_scoped3A : memref<!tpu.dma_semaphore, #tpu.memory_space<semaphore_mem>>) src(%dma_wait3A_84 : memref<80x128xf32, #tpu.memory_space<hbm>>) dst(%arg16 : memref<80x128xf32, #tpu.memory_space<vmem>>)
      tpu.yield
    }) : () -> ()
    %scan3A_17 = arith.constant 0 : i32
    %scan3A_18 = arith.constant 0 : i32
    %scan3A_19 = arith.constant 80 : i32
    %scan3A_20 = arith.addi %scan3A_18, %scan3A_19 : i32
    %scan3A_21 = arith.constant 1 : i32
    scf.for %scan3A_77 = %scan3A_18 to %scan3A_20 step %scan3A_21  : i32 {
      %get3A = arith.index_cast %scan3A_77 : i32 to index
      %get3A_78 = arith.constant 0 : index
      %get3A_79 = tpu.vector_load %arg16[%get3A, %get3A_78] {strides = array<i32>} : memref<80x128xf32, #tpu.memory_space<vmem>>, vector<1x16xf32>,
      %get3A_80 = vector.shape_cast %get3A_79 : vector<1x16xf32> to vector<16xf32>
      %mul3A_81 = arith.constant 8 : i32
      %mul3A_82 = arith.muli %mul3A_81, %scan3A_77 : i32
      %add3A_83 = arith.constant 0 : i32
      %add3A_84 = arith.addi %mul3A_82, %add3A_83 : i32
      %swap3A = arith.index_cast %add3A_84 : i32 to index
      %swap3A_85 = arith.constant 0 : index
      %swap3A_86 = tpu.vector_load %arg17[%swap3A, %swap3A_85] {strides = array<i32>} : memref<640x16xf32, #tpu.memory_space<vmem>>, vector<1x16xf32>,
      %swap3A_87 = vector.shape_cast %swap3A_86 : vector<1x16xf32> to vector<16xf32>
      %swap3A_88 = vector.shape_cast %get3A_80 : vector<16xf32> to vector<1x16xf32>
      tpu.vector_store %arg17[%swap3A, %swap3A_85], %swap3A_88 {strides = array<i32>} : memref<640x16xf32, #tpu.memory_space<vmem>>, vector<1x16xf32>,
      %get3A_89 = arith.index_cast %scan3A_77 : i32 to index
      %get3A_90 = arith.constant 16 : index
      %get3A_91 = tpu.vector_load %arg16[%get3A_89, %get3A_90] {strides = array<i32>} : memref<80x128xf32, #tpu.memory_space<vmem>>, vector<1x16xf32>,
      %get3A_92 = vector.shape_cast %get3A_91 : vector<1x16xf32> to vector<16xf32>
      %mul3A_93 = arith.constant 8 : i32
      %mul3A_94 = arith.muli %mul3A_93, %scan3A_77 : i32
      %add3A_95 = arith.constant 1 : i32
      %add3A_96 = arith.addi %mul3A_94, %add3A_95 : i32
      %swap3A_97 = arith.index_cast %add3A_96 : i32 to index
      %swap3A_98 = arith.constant 0 : index
      %swap3A_99 = tpu.vector_load %arg17[%swap3A_97, %swap3A_98] {strides = array<i32>} : memref<640x16xf32, #tpu.memory_space<vmem>>, vector<1x16xf32>,
      %swap3A_100 = vector.shape_cast %swap3A_99 : vector<1x16xf32> to vector<16xf32>
      %swap3A_101 = vector.shape_cast %get3A_92 : vector<16xf32> to vector<1x16xf32>
      tpu.vector_store %arg17[%swap3A_97, %swap3A_98], %swap3A_101 {strides = array<i32>} : memref<640x16xf32, #tpu.memory_space<vmem>>, vector<1x16xf32>,
      %get3A_102 = arith.index_cast %scan3A_77 : i32 to index
      %get3A_103 = arith.constant 32 : index
      %get3A_104 = tpu.vector_load %arg16[%get3A_102, %get3A_103] {strides = array<i32>} : memref<80x128xf32, #tpu.memory_space<vmem>>, vector<1x16xf32>,
      %get3A_105 = vector.shape_cast %get3A_104 : vector<1x16xf32> to vector<16xf32>
      %mul3A_106 = arith.constant 8 : i32
      %mul3A_107 = arith.muli %mul3A_106, %scan3A_77 : i32
      %add3A_108 = arith.constant 2 : i32
      %add3A_109 = arith.addi %mul3A_107, %add3A_108 : i32
      %swap3A_110 = arith.index_cast %add3A_109 : i32 to index
      %swap3A_111 = arith.constant 0 : index
      %swap3A_112 = tpu.vector_load %arg17[%swap3A_110, %swap3A_111] {strides = array<i32>} : memref<640x16xf32, #tpu.memory_space<vmem>>, vector<1x16xf32>,
      %swap3A_113 = vector.shape_cast %swap3A_112 : vector<1x16xf32> to vector<16xf32>
      %swap3A_114 = vector.shape_cast %get3A_105 : vector<16xf32> to vector<1x16xf32>
      tpu.vector_store %arg17[%swap3A_110, %swap3A_111], %swap3A_114 {strides = array<i32>} : memref<640x16xf32, #tpu.memory_space<vmem>>, vector<1x16xf32>,
      %get3A_115 = arith.index_cast %scan3A_77 : i32 to index
      %get3A_116 = arith.constant 48 : index
      %get3A_117 = tpu.vector_load %arg16[%get3A_115, %get3A_116] {strides = array<i32>} : memref<80x128xf32, #tpu.memory_space<vmem>>, vector<1x16xf32>,
      %get3A_118 = vector.shape_cast %get3A_117 : vector<1x16xf32> to vector<16xf32>
      %mul3A_119 = arith.constant 8 : i32
      %mul3A_120 = arith.muli %mul3A_119, %scan3A_77 : i32
      %add3A_121 = arith.constant 3 : i32
      %add3A_122 = arith.addi %mul3A_120, %add3A_121 : i32
      %swap3A_123 = arith.index_cast %add3A_122 : i32 to index
      %swap3A_124 = arith.constant 0 : index
      %swap3A_125 = tpu.vector_load %arg17[%swap3A_123, %swap3A_124] {strides = array<i32>} : memref<640x16xf32, #tpu.memory_space<vmem>>, vector<1x16xf32>,
      %swap3A_126 = vector.shape_cast %swap3A_125 : vector<1x16xf32> to vector<16xf32>
      %swap3A_127 = vector.shape_cast %get3A_118 : vector<16xf32> to vector<1x16xf32>
      tpu.vector_store %arg17[%swap3A_123, %swap3A_124], %swap3A_127 {strides = array<i32>} : memref<640x16xf32, #tpu.memory_space<vmem>>, vector<1x16xf32>,
      %get3A_128 = arith.index_cast %scan3A_77 : i32 to index
      %get3A_129 = arith.constant 64 : index
      %get3A_130 = tpu.vector_load %arg16[%get3A_128, %get3A_129] {strides = array<i32>} : memref<80x128xf32, #tpu.memory_space<vmem>>, vector<1x16xf32>,
      %get3A_131 = vector.shape_cast %get3A_130 : vector<1x16xf32> to vector<16xf32>
      %mul3A_132 = arith.constant 8 : i32
      %mul3A_133 = arith.muli %mul3A_132, %scan3A_77 : i32
      %add3A_134 = arith.constant 4 : i32
      %add3A_135 = arith.addi %mul3A_133, %add3A_134 : i32
      %swap3A_136 = arith.index_cast %add3A_135 : i32 to index
      %swap3A_137 = arith.constant 0 : index
      %swap3A_138 = tpu.vector_load %arg17[%swap3A_136, %swap3A_137] {strides = array<i32>} : memref<640x16xf32, #tpu.memory_space<vmem>>, vector<1x16xf32>,
      %swap3A_139 = vector.shape_cast %swap3A_138 : vector<1x16xf32> to vector<16xf32>
      %swap3A_140 = vector.shape_cast %get3A_131 : vector<16xf32> to vector<1x16xf32>
      tpu.vector_store %arg17[%swap3A_136, %swap3A_137], %swap3A_140 {strides = array<i32>} : memref<640x16xf32, #tpu.memory_space<vmem>>, vector<1x16xf32>,
      %get3A_141 = arith.index_cast %scan3A_77 : i32 to index
      %get3A_142 = arith.constant 80 : index
      %get3A_143 = tpu.vector_load %arg16[%get3A_141, %get3A_142] {strides = array<i32>} : memref<80x128xf32, #tpu.memory_space<vmem>>, vector<1x16xf32>,
      %get3A_144 = vector.shape_cast %get3A_143 : vector<1x16xf32> to vector<16xf32>
      %mul3A_145 = arith.constant 8 : i32
      %mul3A_146 = arith.muli %mul3A_145, %scan3A_77 : i32
      %add3A_147 = arith.constant 5 : i32
      %add3A_148 = arith.addi %mul3A_146, %add3A_147 : i32
      %swap3A_149 = arith.index_cast %add3A_148 : i32 to index
      %swap3A_150 = arith.constant 0 : index
      %swap3A_151 = tpu.vector_load %arg17[%swap3A_149, %swap3A_150] {strides = array<i32>} : memref<640x16xf32, #tpu.memory_space<vmem>>, vector<1x16xf32>,
      %swap3A_152 = vector.shape_cast %swap3A_151 : vector<1x16xf32> to vector<16xf32>
      %swap3A_153 = vector.shape_cast %get3A_144 : vector<16xf32> to vector<1x16xf32>
      tpu.vector_store %arg17[%swap3A_149, %swap3A_150], %swap3A_153 {strides = array<i32>} : memref<640x16xf32, #tpu.memory_space<vmem>>, vector<1x16xf32>,
      %get3A_154 = arith.index_cast %scan3A_77 : i32 to index
      %get3A_155 = arith.constant 96 : index
      %get3A_156 = tpu.vector_load %arg16[%get3A_154, %get3A_155] {strides = array<i32>} : memref<80x128xf32, #tpu.memory_space<vmem>>, vector<1x16xf32>,
      %get3A_157 = vector.shape_cast %get3A_156 : vector<1x16xf32> to vector<16xf32>
      %mul3A_158 = arith.constant 8 : i32
      %mul3A_159 = arith.muli %mul3A_158, %scan3A_77 : i32
      %add3A_160 = arith.constant 6 : i32
      %add3A_161 = arith.addi %mul3A_159, %add3A_160 : i32
      %swap3A_162 = arith.index_cast %add3A_161 : i32 to index
      %swap3A_163 = arith.constant 0 : index
      %swap3A_164 = tpu.vector_load %arg17[%swap3A_162, %swap3A_163] {strides = array<i32>} : memref<640x16xf32, #tpu.memory_space<vmem>>, vector<1x16xf32>,
      %swap3A_165 = vector.shape_cast %swap3A_164 : vector<1x16xf32> to vector<16xf32>
      %swap3A_166 = vector.shape_cast %get3A_157 : vector<16xf32> to vector<1x16xf32>
      tpu.vector_store %arg17[%swap3A_162, %swap3A_163], %swap3A_166 {strides = array<i32>} : memref<640x16xf32, #tpu.memory_space<vmem>>, vector<1x16xf32>,
      %get3A_167 = arith.index_cast %scan3A_77 : i32 to index
      %get3A_168 = arith.constant 112 : index
      %get3A_169 = tpu.vector_load %arg16[%get3A_167, %get3A_168] {strides = array<i32>} : memref<80x128xf32, #tpu.memory_space<vmem>>, vector<1x16xf32>,
      %get3A_170 = vector.shape_cast %get3A_169 : vector<1x16xf32> to vector<16xf32>
      %mul3A_171 = arith.constant 8 : i32
      %mul3A_172 = arith.muli %mul3A_171, %scan3A_77 : i32
      %add3A_173 = arith.constant 7 : i32
      %add3A_174 = arith.addi %mul3A_172, %add3A_173 : i32
      %swap3A_175 = arith.index_cast %add3A_174 : i32 to index
      %swap3A_176 = arith.constant 0 : index
      %swap3A_177 = tpu.vector_load %arg17[%swap3A_175, %swap3A_176] {strides = array<i32>} : memref<640x16xf32, #tpu.memory_space<vmem>>, vector<1x16xf32>,
      %swap3A_178 = vector.shape_cast %swap3A_177 : vector<1x16xf32> to vector<16xf32>
      %swap3A_179 = vector.shape_cast %get3A_170 : vector<16xf32> to vector<1x16xf32>
      tpu.vector_store %arg17[%swap3A_175, %swap3A_176], %swap3A_179 {strides = array<i32>} : memref<640x16xf32, #tpu.memory_space<vmem>>, vector<1x16xf32>,
    }
    %scan3A_22 = arith.constant 80 : i32
    %mul3A_23 = arith.constant 640 : i32
    %mul3A_24 = arith.muli %arg1, %mul3A_23 : i32
    "tpu.region"() ({
      %run_scoped3A = tpu.sem_alloc : memref<!tpu.dma_semaphore, #tpu.memory_space<semaphore_mem>>
      %dma_start3A_77 = arith.constant 0 : i32
      %dma_start3A_78 = tpu.memref_slice %arg18[%mul3A_24, %dma_start3A_77] : memref<10240x16xf32, #tpu.memory_space<vmem_shared>> -> memref<640x16xf32, #tpu.memory_space<vmem_shared>>
      %dma_start3A_79 = arith.constant 0 : i32
      %dma_start3A_80 = tpu.memref_slice %arg18[%mul3A_24, %dma_start3A_79] : memref<10240x16xf32, #tpu.memory_space<vmem_shared>> -> memref<640x16xf32, #tpu.memory_space<vmem_shared>>
      tpu.enqueue_dma source(%arg17 : memref<640x16xf32, #tpu.memory_space<vmem>>) target(%dma_start3A_80 : memref<640x16xf32, #tpu.memory_space<vmem_shared>>) target_semaphore(%run_scoped3A : memref<!tpu.dma_semaphore, #tpu.memory_space<semaphore_mem>>)
      %dma_wait3A_81 = arith.constant 0 : i32
      %dma_wait3A_82 = tpu.memref_slice %arg18[%mul3A_24, %dma_wait3A_81] : memref<10240x16xf32, #tpu.memory_space<vmem_shared>> -> memref<640x16xf32, #tpu.memory_space<vmem_shared>>
      %dma_wait3A_83 = arith.constant 0 : i32
      %dma_wait3A_84 = tpu.memref_slice %arg18[%mul3A_24, %dma_wait3A_83] : memref<10240x16xf32, #tpu.memory_space<vmem_shared>> -> memref<640x16xf32, #tpu.memory_space<vmem_shared>>
      tpu.wait_dma2 semaphore(%run_scoped3A : memref<!tpu.dma_semaphore, #tpu.memory_space<semaphore_mem>>) src(%arg17 : memref<640x16xf32, #tpu.memory_space<vmem>>) dst(%dma_wait3A_84 : memref<640x16xf32, #tpu.memory_space<vmem_shared>>)
      tpu.yield
    }) : () -> ()
    %dma_wait3A = arith.constant 0 : i32
    %dma_wait3A_25 = arith.constant 0 : i32
    %dma_wait3A_26 = tpu.memref_slice %arg2[%add3A, %dma_wait3A, %dma_wait3A_25] : memref<32x80x128xi32, #tpu.memory_space<hbm>> -> memref<1x80x128xi32, #tpu.memory_space<hbm>>
    %dma_wait3A_27 = tpu.memref_squeeze %dma_wait3A_26 : memref<1x80x128xi32, #tpu.memory_space<hbm>> -> memref<80x128xi32, #tpu.memory_space<hbm>>
    %dma_wait3A_28 = arith.constant 0 : i32
    %dma_wait3A_29 = arith.constant 0 : i32
    %dma_wait3A_30 = tpu.memref_slice %arg2[%add3A, %dma_wait3A_28, %dma_wait3A_29] : memref<32x80x128xi32, #tpu.memory_space<hbm>> -> memref<1x80x128xi32, #tpu.memory_space<hbm>>
    %dma_wait3A_31 = tpu.memref_squeeze %dma_wait3A_30 : memref<1x80x128xi32, #tpu.memory_space<hbm>> -> memref<80x128xi32, #tpu.memory_space<hbm>>
    tpu.wait_dma2 semaphore(%arg21 : memref<!tpu.dma_semaphore, #tpu.memory_space<semaphore_mem>>) src(%dma_wait3A_31 : memref<80x128xi32, #tpu.memory_space<hbm>>) dst(%arg6 : memref<80x128xi32, #tpu.memory_space<vmem>>)
    %barrier3A = arith.constant 0 : index
    tpu.barrier barrier_id(%barrier3A)
    %dma_start3A_32 = arith.constant 0 : i32
    %dma_start3A_33 = arith.constant 0 : i32
    %dma_start3A_34 = tpu.memref_slice %arg6[%dma_start3A_32, %dma_start3A_33] : memref<80x128xi32, #tpu.memory_space<vmem>> -> memref<1x128xi32, #tpu.memory_space<vmem>>
    %dma_start3A_35 = tpu.memref_squeeze %dma_start3A_34 : memref<1x128xi32, #tpu.memory_space<vmem>> -> memref<128xi32, #tpu.memory_space<vmem>>
    %dma_start3A_36 = arith.constant 0 : i32
    %dma_start3A_37 = arith.constant 0 : i32
    %dma_start3A_38 = tpu.memref_slice %arg18[%dma_start3A_36, %dma_start3A_37] : memref<10240x16xf32, #tpu.memory_space<vmem_shared>> -> memref<10240x16xf32, #tpu.memory_space<vmem_shared>>
    tpu.enqueue_indirect_dma source(%dma_start3A_38 : memref<10240x16xf32, #tpu.memory_space<vmem_shared>>) target(%arg8 : memref<128x16xf32, #tpu.memory_space<vmem>>) offsets(%dma_start3A_35 : memref<128xi32, #tpu.memory_space<vmem>>) semaphore(%arg20 : memref<!tpu.dma_semaphore, #tpu.memory_space<semaphore_mem>>)
    %dma_start3A_39 = arith.constant 1 : i32
    %dma_start3A_40 = arith.constant 0 : i32
    %dma_start3A_41 = tpu.memref_slice %arg6[%dma_start3A_39, %dma_start3A_40] : memref<80x128xi32, #tpu.memory_space<vmem>> -> memref<1x128xi32, #tpu.memory_space<vmem>>
    %dma_start3A_42 = tpu.memref_squeeze %dma_start3A_41 : memref<1x128xi32, #tpu.memory_space<vmem>> -> memref<128xi32, #tpu.memory_space<vmem>>
    %dma_start3A_43 = arith.constant 0 : i32
    %dma_start3A_44 = arith.constant 0 : i32
    %dma_start3A_45 = tpu.memref_slice %arg18[%dma_start3A_43, %dma_start3A_44] : memref<10240x16xf32, #tpu.memory_space<vmem_shared>> -> memref<10240x16xf32, #tpu.memory_space<vmem_shared>>
    tpu.enqueue_indirect_dma source(%dma_start3A_45 : memref<10240x16xf32, #tpu.memory_space<vmem_shared>>) target(%arg9 : memref<128x16xf32, #tpu.memory_space<vmem>>) offsets(%dma_start3A_42 : memref<128xi32, #tpu.memory_space<vmem>>) semaphore(%arg20 : memref<!tpu.dma_semaphore, #tpu.memory_space<semaphore_mem>>)
    %dma_start3A_46 = arith.constant 2 : i32
    %dma_start3A_47 = arith.constant 0 : i32
    %dma_start3A_48 = tpu.memref_slice %arg6[%dma_start3A_46, %dma_start3A_47] : memref<80x128xi32, #tpu.memory_space<vmem>> -> memref<1x128xi32, #tpu.memory_space<vmem>>
    %dma_start3A_49 = tpu.memref_squeeze %dma_start3A_48 : memref<1x128xi32, #tpu.memory_space<vmem>> -> memref<128xi32, #tpu.memory_space<vmem>>
    %dma_start3A_50 = arith.constant 0 : i32
    %dma_start3A_51 = arith.constant 0 : i32
    %dma_start3A_52 = tpu.memref_slice %arg18[%dma_start3A_50, %dma_start3A_51] : memref<10240x16xf32, #tpu.memory_space<vmem_shared>> -> memref<10240x16xf32, #tpu.memory_space<vmem_shared>>
    tpu.enqueue_indirect_dma source(%dma_start3A_52 : memref<10240x16xf32, #tpu.memory_space<vmem_shared>>) target(%arg10 : memref<128x16xf32, #tpu.memory_space<vmem>>) offsets(%dma_start3A_49 : memref<128xi32, #tpu.memory_space<vmem>>) semaphore(%arg20 : memref<!tpu.dma_semaphore, #tpu.memory_space<semaphore_mem>>)
    %dma_start3A_53 = arith.constant 3 : i32
    %dma_start3A_54 = arith.constant 0 : i32
    %dma_start3A_55 = tpu.memref_slice %arg6[%dma_start3A_53, %dma_start3A_54] : memref<80x128xi32, #tpu.memory_space<vmem>> -> memref<1x128xi32, #tpu.memory_space<vmem>>
    %dma_start3A_56 = tpu.memref_squeeze %dma_start3A_55 : memref<1x128xi32, #tpu.memory_space<vmem>> -> memref<128xi32, #tpu.memory_space<vmem>>
    %dma_start3A_57 = arith.constant 0 : i32
    %dma_start3A_58 = arith.constant 0 : i32
    %dma_start3A_59 = tpu.memref_slice %arg18[%dma_start3A_57, %dma_start3A_58] : memref<10240x16xf32, #tpu.memory_space<vmem_shared>> -> memref<10240x16xf32, #tpu.memory_space<vmem_shared>>
    tpu.enqueue_indirect_dma source(%dma_start3A_59 : memref<10240x16xf32, #tpu.memory_space<vmem_shared>>) target(%arg11 : memref<128x16xf32, #tpu.memory_space<vmem>>) offsets(%dma_start3A_56 : memref<128xi32, #tpu.memory_space<vmem>>) semaphore(%arg20 : memref<!tpu.dma_semaphore, #tpu.memory_space<semaphore_mem>>)
    %scan3A_60 = arith.constant 0 : i32
    %scan3A_61 = arith.constant 0 : i32
    %scan3A_62 = arith.constant 10 : i32
    %scan3A_63 = arith.addi %scan3A_61, %scan3A_62 : i32
    %scan3A_64 = arith.constant 1 : i32
    scf.for %scan3A_77 = %scan3A_61 to %scan3A_63 step %scan3A_64  : i32 {
      %mul3A_78 = arith.constant 8 : i32
      %mul3A_79 = arith.muli %mul3A_78, %scan3A_77 : i32
      %add3A_80 = arith.constant 0 : i32
      %add3A_81 = arith.addi %mul3A_79, %add3A_80 : i32
      %dma_wait3A_82 = arith.constant 0 : i32
      %dma_wait3A_83 = tpu.memref_slice %arg6[%add3A_81, %dma_wait3A_82] : memref<80x128xi32, #tpu.memory_space<vmem>> -> memref<1x128xi32, #tpu.memory_space<vmem>>
      %dma_wait3A_84 = tpu.memref_squeeze %dma_wait3A_83 : memref<1x128xi32, #tpu.memory_space<vmem>> -> memref<128xi32, #tpu.memory_space<vmem>>
      %dma_wait3A_85 = arith.constant 0 : i32
      %dma_wait3A_86 = arith.constant 0 : i32
      %dma_wait3A_87 = tpu.memref_slice %arg18[%dma_wait3A_85, %dma_wait3A_86] : memref<10240x16xf32, #tpu.memory_space<vmem_shared>> -> memref<10240x16xf32, #tpu.memory_space<vmem_shared>>
      tpu.wait_indirect_dma semaphore(%arg20 : memref<!tpu.dma_semaphore, #tpu.memory_space<semaphore_mem>>) src(%dma_wait3A_87 : memref<10240x16xf32, #tpu.memory_space<vmem_shared>>) dst(%arg8 : memref<128x16xf32, #tpu.memory_space<vmem>>)
      %add3A_88 = arith.constant 0 : i32
      %add3A_89 = arith.addi %mul3A_79, %add3A_88 : i32
      %dma_start3A_90 = arith.constant 0 : i32
      %dma_start3A_91 = tpu.memref_slice %arg7[%add3A_89, %dma_start3A_90] : memref<80x128xi32, #tpu.memory_space<vmem>> -> memref<1x128xi32, #tpu.memory_space<vmem>>
      %dma_start3A_92 = tpu.memref_squeeze %dma_start3A_91 : memref<1x128xi32, #tpu.memory_space<vmem>> -> memref<128xi32, #tpu.memory_space<vmem>>
      %dma_start3A_93 = arith.constant 0 : i32
      %dma_start3A_94 = arith.constant 0 : i32
      %dma_start3A_95 = tpu.memref_slice %arg19[%dma_start3A_93, %dma_start3A_94] : memref<10240x16xf32, #tpu.memory_space<vmem_shared>> -> memref<10240x16xf32, #tpu.memory_space<vmem_shared>>
      tpu.enqueue_indirect_dma source(%arg8 : memref<128x16xf32, #tpu.memory_space<vmem>>) target(%dma_start3A_95 : memref<10240x16xf32, #tpu.memory_space<vmem_shared>>) offsets(%dma_start3A_92 : memref<128xi32, #tpu.memory_space<vmem>>) semaphore(%arg21 : memref<!tpu.dma_semaphore, #tpu.memory_space<semaphore_mem>>) {add = true}
      %add3A_96 = arith.constant 1 : i32
      %add3A_97 = arith.addi %mul3A_79, %add3A_96 : i32
      %dma_wait3A_98 = arith.constant 0 : i32
      %dma_wait3A_99 = tpu.memref_slice %arg6[%add3A_97, %dma_wait3A_98] : memref<80x128xi32, #tpu.memory_space<vmem>> -> memref<1x128xi32, #tpu.memory_space<vmem>>
      %dma_wait3A_100 = tpu.memref_squeeze %dma_wait3A_99 : memref<1x128xi32, #tpu.memory_space<vmem>> -> memref<128xi32, #tpu.memory_space<vmem>>
      %dma_wait3A_101 = arith.constant 0 : i32
      %dma_wait3A_102 = arith.constant 0 : i32
      %dma_wait3A_103 = tpu.memref_slice %arg18[%dma_wait3A_101, %dma_wait3A_102] : memref<10240x16xf32, #tpu.memory_space<vmem_shared>> -> memref<10240x16xf32, #tpu.memory_space<vmem_shared>>
      tpu.wait_indirect_dma semaphore(%arg20 : memref<!tpu.dma_semaphore, #tpu.memory_space<semaphore_mem>>) src(%dma_wait3A_103 : memref<10240x16xf32, #tpu.memory_space<vmem_shared>>) dst(%arg9 : memref<128x16xf32, #tpu.memory_space<vmem>>)
      %add3A_104 = arith.constant 1 : i32
      %add3A_105 = arith.addi %mul3A_79, %add3A_104 : i32
      %dma_start3A_106 = arith.constant 0 : i32
      %dma_start3A_107 = tpu.memref_slice %arg7[%add3A_105, %dma_start3A_106] : memref<80x128xi32, #tpu.memory_space<vmem>> -> memref<1x128xi32, #tpu.memory_space<vmem>>
      %dma_start3A_108 = tpu.memref_squeeze %dma_start3A_107 : memref<1x128xi32, #tpu.memory_space<vmem>> -> memref<128xi32, #tpu.memory_space<vmem>>
      %dma_start3A_109 = arith.constant 0 : i32
      %dma_start3A_110 = arith.constant 0 : i32
      %dma_start3A_111 = tpu.memref_slice %arg19[%dma_start3A_109, %dma_start3A_110] : memref<10240x16xf32, #tpu.memory_space<vmem_shared>> -> memref<10240x16xf32, #tpu.memory_space<vmem_shared>>
      tpu.enqueue_indirect_dma source(%arg9 : memref<128x16xf32, #tpu.memory_space<vmem>>) target(%dma_start3A_111 : memref<10240x16xf32, #tpu.memory_space<vmem_shared>>) offsets(%dma_start3A_108 : memref<128xi32, #tpu.memory_space<vmem>>) semaphore(%arg21 : memref<!tpu.dma_semaphore, #tpu.memory_space<semaphore_mem>>) {add = true}
      %add3A_112 = arith.constant 2 : i32
      %add3A_113 = arith.addi %mul3A_79, %add3A_112 : i32
      %dma_wait3A_114 = arith.constant 0 : i32
      %dma_wait3A_115 = tpu.memref_slice %arg6[%add3A_113, %dma_wait3A_114] : memref<80x128xi32, #tpu.memory_space<vmem>> -> memref<1x128xi32, #tpu.memory_space<vmem>>
      %dma_wait3A_116 = tpu.memref_squeeze %dma_wait3A_115 : memref<1x128xi32, #tpu.memory_space<vmem>> -> memref<128xi32, #tpu.memory_space<vmem>>
      %dma_wait3A_117 = arith.constant 0 : i32
      %dma_wait3A_118 = arith.constant 0 : i32
      %dma_wait3A_119 = tpu.memref_slice %arg18[%dma_wait3A_117, %dma_wait3A_118] : memref<10240x16xf32, #tpu.memory_space<vmem_shared>> -> memref<10240x16xf32, #tpu.memory_space<vmem_shared>>
      tpu.wait_indirect_dma semaphore(%arg20 : memref<!tpu.dma_semaphore, #tpu.memory_space<semaphore_mem>>) src(%dma_wait3A_119 : memref<10240x16xf32, #tpu.memory_space<vmem_shared>>) dst(%arg10 : memref<128x16xf32, #tpu.memory_space<vmem>>)
      %add3A_120 = arith.constant 2 : i32
      %add3A_121 = arith.addi %mul3A_79, %add3A_120 : i32
      %dma_start3A_122 = arith.constant 0 : i32
      %dma_start3A_123 = tpu.memref_slice %arg7[%add3A_121, %dma_start3A_122] : memref<80x128xi32, #tpu.memory_space<vmem>> -> memref<1x128xi32, #tpu.memory_space<vmem>>
      %dma_start3A_124 = tpu.memref_squeeze %dma_start3A_123 : memref<1x128xi32, #tpu.memory_space<vmem>> -> memref<128xi32, #tpu.memory_space<vmem>>
      %dma_start3A_125 = arith.constant 0 : i32
      %dma_start3A_126 = arith.constant 0 : i32
      %dma_start3A_127 = tpu.memref_slice %arg19[%dma_start3A_125, %dma_start3A_126] : memref<10240x16xf32, #tpu.memory_space<vmem_shared>> -> memref<10240x16xf32, #tpu.memory_space<vmem_shared>>
      tpu.enqueue_indirect_dma source(%arg10 : memref<128x16xf32, #tpu.memory_space<vmem>>) target(%dma_start3A_127 : memref<10240x16xf32, #tpu.memory_space<vmem_shared>>) offsets(%dma_start3A_124 : memref<128xi32, #tpu.memory_space<vmem>>) semaphore(%arg21 : memref<!tpu.dma_semaphore, #tpu.memory_space<semaphore_mem>>) {add = true}
      %add3A_128 = arith.constant 3 : i32
      %add3A_129 = arith.addi %mul3A_79, %add3A_128 : i32
      %dma_wait3A_130 = arith.constant 0 : i32
      %dma_wait3A_131 = tpu.memref_slice %arg6[%add3A_129, %dma_wait3A_130] : memref<80x128xi32, #tpu.memory_space<vmem>> -> memref<1x128xi32, #tpu.memory_space<vmem>>
      %dma_wait3A_132 = tpu.memref_squeeze %dma_wait3A_131 : memref<1x128xi32, #tpu.memory_space<vmem>> -> memref<128xi32, #tpu.memory_space<vmem>>
      %dma_wait3A_133 = arith.constant 0 : i32
      %dma_wait3A_134 = arith.constant 0 : i32
      %dma_wait3A_135 = tpu.memref_slice %arg18[%dma_wait3A_133, %dma_wait3A_134] : memref<10240x16xf32, #tpu.memory_space<vmem_shared>> -> memref<10240x16xf32, #tpu.memory_space<vmem_shared>>
      tpu.wait_indirect_dma semaphore(%arg20 : memref<!tpu.dma_semaphore, #tpu.memory_space<semaphore_mem>>) src(%dma_wait3A_135 : memref<10240x16xf32, #tpu.memory_space<vmem_shared>>) dst(%arg11 : memref<128x16xf32, #tpu.memory_space<vmem>>)
      %add3A_136 = arith.constant 3 : i32
      %add3A_137 = arith.addi %mul3A_79, %add3A_136 : i32
      %dma_start3A_138 = arith.constant 0 : i32
      %dma_start3A_139 = tpu.memref_slice %arg7[%add3A_137, %dma_start3A_138] : memref<80x128xi32, #tpu.memory_space<vmem>> -> memref<1x128xi32, #tpu.memory_space<vmem>>
      %dma_start3A_140 = tpu.memref_squeeze %dma_start3A_139 : memref<1x128xi32, #tpu.memory_space<vmem>> -> memref<128xi32, #tpu.memory_space<vmem>>
      %dma_start3A_141 = arith.constant 0 : i32
      %dma_start3A_142 = arith.constant 0 : i32
      %dma_start3A_143 = tpu.memref_slice %arg19[%dma_start3A_141, %dma_start3A_142] : memref<10240x16xf32, #tpu.memory_space<vmem_shared>> -> memref<10240x16xf32, #tpu.memory_space<vmem_shared>>
      tpu.enqueue_indirect_dma source(%arg11 : memref<128x16xf32, #tpu.memory_space<vmem>>) target(%dma_start3A_143 : memref<10240x16xf32, #tpu.memory_space<vmem_shared>>) offsets(%dma_start3A_140 : memref<128xi32, #tpu.memory_space<vmem>>) semaphore(%arg21 : memref<!tpu.dma_semaphore, #tpu.memory_space<semaphore_mem>>) {add = true}
      %add3A_144 = arith.constant 4 : i32
      %add3A_145 = arith.addi %mul3A_79, %add3A_144 : i32
      %add3A_146 = arith.constant 0 : i32
      %add3A_147 = arith.addi %add3A_145, %add3A_146 : i32
      %dma_start3A_148 = arith.constant 0 : i32
      %dma_start3A_149 = tpu.memref_slice %arg6[%add3A_147, %dma_start3A_148] : memref<80x128xi32, #tpu.memory_space<vmem>> -> memref<1x128xi32, #tpu.memory_space<vmem>>
      %dma_start3A_150 = tpu.memref_squeeze %dma_start3A_149 : memref<1x128xi32, #tpu.memory_space<vmem>> -> memref<128xi32, #tpu.memory_space<vmem>>
      %dma_start3A_151 = arith.constant 0 : i32
      %dma_start3A_152 = arith.constant 0 : i32
      %dma_start3A_153 = tpu.memref_slice %arg18[%dma_start3A_151, %dma_start3A_152] : memref<10240x16xf32, #tpu.memory_space<vmem_shared>> -> memref<10240x16xf32, #tpu.memory_space<vmem_shared>>
      tpu.enqueue_indirect_dma source(%dma_start3A_153 : memref<10240x16xf32, #tpu.memory_space<vmem_shared>>) target(%arg12 : memref<128x16xf32, #tpu.memory_space<vmem>>) offsets(%dma_start3A_150 : memref<128xi32, #tpu.memory_space<vmem>>) semaphore(%arg20 : memref<!tpu.dma_semaphore, #tpu.memory_space<semaphore_mem>>)
      %add3A_154 = arith.constant 4 : i32
      %add3A_155 = arith.addi %mul3A_79, %add3A_154 : i32
      %add3A_156 = arith.constant 1 : i32
      %add3A_157 = arith.addi %add3A_155, %add3A_156 : i32
      %dma_start3A_158 = arith.constant 0 : i32
      %dma_start3A_159 = tpu.memref_slice %arg6[%add3A_157, %dma_start3A_158] : memref<80x128xi32, #tpu.memory_space<vmem>> -> memref<1x128xi32, #tpu.memory_space<vmem>>
      %dma_start3A_160 = tpu.memref_squeeze %dma_start3A_159 : memref<1x128xi32, #tpu.memory_space<vmem>> -> memref<128xi32, #tpu.memory_space<vmem>>
      %dma_start3A_161 = arith.constant 0 : i32
      %dma_start3A_162 = arith.constant 0 : i32
      %dma_start3A_163 = tpu.memref_slice %arg18[%dma_start3A_161, %dma_start3A_162] : memref<10240x16xf32, #tpu.memory_space<vmem_shared>> -> memref<10240x16xf32, #tpu.memory_space<vmem_shared>>
      tpu.enqueue_indirect_dma source(%dma_start3A_163 : memref<10240x16xf32, #tpu.memory_space<vmem_shared>>) target(%arg13 : memref<128x16xf32, #tpu.memory_space<vmem>>) offsets(%dma_start3A_160 : memref<128xi32, #tpu.memory_space<vmem>>) semaphore(%arg20 : memref<!tpu.dma_semaphore, #tpu.memory_space<semaphore_mem>>)
      %add3A_164 = arith.constant 4 : i32
      %add3A_165 = arith.addi %mul3A_79, %add3A_164 : i32
      %add3A_166 = arith.constant 2 : i32
      %add3A_167 = arith.addi %add3A_165, %add3A_166 : i32
      %dma_start3A_168 = arith.constant 0 : i32
      %dma_start3A_169 = tpu.memref_slice %arg6[%add3A_167, %dma_start3A_168] : memref<80x128xi32, #tpu.memory_space<vmem>> -> memref<1x128xi32, #tpu.memory_space<vmem>>
      %dma_start3A_170 = tpu.memref_squeeze %dma_start3A_169 : memref<1x128xi32, #tpu.memory_space<vmem>> -> memref<128xi32, #tpu.memory_space<vmem>>
      %dma_start3A_171 = arith.constant 0 : i32
      %dma_start3A_172 = arith.constant 0 : i32
      %dma_start3A_173 = tpu.memref_slice %arg18[%dma_start3A_171, %dma_start3A_172] : memref<10240x16xf32, #tpu.memory_space<vmem_shared>> -> memref<10240x16xf32, #tpu.memory_space<vmem_shared>>
      tpu.enqueue_indirect_dma source(%dma_start3A_173 : memref<10240x16xf32, #tpu.memory_space<vmem_shared>>) target(%arg14 : memref<128x16xf32, #tpu.memory_space<vmem>>) offsets(%dma_start3A_170 : memref<128xi32, #tpu.memory_space<vmem>>) semaphore(%arg20 : memref<!tpu.dma_semaphore, #tpu.memory_space<semaphore_mem>>)
      %add3A_174 = arith.constant 4 : i32
      %add3A_175 = arith.addi %mul3A_79, %add3A_174 : i32
      %add3A_176 = arith.constant 3 : i32
      %add3A_177 = arith.addi %add3A_175, %add3A_176 : i32
      %dma_start3A_178 = arith.constant 0 : i32
      %dma_start3A_179 = tpu.memref_slice %arg6[%add3A_177, %dma_start3A_178] : memref<80x128xi32, #tpu.memory_space<vmem>> -> memref<1x128xi32, #tpu.memory_space<vmem>>
      %dma_start3A_180 = tpu.memref_squeeze %dma_start3A_179 : memref<1x128xi32, #tpu.memory_space<vmem>> -> memref<128xi32, #tpu.memory_space<vmem>>
      %dma_start3A_181 = arith.constant 0 : i32
      %dma_start3A_182 = arith.constant 0 : i32
      %dma_start3A_183 = tpu.memref_slice %arg18[%dma_start3A_181, %dma_start3A_182] : memref<10240x16xf32, #tpu.memory_space<vmem_shared>> -> memref<10240x16xf32, #tpu.memory_space<vmem_shared>>
      tpu.enqueue_indirect_dma source(%dma_start3A_183 : memref<10240x16xf32, #tpu.memory_space<vmem_shared>>) target(%arg15 : memref<128x16xf32, #tpu.memory_space<vmem>>) offsets(%dma_start3A_180 : memref<128xi32, #tpu.memory_space<vmem>>) semaphore(%arg20 : memref<!tpu.dma_semaphore, #tpu.memory_space<semaphore_mem>>)
      %add3A_184 = arith.constant 4 : i32
      %add3A_185 = arith.addi %mul3A_79, %add3A_184 : i32
      %add3A_186 = arith.constant 0 : i32
      %add3A_187 = arith.addi %add3A_185, %add3A_186 : i32
      %dma_wait3A_188 = arith.constant 0 : i32
      %dma_wait3A_189 = tpu.memref_slice %arg6[%add3A_187, %dma_wait3A_188] : memref<80x128xi32, #tpu.memory_space<vmem>> -> memref<1x128xi32, #tpu.memory_space<vmem>>
      %dma_wait3A_190 = tpu.memref_squeeze %dma_wait3A_189 : memref<1x128xi32, #tpu.memory_space<vmem>> -> memref<128xi32, #tpu.memory_space<vmem>>
      %dma_wait3A_191 = arith.constant 0 : i32
      %dma_wait3A_192 = arith.constant 0 : i32
      %dma_wait3A_193 = tpu.memref_slice %arg18[%dma_wait3A_191, %dma_wait3A_192] : memref<10240x16xf32, #tpu.memory_space<vmem_shared>> -> memref<10240x16xf32, #tpu.memory_space<vmem_shared>>
      tpu.wait_indirect_dma semaphore(%arg20 : memref<!tpu.dma_semaphore, #tpu.memory_space<semaphore_mem>>) src(%dma_wait3A_193 : memref<10240x16xf32, #tpu.memory_space<vmem_shared>>) dst(%arg12 : memref<128x16xf32, #tpu.memory_space<vmem>>)
      %add3A_194 = arith.constant 4 : i32
      %add3A_195 = arith.addi %mul3A_79, %add3A_194 : i32
      %add3A_196 = arith.constant 0 : i32
      %add3A_197 = arith.addi %add3A_195, %add3A_196 : i32
      %dma_start3A_198 = arith.constant 0 : i32
      %dma_start3A_199 = tpu.memref_slice %arg7[%add3A_197, %dma_start3A_198] : memref<80x128xi32, #tpu.memory_space<vmem>> -> memref<1x128xi32, #tpu.memory_space<vmem>>
      %dma_start3A_200 = tpu.memref_squeeze %dma_start3A_199 : memref<1x128xi32, #tpu.memory_space<vmem>> -> memref<128xi32, #tpu.memory_space<vmem>>
      %dma_start3A_201 = arith.constant 0 : i32
      %dma_start3A_202 = arith.constant 0 : i32
      %dma_start3A_203 = tpu.memref_slice %arg19[%dma_start3A_201, %dma_start3A_202] : memref<10240x16xf32, #tpu.memory_space<vmem_shared>> -> memref<10240x16xf32, #tpu.memory_space<vmem_shared>>
      tpu.enqueue_indirect_dma source(%arg12 : memref<128x16xf32, #tpu.memory_space<vmem>>) target(%dma_start3A_203 : memref<10240x16xf32, #tpu.memory_space<vmem_shared>>) offsets(%dma_start3A_200 : memref<128xi32, #tpu.memory_space<vmem>>) semaphore(%arg21 : memref<!tpu.dma_semaphore, #tpu.memory_space<semaphore_mem>>) {add = true}
      %add3A_204 = arith.constant 4 : i32
      %add3A_205 = arith.addi %mul3A_79, %add3A_204 : i32
      %add3A_206 = arith.constant 1 : i32
      %add3A_207 = arith.addi %add3A_205, %add3A_206 : i32
      %dma_wait3A_208 = arith.constant 0 : i32
      %dma_wait3A_209 = tpu.memref_slice %arg6[%add3A_207, %dma_wait3A_208] : memref<80x128xi32, #tpu.memory_space<vmem>> -> memref<1x128xi32, #tpu.memory_space<vmem>>
      %dma_wait3A_210 = tpu.memref_squeeze %dma_wait3A_209 : memref<1x128xi32, #tpu.memory_space<vmem>> -> memref<128xi32, #tpu.memory_space<vmem>>
      %dma_wait3A_211 = arith.constant 0 : i32
      %dma_wait3A_212 = arith.constant 0 : i32
      %dma_wait3A_213 = tpu.memref_slice %arg18[%dma_wait3A_211, %dma_wait3A_212] : memref<10240x16xf32, #tpu.memory_space<vmem_shared>> -> memref<10240x16xf32, #tpu.memory_space<vmem_shared>>
      tpu.wait_indirect_dma semaphore(%arg20 : memref<!tpu.dma_semaphore, #tpu.memory_space<semaphore_mem>>) src(%dma_wait3A_213 : memref<10240x16xf32, #tpu.memory_space<vmem_shared>>) dst(%arg13 : memref<128x16xf32, #tpu.memory_space<vmem>>)
      %add3A_214 = arith.constant 4 : i32
      %add3A_215 = arith.addi %mul3A_79, %add3A_214 : i32
      %add3A_216 = arith.constant 1 : i32
      %add3A_217 = arith.addi %add3A_215, %add3A_216 : i32
      %dma_start3A_218 = arith.constant 0 : i32
      %dma_start3A_219 = tpu.memref_slice %arg7[%add3A_217, %dma_start3A_218] : memref<80x128xi32, #tpu.memory_space<vmem>> -> memref<1x128xi32, #tpu.memory_space<vmem>>
      %dma_start3A_220 = tpu.memref_squeeze %dma_start3A_219 : memref<1x128xi32, #tpu.memory_space<vmem>> -> memref<128xi32, #tpu.memory_space<vmem>>
      %dma_start3A_221 = arith.constant 0 : i32
      %dma_start3A_222 = arith.constant 0 : i32
      %dma_start3A_223 = tpu.memref_slice %arg19[%dma_start3A_221, %dma_start3A_222] : memref<10240x16xf32, #tpu.memory_space<vmem_shared>> -> memref<10240x16xf32, #tpu.memory_space<vmem_shared>>
      tpu.enqueue_indirect_dma source(%arg13 : memref<128x16xf32, #tpu.memory_space<vmem>>) target(%dma_start3A_223 : memref<10240x16xf32, #tpu.memory_space<vmem_shared>>) offsets(%dma_start3A_220 : memref<128xi32, #tpu.memory_space<vmem>>) semaphore(%arg21 : memref<!tpu.dma_semaphore, #tpu.memory_space<semaphore_mem>>) {add = true}
      %add3A_224 = arith.constant 4 : i32
      %add3A_225 = arith.addi %mul3A_79, %add3A_224 : i32
      %add3A_226 = arith.constant 2 : i32
      %add3A_227 = arith.addi %add3A_225, %add3A_226 : i32
      %dma_wait3A_228 = arith.constant 0 : i32
      %dma_wait3A_229 = tpu.memref_slice %arg6[%add3A_227, %dma_wait3A_228] : memref<80x128xi32, #tpu.memory_space<vmem>> -> memref<1x128xi32, #tpu.memory_space<vmem>>
      %dma_wait3A_230 = tpu.memref_squeeze %dma_wait3A_229 : memref<1x128xi32, #tpu.memory_space<vmem>> -> memref<128xi32, #tpu.memory_space<vmem>>
      %dma_wait3A_231 = arith.constant 0 : i32
      %dma_wait3A_232 = arith.constant 0 : i32
      %dma_wait3A_233 = tpu.memref_slice %arg18[%dma_wait3A_231, %dma_wait3A_232] : memref<10240x16xf32, #tpu.memory_space<vmem_shared>> -> memref<10240x16xf32, #tpu.memory_space<vmem_shared>>
      tpu.wait_indirect_dma semaphore(%arg20 : memref<!tpu.dma_semaphore, #tpu.memory_space<semaphore_mem>>) src(%dma_wait3A_233 : memref<10240x16xf32, #tpu.memory_space<vmem_shared>>) dst(%arg14 : memref<128x16xf32, #tpu.memory_space<vmem>>)
      %add3A_234 = arith.constant 4 : i32
      %add3A_235 = arith.addi %mul3A_79, %add3A_234 : i32
      %add3A_236 = arith.constant 2 : i32
      %add3A_237 = arith.addi %add3A_235, %add3A_236 : i32
      %dma_start3A_238 = arith.constant 0 : i32
      %dma_start3A_239 = tpu.memref_slice %arg7[%add3A_237, %dma_start3A_238] : memref<80x128xi32, #tpu.memory_space<vmem>> -> memref<1x128xi32, #tpu.memory_space<vmem>>
      %dma_start3A_240 = tpu.memref_squeeze %dma_start3A_239 : memref<1x128xi32, #tpu.memory_space<vmem>> -> memref<128xi32, #tpu.memory_space<vmem>>
      %dma_start3A_241 = arith.constant 0 : i32
      %dma_start3A_242 = arith.constant 0 : i32
      %dma_start3A_243 = tpu.memref_slice %arg19[%dma_start3A_241, %dma_start3A_242] : memref<10240x16xf32, #tpu.memory_space<vmem_shared>> -> memref<10240x16xf32, #tpu.memory_space<vmem_shared>>
      tpu.enqueue_indirect_dma source(%arg14 : memref<128x16xf32, #tpu.memory_space<vmem>>) target(%dma_start3A_243 : memref<10240x16xf32, #tpu.memory_space<vmem_shared>>) offsets(%dma_start3A_240 : memref<128xi32, #tpu.memory_space<vmem>>) semaphore(%arg21 : memref<!tpu.dma_semaphore, #tpu.memory_space<semaphore_mem>>) {add = true}
      %add3A_244 = arith.constant 4 : i32
      %add3A_245 = arith.addi %mul3A_79, %add3A_244 : i32
      %add3A_246 = arith.constant 3 : i32
      %add3A_247 = arith.addi %add3A_245, %add3A_246 : i32
      %dma_wait3A_248 = arith.constant 0 : i32
      %dma_wait3A_249 = tpu.memref_slice %arg6[%add3A_247, %dma_wait3A_248] : memref<80x128xi32, #tpu.memory_space<vmem>> -> memref<1x128xi32, #tpu.memory_space<vmem>>
      %dma_wait3A_250 = tpu.memref_squeeze %dma_wait3A_249 : memref<1x128xi32, #tpu.memory_space<vmem>> -> memref<128xi32, #tpu.memory_space<vmem>>
      %dma_wait3A_251 = arith.constant 0 : i32
      %dma_wait3A_252 = arith.constant 0 : i32
      %dma_wait3A_253 = tpu.memref_slice %arg18[%dma_wait3A_251, %dma_wait3A_252] : memref<10240x16xf32, #tpu.memory_space<vmem_shared>> -> memref<10240x16xf32, #tpu.memory_space<vmem_shared>>
      tpu.wait_indirect_dma semaphore(%arg20 : memref<!tpu.dma_semaphore, #tpu.memory_space<semaphore_mem>>) src(%dma_wait3A_253 : memref<10240x16xf32, #tpu.memory_space<vmem_shared>>) dst(%arg15 : memref<128x16xf32, #tpu.memory_space<vmem>>)
      %add3A_254 = arith.constant 4 : i32
      %add3A_255 = arith.addi %mul3A_79, %add3A_254 : i32
      %add3A_256 = arith.constant 3 : i32
      %add3A_257 = arith.addi %add3A_255, %add3A_256 : i32
      %dma_start3A_258 = arith.constant 0 : i32
      %dma_start3A_259 = tpu.memref_slice %arg7[%add3A_257, %dma_start3A_258] : memref<80x128xi32, #tpu.memory_space<vmem>> -> memref<1x128xi32, #tpu.memory_space<vmem>>
      %dma_start3A_260 = tpu.memref_squeeze %dma_start3A_259 : memref<1x128xi32, #tpu.memory_space<vmem>> -> memref<128xi32, #tpu.memory_space<vmem>>
      %dma_start3A_261 = arith.constant 0 : i32
      %dma_start3A_262 = arith.constant 0 : i32
      %dma_start3A_263 = tpu.memref_slice %arg19[%dma_start3A_261, %dma_start3A_262] : memref<10240x16xf32, #tpu.memory_space<vmem_shared>> -> memref<10240x16xf32, #tpu.memory_space<vmem_shared>>
      tpu.enqueue_indirect_dma source(%arg15 : memref<128x16xf32, #tpu.memory_space<vmem>>) target(%dma_start3A_263 : memref<10240x16xf32, #tpu.memory_space<vmem_shared>>) offsets(%dma_start3A_260 : memref<128xi32, #tpu.memory_space<vmem>>) semaphore(%arg21 : memref<!tpu.dma_semaphore, #tpu.memory_space<semaphore_mem>>) {add = true}
      %add3A_264 = arith.constant 0 : i32
      %add3A_265 = arith.addi %mul3A_79, %add3A_264 : i32
      %dma_wait3A_266 = arith.constant 0 : i32
      %dma_wait3A_267 = tpu.memref_slice %arg7[%add3A_265, %dma_wait3A_266] : memref<80x128xi32, #tpu.memory_space<vmem>> -> memref<1x128xi32, #tpu.memory_space<vmem>>
      %dma_wait3A_268 = tpu.memref_squeeze %dma_wait3A_267 : memref<1x128xi32, #tpu.memory_space<vmem>> -> memref<128xi32, #tpu.memory_space<vmem>>
      %dma_wait3A_269 = arith.constant 0 : i32
      %dma_wait3A_270 = arith.constant 0 : i32
      %dma_wait3A_271 = tpu.memref_slice %arg19[%dma_wait3A_269, %dma_wait3A_270] : memref<10240x16xf32, #tpu.memory_space<vmem_shared>> -> memref<10240x16xf32, #tpu.memory_space<vmem_shared>>
      tpu.wait_indirect_dma semaphore(%arg21 : memref<!tpu.dma_semaphore, #tpu.memory_space<semaphore_mem>>) src(%arg8 : memref<128x16xf32, #tpu.memory_space<vmem>>) dst(%dma_wait3A_271 : memref<10240x16xf32, #tpu.memory_space<vmem_shared>>)
      %add3A_272 = arith.constant 1 : i32
      %add3A_273 = arith.addi %mul3A_79, %add3A_272 : i32
      %dma_wait3A_274 = arith.constant 0 : i32
      %dma_wait3A_275 = tpu.memref_slice %arg7[%add3A_273, %dma_wait3A_274] : memref<80x128xi32, #tpu.memory_space<vmem>> -> memref<1x128xi32, #tpu.memory_space<vmem>>
      %dma_wait3A_276 = tpu.memref_squeeze %dma_wait3A_275 : memref<1x128xi32, #tpu.memory_space<vmem>> -> memref<128xi32, #tpu.memory_space<vmem>>
      %dma_wait3A_277 = arith.constant 0 : i32
      %dma_wait3A_278 = arith.constant 0 : i32
      %dma_wait3A_279 = tpu.memref_slice %arg19[%dma_wait3A_277, %dma_wait3A_278] : memref<10240x16xf32, #tpu.memory_space<vmem_shared>> -> memref<10240x16xf32, #tpu.memory_space<vmem_shared>>
      tpu.wait_indirect_dma semaphore(%arg21 : memref<!tpu.dma_semaphore, #tpu.memory_space<semaphore_mem>>) src(%arg9 : memref<128x16xf32, #tpu.memory_space<vmem>>) dst(%dma_wait3A_279 : memref<10240x16xf32, #tpu.memory_space<vmem_shared>>)
      %add3A_280 = arith.constant 2 : i32
      %add3A_281 = arith.addi %mul3A_79, %add3A_280 : i32
      %dma_wait3A_282 = arith.constant 0 : i32
      %dma_wait3A_283 = tpu.memref_slice %arg7[%add3A_281, %dma_wait3A_282] : memref<80x128xi32, #tpu.memory_space<vmem>> -> memref<1x128xi32, #tpu.memory_space<vmem>>
      %dma_wait3A_284 = tpu.memref_squeeze %dma_wait3A_283 : memref<1x128xi32, #tpu.memory_space<vmem>> -> memref<128xi32, #tpu.memory_space<vmem>>
      %dma_wait3A_285 = arith.constant 0 : i32
      %dma_wait3A_286 = arith.constant 0 : i32
      %dma_wait3A_287 = tpu.memref_slice %arg19[%dma_wait3A_285, %dma_wait3A_286] : memref<10240x16xf32, #tpu.memory_space<vmem_shared>> -> memref<10240x16xf32, #tpu.memory_space<vmem_shared>>
      tpu.wait_indirect_dma semaphore(%arg21 : memref<!tpu.dma_semaphore, #tpu.memory_space<semaphore_mem>>) src(%arg10 : memref<128x16xf32, #tpu.memory_space<vmem>>) dst(%dma_wait3A_287 : memref<10240x16xf32, #tpu.memory_space<vmem_shared>>)
      %add3A_288 = arith.constant 3 : i32
      %add3A_289 = arith.addi %mul3A_79, %add3A_288 : i32
      %dma_wait3A_290 = arith.constant 0 : i32
      %dma_wait3A_291 = tpu.memref_slice %arg7[%add3A_289, %dma_wait3A_290] : memref<80x128xi32, #tpu.memory_space<vmem>> -> memref<1x128xi32, #tpu.memory_space<vmem>>
      %dma_wait3A_292 = tpu.memref_squeeze %dma_wait3A_291 : memref<1x128xi32, #tpu.memory_space<vmem>> -> memref<128xi32, #tpu.memory_space<vmem>>
      %dma_wait3A_293 = arith.constant 0 : i32
      %dma_wait3A_294 = arith.constant 0 : i32
      %dma_wait3A_295 = tpu.memref_slice %arg19[%dma_wait3A_293, %dma_wait3A_294] : memref<10240x16xf32, #tpu.memory_space<vmem_shared>> -> memref<10240x16xf32, #tpu.memory_space<vmem_shared>>
      tpu.wait_indirect_dma semaphore(%arg21 : memref<!tpu.dma_semaphore, #tpu.memory_space<semaphore_mem>>) src(%arg11 : memref<128x16xf32, #tpu.memory_space<vmem>>) dst(%dma_wait3A_295 : memref<10240x16xf32, #tpu.memory_space<vmem_shared>>)
      %lt3A = arith.constant 9 : i32
      %lt3A_296 = arith.cmpi slt, %scan3A_77, %lt3A : i32
      %convert_element_type3A = arith.extui %lt3A_296 : i1 to i32
      %cond3A = arith.constant 0 : i32
      %cond3A_297 = arith.cmpi ne, %convert_element_type3A, %cond3A : i32
      scf.if %cond3A_297 {
        %add3A_338 = arith.constant 8 : i32
        %add3A_339 = arith.addi %mul3A_79, %add3A_338 : i32
        %add3A_340 = arith.constant 0 : i32
        %add3A_341 = arith.addi %add3A_339, %add3A_340 : i32
        %dma_start3A_342 = arith.constant 0 : i32
        %dma_start3A_343 = tpu.memref_slice %arg6[%add3A_341, %dma_start3A_342] : memref<80x128xi32, #tpu.memory_space<vmem>> -> memref<1x128xi32, #tpu.memory_space<vmem>>
        %dma_start3A_344 = tpu.memref_squeeze %dma_start3A_343 : memref<1x128xi32, #tpu.memory_space<vmem>> -> memref<128xi32, #tpu.memory_space<vmem>>
        %dma_start3A_345 = arith.constant 0 : i32
        %dma_start3A_346 = arith.constant 0 : i32
        %dma_start3A_347 = tpu.memref_slice %arg18[%dma_start3A_345, %dma_start3A_346] : memref<10240x16xf32, #tpu.memory_space<vmem_shared>> -> memref<10240x16xf32, #tpu.memory_space<vmem_shared>>
        tpu.enqueue_indirect_dma source(%dma_start3A_347 : memref<10240x16xf32, #tpu.memory_space<vmem_shared>>) target(%arg8 : memref<128x16xf32, #tpu.memory_space<vmem>>) offsets(%dma_start3A_344 : memref<128xi32, #tpu.memory_space<vmem>>) semaphore(%arg20 : memref<!tpu.dma_semaphore, #tpu.memory_space<semaphore_mem>>)
        %add3A_348 = arith.constant 8 : i32
        %add3A_349 = arith.addi %mul3A_79, %add3A_348 : i32
        %add3A_350 = arith.constant 1 : i32
        %add3A_351 = arith.addi %add3A_349, %add3A_350 : i32
        %dma_start3A_352 = arith.constant 0 : i32
        %dma_start3A_353 = tpu.memref_slice %arg6[%add3A_351, %dma_start3A_352] : memref<80x128xi32, #tpu.memory_space<vmem>> -> memref<1x128xi32, #tpu.memory_space<vmem>>
        %dma_start3A_354 = tpu.memref_squeeze %dma_start3A_353 : memref<1x128xi32, #tpu.memory_space<vmem>> -> memref<128xi32, #tpu.memory_space<vmem>>
        %dma_start3A_355 = arith.constant 0 : i32
        %dma_start3A_356 = arith.constant 0 : i32
        %dma_start3A_357 = tpu.memref_slice %arg18[%dma_start3A_355, %dma_start3A_356] : memref<10240x16xf32, #tpu.memory_space<vmem_shared>> -> memref<10240x16xf32, #tpu.memory_space<vmem_shared>>
        tpu.enqueue_indirect_dma source(%dma_start3A_357 : memref<10240x16xf32, #tpu.memory_space<vmem_shared>>) target(%arg9 : memref<128x16xf32, #tpu.memory_space<vmem>>) offsets(%dma_start3A_354 : memref<128xi32, #tpu.memory_space<vmem>>) semaphore(%arg20 : memref<!tpu.dma_semaphore, #tpu.memory_space<semaphore_mem>>)
        %add3A_358 = arith.constant 8 : i32
        %add3A_359 = arith.addi %mul3A_79, %add3A_358 : i32
        %add3A_360 = arith.constant 2 : i32
        %add3A_361 = arith.addi %add3A_359, %add3A_360 : i32
        %dma_start3A_362 = arith.constant 0 : i32
        %dma_start3A_363 = tpu.memref_slice %arg6[%add3A_361, %dma_start3A_362] : memref<80x128xi32, #tpu.memory_space<vmem>> -> memref<1x128xi32, #tpu.memory_space<vmem>>
        %dma_start3A_364 = tpu.memref_squeeze %dma_start3A_363 : memref<1x128xi32, #tpu.memory_space<vmem>> -> memref<128xi32, #tpu.memory_space<vmem>>
        %dma_start3A_365 = arith.constant 0 : i32
        %dma_start3A_366 = arith.constant 0 : i32
        %dma_start3A_367 = tpu.memref_slice %arg18[%dma_start3A_365, %dma_start3A_366] : memref<10240x16xf32, #tpu.memory_space<vmem_shared>> -> memref<10240x16xf32, #tpu.memory_space<vmem_shared>>
        tpu.enqueue_indirect_dma source(%dma_start3A_367 : memref<10240x16xf32, #tpu.memory_space<vmem_shared>>) target(%arg10 : memref<128x16xf32, #tpu.memory_space<vmem>>) offsets(%dma_start3A_364 : memref<128xi32, #tpu.memory_space<vmem>>) semaphore(%arg20 : memref<!tpu.dma_semaphore, #tpu.memory_space<semaphore_mem>>)
        %add3A_368 = arith.constant 8 : i32
        %add3A_369 = arith.addi %mul3A_79, %add3A_368 : i32
        %add3A_370 = arith.constant 3 : i32
        %add3A_371 = arith.addi %add3A_369, %add3A_370 : i32
        %dma_start3A_372 = arith.constant 0 : i32
        %dma_start3A_373 = tpu.memref_slice %arg6[%add3A_371, %dma_start3A_372] : memref<80x128xi32, #tpu.memory_space<vmem>> -> memref<1x128xi32, #tpu.memory_space<vmem>>
        %dma_start3A_374 = tpu.memref_squeeze %dma_start3A_373 : memref<1x128xi32, #tpu.memory_space<vmem>> -> memref<128xi32, #tpu.memory_space<vmem>>
        %dma_start3A_375 = arith.constant 0 : i32
        %dma_start3A_376 = arith.constant 0 : i32
        %dma_start3A_377 = tpu.memref_slice %arg18[%dma_start3A_375, %dma_start3A_376] : memref<10240x16xf32, #tpu.memory_space<vmem_shared>> -> memref<10240x16xf32, #tpu.memory_space<vmem_shared>>
        tpu.enqueue_indirect_dma source(%dma_start3A_377 : memref<10240x16xf32, #tpu.memory_space<vmem_shared>>) target(%arg11 : memref<128x16xf32, #tpu.memory_space<vmem>>) offsets(%dma_start3A_374 : memref<128xi32, #tpu.memory_space<vmem>>) semaphore(%arg20 : memref<!tpu.dma_semaphore, #tpu.memory_space<semaphore_mem>>)
      } else {
      }
      %add3A_298 = arith.constant 4 : i32
      %add3A_299 = arith.addi %mul3A_79, %add3A_298 : i32
      %add3A_300 = arith.constant 0 : i32
      %add3A_301 = arith.addi %add3A_299, %add3A_300 : i32
      %dma_wait3A_302 = arith.constant 0 : i32
      %dma_wait3A_303 = tpu.memref_slice %arg7[%add3A_301, %dma_wait3A_302] : memref<80x128xi32, #tpu.memory_space<vmem>> -> memref<1x128xi32, #tpu.memory_space<vmem>>
      %dma_wait3A_304 = tpu.memref_squeeze %dma_wait3A_303 : memref<1x128xi32, #tpu.memory_space<vmem>> -> memref<128xi32, #tpu.memory_space<vmem>>
      %dma_wait3A_305 = arith.constant 0 : i32
      %dma_wait3A_306 = arith.constant 0 : i32
      %dma_wait3A_307 = tpu.memref_slice %arg19[%dma_wait3A_305, %dma_wait3A_306] : memref<10240x16xf32, #tpu.memory_space<vmem_shared>> -> memref<10240x16xf32, #tpu.memory_space<vmem_shared>>
      tpu.wait_indirect_dma semaphore(%arg21 : memref<!tpu.dma_semaphore, #tpu.memory_space<semaphore_mem>>) src(%arg12 : memref<128x16xf32, #tpu.memory_space<vmem>>) dst(%dma_wait3A_307 : memref<10240x16xf32, #tpu.memory_space<vmem_shared>>)
      %add3A_308 = arith.constant 4 : i32
      %add3A_309 = arith.addi %mul3A_79, %add3A_308 : i32
      %add3A_310 = arith.constant 1 : i32
      %add3A_311 = arith.addi %add3A_309, %add3A_310 : i32
      %dma_wait3A_312 = arith.constant 0 : i32
      %dma_wait3A_313 = tpu.memref_slice %arg7[%add3A_311, %dma_wait3A_312] : memref<80x128xi32, #tpu.memory_space<vmem>> -> memref<1x128xi32, #tpu.memory_space<vmem>>
      %dma_wait3A_314 = tpu.memref_squeeze %dma_wait3A_313 : memref<1x128xi32, #tpu.memory_space<vmem>> -> memref<128xi32, #tpu.memory_space<vmem>>
      %dma_wait3A_315 = arith.constant 0 : i32
      %dma_wait3A_316 = arith.constant 0 : i32
      %dma_wait3A_317 = tpu.memref_slice %arg19[%dma_wait3A_315, %dma_wait3A_316] : memref<10240x16xf32, #tpu.memory_space<vmem_shared>> -> memref<10240x16xf32, #tpu.memory_space<vmem_shared>>
      tpu.wait_indirect_dma semaphore(%arg21 : memref<!tpu.dma_semaphore, #tpu.memory_space<semaphore_mem>>) src(%arg13 : memref<128x16xf32, #tpu.memory_space<vmem>>) dst(%dma_wait3A_317 : memref<10240x16xf32, #tpu.memory_space<vmem_shared>>)
      %add3A_318 = arith.constant 4 : i32
      %add3A_319 = arith.addi %mul3A_79, %add3A_318 : i32
      %add3A_320 = arith.constant 2 : i32
      %add3A_321 = arith.addi %add3A_319, %add3A_320 : i32
      %dma_wait3A_322 = arith.constant 0 : i32
      %dma_wait3A_323 = tpu.memref_slice %arg7[%add3A_321, %dma_wait3A_322] : memref<80x128xi32, #tpu.memory_space<vmem>> -> memref<1x128xi32, #tpu.memory_space<vmem>>
      %dma_wait3A_324 = tpu.memref_squeeze %dma_wait3A_323 : memref<1x128xi32, #tpu.memory_space<vmem>> -> memref<128xi32, #tpu.memory_space<vmem>>
      %dma_wait3A_325 = arith.constant 0 : i32
      %dma_wait3A_326 = arith.constant 0 : i32
      %dma_wait3A_327 = tpu.memref_slice %arg19[%dma_wait3A_325, %dma_wait3A_326] : memref<10240x16xf32, #tpu.memory_space<vmem_shared>> -> memref<10240x16xf32, #tpu.memory_space<vmem_shared>>
      tpu.wait_indirect_dma semaphore(%arg21 : memref<!tpu.dma_semaphore, #tpu.memory_space<semaphore_mem>>) src(%arg14 : memref<128x16xf32, #tpu.memory_space<vmem>>) dst(%dma_wait3A_327 : memref<10240x16xf32, #tpu.memory_space<vmem_shared>>)
      %add3A_328 = arith.constant 4 : i32
      %add3A_329 = arith.addi %mul3A_79, %add3A_328 : i32
      %add3A_330 = arith.constant 3 : i32
      %add3A_331 = arith.addi %add3A_329, %add3A_330 : i32
      %dma_wait3A_332 = arith.constant 0 : i32
      %dma_wait3A_333 = tpu.memref_slice %arg7[%add3A_331, %dma_wait3A_332] : memref<80x128xi32, #tpu.memory_space<vmem>> -> memref<1x128xi32, #tpu.memory_space<vmem>>
      %dma_wait3A_334 = tpu.memref_squeeze %dma_wait3A_333 : memref<1x128xi32, #tpu.memory_space<vmem>> -> memref<128xi32, #tpu.memory_space<vmem>>
      %dma_wait3A_335 = arith.constant 0 : i32
      %dma_wait3A_336 = arith.constant 0 : i32
      %dma_wait3A_337 = tpu.memref_slice %arg19[%dma_wait3A_335, %dma_wait3A_336] : memref<10240x16xf32, #tpu.memory_space<vmem_shared>> -> memref<10240x16xf32, #tpu.memory_space<vmem_shared>>
      tpu.wait_indirect_dma semaphore(%arg21 : memref<!tpu.dma_semaphore, #tpu.memory_space<semaphore_mem>>) src(%arg15 : memref<128x16xf32, #tpu.memory_space<vmem>>) dst(%dma_wait3A_337 : memref<10240x16xf32, #tpu.memory_space<vmem_shared>>)
    }
    %scan3A_65 = arith.constant 10 : i32
    %barrier3A_66 = arith.constant 0 : index
    tpu.barrier barrier_id(%barrier3A_66)
    %mul3A_67 = arith.constant 640 : i32
    %mul3A_68 = arith.muli %arg1, %mul3A_67 : i32
    "tpu.region"() ({
      %run_scoped3A = tpu.sem_alloc : memref<!tpu.dma_semaphore, #tpu.memory_space<semaphore_mem>>
      %dma_start3A_77 = arith.constant 0 : i32
      %dma_start3A_78 = tpu.memref_slice %arg19[%mul3A_68, %dma_start3A_77] : memref<10240x16xf32, #tpu.memory_space<vmem_shared>> -> memref<640x16xf32, #tpu.memory_space<vmem_shared>>
      %dma_start3A_79 = arith.constant 0 : i32
      %dma_start3A_80 = tpu.memref_slice %arg19[%mul3A_68, %dma_start3A_79] : memref<10240x16xf32, #tpu.memory_space<vmem_shared>> -> memref<640x16xf32, #tpu.memory_space<vmem_shared>>
      tpu.enqueue_dma source(%dma_start3A_80 : memref<640x16xf32, #tpu.memory_space<vmem_shared>>) target(%arg17 : memref<640x16xf32, #tpu.memory_space<vmem>>) target_semaphore(%run_scoped3A : memref<!tpu.dma_semaphore, #tpu.memory_space<semaphore_mem>>)
      %dma_wait3A_81 = arith.constant 0 : i32
      %dma_wait3A_82 = tpu.memref_slice %arg19[%mul3A_68, %dma_wait3A_81] : memref<10240x16xf32, #tpu.memory_space<vmem_shared>> -> memref<640x16xf32, #tpu.memory_space<vmem_shared>>
      %dma_wait3A_83 = arith.constant 0 : i32
      %dma_wait3A_84 = tpu.memref_slice %arg19[%mul3A_68, %dma_wait3A_83] : memref<10240x16xf32, #tpu.memory_space<vmem_shared>> -> memref<640x16xf32, #tpu.memory_space<vmem_shared>>
      tpu.wait_dma2 semaphore(%run_scoped3A : memref<!tpu.dma_semaphore, #tpu.memory_space<semaphore_mem>>) src(%dma_wait3A_84 : memref<640x16xf32, #tpu.memory_space<vmem_shared>>) dst(%arg17 : memref<640x16xf32, #tpu.memory_space<vmem>>)
      tpu.yield
    }) : () -> ()
    %scan3A_69 = arith.constant 0 : i32
    %scan3A_70 = arith.constant 0 : i32
    %scan3A_71 = arith.constant 80 : i32
    %scan3A_72 = arith.addi %scan3A_70, %scan3A_71 : i32
    %scan3A_73 = arith.constant 1 : i32
    scf.for %scan3A_77 = %scan3A_70 to %scan3A_72 step %scan3A_73  : i32 {
      %mul3A_78 = arith.constant 8 : i32
      %mul3A_79 = arith.muli %mul3A_78, %scan3A_77 : i32
      %add3A_80 = arith.constant 0 : i32
      %add3A_81 = arith.addi %mul3A_79, %add3A_80 : i32
      %get3A = arith.index_cast %add3A_81 : i32 to index
      %get3A_82 = arith.constant 0 : index
      %get3A_83 = tpu.vector_load %arg17[%get3A, %get3A_82] {strides = array<i32>} : memref<640x16xf32, #tpu.memory_space<vmem>>, vector<1x16xf32>,
      %get3A_84 = vector.shape_cast %get3A_83 : vector<1x16xf32> to vector<16xf32>
      %swap3A = arith.index_cast %scan3A_77 : i32 to index
      %swap3A_85 = arith.constant 0 : index
      %swap3A_86 = tpu.vector_load %arg16[%swap3A, %swap3A_85] {strides = array<i32>} : memref<80x128xf32, #tpu.memory_space<vmem>>, vector<1x16xf32>,
      %swap3A_87 = vector.shape_cast %swap3A_86 : vector<1x16xf32> to vector<16xf32>
      %swap3A_88 = vector.shape_cast %get3A_84 : vector<16xf32> to vector<1x16xf32>
      tpu.vector_store %arg16[%swap3A, %swap3A_85], %swap3A_88 {strides = array<i32>} : memref<80x128xf32, #tpu.memory_space<vmem>>, vector<1x16xf32>,
      %mul3A_89 = arith.constant 8 : i32
      %mul3A_90 = arith.muli %mul3A_89, %scan3A_77 : i32
      %add3A_91 = arith.constant 1 : i32
      %add3A_92 = arith.addi %mul3A_90, %add3A_91 : i32
      %get3A_93 = arith.index_cast %add3A_92 : i32 to index
      %get3A_94 = arith.constant 0 : index
      %get3A_95 = tpu.vector_load %arg17[%get3A_93, %get3A_94] {strides = array<i32>} : memref<640x16xf32, #tpu.memory_space<vmem>>, vector<1x16xf32>,
      %get3A_96 = vector.shape_cast %get3A_95 : vector<1x16xf32> to vector<16xf32>
      %swap3A_97 = arith.index_cast %scan3A_77 : i32 to index
      %swap3A_98 = arith.constant 16 : index
      %swap3A_99 = tpu.vector_load %arg16[%swap3A_97, %swap3A_98] {strides = array<i32>} : memref<80x128xf32, #tpu.memory_space<vmem>>, vector<1x16xf32>,
      %swap3A_100 = vector.shape_cast %swap3A_99 : vector<1x16xf32> to vector<16xf32>
      %swap3A_101 = vector.shape_cast %get3A_96 : vector<16xf32> to vector<1x16xf32>
      tpu.vector_store %arg16[%swap3A_97, %swap3A_98], %swap3A_101 {strides = array<i32>} : memref<80x128xf32, #tpu.memory_space<vmem>>, vector<1x16xf32>,
      %mul3A_102 = arith.constant 8 : i32
      %mul3A_103 = arith.muli %mul3A_102, %scan3A_77 : i32
      %add3A_104 = arith.constant 2 : i32
      %add3A_105 = arith.addi %mul3A_103, %add3A_104 : i32
      %get3A_106 = arith.index_cast %add3A_105 : i32 to index
      %get3A_107 = arith.constant 0 : index
      %get3A_108 = tpu.vector_load %arg17[%get3A_106, %get3A_107] {strides = array<i32>} : memref<640x16xf32, #tpu.memory_space<vmem>>, vector<1x16xf32>,
      %get3A_109 = vector.shape_cast %get3A_108 : vector<1x16xf32> to vector<16xf32>
      %swap3A_110 = arith.index_cast %scan3A_77 : i32 to index
      %swap3A_111 = arith.constant 32 : index
      %swap3A_112 = tpu.vector_load %arg16[%swap3A_110, %swap3A_111] {strides = array<i32>} : memref<80x128xf32, #tpu.memory_space<vmem>>, vector<1x16xf32>,
      %swap3A_113 = vector.shape_cast %swap3A_112 : vector<1x16xf32> to vector<16xf32>
      %swap3A_114 = vector.shape_cast %get3A_109 : vector<16xf32> to vector<1x16xf32>
      tpu.vector_store %arg16[%swap3A_110, %swap3A_111], %swap3A_114 {strides = array<i32>} : memref<80x128xf32, #tpu.memory_space<vmem>>, vector<1x16xf32>,
      %mul3A_115 = arith.constant 8 : i32
      %mul3A_116 = arith.muli %mul3A_115, %scan3A_77 : i32
      %add3A_117 = arith.constant 3 : i32
      %add3A_118 = arith.addi %mul3A_116, %add3A_117 : i32
      %get3A_119 = arith.index_cast %add3A_118 : i32 to index
      %get3A_120 = arith.constant 0 : index
      %get3A_121 = tpu.vector_load %arg17[%get3A_119, %get3A_120] {strides = array<i32>} : memref<640x16xf32, #tpu.memory_space<vmem>>, vector<1x16xf32>,
      %get3A_122 = vector.shape_cast %get3A_121 : vector<1x16xf32> to vector<16xf32>
      %swap3A_123 = arith.index_cast %scan3A_77 : i32 to index
      %swap3A_124 = arith.constant 48 : index
      %swap3A_125 = tpu.vector_load %arg16[%swap3A_123, %swap3A_124] {strides = array<i32>} : memref<80x128xf32, #tpu.memory_space<vmem>>, vector<1x16xf32>,
      %swap3A_126 = vector.shape_cast %swap3A_125 : vector<1x16xf32> to vector<16xf32>
      %swap3A_127 = vector.shape_cast %get3A_122 : vector<16xf32> to vector<1x16xf32>
      tpu.vector_store %arg16[%swap3A_123, %swap3A_124], %swap3A_127 {strides = array<i32>} : memref<80x128xf32, #tpu.memory_space<vmem>>, vector<1x16xf32>,
      %mul3A_128 = arith.constant 8 : i32
      %mul3A_129 = arith.muli %mul3A_128, %scan3A_77 : i32
      %add3A_130 = arith.constant 4 : i32
      %add3A_131 = arith.addi %mul3A_129, %add3A_130 : i32
      %get3A_132 = arith.index_cast %add3A_131 : i32 to index
      %get3A_133 = arith.constant 0 : index
      %get3A_134 = tpu.vector_load %arg17[%get3A_132, %get3A_133] {strides = array<i32>} : memref<640x16xf32, #tpu.memory_space<vmem>>, vector<1x16xf32>,
      %get3A_135 = vector.shape_cast %get3A_134 : vector<1x16xf32> to vector<16xf32>
      %swap3A_136 = arith.index_cast %scan3A_77 : i32 to index
      %swap3A_137 = arith.constant 64 : index
      %swap3A_138 = tpu.vector_load %arg16[%swap3A_136, %swap3A_137] {strides = array<i32>} : memref<80x128xf32, #tpu.memory_space<vmem>>, vector<1x16xf32>,
      %swap3A_139 = vector.shape_cast %swap3A_138 : vector<1x16xf32> to vector<16xf32>
      %swap3A_140 = vector.shape_cast %get3A_135 : vector<16xf32> to vector<1x16xf32>
      tpu.vector_store %arg16[%swap3A_136, %swap3A_137], %swap3A_140 {strides = array<i32>} : memref<80x128xf32, #tpu.memory_space<vmem>>, vector<1x16xf32>,
      %mul3A_141 = arith.constant 8 : i32
      %mul3A_142 = arith.muli %mul3A_141, %scan3A_77 : i32
      %add3A_143 = arith.constant 5 : i32
      %add3A_144 = arith.addi %mul3A_142, %add3A_143 : i32
      %get3A_145 = arith.index_cast %add3A_144 : i32 to index
      %get3A_146 = arith.constant 0 : index
      %get3A_147 = tpu.vector_load %arg17[%get3A_145, %get3A_146] {strides = array<i32>} : memref<640x16xf32, #tpu.memory_space<vmem>>, vector<1x16xf32>,
      %get3A_148 = vector.shape_cast %get3A_147 : vector<1x16xf32> to vector<16xf32>
      %swap3A_149 = arith.index_cast %scan3A_77 : i32 to index
      %swap3A_150 = arith.constant 80 : index
      %swap3A_151 = tpu.vector_load %arg16[%swap3A_149, %swap3A_150] {strides = array<i32>} : memref<80x128xf32, #tpu.memory_space<vmem>>, vector<1x16xf32>,
      %swap3A_152 = vector.shape_cast %swap3A_151 : vector<1x16xf32> to vector<16xf32>
      %swap3A_153 = vector.shape_cast %get3A_148 : vector<16xf32> to vector<1x16xf32>
      tpu.vector_store %arg16[%swap3A_149, %swap3A_150], %swap3A_153 {strides = array<i32>} : memref<80x128xf32, #tpu.memory_space<vmem>>, vector<1x16xf32>,
      %mul3A_154 = arith.constant 8 : i32
      %mul3A_155 = arith.muli %mul3A_154, %scan3A_77 : i32
      %add3A_156 = arith.constant 6 : i32
      %add3A_157 = arith.addi %mul3A_155, %add3A_156 : i32
      %get3A_158 = arith.index_cast %add3A_157 : i32 to index
      %get3A_159 = arith.constant 0 : index
      %get3A_160 = tpu.vector_load %arg17[%get3A_158, %get3A_159] {strides = array<i32>} : memref<640x16xf32, #tpu.memory_space<vmem>>, vector<1x16xf32>,
      %get3A_161 = vector.shape_cast %get3A_160 : vector<1x16xf32> to vector<16xf32>
      %swap3A_162 = arith.index_cast %scan3A_77 : i32 to index
      %swap3A_163 = arith.constant 96 : index
      %swap3A_164 = tpu.vector_load %arg16[%swap3A_162, %swap3A_163] {strides = array<i32>} : memref<80x128xf32, #tpu.memory_space<vmem>>, vector<1x16xf32>,
      %swap3A_165 = vector.shape_cast %swap3A_164 : vector<1x16xf32> to vector<16xf32>
      %swap3A_166 = vector.shape_cast %get3A_161 : vector<16xf32> to vector<1x16xf32>
      tpu.vector_store %arg16[%swap3A_162, %swap3A_163], %swap3A_166 {strides = array<i32>} : memref<80x128xf32, #tpu.memory_space<vmem>>, vector<1x16xf32>,
      %mul3A_167 = arith.constant 8 : i32
      %mul3A_168 = arith.muli %mul3A_167, %scan3A_77 : i32
      %add3A_169 = arith.constant 7 : i32
      %add3A_170 = arith.addi %mul3A_168, %add3A_169 : i32
      %get3A_171 = arith.index_cast %add3A_170 : i32 to index
      %get3A_172 = arith.constant 0 : index
      %get3A_173 = tpu.vector_load %arg17[%get3A_171, %get3A_172] {strides = array<i32>} : memref<640x16xf32, #tpu.memory_space<vmem>>, vector<1x16xf32>,
      %get3A_174 = vector.shape_cast %get3A_173 : vector<1x16xf32> to vector<16xf32>
      %swap3A_175 = arith.index_cast %scan3A_77 : i32 to index
      %swap3A_176 = arith.constant 112 : index
      %swap3A_177 = tpu.vector_load %arg16[%swap3A_175, %swap3A_176] {strides = array<i32>} : memref<80x128xf32, #tpu.memory_space<vmem>>, vector<1x16xf32>,
      %swap3A_178 = vector.shape_cast %swap3A_177 : vector<1x16xf32> to vector<16xf32>
      %swap3A_179 = vector.shape_cast %get3A_174 : vector<16xf32> to vector<1x16xf32>
      tpu.vector_store %arg16[%swap3A_175, %swap3A_176], %swap3A_179 {strides = array<i32>} : memref<80x128xf32, #tpu.memory_space<vmem>>, vector<1x16xf32>,
    }
    %scan3A_74 = arith.constant 80 : i32
    %mul3A_75 = arith.constant 80 : i32
    %mul3A_76 = arith.muli %arg1, %mul3A_75 : i32
    "tpu.region"() ({
      %run_scoped3A = tpu.sem_alloc : memref<!tpu.dma_semaphore, #tpu.memory_space<semaphore_mem>>
      %dma_start3A_77 = arith.constant 0 : i32
      %dma_start3A_78 = arith.constant 0 : i32
      %dma_start3A_79 = tpu.memref_slice %arg5[%arg0, %dma_start3A_77, %dma_start3A_78] : memref<2x1280x128xf32, #tpu.memory_space<hbm>> -> memref<1x1280x128xf32, #tpu.memory_space<hbm>>
      %dma_start3A_80 = tpu.memref_squeeze %dma_start3A_79 : memref<1x1280x128xf32, #tpu.memory_space<hbm>> -> memref<1280x128xf32, #tpu.memory_space<hbm>>
      %dma_start3A_81 = arith.constant 0 : i32
      %dma_start3A_82 = tpu.memref_slice %dma_start3A_80[%mul3A_76, %dma_start3A_81] : memref<1280x128xf32, #tpu.memory_space<hbm>> -> memref<80x128xf32, #tpu.memory_space<hbm>>
      %dma_start3A_83 = arith.constant 0 : i32
      %dma_start3A_84 = arith.constant 0 : i32
      %dma_start3A_85 = tpu.memref_slice %arg5[%arg0, %dma_start3A_83, %dma_start3A_84] : memref<2x1280x128xf32, #tpu.memory_space<hbm>> -> memref<1x1280x128xf32, #tpu.memory_space<hbm>>
      %dma_start3A_86 = tpu.memref_squeeze %dma_start3A_85 : memref<1x1280x128xf32, #tpu.memory_space<hbm>> -> memref<1280x128xf32, #tpu.memory_space<hbm>>
      %dma_start3A_87 = arith.constant 0 : i32
      %dma_start3A_88 = tpu.memref_slice %dma_start3A_86[%mul3A_76, %dma_start3A_87] : memref<1280x128xf32, #tpu.memory_space<hbm>> -> memref<80x128xf32, #tpu.memory_space<hbm>>
      tpu.enqueue_dma source(%arg16 : memref<80x128xf32, #tpu.memory_space<vmem>>) target(%dma_start3A_88 : memref<80x128xf32, #tpu.memory_space<hbm>>) target_semaphore(%run_scoped3A : memref<!tpu.dma_semaphore, #tpu.memory_space<semaphore_mem>>)
      %dma_wait3A_89 = arith.constant 0 : i32
      %dma_wait3A_90 = arith.constant 0 : i32
      %dma_wait3A_91 = tpu.memref_slice %arg5[%arg0, %dma_wait3A_89, %dma_wait3A_90] : memref<2x1280x128xf32, #tpu.memory_space<hbm>> -> memref<1x1280x128xf32, #tpu.memory_space<hbm>>
      %dma_wait3A_92 = tpu.memref_squeeze %dma_wait3A_91 : memref<1x1280x128xf32, #tpu.memory_space<hbm>> -> memref<1280x128xf32, #tpu.memory_space<hbm>>
      %dma_wait3A_93 = arith.constant 0 : i32
      %dma_wait3A_94 = tpu.memref_slice %dma_wait3A_92[%mul3A_76, %dma_wait3A_93] : memref<1280x128xf32, #tpu.memory_space<hbm>> -> memref<80x128xf32, #tpu.memory_space<hbm>>
      %dma_wait3A_95 = arith.constant 0 : i32
      %dma_wait3A_96 = arith.constant 0 : i32
      %dma_wait3A_97 = tpu.memref_slice %arg5[%arg0, %dma_wait3A_95, %dma_wait3A_96] : memref<2x1280x128xf32, #tpu.memory_space<hbm>> -> memref<1x1280x128xf32, #tpu.memory_space<hbm>>
      %dma_wait3A_98 = tpu.memref_squeeze %dma_wait3A_97 : memref<1x1280x128xf32, #tpu.memory_space<hbm>> -> memref<1280x128xf32, #tpu.memory_space<hbm>>
      %dma_wait3A_99 = arith.constant 0 : i32
      %dma_wait3A_100 = tpu.memref_slice %dma_wait3A_98[%mul3A_76, %dma_wait3A_99] : memref<1280x128xf32, #tpu.memory_space<hbm>> -> memref<80x128xf32, #tpu.memory_space<hbm>>
      tpu.wait_dma2 semaphore(%run_scoped3A : memref<!tpu.dma_semaphore, #tpu.memory_space<semaphore_mem>>) src(%arg16 : memref<80x128xf32, #tpu.memory_space<vmem>>) dst(%dma_wait3A_100 : memref<80x128xf32, #tpu.memory_space<hbm>>)
      tpu.yield
    }) : () -> ()
    return
  }
}

module attributes {stable_mosaic.version = 14 : i64} {
  func.func @_lin1_body(%arg0: memref<1280x1024xf32, #tpu.memory_space<vmem>>, %arg1: memref<1024x128xf32, #tpu.memory_space<vmem>>, %arg2: memref<1024x128xf32, #tpu.memory_space<vmem>>, %arg3: memref<1280x128xf32, #tpu.memory_space<vmem>>, %arg4: memref<1280x128xf32, #tpu.memory_space<vmem>>) attributes {dimension_semantics = [], scalar_prefetch = 0 : i64, scratch_operands = 0 : i64, tpu.core_type = #tpu.core_type<tc>} {
    %get3A = arith.constant 0 : index
    %get3A_0 = arith.constant 0 : index
    %get3A_1 = vector.load %arg0[%get3A, %get3A_0] : memref<1280x1024xf32, #tpu.memory_space<vmem>>, vector<1280x1024xf32>
    %get3A_2 = arith.constant 0 : index
    %get3A_3 = arith.constant 0 : index
    %get3A_4 = vector.load %arg1[%get3A_2, %get3A_3] : memref<1024x128xf32, #tpu.memory_space<vmem>>, vector<1024x128xf32>
    %dot_general3A = arith.constant dense<0.000000e+00> : vector<1280x128xf32>
    %dot_general3A_5 = tpu.matmul %get3A_1, %get3A_4, %dot_general3A {dimension_numbers = #tpu.dot_dimension_numbers<[1], [0], [0], [1], [0, 0, 1, 1], [], []>, transpose_lhs_hint = false} : vector<1280x1024xf32>, vector<1024x128xf32>, vector<1280x128xf32> -> vector<1280x128xf32>
    %swap3A = arith.constant 0 : index
    %swap3A_6 = arith.constant 0 : index
    %swap3A_7 = vector.load %arg3[%swap3A, %swap3A_6] : memref<1280x128xf32, #tpu.memory_space<vmem>>, vector<1280x128xf32>
    tpu.vector_store %arg3[%swap3A, %swap3A_6], %dot_general3A_5 {strides = array<i32>} : memref<1280x128xf32, #tpu.memory_space<vmem>>, vector<1280x128xf32>,
    %get3A_8 = arith.constant 0 : index
    %get3A_9 = arith.constant 0 : index
    %get3A_10 = vector.load %arg2[%get3A_8, %get3A_9] : memref<1024x128xf32, #tpu.memory_space<vmem>>, vector<1024x128xf32>
    %dot_general3A_11 = arith.constant dense<0.000000e+00> : vector<1280x128xf32>
    %dot_general3A_12 = tpu.matmul %get3A_1, %get3A_10, %dot_general3A_11 {dimension_numbers = #tpu.dot_dimension_numbers<[1], [0], [0], [1], [0, 0, 1, 1], [], []>, transpose_lhs_hint = false} : vector<1280x1024xf32>, vector<1024x128xf32>, vector<1280x128xf32> -> vector<1280x128xf32>
    %swap3A_13 = arith.constant 0 : index
    %swap3A_14 = arith.constant 0 : index
    %swap3A_15 = vector.load %arg4[%swap3A_13, %swap3A_14] : memref<1280x128xf32, #tpu.memory_space<vmem>>, vector<1280x128xf32>
    tpu.vector_store %arg4[%swap3A_13, %swap3A_14], %dot_general3A_12 {strides = array<i32>} : memref<1280x128xf32, #tpu.memory_space<vmem>>, vector<1280x128xf32>,
    return
  }
}

module attributes {stable_mosaic.version = 14 : i64} {
  func.func @_mid_body(%arg0: memref<2x1280x128xf32, #tpu.memory_space<vmem>>, %arg1: memref<2x1280x128xf32, #tpu.memory_space<vmem>>, %arg2: memref<1280x128xf32, #tpu.memory_space<vmem>>, %arg3: memref<1280x128xf32, #tpu.memory_space<vmem>>, %arg4: memref<1x128xf32, #tpu.memory_space<vmem>>, %arg5: memref<1x128xf32, #tpu.memory_space<vmem>>, %arg6: memref<128x128xf32, #tpu.memory_space<vmem>>, %arg7: memref<128x128xf32, #tpu.memory_space<vmem>>, %arg8: memref<128x128xf32, #tpu.memory_space<vmem>>, %arg9: memref<128x128xf32, #tpu.memory_space<vmem>>, %arg10: memref<1280x128xf32, #tpu.memory_space<vmem>>, %arg11: memref<1280x128xf32, #tpu.memory_space<vmem>>) attributes {dimension_semantics = [], scalar_prefetch = 0 : i64, scratch_operands = 0 : i64, tpu.core_type = #tpu.core_type<tc>} {
    %iota3A = tpu.iota {dimensions = array<i32: 0>} : vector<1280x128xi32>
    %lt3A = arith.constant 1250 : i32
    %lt3A_0 = vector.broadcast %lt3A : i32 to vector<1280x128xi32>
    %lt3A_1 = arith.cmpi slt, %iota3A, %lt3A_0 : vector<1280x128xi32>
    %get3A = arith.constant 0 : index
    %get3A_2 = arith.constant 0 : index
    %get3A_3 = arith.constant 0 : index
    %get3A_4 = vector.load %arg0[%get3A, %get3A_2, %get3A_3] : memref<2x1280x128xf32, #tpu.memory_space<vmem>>, vector<1x1280x128xf32>
    %get3A_5 = vector.shape_cast %get3A_4 : vector<1x1280x128xf32> to vector<1280x128xf32>
    %get3A_6 = arith.constant 1 : index
    %get3A_7 = arith.constant 0 : index
    %get3A_8 = arith.constant 0 : index
    %get3A_9 = vector.load %arg0[%get3A_6, %get3A_7, %get3A_8] : memref<2x1280x128xf32, #tpu.memory_space<vmem>>, vector<1x1280x128xf32>
    %get3A_10 = vector.shape_cast %get3A_9 : vector<1x1280x128xf32> to vector<1280x128xf32>
    %add3A = arith.addf %get3A_5, %get3A_10 : vector<1280x128xf32>
    %get3A_11 = arith.constant 0 : index
    %get3A_12 = arith.constant 0 : index
    %get3A_13 = vector.load %arg4[%get3A_11, %get3A_12] : memref<1x128xf32, #tpu.memory_space<vmem>>, vector<1x128xf32>
    %add3A_14 = vector.broadcast %get3A_13 : vector<1x128xf32> to vector<1280x128xf32>
    %add3A_15 = arith.addf %add3A, %add3A_14 : vector<1280x128xf32>
    %get3A_16 = arith.constant 0 : index
    %get3A_17 = arith.constant 0 : index
    %get3A_18 = vector.load %arg2[%get3A_16, %get3A_17] : memref<1280x128xf32, #tpu.memory_space<vmem>>, vector<1280x128xf32>
    %add3A_19 = arith.addf %add3A_15, %get3A_18 : vector<1280x128xf32>
    %max3A = arith.constant 0.000000e+00 : f32
    %max3A_20 = vector.broadcast %max3A : f32 to vector<1280x128xf32>
    %max3A_21 = arith.maximumf %add3A_19, %max3A_20 : vector<1280x128xf32>
    %get3A_22 = arith.constant 0 : index
    %get3A_23 = arith.constant 0 : index
    %get3A_24 = arith.constant 0 : index
    %get3A_25 = vector.load %arg1[%get3A_22, %get3A_23, %get3A_24] : memref<2x1280x128xf32, #tpu.memory_space<vmem>>, vector<1x1280x128xf32>
    %get3A_26 = vector.shape_cast %get3A_25 : vector<1x1280x128xf32> to vector<1280x128xf32>
    %get3A_27 = arith.constant 1 : index
    %get3A_28 = arith.constant 0 : index
    %get3A_29 = arith.constant 0 : index
    %get3A_30 = vector.load %arg1[%get3A_27, %get3A_28, %get3A_29] : memref<2x1280x128xf32, #tpu.memory_space<vmem>>, vector<1x1280x128xf32>
    %get3A_31 = vector.shape_cast %get3A_30 : vector<1x1280x128xf32> to vector<1280x128xf32>
    %add3A_32 = arith.addf %get3A_26, %get3A_31 : vector<1280x128xf32>
    %get3A_33 = arith.constant 0 : index
    %get3A_34 = arith.constant 0 : index
    %get3A_35 = vector.load %arg5[%get3A_33, %get3A_34] : memref<1x128xf32, #tpu.memory_space<vmem>>, vector<1x128xf32>
    %add3A_36 = vector.broadcast %get3A_35 : vector<1x128xf32> to vector<1280x128xf32>
    %add3A_37 = arith.addf %add3A_32, %add3A_36 : vector<1280x128xf32>
    %get3A_38 = arith.constant 0 : index
    %get3A_39 = arith.constant 0 : index
    %get3A_40 = vector.load %arg3[%get3A_38, %get3A_39] : memref<1280x128xf32, #tpu.memory_space<vmem>>, vector<1280x128xf32>
    %add3A_41 = arith.addf %add3A_37, %get3A_40 : vector<1280x128xf32>
    %max3A_42 = arith.constant 0.000000e+00 : f32
    %max3A_43 = vector.broadcast %max3A_42 : f32 to vector<1280x128xf32>
    %max3A_44 = arith.maximumf %add3A_41, %max3A_43 : vector<1280x128xf32>
    %jit3A = arith.constant 0.000000e+00 : f32
    %broadcast_in_dim3A = vector.broadcast %jit3A : f32 to vector<1280x128xf32>
    %select_n3A = arith.select %lt3A_1, %max3A_21, %broadcast_in_dim3A : vector<1280x128xi1>, vector<1280x128xf32>
    %jit3A_45 = arith.constant 0.000000e+00 : f32
    %broadcast_in_dim3A_46 = vector.broadcast %jit3A_45 : f32 to vector<1280x128xf32>
    %select_n3A_47 = arith.select %lt3A_1, %max3A_44, %broadcast_in_dim3A_46 : vector<1280x128xi1>, vector<1280x128xf32>
    %get3A_48 = arith.constant 0 : index
    %get3A_49 = arith.constant 0 : index
    %get3A_50 = vector.load %arg6[%get3A_48, %get3A_49] : memref<128x128xf32, #tpu.memory_space<vmem>>, vector<128x128xf32>
    %dot_general3A = arith.constant dense<0.000000e+00> : vector<1280x128xf32>
    %dot_general3A_51 = tpu.matmul %select_n3A, %get3A_50, %dot_general3A {dimension_numbers = #tpu.dot_dimension_numbers<[1], [0], [0], [1], [0, 0, 1, 1], [], []>, transpose_lhs_hint = false} : vector<1280x128xf32>, vector<128x128xf32>, vector<1280x128xf32> -> vector<1280x128xf32>
    %get3A_52 = arith.constant 0 : index
    %get3A_53 = arith.constant 0 : index
    %get3A_54 = vector.load %arg7[%get3A_52, %get3A_53] : memref<128x128xf32, #tpu.memory_space<vmem>>, vector<128x128xf32>
    %dot_general3A_55 = arith.constant dense<0.000000e+00> : vector<1280x128xf32>
    %dot_general3A_56 = tpu.matmul %select_n3A_47, %get3A_54, %dot_general3A_55 {dimension_numbers = #tpu.dot_dimension_numbers<[1], [0], [0], [1], [0, 0, 1, 1], [], []>, transpose_lhs_hint = false} : vector<1280x128xf32>, vector<128x128xf32>, vector<1280x128xf32> -> vector<1280x128xf32>
    %add3A_57 = arith.addf %dot_general3A_51, %dot_general3A_56 : vector<1280x128xf32>
    %swap3A = arith.constant 0 : index
    %swap3A_58 = arith.constant 0 : index
    %swap3A_59 = vector.load %arg10[%swap3A, %swap3A_58] : memref<1280x128xf32, #tpu.memory_space<vmem>>, vector<1280x128xf32>
    tpu.vector_store %arg10[%swap3A, %swap3A_58], %add3A_57 {strides = array<i32>} : memref<1280x128xf32, #tpu.memory_space<vmem>>, vector<1280x128xf32>,
    %get3A_60 = arith.constant 0 : index
    %get3A_61 = arith.constant 0 : index
    %get3A_62 = vector.load %arg8[%get3A_60, %get3A_61] : memref<128x128xf32, #tpu.memory_space<vmem>>, vector<128x128xf32>
    %dot_general3A_63 = arith.constant dense<0.000000e+00> : vector<1280x128xf32>
    %dot_general3A_64 = tpu.matmul %select_n3A, %get3A_62, %dot_general3A_63 {dimension_numbers = #tpu.dot_dimension_numbers<[1], [0], [0], [1], [0, 0, 1, 1], [], []>, transpose_lhs_hint = false} : vector<1280x128xf32>, vector<128x128xf32>, vector<1280x128xf32> -> vector<1280x128xf32>
    %get3A_65 = arith.constant 0 : index
    %get3A_66 = arith.constant 0 : index
    %get3A_67 = vector.load %arg9[%get3A_65, %get3A_66] : memref<128x128xf32, #tpu.memory_space<vmem>>, vector<128x128xf32>
    %dot_general3A_68 = arith.constant dense<0.000000e+00> : vector<1280x128xf32>
    %dot_general3A_69 = tpu.matmul %select_n3A_47, %get3A_67, %dot_general3A_68 {dimension_numbers = #tpu.dot_dimension_numbers<[1], [0], [0], [1], [0, 0, 1, 1], [], []>, transpose_lhs_hint = false} : vector<1280x128xf32>, vector<128x128xf32>, vector<1280x128xf32> -> vector<1280x128xf32>
    %add3A_70 = arith.addf %dot_general3A_64, %dot_general3A_69 : vector<1280x128xf32>
    %swap3A_71 = arith.constant 0 : index
    %swap3A_72 = arith.constant 0 : index
    %swap3A_73 = vector.load %arg11[%swap3A_71, %swap3A_72] : memref<1280x128xf32, #tpu.memory_space<vmem>>, vector<1280x128xf32>
    tpu.vector_store %arg11[%swap3A_71, %swap3A_72], %add3A_70 {strides = array<i32>} : memref<1280x128xf32, #tpu.memory_space<vmem>>, vector<1280x128xf32>,
    return
  }
}

module attributes {stable_mosaic.version = 14 : i64} {
  func.func @_loss_body(%arg0: memref<2x1280x128xf32, #tpu.memory_space<vmem>>, %arg1: memref<1280x128xf32, #tpu.memory_space<vmem>>, %arg2: memref<1x128xf32, #tpu.memory_space<vmem>>, %arg3: memref<1280x128xi32, #tpu.memory_space<vmem>>, %arg4: memref<1x1xf32, #tpu.memory_space<vmem>>) attributes {dimension_semantics = [], scalar_prefetch = 0 : i64, scratch_operands = 0 : i64, tpu.core_type = #tpu.core_type<tc>} {
    %get3A = arith.constant 0 : index
    %get3A_0 = arith.constant 0 : index
    %get3A_1 = arith.constant 0 : index
    %get3A_2 = vector.load %arg0[%get3A, %get3A_0, %get3A_1] : memref<2x1280x128xf32, #tpu.memory_space<vmem>>, vector<1x1280x128xf32>
    %get3A_3 = vector.shape_cast %get3A_2 : vector<1x1280x128xf32> to vector<1280x128xf32>
    %get3A_4 = arith.constant 1 : index
    %get3A_5 = arith.constant 0 : index
    %get3A_6 = arith.constant 0 : index
    %get3A_7 = vector.load %arg0[%get3A_4, %get3A_5, %get3A_6] : memref<2x1280x128xf32, #tpu.memory_space<vmem>>, vector<1x1280x128xf32>
    %get3A_8 = vector.shape_cast %get3A_7 : vector<1x1280x128xf32> to vector<1280x128xf32>
    %add3A = arith.addf %get3A_3, %get3A_8 : vector<1280x128xf32>
    %get3A_9 = arith.constant 0 : index
    %get3A_10 = arith.constant 0 : index
    %get3A_11 = vector.load %arg1[%get3A_9, %get3A_10] : memref<1280x128xf32, #tpu.memory_space<vmem>>, vector<1280x128xf32>
    %add3A_12 = arith.addf %add3A, %get3A_11 : vector<1280x128xf32>
    %get3A_13 = arith.constant 0 : index
    %get3A_14 = arith.constant 0 : index
    %get3A_15 = vector.load %arg2[%get3A_13, %get3A_14] : memref<1x128xf32, #tpu.memory_space<vmem>>, vector<1x128xf32>
    %add3A_16 = vector.broadcast %get3A_15 : vector<1x128xf32> to vector<1280x128xf32>
    %add3A_17 = arith.addf %add3A_12, %add3A_16 : vector<1280x128xf32>
    %iota3A = tpu.iota {dimensions = array<i32: 1>} : vector<1280x128xi32>
    %jit3A = arith.constant 16 : i32
    %eq3A = arith.constant 0 : i32
    %eq3A_18 = arith.cmpi eq, %jit3A, %eq3A : i32
    %jit3A_19 = arith.constant 1 : i32
    %select_n3A = arith.select %eq3A_18, %jit3A_19, %jit3A : i32
    %rem3A = vector.broadcast %select_n3A : i32 to vector<1280x128xi32>
    %rem3A_20 = arith.remsi %iota3A, %rem3A : vector<1280x128xi32>
    %ne3A = arith.constant 0 : i32
    %ne3A_21 = vector.broadcast %ne3A : i32 to vector<1280x128xi32>
    %ne3A_22 = arith.cmpi ne, %rem3A_20, %ne3A_21 : vector<1280x128xi32>
    %lt3A = arith.constant 0 : i32
    %lt3A_23 = vector.broadcast %lt3A : i32 to vector<1280x128xi32>
    %lt3A_24 = arith.cmpi slt, %rem3A_20, %lt3A_23 : vector<1280x128xi32>
    %lt3A_25 = arith.constant 0 : i32
    %lt3A_26 = arith.cmpi slt, %select_n3A, %lt3A_25 : i32
    %ne3A_27 = vector.broadcast %lt3A_26 : i1 to vector<1280x128xi1>
    %ne3A_28 = vector.broadcast %ne3A_27 : vector<1280x128xi1> to vector<1280x128xi1>
    %ne3A_29 = arith.xori %lt3A_24, %ne3A_28 : vector<1280x128xi1>
    %and3A = arith.andi %ne3A_29, %ne3A_22 : vector<1280x128xi1>
    %add3A_30 = vector.broadcast %select_n3A : i32 to vector<1280x128xi32>
    %add3A_31 = arith.addi %rem3A_20, %add3A_30 : vector<1280x128xi32>
    %select_n3A_32 = arith.select %and3A, %add3A_31, %rem3A_20 : vector<1280x128xi1>, vector<1280x128xi32>
    %lt3A_33 = arith.constant 10 : i32
    %lt3A_34 = vector.broadcast %lt3A_33 : i32 to vector<1280x128xi32>
    %lt3A_35 = arith.cmpi slt, %select_n3A_32, %lt3A_34 : vector<1280x128xi32>
    %jit3A_36 = arith.constant -1.000000e+30 : f32
    %broadcast_in_dim3A = vector.broadcast %jit3A_36 : f32 to vector<1280x128xf32>
    %select_n3A_37 = arith.select %lt3A_35, %add3A_17, %broadcast_in_dim3A : vector<1280x128xi1>, vector<1280x128xf32>
    %slice3A = vector.extract_strided_slice %select_n3A_37 {offsets = [0, 8], sizes = [1280, 120], strides = [1, 1]} : vector<1280x128xf32> to vector<1280x120xf32>
    %broadcast_in_dim3A_38 = arith.constant -1.000000e+30 : f32
    %broadcast_in_dim3A_39 = vector.broadcast %broadcast_in_dim3A_38 : f32 to vector<1280x8xf32>
    %concatenate3A = tpu.concatenate %slice3A, %broadcast_in_dim3A_39 in 1 : vector<1280x120xf32>, vector<1280x8xf32> -> vector<1280x128xf32>
    %max3A = arith.maximumf %select_n3A_37, %concatenate3A : vector<1280x128xf32>
    %slice3A_40 = vector.extract_strided_slice %max3A {offsets = [0, 4], sizes = [1280, 124], strides = [1, 1]} : vector<1280x128xf32> to vector<1280x124xf32>
    %broadcast_in_dim3A_41 = arith.constant -1.000000e+30 : f32
    %broadcast_in_dim3A_42 = vector.broadcast %broadcast_in_dim3A_41 : f32 to vector<1280x4xf32>
    %concatenate3A_43 = tpu.concatenate %slice3A_40, %broadcast_in_dim3A_42 in 1 : vector<1280x124xf32>, vector<1280x4xf32> -> vector<1280x128xf32>
    %max3A_44 = arith.maximumf %max3A, %concatenate3A_43 : vector<1280x128xf32>
    %slice3A_45 = vector.extract_strided_slice %max3A_44 {offsets = [0, 2], sizes = [1280, 126], strides = [1, 1]} : vector<1280x128xf32> to vector<1280x126xf32>
    %broadcast_in_dim3A_46 = arith.constant -1.000000e+30 : f32
    %broadcast_in_dim3A_47 = vector.broadcast %broadcast_in_dim3A_46 : f32 to vector<1280x2xf32>
    %concatenate3A_48 = tpu.concatenate %slice3A_45, %broadcast_in_dim3A_47 in 1 : vector<1280x126xf32>, vector<1280x2xf32> -> vector<1280x128xf32>
    %max3A_49 = arith.maximumf %max3A_44, %concatenate3A_48 : vector<1280x128xf32>
    %slice3A_50 = vector.extract_strided_slice %max3A_49 {offsets = [0, 1], sizes = [1280, 127], strides = [1, 1]} : vector<1280x128xf32> to vector<1280x127xf32>
    %broadcast_in_dim3A_51 = arith.constant -1.000000e+30 : f32
    %broadcast_in_dim3A_52 = vector.broadcast %broadcast_in_dim3A_51 : f32 to vector<1280x1xf32>
    %concatenate3A_53 = tpu.concatenate %slice3A_50, %broadcast_in_dim3A_52 in 1 : vector<1280x127xf32>, vector<1280x1xf32> -> vector<1280x128xf32>
    %max3A_54 = arith.maximumf %max3A_49, %concatenate3A_53 : vector<1280x128xf32>
    %iota3A_55 = tpu.iota {dimensions = array<i32: 0>} : vector<128x128xi32>
    %iota3A_56 = tpu.iota {dimensions = array<i32: 1>} : vector<128x128xi32>
    %jit3A_57 = arith.constant 16 : i32
    %div3A = vector.broadcast %jit3A_57 : i32 to vector<128x128xi32>
    %div3A_58 = arith.divsi %iota3A_55, %div3A : vector<128x128xi32>
    %sign3A = arith.constant 0 : i32
    %sign3A_59 = vector.broadcast %sign3A : i32 to vector<128x128xi32>
    %sign3A_60 = arith.cmpi sgt, %iota3A_55, %sign3A_59 : vector<128x128xi32>
    %sign3A_61 = arith.extui %sign3A_60 : vector<128x128xi1> to vector<128x128xi32>
    %sign3A_62 = arith.constant 0 : i32
    %sign3A_63 = vector.broadcast %sign3A_62 : i32 to vector<128x128xi32>
    %sign3A_64 = arith.cmpi slt, %iota3A_55, %sign3A_63 : vector<128x128xi32>
    %sign3A_65 = arith.extui %sign3A_64 : vector<128x128xi1> to vector<128x128xi32>
    %sign3A_66 = arith.subi %sign3A_61, %sign3A_65 : vector<128x128xi32>
    %sign3A_67 = arith.constant 0 : i32
    %sign3A_68 = arith.cmpi sgt, %jit3A_57, %sign3A_67 : i32
    %sign3A_69 = arith.extui %sign3A_68 : i1 to i32
    %sign3A_70 = arith.constant 0 : i32
    %sign3A_71 = arith.cmpi slt, %jit3A_57, %sign3A_70 : i32
    %sign3A_72 = arith.extui %sign3A_71 : i1 to i32
    %sign3A_73 = arith.subi %sign3A_69, %sign3A_72 : i32
    %ne3A_74 = vector.broadcast %sign3A_73 : i32 to vector<128x128xi32>
    %ne3A_75 = arith.cmpi ne, %sign3A_66, %ne3A_74 : vector<128x128xi32>
    %rem3A_76 = vector.broadcast %jit3A_57 : i32 to vector<128x128xi32>
    %rem3A_77 = arith.remsi %iota3A_55, %rem3A_76 : vector<128x128xi32>
    %ne3A_78 = arith.constant 0 : i32
    %ne3A_79 = vector.broadcast %ne3A_78 : i32 to vector<128x128xi32>
    %ne3A_80 = arith.cmpi ne, %rem3A_77, %ne3A_79 : vector<128x128xi32>
    %and3A_81 = arith.andi %ne3A_75, %ne3A_80 : vector<128x128xi1>
    %sub3A = arith.constant 1 : i32
    %sub3A_82 = vector.broadcast %sub3A : i32 to vector<128x128xi32>
    %sub3A_83 = arith.subi %div3A_58, %sub3A_82 : vector<128x128xi32>
    %select_n3A_84 = arith.select %and3A_81, %sub3A_83, %div3A_58 : vector<128x128xi1>, vector<128x128xi32>
    %jit3A_85 = arith.constant 16 : i32
    %div3A_86 = vector.broadcast %jit3A_85 : i32 to vector<128x128xi32>
    %div3A_87 = arith.divsi %iota3A_56, %div3A_86 : vector<128x128xi32>
    %sign3A_88 = arith.constant 0 : i32
    %sign3A_89 = vector.broadcast %sign3A_88 : i32 to vector<128x128xi32>
    %sign3A_90 = arith.cmpi sgt, %iota3A_56, %sign3A_89 : vector<128x128xi32>
    %sign3A_91 = arith.extui %sign3A_90 : vector<128x128xi1> to vector<128x128xi32>
    %sign3A_92 = arith.constant 0 : i32
    %sign3A_93 = vector.broadcast %sign3A_92 : i32 to vector<128x128xi32>
    %sign3A_94 = arith.cmpi slt, %iota3A_56, %sign3A_93 : vector<128x128xi32>
    %sign3A_95 = arith.extui %sign3A_94 : vector<128x128xi1> to vector<128x128xi32>
    %sign3A_96 = arith.subi %sign3A_91, %sign3A_95 : vector<128x128xi32>
    %sign3A_97 = arith.constant 0 : i32
    %sign3A_98 = arith.cmpi sgt, %jit3A_85, %sign3A_97 : i32
    %sign3A_99 = arith.extui %sign3A_98 : i1 to i32
    %sign3A_100 = arith.constant 0 : i32
    %sign3A_101 = arith.cmpi slt, %jit3A_85, %sign3A_100 : i32
    %sign3A_102 = arith.extui %sign3A_101 : i1 to i32
    %sign3A_103 = arith.subi %sign3A_99, %sign3A_102 : i32
    %ne3A_104 = vector.broadcast %sign3A_103 : i32 to vector<128x128xi32>
    %ne3A_105 = arith.cmpi ne, %sign3A_96, %ne3A_104 : vector<128x128xi32>
    %rem3A_106 = vector.broadcast %jit3A_85 : i32 to vector<128x128xi32>
    %rem3A_107 = arith.remsi %iota3A_56, %rem3A_106 : vector<128x128xi32>
    %ne3A_108 = arith.constant 0 : i32
    %ne3A_109 = vector.broadcast %ne3A_108 : i32 to vector<128x128xi32>
    %ne3A_110 = arith.cmpi ne, %rem3A_107, %ne3A_109 : vector<128x128xi32>
    %and3A_111 = arith.andi %ne3A_105, %ne3A_110 : vector<128x128xi1>
    %sub3A_112 = arith.constant 1 : i32
    %sub3A_113 = vector.broadcast %sub3A_112 : i32 to vector<128x128xi32>
    %sub3A_114 = arith.subi %div3A_87, %sub3A_113 : vector<128x128xi32>
    %select_n3A_115 = arith.select %and3A_111, %sub3A_114, %div3A_87 : vector<128x128xi1>, vector<128x128xi32>
    %eq3A_116 = arith.cmpi eq, %select_n3A_84, %select_n3A_115 : vector<128x128xi32>
    %jit3A_117 = arith.constant 16 : i32
    %eq3A_118 = arith.constant 0 : i32
    %eq3A_119 = arith.cmpi eq, %jit3A_117, %eq3A_118 : i32
    %jit3A_120 = arith.constant 1 : i32
    %select_n3A_121 = arith.select %eq3A_119, %jit3A_120, %jit3A_117 : i32
    %rem3A_122 = vector.broadcast %select_n3A_121 : i32 to vector<128x128xi32>
    %rem3A_123 = arith.remsi %iota3A_55, %rem3A_122 : vector<128x128xi32>
    %ne3A_124 = arith.constant 0 : i32
    %ne3A_125 = vector.broadcast %ne3A_124 : i32 to vector<128x128xi32>
    %ne3A_126 = arith.cmpi ne, %rem3A_123, %ne3A_125 : vector<128x128xi32>
    %lt3A_127 = arith.constant 0 : i32
    %lt3A_128 = vector.broadcast %lt3A_127 : i32 to vector<128x128xi32>
    %lt3A_129 = arith.cmpi slt, %rem3A_123, %lt3A_128 : vector<128x128xi32>
    %lt3A_130 = arith.constant 0 : i32
    %lt3A_131 = arith.cmpi slt, %select_n3A_121, %lt3A_130 : i32
    %ne3A_132 = vector.broadcast %lt3A_131 : i1 to vector<128x128xi1>
    %ne3A_133 = vector.broadcast %ne3A_132 : vector<128x128xi1> to vector<128x128xi1>
    %ne3A_134 = arith.xori %lt3A_129, %ne3A_133 : vector<128x128xi1>
    %and3A_135 = arith.andi %ne3A_134, %ne3A_126 : vector<128x128xi1>
    %add3A_136 = vector.broadcast %select_n3A_121 : i32 to vector<128x128xi32>
    %add3A_137 = arith.addi %rem3A_123, %add3A_136 : vector<128x128xi32>
    %select_n3A_138 = arith.select %and3A_135, %add3A_137, %rem3A_123 : vector<128x128xi1>, vector<128x128xi32>
    %eq3A_139 = arith.constant 0 : i32
    %eq3A_140 = vector.broadcast %eq3A_139 : i32 to vector<128x128xi32>
    %eq3A_141 = arith.cmpi eq, %select_n3A_138, %eq3A_140 : vector<128x128xi32>
    %and3A_142 = arith.andi %eq3A_116, %eq3A_141 : vector<128x128xi1>
    %jit3A_143 = arith.constant 1.000000e+00 : f32
    %jit3A_144 = arith.constant 0.000000e+00 : f32
    %broadcast_in_dim3A_145 = vector.broadcast %jit3A_143 : f32 to vector<128x128xf32>
    %broadcast_in_dim3A_146 = vector.broadcast %jit3A_144 : f32 to vector<128x128xf32>
    %select_n3A_147 = arith.select %and3A_142, %broadcast_in_dim3A_145, %broadcast_in_dim3A_146 : vector<128x128xi1>, vector<128x128xf32>
    %eq3A_148 = arith.constant 0 : i32
    %eq3A_149 = vector.broadcast %eq3A_148 : i32 to vector<1280x128xi32>
    %eq3A_150 = arith.cmpi eq, %select_n3A_32, %eq3A_149 : vector<1280x128xi32>
    %jit3A_151 = arith.constant 0.000000e+00 : f32
    %broadcast_in_dim3A_152 = vector.broadcast %jit3A_151 : f32 to vector<1280x128xf32>
    %select_n3A_153 = arith.select %eq3A_150, %max3A_54, %broadcast_in_dim3A_152 : vector<1280x128xi1>, vector<1280x128xf32>
    %dot_general3A = arith.constant dense<0.000000e+00> : vector<1280x128xf32>
    %dot_general3A_154 = tpu.matmul %select_n3A_153, %select_n3A_147, %dot_general3A {dimension_numbers = #tpu.dot_dimension_numbers<[1], [0], [0], [1], [0, 0, 1, 1], [], []>, transpose_lhs_hint = false} : vector<1280x128xf32>, vector<128x128xf32>, vector<1280x128xf32> -> vector<1280x128xf32>
    %sub3A_155 = arith.subf %select_n3A_37, %dot_general3A_154 : vector<1280x128xf32>
    %exp3A = math.exp %sub3A_155 : vector<1280x128xf32>
    %iota3A_156 = tpu.iota {dimensions = array<i32: 0>} : vector<128x8xi32>
    %iota3A_157 = tpu.iota {dimensions = array<i32: 1>} : vector<128x8xi32>
    %jit3A_158 = arith.constant 16 : i32
    %div3A_159 = vector.broadcast %jit3A_158 : i32 to vector<128x8xi32>
    %div3A_160 = arith.divsi %iota3A_156, %div3A_159 : vector<128x8xi32>
    %sign3A_161 = arith.constant 0 : i32
    %sign3A_162 = vector.broadcast %sign3A_161 : i32 to vector<128x8xi32>
    %sign3A_163 = arith.cmpi sgt, %iota3A_156, %sign3A_162 : vector<128x8xi32>
    %sign3A_164 = arith.extui %sign3A_163 : vector<128x8xi1> to vector<128x8xi32>
    %sign3A_165 = arith.constant 0 : i32
    %sign3A_166 = vector.broadcast %sign3A_165 : i32 to vector<128x8xi32>
    %sign3A_167 = arith.cmpi slt, %iota3A_156, %sign3A_166 : vector<128x8xi32>
    %sign3A_168 = arith.extui %sign3A_167 : vector<128x8xi1> to vector<128x8xi32>
    %sign3A_169 = arith.subi %sign3A_164, %sign3A_168 : vector<128x8xi32>
    %sign3A_170 = arith.constant 0 : i32
    %sign3A_171 = arith.cmpi sgt, %jit3A_158, %sign3A_170 : i32
    %sign3A_172 = arith.extui %sign3A_171 : i1 to i32
    %sign3A_173 = arith.constant 0 : i32
    %sign3A_174 = arith.cmpi slt, %jit3A_158, %sign3A_173 : i32
    %sign3A_175 = arith.extui %sign3A_174 : i1 to i32
    %sign3A_176 = arith.subi %sign3A_172, %sign3A_175 : i32
    %ne3A_177 = vector.broadcast %sign3A_176 : i32 to vector<128x8xi32>
    %ne3A_178 = arith.cmpi ne, %sign3A_169, %ne3A_177 : vector<128x8xi32>
    %rem3A_179 = vector.broadcast %jit3A_158 : i32 to vector<128x8xi32>
    %rem3A_180 = arith.remsi %iota3A_156, %rem3A_179 : vector<128x8xi32>
    %ne3A_181 = arith.constant 0 : i32
    %ne3A_182 = vector.broadcast %ne3A_181 : i32 to vector<128x8xi32>
    %ne3A_183 = arith.cmpi ne, %rem3A_180, %ne3A_182 : vector<128x8xi32>
    %and3A_184 = arith.andi %ne3A_178, %ne3A_183 : vector<128x8xi1>
    %sub3A_185 = arith.constant 1 : i32
    %sub3A_186 = vector.broadcast %sub3A_185 : i32 to vector<128x8xi32>
    %sub3A_187 = arith.subi %div3A_160, %sub3A_186 : vector<128x8xi32>
    %select_n3A_188 = arith.select %and3A_184, %sub3A_187, %div3A_160 : vector<128x8xi1>, vector<128x8xi32>
    %eq3A_189 = arith.cmpi eq, %select_n3A_188, %iota3A_157 : vector<128x8xi32>
    %jit3A_190 = arith.constant 1.000000e+00 : f32
    %jit3A_191 = arith.constant 0.000000e+00 : f32
    %broadcast_in_dim3A_192 = vector.broadcast %jit3A_190 : f32 to vector<128x8xf32>
    %broadcast_in_dim3A_193 = vector.broadcast %jit3A_191 : f32 to vector<128x8xf32>
    %select_n3A_194 = arith.select %eq3A_189, %broadcast_in_dim3A_192, %broadcast_in_dim3A_193 : vector<128x8xi1>, vector<128x8xf32>
    %dot_general3A_195 = arith.constant dense<0.000000e+00> : vector<1280x8xf32>
    %dot_general3A_196 = tpu.matmul %exp3A, %select_n3A_194, %dot_general3A_195 {dimension_numbers = #tpu.dot_dimension_numbers<[1], [0], [0], [1], [0, 0, 1, 1], [], []>, transpose_lhs_hint = false} : vector<1280x128xf32>, vector<128x8xf32>, vector<1280x8xf32> -> vector<1280x8xf32>
    %log3A = math.log %dot_general3A_196 : vector<1280x8xf32>
    %get3A_197 = arith.constant 0 : index
    %get3A_198 = arith.constant 0 : index
    %get3A_199 = vector.load %arg3[%get3A_197, %get3A_198] : memref<1280x128xi32, #tpu.memory_space<vmem>>, vector<1280x128xi32>
    %eq3A_200 = arith.cmpi eq, %select_n3A_32, %get3A_199 : vector<1280x128xi32>
    %sub3A_201 = arith.subf %select_n3A_37, %dot_general3A_154 : vector<1280x128xf32>
    %jit3A_202 = arith.constant 0.000000e+00 : f32
    %broadcast_in_dim3A_203 = vector.broadcast %jit3A_202 : f32 to vector<1280x128xf32>
    %select_n3A_204 = arith.select %eq3A_200, %sub3A_201, %broadcast_in_dim3A_203 : vector<1280x128xi1>, vector<1280x128xf32>
    %dot_general3A_205 = arith.constant dense<0.000000e+00> : vector<1280x8xf32>
    %dot_general3A_206 = tpu.matmul %select_n3A_204, %select_n3A_194, %dot_general3A_205 {dimension_numbers = #tpu.dot_dimension_numbers<[1], [0], [0], [1], [0, 0, 1, 1], [], []>, transpose_lhs_hint = false} : vector<1280x128xf32>, vector<128x8xf32>, vector<1280x8xf32> -> vector<1280x8xf32>
    %sub3A_207 = arith.subf %log3A, %dot_general3A_206 : vector<1280x8xf32>
    %iota3A_208 = tpu.iota {dimensions = array<i32: 0>} : vector<1280x8xi32>
    %lt3A_209 = arith.constant 1250 : i32
    %lt3A_210 = vector.broadcast %lt3A_209 : i32 to vector<1280x8xi32>
    %lt3A_211 = arith.cmpi slt, %iota3A_208, %lt3A_210 : vector<1280x8xi32>
    %jit3A_212 = arith.constant 0.000000e+00 : f32
    %broadcast_in_dim3A_213 = vector.broadcast %jit3A_212 : f32 to vector<1280x8xf32>
    %select_n3A_214 = arith.select %lt3A_211, %sub3A_207, %broadcast_in_dim3A_213 : vector<1280x8xi1>, vector<1280x8xf32>
    %reduce_sum3A = vector.shape_cast %select_n3A_214 : vector<1280x8xf32> to vector<1x1280x8xf32>
    %reduce_sum3A_215 = arith.constant dense<0.000000e+00> : vector<1xf32>
    %reduce_sum3A_216 = vector.multi_reduction <add>, %reduce_sum3A, %reduce_sum3A_215 [1, 2] : vector<1x1280x8xf32> to vector<1xf32>
    %reduce_sum3A_217 = vector.shape_cast %reduce_sum3A_216 : vector<1xf32> to vector<1x1x1xf32>
    %reduce_sum3A_218 = vector.extract %reduce_sum3A_217[0, 0, 0] : f32 from vector<1x1x1xf32>
    %div3A_219 = arith.constant 1.000000e+04 : f32
    %div3A_220 = arith.divf %reduce_sum3A_218, %div3A_219 : f32
    %reshape3A = vector.broadcast %div3A_220 : f32 to vector<1x1xf32>
    %swap3A = arith.constant 0 : index
    %swap3A_221 = arith.constant 0 : index
    %swap3A_222 = vector.load %arg4[%swap3A, %swap3A_221] : memref<1x1xf32, #tpu.memory_space<vmem>>, vector<1x1xf32>
    tpu.vector_store %arg4[%swap3A, %swap3A_221], %reshape3A {strides = array<i32>} : memref<1x1xf32, #tpu.memory_space<vmem>>, vector<1x1xf32>,
    return
  }
}

</mosaic_0001>

<sc_bundles>
// kernel: kernel.12.cloned.1.call-start
scs
__scs_entry_jumppad:
0x0: {  	(pc) =	sbr.rel $0x88, $3  }
0x1: {  	(tag) =	ssettag $0x0;
	lr =	simm.s32 $0x1  }
0x2: {  	[smem:$0x3F98] =	sst lr;
	_ =	strace $0xD0000000  }
0x3: {  	_ = 	snop  }
0x4: {  	_ = 	snop  }
0x5: {  	_ = 	snop  }
0x6: {  	_ = 	snop  }
0x7: {  	_ = 	snop  }
__scs_overlays_trampoline_lowered:
0x8: {  	[smem:$0x3FA7] =	sst s0  }
0x9: {  	[smem:$0x3FA8] =	sst s1  }
0xa: {  	[smem:$0x3FA9] =	sst s2  }
0xb: {  	[smem:$0x3FAA] =	sst s3  }
0xc: {  	[smem:$0x3FAB] =	sst s4  }
0xd: {  	[smem:$0x3FAC] =	sst s5  }
0xe: {  	[smem:$0x3FAD] =	sst s6  }
0xf: {  	[smem:$0x3FAE] =	sst s7  }
0x10: {  	[smem:$0x3FAF] =	sst s8  }
0x11: {  	[smem:$0x3FB0] =	sst s9;
	s0 =	simm.s32 @!p0 $0x0  }
0x12: {  	s1 =	sld [smem:$0x3F96];
	s0 =	simm.s32 @p0 $0x1  }
0x13: {  	[smem:$0x3FB1] =	sst s0;
	s0 =	simm.s32 @!p1 $0x0  }
0x14: {  	s2 =	sld [smem:$0x3F95];
	s0 =	simm.s32 @p1 $0x1  }
0x15: {  	[smem:$0x3FB2] =	sst s0;
	s0 =	simm.s32 @!p2 $0x0  }
0x16: {  	s3 =	sld [smem:$0x3FDB];
	s0 =	simm.s32 @p2 $0x1  }
0x17: {  	s4 =	simm.s32 $0x1BF5;
	[smem:$0x3FB4] =	sst s0  }
0x18: {  	s0 =	sld [smem:$0x3F97];
	_ =	swait.ge [sflag:s4], $0x0  }
0x19: {  	s7 =	sld [smem:$0x3F98]  }
0x1a: {  	s8 =	sadd.s32 $0xFFFFE003, lr  }
0x1b: {  	s9 =	sadd.s32 $0xFFFFFEF7, lr;
	s5 =	simm.s32 $0xFFFFFFFF;
	p2 =	slt.u32 s8, $0xFFFFF086  }
0x1c: {  	p1 =	slt.u32 s9, $0xF7A;
	s5 =	simm.s32 @!p2 $0x0  }
0x1d: {  	s5 =	simm.s32 @p1 $0x1;
	p0 =	seq.s32 s7, s2  }
0x1e: {  	s7 =	smul.u32 @!p0 $0xF7A, s2;
	p2 =	seq.s32 @!p0 s5, $0x0  }
0x1f: {  	s9 =	smul.u32 $0xF7A, s1;
	s8 =	simm.s32 @!p0 $0x1BF5;
	p2 =	por !p2, p0  }
0x20: {  	[sflag:s8] =	ssyncset.s32 @!p0 $0xFFFFF086;
	s6 =	sadd.s32 @!p0 s3, s7;
	s7 =	simm.s32 @!p0 $0x108  }
0x21: {  	s3 =	sadd.s32 s3, s9;
	s6 =	sadd.s32 @!p0 $0x88, s6;
	s7 =	simm.s32 @p2 $0x1082  }
0x22: {  	[simem:s7], [sflag:s8] =	dma.local @!p0 [hbm:s6], $0xF7A  }
0x23: {  	s9 =	sor.u32 $0xD0000000, s2;
	s6 =	simm.s32 $0x108;
	_ =	swait.ge @!p0 [sflag:s8], $0x0  }
0x24: {  	s3 =	sadd.s32 $0x88, s3;
	s6 =	simm.s32 @!p1 $0x1082;
	[sflag:s4] =	ssyncset.s32 $0xFFFFF086  }
0x25: {  	[simem:s6], [sflag:s4] =	dma.local [hbm:s3], $0xF7A  }
0x26: {  	[smem:$0x3F98] =	sst s1;
	(tag) =	ssettag s2;
	_ =	strace s9  }
0x27: {  	s1 =	sld [smem:$0x3FA8]  }
0x28: {  	s2 =	sld [smem:$0x3FA9]  }
0x29: {  	s4 =	sld [smem:$0x3FAB]  }
0x2a: {  	p0 =	seq.s32 s5, $0x0;
	s5 =	sld [smem:$0x3FAC]  }
0x2b: {  	s6 =	sld [smem:$0x3FAD]  }
0x2c: {  	s7 =	sld [smem:$0x3FAE]  }
0x2d: {  	s3 =	simm.s32 $0x108;
	s8 =	sld [smem:$0x3FAF]  }
0x2e: {  	s3 =	simm.s32 @!p0 $0x1082;
	s9 =	sld [smem:$0x3FB0]  }
0x2f: {  	lr =	sadd.s32 s0, s3;
	s0 =	sld [smem:$0x3FA7]  }
0x30: {  	s3 =	sld [smem:$0x3FAA]  }
0x31: {  	[smem:$0x3FB3] =	sst s10  }
0x32: {  	s10 =	sld [smem:$0x3FB1];
	_ =	sdelay $0x3  }
0x33: {  	p0 =	seq.s32 s10, $0x1;
	s10 =	sld [smem:$0x3FB3];
	_ =	sdelay $0x3  }
0x34: {  	[smem:$0x3FB3] =	sst s10  }
0x35: {  	s10 =	sld [smem:$0x3FB2];
	_ =	sdelay $0x3  }
0x36: {  	p1 =	seq.s32 s10, $0x1;
	s10 =	sld [smem:$0x3FB3];
	_ =	sdelay $0x3  }
0x37: {  	[smem:$0x3FB3] =	sst s10  }
0x38: {  	s10 =	sld [smem:$0x3FB4]  }
0x39: {  	_ = 	snop;
	(pc) =	sbr.ind lr, $3  }
0x3a: {  	_ = 	snop  }
0x3b: {  	_ = 	snop  }
0x3c: {  	p2 =	seq.s32 s10, $0x1;
	s10 =	sld [smem:$0x3FB3]  }
0x3d: {  	_ =	shalt  }
0x3e: {  	_ =	shalt  }
0x3f: {  	_ =	shalt  }
0x40: {  	_ =	shalt  }
0x41: {  	_ =	shalt  }
0x42: {  	_ =	shalt  }
0x43: {  	_ =	shalt  }
0x44: {  	_ =	shalt  }
0x45: {  	_ =	shalt  }
0x46: {  	_ =	shalt  }
0x47: {  	_ =	shalt  }
0x48: {  	_ =	shalt  }
0x49: {  	_ =	shalt  }
0x4a: {  	_ =	shalt  }
0x4b: {  	_ =	shalt  }
0x4c: {  	_ =	shalt  }
0x4d: {  	_ =	shalt  }
0x4e: {  	_ =	shalt  }
0x4f: {  	_ =	shalt  }
0x50: {  	_ =	shalt  }
0x51: {  	_ =	shalt  }
0x52: {  	_ =	shalt  }
0x53: {  	_ =	shalt  }
0x54: {  	_ =	shalt  }
0x55: {  	_ =	shalt  }
0x56: {  	_ =	shalt  }
0x57: {  	_ =	shalt  }
0x58: {  	_ =	shalt  }
0x59: {  	_ =	shalt  }
0x5a: {  	_ =	shalt  }
0x5b: {  	_ =	shalt  }
0x5c: {  	_ =	shalt  }
0x5d: {  	_ =	shalt  }
0x5e: {  	_ =	shalt  }
0x5f: {  	_ =	shalt  }
0x60: {  	_ =	shalt  }
0x61: {  	_ =	shalt  }
0x62: {  	_ =	shalt  }
0x63: {  	_ =	shalt  }
0x64: {  	_ =	shalt  }
0x65: {  	_ =	shalt  }
0x66: {  	_ =	shalt  }
0x67: {  	_ =	shalt  }
0x68: {  	_ =	shalt  }
0x69: {  	_ =	shalt  }
0x6a: {  	_ =	shalt  }
0x6b: {  	_ =	shalt  }
0x6c: {  	_ =	shalt  }
0x6d: {  	_ =	shalt  }
0x6e: {  	_ =	shalt  }
0x6f: {  	_ =	shalt  }
0x70: {  	_ =	shalt  }
0x71: {  	_ =	shalt  }
0x72: {  	_ =	shalt  }
0x73: {  	_ =	shalt  }
0x74: {  	_ =	shalt  }
0x75: {  	_ =	shalt  }
0x76: {  	_ =	shalt  }
0x77: {  	_ =	shalt  }
0x78: {  	_ =	shalt  }
0x79: {  	_ =	shalt  }
0x7a: {  	_ =	shalt  }
0x7b: {  	_ =	shalt  }
0x7c: {  	_ =	shalt  }
0x7d: {  	_ =	shalt  }
0x7e: {  	_ =	shalt  }
0x7f: {  	_ =	shalt  }
0x80: {  	_ =	shalt  }
0x81: {  	_ =	shalt  }
0x82: {  	_ =	shalt  }
0x83: {  	_ =	shalt  }
0x84: {  	_ =	shalt  }
0x85: {  	_ =	shalt  }
0x86: {  	_ =	shalt  }
0x87: {  	_ =	shalt  }
.Lfunc_end0:
.L_simem_size_0:
called_computation.1_lowered:
.L_overlay_start_0:
0x88: {  	s2 =	sld [smem:$0x3FD9]  }
0x89: {  	s3 =	sld [smem:$0x3FFE];
	_ =	sdelay $0x1  }
0x8a: {  	s1 =	srdreg.scid  }
0x8b: {  	s0 =	sand.u32 $0x1, s1  }
0x8c: {  	s16 =	sshll.u32 s0, $0xA;
	s2 =	sadd.s32 s3, s2  }
0x8d: {  	s2 =	sadd.s32 s2, s16  }
0x8e: {  	[smem:$0x3FBF] =	sst s2  }
0x8f: {  	_ = 	snop  }
0x90: {  	(tm) =	ssettm $0x1  }
0x91: {  	s17 =	sld [smem:$0x3FFB];
	_ =	sdelay $0x3  }
0x92: {  	_ =	strace s17  }
0x93: {  	s2 =	sld [smem:$0x3FFC];
	_ =	sdelay $0x3  }
0x94: {  	_ =	strace s2  }
0x95: {  	s2 =	sld [smem:$0x3FFD];
	_ =	sdelay $0x3  }
0x96: {  	_ =	strace s2  }
0x97: {  	_ =	strace $0x8FFFFFFF  }
0x98: {  	s18 =	sld [smem:$0x3FDB];
	_ =	sdelay $0x1  }
0x99: {  	s19 =	simm.s32 $_scs_section_size  }
0x9a: {  	s4 =	simm.s32 $_size__tile_overlayer_lowered;
	s5 =	simm.s32 $_tile_overlayer_lowered  }
0x9b: {  	s22 =	simm.s32 $0x1BFF;
	s21 =	sshll.u32 s5, $0x1;
	s2 =	sadd.s32 s19, s18  }
0x9c: {  	s6 =	simm.s32 $0x0;
	s20 =	sshll.u32 s4, $0x1;
	s4 =	sadd.s32 s21, s2  }
0x9d: {  	[timem:s6], [sflag:s22] =	dma.local [hbm:s4], s20  }
0x9e: {  	_ =	swait.ge [sflag:s22], s20  }
0x9f: {  	s3 =	ssub.s32 $0x0, s20;
	[sflag:s22] =	ssyncset.done $0x0  }
0xa0: {  	[sflag:s22] =	ssyncadd.s32 s3;
	_ =	sdelay $0x1  }
0xa1: {  	s23 =	simm.s32 $0x1B8B  }
0xa2: {  	_ =	swait.ge [sflag:s23], $0x1  }
0xa3: {  	[sflag:s23] =	ssyncset.done $0x0  }
0xa4: {  	s25 =	simm.s32 $0x1B8E;
	s24 =	sld [smem:$0x3FFE];
	[sflag:s23] =	ssyncadd.s32 $0xFFFFFFFF  }
0xa5: {  	s26 =	simm.s32 $execute0_lowered;
	[smem:$0x3FD2] =	sst s25  }
0xa6: {  	s4 =	sshll.u32 s26, $0x1;
	_ =	strace $0x80000046;
	[dreg:$0x1] =	wrdreg $0xFFFFFFFF  }
0xa7: {  	s28 =	simm.s32 $_size_execute0_lowered;
	s2 =	sadd.s32 s2, s4;
	[dreg:$0x0] =	wrdreg $0x0  }
0xa8: {  	s4 =	sshll.u32 s28, $0x1;
	[dreg:$0x2] =	wrdreg s2  }
0xa9: {  	[dreg:$0x3] =	wrdreg s4  }
0xaa: {  	[dreg:$0x4] =	wrdreg $0xC0  }
0xab: {  	_ =	task [dreg:s6], $0x5FFFF  }
0xac: {  	[dreg:$0x1] =	wrdreg $0xFFFFFFFF  }
0xad: {  	[dreg:$0x0] =	wrdreg $0x60  }
0xae: {  	[dreg:$0x2] =	wrdreg s24  }
0xaf: {  	[dreg:$0x3] =	wrdreg $0x108000  }
0xb0: {  	[dreg:$0x4] =	wrdreg $0xE0000  }
0xb1: {  	[dreg:$0x5] =	wrdreg $0xA  }
0xb2: {  	_ =	task.clear_ibuf [dreg:s6], $0x6FFFF;
	_ =	strace $0x90000046  }
0xb3: {  	s29 =	simm.s32 $0xA;
	_ =	strace $0x80000048  }
0xb4: {  	_ =	swait.ge [sflag:s29], $0x1  }
0xb5: {  	[sflag:s29] =	ssyncadd.s32 $0xFFFFFFFF  }
0xb6: {  	_ =	strace $0x90000048  }
0xb7: {  	_ =	sfence  }
0xb8: {  	s30 =	sld [smem:$0x0];
	_ =	sdelay $0x2  }
0xb9: {  	s31 =	sshll.u32 s1, $0xD;
	s1 =	sshrl.u32 s1, $0x2  }
0xba: {  	s3 =	sand.u32 $0x4000, s31;
	s1 =	sadd.s32 s1, s30  }
0xbb: {  	s0 =	sor.u32 s3, s0;
	s1 =	sshll.u32 s1, $0x11  }
0xbc: {  	s0 =	sor.u32 s1, s0  }
0xbd: {  	s0 =	sadd.s32 $0x8F2B, s0  }
0xbe: {  	[sflag:s0] =	ssyncadd.remote.s32 $0x1  }
0xbf: {  	_ =	sfence.sel $0xFFFF  }
0xc0: {  	[dreg:$0x0] =	wrdreg $0xFFFFFFFF;
	(pc) =	sbr.abs _section_cstart, $3  }
0xc1: {  	[dreg:$0x1] =	wrdreg $0xFFFFFFFF  }
0xc2: {  	_ =	task.clear_ibuf [dreg:s6], $0x2FFFF;
	_ =	strace $0x9FFFFFFF  }
0xc3: {  	(tm) =	ssettm $0x7FFFFFFF  }
tec
execute0_lowered:
.L_overlay_start_1:
0x0: {  	(tag) =	ssettag $0x1  }
0x1: {  	s1 =	rddreg [dreg:$0x0]  }
0x2: {  	s0 =	srdreg.scid;
	s2 =	rddreg [dreg:$0x1]  }
0x3: {  	s9 =	stileid.u32;
	s3 =	rddreg [dreg:$0x2]  }
0x4: {  	s12 =	simm.s32 $0x3;
	s13 =	simm.s32 $0xB800;
	s14 =	simm.s32 $0x9000  }
0x5: {  	s15 =	simm.s32 $0x2;
	s16 =	simm.s32 $0x80;
	s17 =	simm.s32 $0x5000  }
0x6: {  	s18 =	simm.s32 $0x5800;
	s20 =	simm.s32 $0x6000;
	s22 =	simm.s32 $0x6800  }
0x7: {  	s23 =	simm.s32 $0x1;
	s25 =	simm.s32 $0x7000;
	s26 =	simm.s32 $0x7800  }
0x8: {  	s28 =	simm.s32 $0x8000;
	s29 =	simm.s32 $0x8800;
	s0 =	sand.u32 $0x1, s0  }
0x9: {  	s30 =	simm.s32 $0x0;
	s24 =	smul.u32 $0x500, s9;
	s4 =	sshll.u32 s0, $0x4  }
0xa: {  	s6 =	smul.u32 $0x5000, s0;
	s0 =	ssub.s32 $0x2, s0;
	s5 =	sor.u32 s9, s4  }
0xb: {  	s4 =	simm.s32 $0x0;
	s8 =	sadd.s32 s24, s1;
	s9 =	smul.u32 $0x2800, s9  }
0xc: {  	s31 =	sshrl.u32 s0, $0x1;
	s5 =	smul.u32 $0x500, s5;
	[smem:$0x7FF] =	sst s4  }
0xd: {  	s0 =	ssub.s32 s0, s31;
	s8 =	sadd.s32 $0x8200, s8;
	_ =	strace $0x80000047  }
0xe: {  	s10 =	smax.u32 s0, $0x1;
	s7 =	sadd.s32 s5, s1;
	s1 =	sadd.s32 s6, s1  }
0xf: {  	s5 =	sadd.s32 $0x17200, s7;
	s6 =	sadd.s32 $0xD200, s7;
	s1 =	sadd.s32 $0x21200, s1  }
0x10: {  	v0 =	vimm.f32 $0.0e+00;
	s7 =	sadd.s32 s9, s2;
	s9 =	sadd.s32 s9, s3;
	s24 =	sadd.s32 s24, s1  }
.LBB2_1:
0x11: {  	[tilespmem:s4], [sflag:$0x2] =	stream.linear.gather [hbm4b:s5+s4], $0x2800, $0x38;
	[tilespmem:$0x13000] =	vst v63  }
0x12: {  	s0 =	simm.s32 $0x2800  }
0x13: {  	[tilespmem:s0], [sflag:$0x3] =	stream.linear.gather [hbm4b:s6+s4], $0x2800, $0x38;
	[tilespmem:$0x13000] =	vst v63  }
0x14: {  	_ =	swait.ge [sflag:s12], $0x2800  }
0x15: {  	[sflag:s12] =	ssyncset.done $0x0  }
0x16: {  	s1 =	simm.s32 $0x0;
	s0 =	simm.s32 $0x40;
	[sflag:s12] =	ssyncadd.s32 $0xFFFFD800  }
.LBB2_2:
0x17: {  	p0 =	sne.s32 s0, $0x9FC0;
	[tilespmem:s1+$0xB800] =	vst v0;
	s1 =	smov.u32 s0;
	s0 =	sadd.s32 $0x40, s0  }
.Ltmp0:
0x18: {  	(pc) =	sbr.rel @p0 .LBB2_2-.Ltmp0, $2  }
0x19: {  	_ =	sdelay $0x2  }
0x1a: {  	s1 =	sshra.s32 s1, $0x2  }
0x1b: {  	[tilespmem:s1+$0xB800] =	vst v0  }
0x1c: {  	[spmem:s7] =	stream.linear.scatter [tilespmem:s13], [sflag:$0x3], $0x2800, $0x38;
	[tilespmem:$0x13000] =	vst v63  }
0x1d: {  	_ =	swait.ge [sflag:s12], $0x2800  }
0x1e: {  	[sflag:s12] =	ssyncset.done $0x0  }
0x1f: {  	s0 =	simm.s32 $0x0;
	[sflag:s12] =	ssyncadd.s32 $0xFFFFD800  }
0x20: {  	[tilespmem:s14], [sflag:$0x3] =	stream.linear.gather [hbm4b:s8+s0], $0x2800, $0x38;
	[tilespmem:$0x13000] =	vst v63  }
0x21: {  	_ =	swait.ge [sflag:s12], $0x2800  }
0x22: {  	[sflag:s12] =	ssyncset.done $0x0  }
0x23: {  	s0 =	simm.s32 $0x0;
	[sflag:s12] =	ssyncadd.s32 $0xFFFFD800  }
0x24: {  	v4 =	vld [tilespmem:s0+$0x9070]  }
0x25: {  	v5 =	vld [tilespmem:s0+$0x9000]  }
0x26: {  	v6 =	vld [tilespmem:s0+$0x9010]  }
0x27: {  	v3 =	vld [tilespmem:s0+$0x9020]  }
0x28: {  	v1 =	vld [tilespmem:s0+$0x9030]  }
0x29: {  	v2 =	vld [tilespmem:s0+$0x9040];
	[tilespmem:s0+$0xB870] =	vst v4  }
0x2a: {  	[tilespmem:s0+$0xB800] =	vst v5;
	v4 =	vld [tilespmem:s0+$0x9050]  }
0x2b: {  	s1 =	simm.s32 $0x80;
	s31 =	simm.s32 $0x400;
	[tilespmem:s0+$0xB810] =	vst v6;
	v5 =	vld [tilespmem:s0+$0x9060]  }
.LBB2_4:
0x2c: {  	p0 =	sne.s32 s31, $0x9E00;
	v6 =	vld [tilespmem:s1+$0x9070];
	[tilespmem:s0+$0xB820] =	vst v3  }
0x2d: {  	v7 =	vld [tilespmem:s1+$0x9000];
	[tilespmem:s0+$0xB830] =	vst v1  }
0x2e: {  	v8 =	vld [tilespmem:s1+$0x9010];
	[tilespmem:s0+$0xB840] =	vst v2  }
.Ltmp1:
0x2f: {  	v3 =	vld [tilespmem:s1+$0x9020];
	[tilespmem:s0+$0xB850] =	vst v4;
	(pc) =	sbr.rel @p0 .LBB2_4-.Ltmp1, $4  }
0x30: {  	v1 =	vld [tilespmem:s1+$0x9030];
	[tilespmem:s0+$0xB860] =	vst v5;
	s0 =	smov.u32 s1  }
0x31: {  	v2 =	vld [tilespmem:s0+$0x9040];
	[tilespmem:s0+$0xB870] =	vst v6  }
0x32: {  	[tilespmem:s0+$0xB800] =	vst v7;
	v4 =	vld [tilespmem:s0+$0x9050]  }
0x33: {  	s1 =	sshra.s32 s31, $0x2;
	s31 =	sadd.s32 $0x200, s31;
	[tilespmem:s0+$0xB810] =	vst v8;
	v5 =	vld [tilespmem:s0+$0x9060]  }
0x34: {  	v6 =	vld [tilespmem:s1+$0x9070];
	[tilespmem:s0+$0xB820] =	vst v3  }
0x35: {  	v3 =	vld [tilespmem:s1+$0x9000];
	[tilespmem:s0+$0xB830] =	vst v1  }
0x36: {  	v1 =	vld [tilespmem:s1+$0x9010];
	[tilespmem:s0+$0xB840] =	vst v2  }
0x37: {  	v2 =	vld [tilespmem:s1+$0x9020];
	[tilespmem:s0+$0xB850] =	vst v4  }
0x38: {  	v4 =	vld [tilespmem:s1+$0x9030];
	[tilespmem:s0+$0xB860] =	vst v5  }
0x39: {  	v5 =	vld [tilespmem:s1+$0x9040];
	[tilespmem:s1+$0xB870] =	vst v6  }
0x3a: {  	[tilespmem:s1+$0xB800] =	vst v3;
	v3 =	vld [tilespmem:s1+$0x9050]  }
0x3b: {  	[tilespmem:s1+$0xB810] =	vst v1;
	v1 =	vld [tilespmem:s1+$0x9060]  }
0x3c: {  	[tilespmem:s1+$0xB820] =	vst v2  }
0x3d: {  	[tilespmem:s1+$0xB830] =	vst v4  }
0x3e: {  	[tilespmem:s1+$0xB840] =	vst v5  }
0x3f: {  	[tilespmem:s1+$0xB850] =	vst v3  }
0x40: {  	[tilespmem:s1+$0xB860] =	vst v1  }
0x41: {  	[spmem:s9] =	stream.linear.scatter [tilespmem:s13], [sflag:$0x3], $0x2800, $0x38;
	[tilespmem:$0x13000] =	vst v63  }
0x42: {  	_ =	swait.ge [sflag:s12], $0x2800  }
0x43: {  	[sflag:s12] =	ssyncset.done $0x0  }
0x44: {  	[sflag:s12] =	ssyncadd.s32 $0xFFFFD800  }
0x45: {  	_ =	swait.ge [sflag:s15], $0x2800  }
0x46: {  	[sflag:s15] =	ssyncset.done $0x0  }
0x47: {  	[sflag:s15] =	ssyncadd.s32 $0xFFFFD800  }
0x48: {  	s11 =	simm.s32 $0x0;
	[bflag:$0x0] =	sbarrier.arrive $0xFFFF  }
0x49: {  	[tilespmem:s17], [sflag:$0x1] =	stream.indirect.gather [spmem:s3], $0x10, s11, s16, $0xb8;
	[tilespmem:$0x13000] =	vst v63  }
0x4a: {  	_ = 	snop  }
0x4b: {  	[tilespmem:s18], [sflag:$0x1] =	stream.indirect.gather [spmem:s3], $0x10, s16, s16, $0xb8;
	[tilespmem:$0x13000] =	vst v63  }
0x4c: {  	s19 =	simm.s32 $0x100  }
0x4d: {  	[tilespmem:s20], [sflag:$0x1] =	stream.indirect.gather [spmem:s3], $0x10, s19, s16, $0xb8;
	[tilespmem:$0x13000] =	vst v63  }
0x4e: {  	s21 =	simm.s32 $0x180  }
0x4f: {  	[tilespmem:s22], [sflag:$0x1] =	stream.indirect.gather [spmem:s3], $0x10, s21, s16, $0xb8;
	[tilespmem:$0x13000] =	vst v63  }
0x50: {  	_ =	swait.ge [sflag:s23], $0x800  }
0x51: {  	[sflag:s23] =	ssyncset.done $0x0  }
0x52: {  	s1 =	simm.s32 $0x2800;
	[sflag:s23] =	ssyncadd.s32 $0xFFFFF800  }
0x53: {  	[spmem:s2] =	stream.indirect.scatter.add.f32 [tilespmem:s17], [sflag:$0x2], $0x10, s1, s16, $0xb8;
	[tilespmem:$0x13000] =	vst v63  }
0x54: {  	_ =	swait.ge [sflag:s23], $0x800  }
0x55: {  	[sflag:s23] =	ssyncset.done $0x0  }
0x56: {  	s11 =	simm.s32 $0x2880;
	[sflag:s23] =	ssyncadd.s32 $0xFFFFF800  }
0x57: {  	[spmem:s2] =	stream.indirect.scatter.add.f32 [tilespmem:s18], [sflag:$0x2], $0x10, s11, s16, $0xb8;
	[tilespmem:$0x13000] =	vst v63  }
0x58: {  	_ =	swait.ge [sflag:s23], $0x800  }
0x59: {  	[sflag:s23] =	ssyncset.done $0x0  }
0x5a: {  	s19 =	simm.s32 $0x2900;
	[sflag:s23] =	ssyncadd.s32 $0xFFFFF800  }
0x5b: {  	[spmem:s2] =	stream.indirect.scatter.add.f32 [tilespmem:s20], [sflag:$0x2], $0x10, s19, s16, $0xb8;
	[tilespmem:$0x13000] =	vst v63  }
0x5c: {  	_ =	swait.ge [sflag:s23], $0x800  }
0x5d: {  	[sflag:s23] =	ssyncset.done $0x0  }
0x5e: {  	s21 =	simm.s32 $0x2980;
	[sflag:s23] =	ssyncadd.s32 $0xFFFFF800  }
0x5f: {  	[spmem:s2] =	stream.indirect.scatter.add.f32 [tilespmem:s22], [sflag:$0x2], $0x10, s21, s16, $0xb8;
	[tilespmem:$0x13000] =	vst v63  }
0x60: {  	s1 =	simm.s32 $0x200  }
0x61: {  	[tilespmem:s25], [sflag:$0x1] =	stream.indirect.gather [spmem:s3], $0x10, s1, s16, $0xb8;
	[tilespmem:$0x13000] =	vst v63  }
0x62: {  	s11 =	simm.s32 $0x280  }
0x63: {  	[tilespmem:s26], [sflag:$0x1] =	stream.indirect.gather [spmem:s3], $0x10, s11, s16, $0xb8;
	[tilespmem:$0x13000] =	vst v63  }
0x64: {  	s19 =	simm.s32 $0x300  }
0x65: {  	[tilespmem:s28], [sflag:$0x1] =	stream.indirect.gather [spmem:s3], $0x10, s19, s16, $0xb8;
	[tilespmem:$0x13000] =	vst v63  }
0x66: {  	s21 =	simm.s32 $0x380  }
0x67: {  	[tilespmem:s29], [sflag:$0x1] =	stream.indirect.gather [spmem:s3], $0x10, s21, s16, $0xb8;
	[tilespmem:$0x13000] =	vst v63  }
0x68: {  	_ =	swait.ge [sflag:s23], $0x800  }
0x69: {  	[sflag:s23] =	ssyncset.done $0x0  }
0x6a: {  	s1 =	simm.s32 $0x2A00;
	[sflag:s23] =	ssyncadd.s32 $0xFFFFF800  }
0x6b: {  	[spmem:s2] =	stream.indirect.scatter.add.f32 [tilespmem:s25], [sflag:$0x2], $0x10, s1, s16, $0xb8;
	[tilespmem:$0x13000] =	vst v63  }
0x6c: {  	_ =	swait.ge [sflag:s23], $0x800  }
0x6d: {  	[sflag:s23] =	ssyncset.done $0x0  }
0x6e: {  	s11 =	simm.s32 $0x2A80;
	[sflag:s23] =	ssyncadd.s32 $0xFFFFF800  }
0x6f: {  	[spmem:s2] =	stream.indirect.scatter.add.f32 [tilespmem:s26], [sflag:$0x2], $0x10, s11, s16, $0xb8;
	[tilespmem:$0x13000] =	vst v63  }
0x70: {  	_ =	swait.ge [sflag:s23], $0x800  }
0x71: {  	[sflag:s23] =	ssyncset.done $0x0  }
0x72: {  	s19 =	simm.s32 $0x2B00;
	[sflag:s23] =	ssyncadd.s32 $0xFFFFF800  }
0x73: {  	[spmem:s2] =	stream.indirect.scatter.add.f32 [tilespmem:s28], [sflag:$0x2], $0x10, s19, s16, $0xb8;
	[tilespmem:$0x13000] =	vst v63  }
0x74: {  	_ =	swait.ge [sflag:s23], $0x800  }
0x75: {  	[sflag:s23] =	ssyncset.done $0x0  }
0x76: {  	s21 =	simm.s32 $0x2B80;
	[sflag:s23] =	ssyncadd.s32 $0xFFFFF800  }
0x77: {  	[spmem:s2] =	stream.indirect.scatter.add.f32 [tilespmem:s29], [sflag:$0x2], $0x10, s21, s16, $0xb8;
	[tilespmem:$0x13000] =	vst v63  }
0x78: {  	_ =	swait.ge [sflag:s15], $0x800  }
0x79: {  	[sflag:s15] =	ssyncset.done $0x0  }
0x7a: {  	[sflag:s15] =	ssyncadd.s32 $0xFFFFF800  }
0x7b: {  	_ =	swait.ge [sflag:s15], $0x800  }
0x7c: {  	[sflag:s15] =	ssyncset.done $0x0  }
0x7d: {  	[sflag:s15] =	ssyncadd.s32 $0xFFFFF800  }
0x7e: {  	_ =	swait.ge [sflag:s15], $0x800  }
0x7f: {  	[sflag:s15] =	ssyncset.done $0x0  }
0x80: {  	[sflag:s15] =	ssyncadd.s32 $0xFFFFF800  }
0x81: {  	p0 =	por $0x0, $0x0;
	_ =	swait.ge [sflag:s15], $0x800  }
0x82: {  	s31 =	simm.s32 @!p0 $0x80;
	[sflag:s15] =	ssyncset.done $0x0  }
0x83: {  	s0 =	simm.s32 @!p0 $0x5000;
	s1 =	simm.s32 @!p0 $0x400;
	[sflag:s15] =	ssyncadd.s32 $0xFFFFF800  }
0x84: {  	[tilespmem:s0], [sflag:$0x1] =	stream.indirect.gather @!p0 [spmem:s3], $0x10, s1, s31, $0xb8;
	[tilespmem:$0x13000] =	vst v63  }
0x85: {  	s0 =	simm.s32 @!p0 $0x480;
	s1 =	simm.s32 @!p0 $0x5800  }
0x86: {  	[tilespmem:s1], [sflag:$0x1] =	stream.indirect.gather @!p0 [spmem:s3], $0x10, s0, s31, $0xb8;
	[tilespmem:$0x13000] =	vst v63  }
0x87: {  	s0 =	simm.s32 @!p0 $0x500;
	s1 =	simm.s32 @!p0 $0x6000  }
0x88: {  	[tilespmem:s1], [sflag:$0x1] =	stream.indirect.gather @!p0 [spmem:s3], $0x10, s0, s31, $0xb8;
	[tilespmem:$0x13000] =	vst v63  }
0x89: {  	s0 =	simm.s32 @!p0 $0x580;
	s1 =	simm.s32 @!p0 $0x6800  }
0x8a: {  	[tilespmem:s1], [sflag:$0x1] =	stream.indirect.gather @!p0 [spmem:s3], $0x10, s0, s31, $0xb8;
	[tilespmem:$0x13000] =	vst v63  }
0x8b: {  	_ =	swait.ge [sflag:s15], $0x800  }
0x8c: {  	[sflag:s15] =	ssyncset.done $0x0  }
0x8d: {  	[sflag:s15] =	ssyncadd.s32 $0xFFFFF800  }
0x8e: {  	_ =	swait.ge [sflag:s15], $0x800  }
0x8f: {  	[sflag:s15] =	ssyncset.done $0x0  }
0x90: {  	[sflag:s15] =	ssyncadd.s32 $0xFFFFF800  }
0x91: {  	_ =	swait.ge [sflag:s15], $0x800  }
0x92: {  	[sflag:s15] =	ssyncset.done $0x0  }
0x93: {  	[sflag:s15] =	ssyncadd.s32 $0xFFFFF800  }
0x94: {  	_ =	swait.ge [sflag:s15], $0x800  }
0x95: {  	s31 =	simm.s32 $0x1000;
	[sflag:s15] =	ssyncset.done $0x0  }
.LBB2_6:
0x96: {  	[sflag:s15] =	ssyncadd.s32 $0xFFFFF800;
	s1 =	smov.u32 s31;
	s31 =	sadd.s32 $0x1000, s31  }
0x97: {  	_ =	swait.ge [sflag:s23], $0x800;
	p0 =	sne.s32 s31, $0xA000  }
0x98: {  	s0 =	sshra.s32 s1, $0x2;
	[sflag:s23] =	ssyncset.done $0x0  }
0x99: {  	s11 =	sadd.s32 $0x2800, s0;
	[sflag:s23] =	ssyncadd.s32 $0xFFFFF800  }
0x9a: {  	[spmem:s2] =	stream.indirect.scatter.add.f32 [tilespmem:s17], [sflag:$0x2], $0x10, s11, s16, $0xb8;
	[tilespmem:$0x13000] =	vst v63  }
0x9b: {  	_ =	swait.ge [sflag:s23], $0x800  }
0x9c: {  	[sflag:s23] =	ssyncset.done $0x0  }
0x9d: {  	s11 =	sadd.s32 $0x2880, s0;
	[sflag:s23] =	ssyncadd.s32 $0xFFFFF800  }
0x9e: {  	[spmem:s2] =	stream.indirect.scatter.add.f32 [tilespmem:s18], [sflag:$0x2], $0x10, s11, s16, $0xb8;
	[tilespmem:$0x13000] =	vst v63  }
0x9f: {  	_ =	swait.ge [sflag:s23], $0x800  }
0xa0: {  	[sflag:s23] =	ssyncset.done $0x0  }
0xa1: {  	s11 =	sadd.s32 $0x2900, s0;
	[sflag:s23] =	ssyncadd.s32 $0xFFFFF800  }
0xa2: {  	[spmem:s2] =	stream.indirect.scatter.add.f32 [tilespmem:s20], [sflag:$0x2], $0x10, s11, s16, $0xb8;
	[tilespmem:$0x13000] =	vst v63  }
0xa3: {  	_ =	swait.ge [sflag:s23], $0x800  }
0xa4: {  	[sflag:s23] =	ssyncset.done $0x0  }
0xa5: {  	s11 =	sadd.s32 $0x2980, s0;
	[sflag:s23] =	ssyncadd.s32 $0xFFFFF800  }
0xa6: {  	[spmem:s2] =	stream.indirect.scatter.add.f32 [tilespmem:s22], [sflag:$0x2], $0x10, s11, s16, $0xb8;
	[tilespmem:$0x13000] =	vst v63  }
0xa7: {  	s11 =	sadd.s32 $0x200, s0  }
0xa8: {  	[tilespmem:s25], [sflag:$0x1] =	stream.indirect.gather [spmem:s3], $0x10, s11, s16, $0xb8;
	[tilespmem:$0x13000] =	vst v63  }
0xa9: {  	s11 =	sadd.s32 $0x280, s0  }
0xaa: {  	[tilespmem:s26], [sflag:$0x1] =	stream.indirect.gather [spmem:s3], $0x10, s11, s16, $0xb8;
	[tilespmem:$0x13000] =	vst v63  }
0xab: {  	s11 =	sadd.s32 $0x300, s0  }
0xac: {  	[tilespmem:s28], [sflag:$0x1] =	stream.indirect.gather [spmem:s3], $0x10, s11, s16, $0xb8;
	[tilespmem:$0x13000] =	vst v63  }
0xad: {  	s11 =	sadd.s32 $0x380, s0  }
0xae: {  	[tilespmem:s29], [sflag:$0x1] =	stream.indirect.gather [spmem:s3], $0x10, s11, s16, $0xb8;
	[tilespmem:$0x13000] =	vst v63  }
0xaf: {  	_ =	swait.ge [sflag:s23], $0x800  }
0xb0: {  	[sflag:s23] =	ssyncset.done $0x0  }
0xb1: {  	s11 =	sadd.s32 $0x2A00, s0;
	[sflag:s23] =	ssyncadd.s32 $0xFFFFF800  }
0xb2: {  	[spmem:s2] =	stream.indirect.scatter.add.f32 [tilespmem:s25], [sflag:$0x2], $0x10, s11, s16, $0xb8;
	[tilespmem:$0x13000] =	vst v63  }
0xb3: {  	_ =	swait.ge [sflag:s23], $0x800  }
0xb4: {  	[sflag:s23] =	ssyncset.done $0x0  }
0xb5: {  	s11 =	sadd.s32 $0x2A80, s0;
	[sflag:s23] =	ssyncadd.s32 $0xFFFFF800  }
0xb6: {  	[spmem:s2] =	stream.indirect.scatter.add.f32 [tilespmem:s26], [sflag:$0x2], $0x10, s11, s16, $0xb8;
	[tilespmem:$0x13000] =	vst v63  }
0xb7: {  	_ =	swait.ge [sflag:s23], $0x800  }
0xb8: {  	[sflag:s23] =	ssyncset.done $0x0  }
0xb9: {  	s11 =	sadd.s32 $0x2B00, s0;
	[sflag:s23] =	ssyncadd.s32 $0xFFFFF800  }
0xba: {  	[spmem:s2] =	stream.indirect.scatter.add.f32 [tilespmem:s28], [sflag:$0x2], $0x10, s11, s16, $0xb8;
	[tilespmem:$0x13000] =	vst v63  }
0xbb: {  	_ =	swait.ge [sflag:s23], $0x800  }
0xbc: {  	[sflag:s23] =	ssyncset.done $0x0  }
0xbd: {  	s0 =	sadd.s32 $0x2B80, s0;
	[sflag:s23] =	ssyncadd.s32 $0xFFFFF800  }
0xbe: {  	[spmem:s2] =	stream.indirect.scatter.add.f32 [tilespmem:s29], [sflag:$0x2], $0x10, s0, s16, $0xb8;
	[tilespmem:$0x13000] =	vst v63  }
0xbf: {  	_ =	swait.ge [sflag:s15], $0x800  }
0xc0: {  	[sflag:s15] =	ssyncset.done $0x0  }
0xc1: {  	[sflag:s15] =	ssyncadd.s32 $0xFFFFF800  }
0xc2: {  	_ =	swait.ge [sflag:s15], $0x800  }
0xc3: {  	[sflag:s15] =	ssyncset.done $0x0  }
0xc4: {  	[sflag:s15] =	ssyncadd.s32 $0xFFFFF800  }
0xc5: {  	_ =	swait.ge [sflag:s15], $0x800  }
0xc6: {  	[sflag:s15] =	ssyncset.done $0x0  }
0xc7: {  	[sflag:s15] =	ssyncadd.s32 $0xFFFFF800  }
0xc8: {  	p1 =	seq.s32 s1, $0x9000;
	_ =	swait.ge [sflag:s15], $0x800  }
0xc9: {  	s0 =	sshra.s32 @!p1 s1, $0x2;
	s1 =	simm.s32 @!p1 $0x5000;
	[sflag:s15] =	ssyncset.done $0x0  }
0xca: {  	s19 =	simm.s32 @!p1 $0x80;
	s11 =	sadd.s32 @!p1 $0x400, s0;
	[sflag:s15] =	ssyncadd.s32 $0xFFFFF800  }
0xcb: {  	[tilespmem:s1], [sflag:$0x1] =	stream.indirect.gather @!p1 [spmem:s3], $0x10, s11, s19, $0xb8;
	[tilespmem:$0x13000] =	vst v63  }
0xcc: {  	s21 =	sadd.s32 @!p1 $0x500, s0;
	s1 =	sadd.s32 @!p1 $0x480, s0;
	s11 =	simm.s32 @!p1 $0x5800  }
0xcd: {  	[tilespmem:s11], [sflag:$0x1] =	stream.indirect.gather @!p1 [spmem:s3], $0x10, s1, s19, $0xb8;
	[tilespmem:$0x13000] =	vst v63  }
0xce: {  	s0 =	sadd.s32 @!p1 $0x580, s0;
	s1 =	simm.s32 @!p1 $0x6000  }
0xcf: {  	[tilespmem:s1], [sflag:$0x1] =	stream.indirect.gather @!p1 [spmem:s3], $0x10, s21, s19, $0xb8;
	[tilespmem:$0x13000] =	vst v63  }
0xd0: {  	s1 =	simm.s32 @!p1 $0x6800  }
0xd1: {  	[tilespmem:s1], [sflag:$0x1] =	stream.indirect.gather @!p1 [spmem:s3], $0x10, s0, s19, $0xb8;
	[tilespmem:$0x13000] =	vst v63  }
0xd2: {  	_ =	swait.ge [sflag:s15], $0x800  }
0xd3: {  	[sflag:s15] =	ssyncset.done $0x0  }
0xd4: {  	[sflag:s15] =	ssyncadd.s32 $0xFFFFF800  }
0xd5: {  	_ =	swait.ge [sflag:s15], $0x800  }
0xd6: {  	[sflag:s15] =	ssyncset.done $0x0  }
0xd7: {  	[sflag:s15] =	ssyncadd.s32 $0xFFFFF800  }
.Ltmp2:
0xd8: {  	_ =	swait.ge [sflag:s15], $0x800;
	(pc) =	sbr.rel @p0 .LBB2_6-.Ltmp2, $4  }
0xd9: {  	[sflag:s15] =	ssyncset.done $0x0  }
0xda: {  	[sflag:s15] =	ssyncadd.s32 $0xFFFFF800  }
0xdb: {  	_ =	swait.ge [sflag:s15], $0x800  }
0xdc: {  	[sflag:s15] =	ssyncset.done $0x0  }
0xdd: {  	[sflag:s15] =	ssyncadd.s32 $0xFFFFF800  }
0xde: {  	[bflag:$0x0] =	sbarrier.arrive $0xFFFF  }
0xdf: {  	[tilespmem:s13], [sflag:$0x3] =	stream.linear.gather [spmem:s7], $0x2800, $0x38;
	[tilespmem:$0x13000] =	vst v63  }
0xe0: {  	_ =	swait.ge [sflag:s12], $0x2800  }
0xe1: {  	[sflag:s12] =	ssyncset.done $0x0  }
0xe2: {  	s0 =	simm.s32 $0x0;
	[sflag:s12] =	ssyncadd.s32 $0xFFFFD800  }
0xe3: {  	v4 =	vld [tilespmem:s0+$0xB870]  }
0xe4: {  	v5 =	vld [tilespmem:s0+$0xB800]  }
0xe5: {  	v6 =	vld [tilespmem:s0+$0xB810]  }
0xe6: {  	v3 =	vld [tilespmem:s0+$0xB820]  }
0xe7: {  	v1 =	vld [tilespmem:s0+$0xB830]  }
0xe8: {  	v2 =	vld [tilespmem:s0+$0xB840];
	[tilespmem:s0+$0x9070] =	vst v4  }
0xe9: {  	[tilespmem:s0+$0x9000] =	vst v5;
	v4 =	vld [tilespmem:s0+$0xB850]  }
0xea: {  	s1 =	simm.s32 $0x80;
	s31 =	simm.s32 $0x400;
	[tilespmem:s0+$0x9010] =	vst v6;
	v5 =	vld [tilespmem:s0+$0xB860]  }
.LBB2_8:
0xeb: {  	p0 =	sne.s32 s31, $0x9E00;
	v6 =	vld [tilespmem:s1+$0xB870];
	[tilespmem:s0+$0x9020] =	vst v3  }
0xec: {  	v7 =	vld [tilespmem:s1+$0xB800];
	[tilespmem:s0+$0x9030] =	vst v1  }
0xed: {  	v8 =	vld [tilespmem:s1+$0xB810];
	[tilespmem:s0+$0x9040] =	vst v2  }
.Ltmp3:
0xee: {  	v3 =	vld [tilespmem:s1+$0xB820];
	[tilespmem:s0+$0x9050] =	vst v4;
	(pc) =	sbr.rel @p0 .LBB2_8-.Ltmp3, $4  }
0xef: {  	v1 =	vld [tilespmem:s1+$0xB830];
	[tilespmem:s0+$0x9060] =	vst v5;
	s0 =	smov.u32 s1  }
0xf0: {  	v2 =	vld [tilespmem:s0+$0xB840];
	[tilespmem:s0+$0x9070] =	vst v6  }
0xf1: {  	[tilespmem:s0+$0x9000] =	vst v7;
	v4 =	vld [tilespmem:s0+$0xB850]  }
0xf2: {  	s1 =	sshra.s32 s31, $0x2;
	s31 =	sadd.s32 $0x200, s31;
	[tilespmem:s0+$0x9010] =	vst v8;
	v5 =	vld [tilespmem:s0+$0xB860]  }
0xf3: {  	v6 =	vld [tilespmem:s1+$0xB870];
	[tilespmem:s0+$0x9020] =	vst v3  }
0xf4: {  	v3 =	vld [tilespmem:s1+$0xB800];
	[tilespmem:s0+$0x9030] =	vst v1  }
0xf5: {  	v1 =	vld [tilespmem:s1+$0xB810];
	[tilespmem:s0+$0x9040] =	vst v2  }
0xf6: {  	v2 =	vld [tilespmem:s1+$0xB820];
	[tilespmem:s0+$0x9050] =	vst v4  }
0xf7: {  	v4 =	vld [tilespmem:s1+$0xB830];
	[tilespmem:s0+$0x9060] =	vst v5  }
0xf8: {  	v5 =	vld [tilespmem:s1+$0xB840];
	[tilespmem:s1+$0x9070] =	vst v6  }
0xf9: {  	[tilespmem:s1+$0x9000] =	vst v3;
	v3 =	vld [tilespmem:s1+$0xB850]  }
0xfa: {  	[tilespmem:s1+$0x9010] =	vst v1;
	v1 =	vld [tilespmem:s1+$0xB860]  }
0xfb: {  	[tilespmem:s1+$0x9020] =	vst v2  }
0xfc: {  	[tilespmem:s1+$0x9030] =	vst v4  }
0xfd: {  	s30 =	sadd.s32 $0x1, s30;
	[tilespmem:s1+$0x9040] =	vst v5  }
0xfe: {  	p0 =	sne.s32 s30, s10;
	[tilespmem:s1+$0x9050] =	vst v3  }
.Ltmp4:
0xff: {  	[tilespmem:s1+$0x9060] =	vst v1;
	(pc) =	sbr.rel @p0 .LBB2_1-.Ltmp4, $4  }
0x100: {  	[hbm4b:s24+s4] =	stream.linear.scatter [tilespmem:s14], [sflag:$0x3], $0x2800, $0x38;
	[tilespmem:$0x13000] =	vst v63  }
0x101: {  	_ =	swait.ge [sflag:s12], $0x2800  }
0x102: {  	[sflag:s12] =	ssyncset.done $0x0  }
0x103: {  	[sflag:s12] =	ssyncadd.s32 $0xFFFFD800  }
0x104: {  	_ =	sfence.sel $0x180000  }
0x105: {  	[bflag:$0x0] =	sbarrier.arrive $0xFFFF  }
0x106: {  	_ =	strace $0x90000047  }
0x107: {  	s0 =	stileid.u32;
	[bflag:$0x2] =	sbarrier.arrive $0xFFFF  }
0x108: {  	p0 =	sne.s32 s0, $0x0;
	s0 =	rddreg [dreg:$0x3]  }
0x109: {  	s0 =	sadd.s32 @!p0 $0x100000, s0  }
0x10a: {  	[sflag:s0] =	ssyncadd.tile.s32 @!p0 $0x1;
	_ =	shalt  }
.Lfunc_end2:
_tile_overlayer_lowered:
.L_overlay_start_2:
0x10b: {  	(tag) =	ssettag $0x2  }
0x10c: {  	s0 =	rddreg [dreg:$0x0];
	s2 =	stileid.u32  }
0x10d: {  	s1 =	rddreg [dreg:$0x1];
	p0 =	sne.s32 s2, $0x0  }
0x10e: {  	s3 =	rddreg [dreg:$0x2];
	[bflag:$0x3] =	sbarrier.arrive $0xFFFF;
	s2 =	simm.s32 @!p0 $0x1C03  }
0x10f: {  	[timem:s3], [sflag:s2] =	dma.local @!p0 [hbm:s0], s1  }
0x110: {  	s0 =	simm.s32 @!p0 $0x3  }
0x111: {  	_ =	swait.ge @!p0 [sflag:s0], s1  }
0x112: {  	s1 =	ssub.s32 @!p0 $0x0, s1;
	[sflag:s0] =	ssyncset.done @!p0 $0x0  }
0x113: {  	[sflag:s0] =	ssyncadd.s32 @!p0 s1  }
0x114: {  	[bflag:$0x3] =	sbarrier.arrive $0xFFFF  }
0x115: {  	_ =	shalt  }

// kernel: kernel.15.cloned.1.call-start
scs
__scs_entry_jumppad:
0x0: {  	(pc) =	sbr.rel $0x88, $3  }
0x1: {  	(tag) =	ssettag $0x0;
	lr =	simm.s32 $0x1  }
0x2: {  	[smem:$0x3F98] =	sst lr;
	_ =	strace $0xD0000000  }
0x3: {  	_ = 	snop  }
0x4: {  	_ = 	snop  }
0x5: {  	_ = 	snop  }
0x6: {  	_ = 	snop  }
0x7: {  	_ = 	snop  }
__scs_overlays_trampoline_lowered:
0x8: {  	[smem:$0x3FA7] =	sst s0  }
0x9: {  	[smem:$0x3FA8] =	sst s1  }
0xa: {  	[smem:$0x3FA9] =	sst s2  }
0xb: {  	[smem:$0x3FAA] =	sst s3  }
0xc: {  	[smem:$0x3FAB] =	sst s4  }
0xd: {  	[smem:$0x3FAC] =	sst s5  }
0xe: {  	[smem:$0x3FAD] =	sst s6  }
0xf: {  	[smem:$0x3FAE] =	sst s7  }
0x10: {  	[smem:$0x3FAF] =	sst s8  }
0x11: {  	[smem:$0x3FB0] =	sst s9;
	s0 =	simm.s32 @!p0 $0x0  }
0x12: {  	s1 =	sld [smem:$0x3F96];
	s0 =	simm.s32 @p0 $0x1  }
0x13: {  	[smem:$0x3FB1] =	sst s0;
	s0 =	simm.s32 @!p1 $0x0  }
0x14: {  	s2 =	sld [smem:$0x3F95];
	s0 =	simm.s32 @p1 $0x1  }
0x15: {  	[smem:$0x3FB2] =	sst s0;
	s0 =	simm.s32 @!p2 $0x0  }
0x16: {  	s3 =	sld [smem:$0x3FDB];
	s0 =	simm.s32 @p2 $0x1  }
0x17: {  	s4 =	simm.s32 $0x1BF5;
	[smem:$0x3FB4] =	sst s0  }
0x18: {  	s0 =	sld [smem:$0x3F97];
	_ =	swait.ge [sflag:s4], $0x0  }
0x19: {  	s7 =	sld [smem:$0x3F98]  }
0x1a: {  	s8 =	sadd.s32 $0xFFFFE003, lr  }
0x1b: {  	s9 =	sadd.s32 $0xFFFFFEF7, lr;
	s5 =	simm.s32 $0xFFFFFFFF;
	p2 =	slt.u32 s8, $0xFFFFF086  }
0x1c: {  	p1 =	slt.u32 s9, $0xF7A;
	s5 =	simm.s32 @!p2 $0x0  }
0x1d: {  	s5 =	simm.s32 @p1 $0x1;
	p0 =	seq.s32 s7, s2  }
0x1e: {  	s7 =	smul.u32 @!p0 $0xF7A, s2;
	p2 =	seq.s32 @!p0 s5, $0x0  }
0x1f: {  	s9 =	smul.u32 $0xF7A, s1;
	s8 =	simm.s32 @!p0 $0x1BF5;
	p2 =	por !p2, p0  }
0x20: {  	[sflag:s8] =	ssyncset.s32 @!p0 $0xFFFFF086;
	s6 =	sadd.s32 @!p0 s3, s7;
	s7 =	simm.s32 @!p0 $0x108  }
0x21: {  	s3 =	sadd.s32 s3, s9;
	s6 =	sadd.s32 @!p0 $0x88, s6;
	s7 =	simm.s32 @p2 $0x1082  }
0x22: {  	[simem:s7], [sflag:s8] =	dma.local @!p0 [hbm:s6], $0xF7A  }
0x23: {  	s9 =	sor.u32 $0xD0000000, s2;
	s6 =	simm.s32 $0x108;
	_ =	swait.ge @!p0 [sflag:s8], $0x0  }
0x24: {  	s3 =	sadd.s32 $0x88, s3;
	s6 =	simm.s32 @!p1 $0x1082;
	[sflag:s4] =	ssyncset.s32 $0xFFFFF086  }
0x25: {  	[simem:s6], [sflag:s4] =	dma.local [hbm:s3], $0xF7A  }
0x26: {  	[smem:$0x3F98] =	sst s1;
	(tag) =	ssettag s2;
	_ =	strace s9  }
0x27: {  	s1 =	sld [smem:$0x3FA8]  }
0x28: {  	s2 =	sld [smem:$0x3FA9]  }
0x29: {  	s4 =	sld [smem:$0x3FAB]  }
0x2a: {  	p0 =	seq.s32 s5, $0x0;
	s5 =	sld [smem:$0x3FAC]  }
0x2b: {  	s6 =	sld [smem:$0x3FAD]  }
0x2c: {  	s7 =	sld [smem:$0x3FAE]  }
0x2d: {  	s3 =	simm.s32 $0x108;
	s8 =	sld [smem:$0x3FAF]  }
0x2e: {  	s3 =	simm.s32 @!p0 $0x1082;
	s9 =	sld [smem:$0x3FB0]  }
0x2f: {  	lr =	sadd.s32 s0, s3;
	s0 =	sld [smem:$0x3FA7]  }
0x30: {  	s3 =	sld [smem:$0x3FAA]  }
0x31: {  	[smem:$0x3FB3] =	sst s10  }
0x32: {  	s10 =	sld [smem:$0x3FB1];
	_ =	sdelay $0x3  }
0x33: {  	p0 =	seq.s32 s10, $0x1;
	s10 =	sld [smem:$0x3FB3];
	_ =	sdelay $0x3  }
0x34: {  	[smem:$0x3FB3] =	sst s10  }
0x35: {  	s10 =	sld [smem:$0x3FB2];
	_ =	sdelay $0x3  }
0x36: {  	p1 =	seq.s32 s10, $0x1;
	s10 =	sld [smem:$0x3FB3];
	_ =	sdelay $0x3  }
0x37: {  	[smem:$0x3FB3] =	sst s10  }
0x38: {  	s10 =	sld [smem:$0x3FB4]  }
0x39: {  	_ = 	snop;
	(pc) =	sbr.ind lr, $3  }
0x3a: {  	_ = 	snop  }
0x3b: {  	_ = 	snop  }
0x3c: {  	p2 =	seq.s32 s10, $0x1;
	s10 =	sld [smem:$0x3FB3]  }
0x3d: {  	_ =	shalt  }
0x3e: {  	_ =	shalt  }
0x3f: {  	_ =	shalt  }
0x40: {  	_ =	shalt  }
0x41: {  	_ =	shalt  }
0x42: {  	_ =	shalt  }
0x43: {  	_ =	shalt  }
0x44: {  	_ =	shalt  }
0x45: {  	_ =	shalt  }
0x46: {  	_ =	shalt  }
0x47: {  	_ =	shalt  }
0x48: {  	_ =	shalt  }
0x49: {  	_ =	shalt  }
0x4a: {  	_ =	shalt  }
0x4b: {  	_ =	shalt  }
0x4c: {  	_ =	shalt  }
0x4d: {  	_ =	shalt  }
0x4e: {  	_ =	shalt  }
0x4f: {  	_ =	shalt  }
0x50: {  	_ =	shalt  }
0x51: {  	_ =	shalt  }
0x52: {  	_ =	shalt  }
0x53: {  	_ =	shalt  }
0x54: {  	_ =	shalt  }
0x55: {  	_ =	shalt  }
0x56: {  	_ =	shalt  }
0x57: {  	_ =	shalt  }
0x58: {  	_ =	shalt  }
0x59: {  	_ =	shalt  }
0x5a: {  	_ =	shalt  }
0x5b: {  	_ =	shalt  }
0x5c: {  	_ =	shalt  }
0x5d: {  	_ =	shalt  }
0x5e: {  	_ =	shalt  }
0x5f: {  	_ =	shalt  }
0x60: {  	_ =	shalt  }
0x61: {  	_ =	shalt  }
0x62: {  	_ =	shalt  }
0x63: {  	_ =	shalt  }
0x64: {  	_ =	shalt  }
0x65: {  	_ =	shalt  }
0x66: {  	_ =	shalt  }
0x67: {  	_ =	shalt  }
0x68: {  	_ =	shalt  }
0x69: {  	_ =	shalt  }
0x6a: {  	_ =	shalt  }
0x6b: {  	_ =	shalt  }
0x6c: {  	_ =	shalt  }
0x6d: {  	_ =	shalt  }
0x6e: {  	_ =	shalt  }
0x6f: {  	_ =	shalt  }
0x70: {  	_ =	shalt  }
0x71: {  	_ =	shalt  }
0x72: {  	_ =	shalt  }
0x73: {  	_ =	shalt  }
0x74: {  	_ =	shalt  }
0x75: {  	_ =	shalt  }
0x76: {  	_ =	shalt  }
0x77: {  	_ =	shalt  }
0x78: {  	_ =	shalt  }
0x79: {  	_ =	shalt  }
0x7a: {  	_ =	shalt  }
0x7b: {  	_ =	shalt  }
0x7c: {  	_ =	shalt  }
0x7d: {  	_ =	shalt  }
0x7e: {  	_ =	shalt  }
0x7f: {  	_ =	shalt  }
0x80: {  	_ =	shalt  }
0x81: {  	_ =	shalt  }
0x82: {  	_ =	shalt  }
0x83: {  	_ =	shalt  }
0x84: {  	_ =	shalt  }
0x85: {  	_ =	shalt  }
0x86: {  	_ =	shalt  }
0x87: {  	_ =	shalt  }
.Lfunc_end0:
.L_simem_size_0:
called_computation.2_lowered:
.L_overlay_start_0:
0x88: {  	s2 =	sld [smem:$0x3FD9]  }
0x89: {  	s3 =	sld [smem:$0x3FFE];
	_ =	sdelay $0x1  }
0x8a: {  	s1 =	srdreg.scid  }
0x8b: {  	s0 =	sand.u32 $0x1, s1  }
0x8c: {  	s16 =	sshll.u32 s0, $0xA;
	s2 =	sadd.s32 s3, s2  }
0x8d: {  	s2 =	sadd.s32 s2, s16  }
0x8e: {  	[smem:$0x3FBF] =	sst s2  }
0x8f: {  	_ = 	snop  }
0x90: {  	(tm) =	ssettm $0x1  }
0x91: {  	s17 =	sld [smem:$0x3FFB];
	_ =	sdelay $0x3  }
0x92: {  	_ =	strace s17  }
0x93: {  	s2 =	sld [smem:$0x3FFC];
	_ =	sdelay $0x3  }
0x94: {  	_ =	strace s2  }
0x95: {  	s2 =	sld [smem:$0x3FFD];
	_ =	sdelay $0x3  }
0x96: {  	_ =	strace s2  }
0x97: {  	_ =	strace $0x8FFFFFFF  }
0x98: {  	s18 =	sld [smem:$0x3FDB];
	_ =	sdelay $0x1  }
0x99: {  	s19 =	simm.s32 $_scs_section_size  }
0x9a: {  	s4 =	simm.s32 $_size__tile_overlayer_lowered;
	s5 =	simm.s32 $_tile_overlayer_lowered  }
0x9b: {  	s22 =	simm.s32 $0x1BFF;
	s21 =	sshll.u32 s5, $0x1;
	s2 =	sadd.s32 s19, s18  }
0x9c: {  	s6 =	simm.s32 $0x0;
	s20 =	sshll.u32 s4, $0x1;
	s4 =	sadd.s32 s21, s2  }
0x9d: {  	[timem:s6], [sflag:s22] =	dma.local [hbm:s4], s20  }
0x9e: {  	_ =	swait.ge [sflag:s22], s20  }
0x9f: {  	s3 =	ssub.s32 $0x0, s20;
	[sflag:s22] =	ssyncset.done $0x0  }
0xa0: {  	[sflag:s22] =	ssyncadd.s32 s3;
	_ =	sdelay $0x1  }
0xa1: {  	s23 =	simm.s32 $0x1B8B  }
0xa2: {  	_ =	swait.ge [sflag:s23], $0x1  }
0xa3: {  	[sflag:s23] =	ssyncset.done $0x0  }
0xa4: {  	s25 =	simm.s32 $0x1B8E;
	s24 =	sld [smem:$0x3FFE];
	[sflag:s23] =	ssyncadd.s32 $0xFFFFFFFF  }
0xa5: {  	s26 =	simm.s32 $execute0_lowered;
	[smem:$0x3FD2] =	sst s25  }
0xa6: {  	s4 =	sshll.u32 s26, $0x1;
	_ =	strace $0x8000004C;
	[dreg:$0x1] =	wrdreg $0xFFFFFFFF  }
0xa7: {  	s28 =	simm.s32 $_size_execute0_lowered;
	s2 =	sadd.s32 s2, s4;
	[dreg:$0x0] =	wrdreg $0x0  }
0xa8: {  	s4 =	sshll.u32 s28, $0x1;
	[dreg:$0x2] =	wrdreg s2  }
0xa9: {  	[dreg:$0x3] =	wrdreg s4  }
0xaa: {  	[dreg:$0x4] =	wrdreg $0xC0  }
0xab: {  	_ =	task [dreg:s6], $0x5FFFF  }
0xac: {  	[dreg:$0x1] =	wrdreg $0xFFFFFFFF  }
0xad: {  	[dreg:$0x0] =	wrdreg $0x60  }
0xae: {  	[dreg:$0x2] =	wrdreg s24  }
0xaf: {  	[dreg:$0x3] =	wrdreg $0x108000  }
0xb0: {  	[dreg:$0x4] =	wrdreg $0xE0000  }
0xb1: {  	[dreg:$0x5] =	wrdreg $0x9  }
0xb2: {  	_ =	task.clear_ibuf [dreg:s6], $0x6FFFF;
	_ =	strace $0x9000004C  }
0xb3: {  	s29 =	simm.s32 $0x9;
	_ =	strace $0x8000004E  }
0xb4: {  	_ =	swait.ge [sflag:s29], $0x1  }
0xb5: {  	[sflag:s29] =	ssyncadd.s32 $0xFFFFFFFF  }
0xb6: {  	_ =	strace $0x9000004E  }
0xb7: {  	_ =	sfence  }
0xb8: {  	s30 =	sld [smem:$0x0];
	_ =	sdelay $0x2  }
0xb9: {  	s31 =	sshll.u32 s1, $0xD;
	s1 =	sshrl.u32 s1, $0x2  }
0xba: {  	s3 =	sand.u32 $0x4000, s31;
	s1 =	sadd.s32 s1, s30  }
0xbb: {  	s0 =	sor.u32 s3, s0;
	s1 =	sshll.u32 s1, $0x11  }
0xbc: {  	s0 =	sor.u32 s1, s0  }
0xbd: {  	s0 =	sadd.s32 $0x8F2B, s0  }
0xbe: {  	[sflag:s0] =	ssyncadd.remote.s32 $0x1  }
0xbf: {  	_ =	sfence.sel $0xFFFF  }
0xc0: {  	[dreg:$0x0] =	wrdreg $0xFFFFFFFF;
	(pc) =	sbr.abs _section_cstart, $3  }
0xc1: {  	[dreg:$0x1] =	wrdreg $0xFFFFFFFF  }
0xc2: {  	_ =	task.clear_ibuf [dreg:s6], $0x2FFFF;
	_ =	strace $0x9FFFFFFF  }
0xc3: {  	(tm) =	ssettm $0x7FFFFFFF  }
tec
execute0_lowered:
.L_overlay_start_1:
0x0: {  	(tag) =	ssettag $0x1  }
0x1: {  	s1 =	rddreg [dreg:$0x0]  }
0x2: {  	s0 =	srdreg.scid;
	s2 =	rddreg [dreg:$0x1]  }
0x3: {  	s9 =	stileid.u32;
	s3 =	rddreg [dreg:$0x2]  }
0x4: {  	s12 =	simm.s32 $0x3;
	s13 =	simm.s32 $0xB800;
	s14 =	simm.s32 $0x9000  }
0x5: {  	s15 =	simm.s32 $0x2;
	s16 =	simm.s32 $0x80;
	s17 =	simm.s32 $0x5000  }
0x6: {  	s18 =	simm.s32 $0x5800;
	s20 =	simm.s32 $0x6000;
	s22 =	simm.s32 $0x6800  }
0x7: {  	s23 =	simm.s32 $0x1;
	s25 =	simm.s32 $0x7000;
	s26 =	simm.s32 $0x7800  }
0x8: {  	s28 =	simm.s32 $0x8000;
	s29 =	simm.s32 $0x8800;
	s0 =	sand.u32 $0x1, s0  }
0x9: {  	s30 =	simm.s32 $0x0;
	s24 =	smul.u32 $0x500, s9;
	s4 =	sshll.u32 s0, $0x4  }
0xa: {  	s6 =	smul.u32 $0x5000, s0;
	s0 =	ssub.s32 $0x2, s0;
	s5 =	sor.u32 s9, s4  }
0xb: {  	s4 =	simm.s32 $0x0;
	s8 =	sadd.s32 s24, s1;
	s9 =	smul.u32 $0x2800, s9  }
0xc: {  	s31 =	sshrl.u32 s0, $0x1;
	s5 =	smul.u32 $0x500, s5;
	[smem:$0x7FF] =	sst s4  }
0xd: {  	s0 =	ssub.s32 s0, s31;
	s8 =	sadd.s32 $0x3200, s8;
	_ =	strace $0x8000004D  }
0xe: {  	s10 =	smax.u32 s0, $0x1;
	s7 =	sadd.s32 s5, s1;
	s1 =	sadd.s32 s6, s1  }
0xf: {  	s5 =	sadd.s32 $0x17200, s7;
	s6 =	sadd.s32 $0xD200, s7;
	s1 =	sadd.s32 $0x21200, s1  }
0x10: {  	v0 =	vimm.f32 $0.0e+00;
	s7 =	sadd.s32 s9, s2;
	s9 =	sadd.s32 s9, s3;
	s24 =	sadd.s32 s24, s1  }
.LBB2_1:
0x11: {  	[tilespmem:s4], [sflag:$0x2] =	stream.linear.gather [hbm4b:s5+s4], $0x2800, $0x38;
	[tilespmem:$0x13000] =	vst v63  }
0x12: {  	s0 =	simm.s32 $0x2800  }
0x13: {  	[tilespmem:s0], [sflag:$0x3] =	stream.linear.gather [hbm4b:s6+s4], $0x2800, $0x38;
	[tilespmem:$0x13000] =	vst v63  }
0x14: {  	_ =	swait.ge [sflag:s12], $0x2800  }
0x15: {  	[sflag:s12] =	ssyncset.done $0x0  }
0x16: {  	s1 =	simm.s32 $0x0;
	s0 =	simm.s32 $0x40;
	[sflag:s12] =	ssyncadd.s32 $0xFFFFD800  }
.LBB2_2:
0x17: {  	p0 =	sne.s32 s0, $0x9FC0;
	[tilespmem:s1+$0xB800] =	vst v0;
	s1 =	smov.u32 s0;
	s0 =	sadd.s32 $0x40, s0  }
.Ltmp0:
0x18: {  	(pc) =	sbr.rel @p0 .LBB2_2-.Ltmp0, $2  }
0x19: {  	_ =	sdelay $0x2  }
0x1a: {  	s1 =	sshra.s32 s1, $0x2  }
0x1b: {  	[tilespmem:s1+$0xB800] =	vst v0  }
0x1c: {  	[spmem:s7] =	stream.linear.scatter [tilespmem:s13], [sflag:$0x3], $0x2800, $0x38;
	[tilespmem:$0x13000] =	vst v63  }
0x1d: {  	_ =	swait.ge [sflag:s12], $0x2800  }
0x1e: {  	[sflag:s12] =	ssyncset.done $0x0  }
0x1f: {  	s0 =	simm.s32 $0x0;
	[sflag:s12] =	ssyncadd.s32 $0xFFFFD800  }
0x20: {  	[tilespmem:s14], [sflag:$0x3] =	stream.linear.gather [hbm4b:s8+s0], $0x2800, $0x38;
	[tilespmem:$0x13000] =	vst v63  }
0x21: {  	_ =	swait.ge [sflag:s12], $0x2800  }
0x22: {  	[sflag:s12] =	ssyncset.done $0x0  }
0x23: {  	s0 =	simm.s32 $0x0;
	[sflag:s12] =	ssyncadd.s32 $0xFFFFD800  }
0x24: {  	v4 =	vld [tilespmem:s0+$0x9070]  }
0x25: {  	v5 =	vld [tilespmem:s0+$0x9000]  }
0x26: {  	v6 =	vld [tilespmem:s0+$0x9010]  }
0x27: {  	v3 =	vld [tilespmem:s0+$0x9020]  }
0x28: {  	v1 =	vld [tilespmem:s0+$0x9030]  }
0x29: {  	v2 =	vld [tilespmem:s0+$0x9040];
	[tilespmem:s0+$0xB870] =	vst v4  }
0x2a: {  	[tilespmem:s0+$0xB800] =	vst v5;
	v4 =	vld [tilespmem:s0+$0x9050]  }
0x2b: {  	s1 =	simm.s32 $0x80;
	s31 =	simm.s32 $0x400;
	[tilespmem:s0+$0xB810] =	vst v6;
	v5 =	vld [tilespmem:s0+$0x9060]  }
.LBB2_4:
0x2c: {  	p0 =	sne.s32 s31, $0x9E00;
	v6 =	vld [tilespmem:s1+$0x9070];
	[tilespmem:s0+$0xB820] =	vst v3  }
0x2d: {  	v7 =	vld [tilespmem:s1+$0x9000];
	[tilespmem:s0+$0xB830] =	vst v1  }
0x2e: {  	v8 =	vld [tilespmem:s1+$0x9010];
	[tilespmem:s0+$0xB840] =	vst v2  }
.Ltmp1:
0x2f: {  	v3 =	vld [tilespmem:s1+$0x9020];
	[tilespmem:s0+$0xB850] =	vst v4;
	(pc) =	sbr.rel @p0 .LBB2_4-.Ltmp1, $4  }
0x30: {  	v1 =	vld [tilespmem:s1+$0x9030];
	[tilespmem:s0+$0xB860] =	vst v5;
	s0 =	smov.u32 s1  }
0x31: {  	v2 =	vld [tilespmem:s0+$0x9040];
	[tilespmem:s0+$0xB870] =	vst v6  }
0x32: {  	[tilespmem:s0+$0xB800] =	vst v7;
	v4 =	vld [tilespmem:s0+$0x9050]  }
0x33: {  	s1 =	sshra.s32 s31, $0x2;
	s31 =	sadd.s32 $0x200, s31;
	[tilespmem:s0+$0xB810] =	vst v8;
	v5 =	vld [tilespmem:s0+$0x9060]  }
0x34: {  	v6 =	vld [tilespmem:s1+$0x9070];
	[tilespmem:s0+$0xB820] =	vst v3  }
0x35: {  	v3 =	vld [tilespmem:s1+$0x9000];
	[tilespmem:s0+$0xB830] =	vst v1  }
0x36: {  	v1 =	vld [tilespmem:s1+$0x9010];
	[tilespmem:s0+$0xB840] =	vst v2  }
0x37: {  	v2 =	vld [tilespmem:s1+$0x9020];
	[tilespmem:s0+$0xB850] =	vst v4  }
0x38: {  	v4 =	vld [tilespmem:s1+$0x9030];
	[tilespmem:s0+$0xB860] =	vst v5  }
0x39: {  	v5 =	vld [tilespmem:s1+$0x9040];
	[tilespmem:s1+$0xB870] =	vst v6  }
0x3a: {  	[tilespmem:s1+$0xB800] =	vst v3;
	v3 =	vld [tilespmem:s1+$0x9050]  }
0x3b: {  	[tilespmem:s1+$0xB810] =	vst v1;
	v1 =	vld [tilespmem:s1+$0x9060]  }
0x3c: {  	[tilespmem:s1+$0xB820] =	vst v2  }
0x3d: {  	[tilespmem:s1+$0xB830] =	vst v4  }
0x3e: {  	[tilespmem:s1+$0xB840] =	vst v5  }
0x3f: {  	[tilespmem:s1+$0xB850] =	vst v3  }
0x40: {  	[tilespmem:s1+$0xB860] =	vst v1  }
0x41: {  	[spmem:s9] =	stream.linear.scatter [tilespmem:s13], [sflag:$0x3], $0x2800, $0x38;
	[tilespmem:$0x13000] =	vst v63  }
0x42: {  	_ =	swait.ge [sflag:s12], $0x2800  }
0x43: {  	[sflag:s12] =	ssyncset.done $0x0  }
0x44: {  	[sflag:s12] =	ssyncadd.s32 $0xFFFFD800  }
0x45: {  	_ =	swait.ge [sflag:s15], $0x2800  }
0x46: {  	[sflag:s15] =	ssyncset.done $0x0  }
0x47: {  	[sflag:s15] =	ssyncadd.s32 $0xFFFFD800  }
0x48: {  	s11 =	simm.s32 $0x0;
	[bflag:$0x0] =	sbarrier.arrive $0xFFFF  }
0x49: {  	[tilespmem:s17], [sflag:$0x1] =	stream.indirect.gather [spmem:s3], $0x10, s11, s16, $0xb8;
	[tilespmem:$0x13000] =	vst v63  }
0x4a: {  	_ = 	snop  }
0x4b: {  	[tilespmem:s18], [sflag:$0x1] =	stream.indirect.gather [spmem:s3], $0x10, s16, s16, $0xb8;
	[tilespmem:$0x13000] =	vst v63  }
0x4c: {  	s19 =	simm.s32 $0x100  }
0x4d: {  	[tilespmem:s20], [sflag:$0x1] =	stream.indirect.gather [spmem:s3], $0x10, s19, s16, $0xb8;
	[tilespmem:$0x13000] =	vst v63  }
0x4e: {  	s21 =	simm.s32 $0x180  }
0x4f: {  	[tilespmem:s22], [sflag:$0x1] =	stream.indirect.gather [spmem:s3], $0x10, s21, s16, $0xb8;
	[tilespmem:$0x13000] =	vst v63  }
0x50: {  	_ =	swait.ge [sflag:s23], $0x800  }
0x51: {  	[sflag:s23] =	ssyncset.done $0x0  }
0x52: {  	s1 =	simm.s32 $0x2800;
	[sflag:s23] =	ssyncadd.s32 $0xFFFFF800  }
0x53: {  	[spmem:s2] =	stream.indirect.scatter.add.f32 [tilespmem:s17], [sflag:$0x2], $0x10, s1, s16, $0xb8;
	[tilespmem:$0x13000] =	vst v63  }
0x54: {  	_ =	swait.ge [sflag:s23], $0x800  }
0x55: {  	[sflag:s23] =	ssyncset.done $0x0  }
0x56: {  	s11 =	simm.s32 $0x2880;
	[sflag:s23] =	ssyncadd.s32 $0xFFFFF800  }
0x57: {  	[spmem:s2] =	stream.indirect.scatter.add.f32 [tilespmem:s18], [sflag:$0x2], $0x10, s11, s16, $0xb8;
	[tilespmem:$0x13000] =	vst v63  }
0x58: {  	_ =	swait.ge [sflag:s23], $0x800  }
0x59: {  	[sflag:s23] =	ssyncset.done $0x0  }
0x5a: {  	s19 =	simm.s32 $0x2900;
	[sflag:s23] =	ssyncadd.s32 $0xFFFFF800  }
0x5b: {  	[spmem:s2] =	stream.indirect.scatter.add.f32 [tilespmem:s20], [sflag:$0x2], $0x10, s19, s16, $0xb8;
	[tilespmem:$0x13000] =	vst v63  }
0x5c: {  	_ =	swait.ge [sflag:s23], $0x800  }
0x5d: {  	[sflag:s23] =	ssyncset.done $0x0  }
0x5e: {  	s21 =	simm.s32 $0x2980;
	[sflag:s23] =	ssyncadd.s32 $0xFFFFF800  }
0x5f: {  	[spmem:s2] =	stream.indirect.scatter.add.f32 [tilespmem:s22], [sflag:$0x2], $0x10, s21, s16, $0xb8;
	[tilespmem:$0x13000] =	vst v63  }
0x60: {  	s1 =	simm.s32 $0x200  }
0x61: {  	[tilespmem:s25], [sflag:$0x1] =	stream.indirect.gather [spmem:s3], $0x10, s1, s16, $0xb8;
	[tilespmem:$0x13000] =	vst v63  }
0x62: {  	s11 =	simm.s32 $0x280  }
0x63: {  	[tilespmem:s26], [sflag:$0x1] =	stream.indirect.gather [spmem:s3], $0x10, s11, s16, $0xb8;
	[tilespmem:$0x13000] =	vst v63  }
0x64: {  	s19 =	simm.s32 $0x300  }
0x65: {  	[tilespmem:s28], [sflag:$0x1] =	stream.indirect.gather [spmem:s3], $0x10, s19, s16, $0xb8;
	[tilespmem:$0x13000] =	vst v63  }
0x66: {  	s21 =	simm.s32 $0x380  }
0x67: {  	[tilespmem:s29], [sflag:$0x1] =	stream.indirect.gather [spmem:s3], $0x10, s21, s16, $0xb8;
	[tilespmem:$0x13000] =	vst v63  }
0x68: {  	_ =	swait.ge [sflag:s23], $0x800  }
0x69: {  	[sflag:s23] =	ssyncset.done $0x0  }
0x6a: {  	s1 =	simm.s32 $0x2A00;
	[sflag:s23] =	ssyncadd.s32 $0xFFFFF800  }
0x6b: {  	[spmem:s2] =	stream.indirect.scatter.add.f32 [tilespmem:s25], [sflag:$0x2], $0x10, s1, s16, $0xb8;
	[tilespmem:$0x13000] =	vst v63  }
0x6c: {  	_ =	swait.ge [sflag:s23], $0x800  }
0x6d: {  	[sflag:s23] =	ssyncset.done $0x0  }
0x6e: {  	s11 =	simm.s32 $0x2A80;
	[sflag:s23] =	ssyncadd.s32 $0xFFFFF800  }
0x6f: {  	[spmem:s2] =	stream.indirect.scatter.add.f32 [tilespmem:s26], [sflag:$0x2], $0x10, s11, s16, $0xb8;
	[tilespmem:$0x13000] =	vst v63  }
0x70: {  	_ =	swait.ge [sflag:s23], $0x800  }
0x71: {  	[sflag:s23] =	ssyncset.done $0x0  }
0x72: {  	s19 =	simm.s32 $0x2B00;
	[sflag:s23] =	ssyncadd.s32 $0xFFFFF800  }
0x73: {  	[spmem:s2] =	stream.indirect.scatter.add.f32 [tilespmem:s28], [sflag:$0x2], $0x10, s19, s16, $0xb8;
	[tilespmem:$0x13000] =	vst v63  }
0x74: {  	_ =	swait.ge [sflag:s23], $0x800  }
0x75: {  	[sflag:s23] =	ssyncset.done $0x0  }
0x76: {  	s21 =	simm.s32 $0x2B80;
	[sflag:s23] =	ssyncadd.s32 $0xFFFFF800  }
0x77: {  	[spmem:s2] =	stream.indirect.scatter.add.f32 [tilespmem:s29], [sflag:$0x2], $0x10, s21, s16, $0xb8;
	[tilespmem:$0x13000] =	vst v63  }
0x78: {  	_ =	swait.ge [sflag:s15], $0x800  }
0x79: {  	[sflag:s15] =	ssyncset.done $0x0  }
0x7a: {  	[sflag:s15] =	ssyncadd.s32 $0xFFFFF800  }
0x7b: {  	_ =	swait.ge [sflag:s15], $0x800  }
0x7c: {  	[sflag:s15] =	ssyncset.done $0x0  }
0x7d: {  	[sflag:s15] =	ssyncadd.s32 $0xFFFFF800  }
0x7e: {  	_ =	swait.ge [sflag:s15], $0x800  }
0x7f: {  	[sflag:s15] =	ssyncset.done $0x0  }
0x80: {  	[sflag:s15] =	ssyncadd.s32 $0xFFFFF800  }
0x81: {  	p0 =	por $0x0, $0x0;
	_ =	swait.ge [sflag:s15], $0x800  }
0x82: {  	s31 =	simm.s32 @!p0 $0x80;
	[sflag:s15] =	ssyncset.done $0x0  }
0x83: {  	s0 =	simm.s32 @!p0 $0x5000;
	s1 =	simm.s32 @!p0 $0x400;
	[sflag:s15] =	ssyncadd.s32 $0xFFFFF800  }
0x84: {  	[tilespmem:s0], [sflag:$0x1] =	stream.indirect.gather @!p0 [spmem:s3], $0x10, s1, s31, $0xb8;
	[tilespmem:$0x13000] =	vst v63  }
0x85: {  	s0 =	simm.s32 @!p0 $0x480;
	s1 =	simm.s32 @!p0 $0x5800  }
0x86: {  	[tilespmem:s1], [sflag:$0x1] =	stream.indirect.gather @!p0 [spmem:s3], $0x10, s0, s31, $0xb8;
	[tilespmem:$0x13000] =	vst v63  }
0x87: {  	s0 =	simm.s32 @!p0 $0x500;
	s1 =	simm.s32 @!p0 $0x6000  }
0x88: {  	[tilespmem:s1], [sflag:$0x1] =	stream.indirect.gather @!p0 [spmem:s3], $0x10, s0, s31, $0xb8;
	[tilespmem:$0x13000] =	vst v63  }
0x89: {  	s0 =	simm.s32 @!p0 $0x580;
	s1 =	simm.s32 @!p0 $0x6800  }
0x8a: {  	[tilespmem:s1], [sflag:$0x1] =	stream.indirect.gather @!p0 [spmem:s3], $0x10, s0, s31, $0xb8;
	[tilespmem:$0x13000] =	vst v63  }
0x8b: {  	_ =	swait.ge [sflag:s15], $0x800  }
0x8c: {  	[sflag:s15] =	ssyncset.done $0x0  }
0x8d: {  	[sflag:s15] =	ssyncadd.s32 $0xFFFFF800  }
0x8e: {  	_ =	swait.ge [sflag:s15], $0x800  }
0x8f: {  	[sflag:s15] =	ssyncset.done $0x0  }
0x90: {  	[sflag:s15] =	ssyncadd.s32 $0xFFFFF800  }
0x91: {  	_ =	swait.ge [sflag:s15], $0x800  }
0x92: {  	[sflag:s15] =	ssyncset.done $0x0  }
0x93: {  	[sflag:s15] =	ssyncadd.s32 $0xFFFFF800  }
0x94: {  	_ =	swait.ge [sflag:s15], $0x800  }
0x95: {  	s31 =	simm.s32 $0x1000;
	[sflag:s15] =	ssyncset.done $0x0  }
.LBB2_6:
0x96: {  	[sflag:s15] =	ssyncadd.s32 $0xFFFFF800;
	s1 =	smov.u32 s31;
	s31 =	sadd.s32 $0x1000, s31  }
0x97: {  	_ =	swait.ge [sflag:s23], $0x800;
	p0 =	sne.s32 s31, $0xA000  }
0x98: {  	s0 =	sshra.s32 s1, $0x2;
	[sflag:s23] =	ssyncset.done $0x0  }
0x99: {  	s11 =	sadd.s32 $0x2800, s0;
	[sflag:s23] =	ssyncadd.s32 $0xFFFFF800  }
0x9a: {  	[spmem:s2] =	stream.indirect.scatter.add.f32 [tilespmem:s17], [sflag:$0x2], $0x10, s11, s16, $0xb8;
	[tilespmem:$0x13000] =	vst v63  }
0x9b: {  	_ =	swait.ge [sflag:s23], $0x800  }
0x9c: {  	[sflag:s23] =	ssyncset.done $0x0  }
0x9d: {  	s11 =	sadd.s32 $0x2880, s0;
	[sflag:s23] =	ssyncadd.s32 $0xFFFFF800  }
0x9e: {  	[spmem:s2] =	stream.indirect.scatter.add.f32 [tilespmem:s18], [sflag:$0x2], $0x10, s11, s16, $0xb8;
	[tilespmem:$0x13000] =	vst v63  }
0x9f: {  	_ =	swait.ge [sflag:s23], $0x800  }
0xa0: {  	[sflag:s23] =	ssyncset.done $0x0  }
0xa1: {  	s11 =	sadd.s32 $0x2900, s0;
	[sflag:s23] =	ssyncadd.s32 $0xFFFFF800  }
0xa2: {  	[spmem:s2] =	stream.indirect.scatter.add.f32 [tilespmem:s20], [sflag:$0x2], $0x10, s11, s16, $0xb8;
	[tilespmem:$0x13000] =	vst v63  }
0xa3: {  	_ =	swait.ge [sflag:s23], $0x800  }
0xa4: {  	[sflag:s23] =	ssyncset.done $0x0  }
0xa5: {  	s11 =	sadd.s32 $0x2980, s0;
	[sflag:s23] =	ssyncadd.s32 $0xFFFFF800  }
0xa6: {  	[spmem:s2] =	stream.indirect.scatter.add.f32 [tilespmem:s22], [sflag:$0x2], $0x10, s11, s16, $0xb8;
	[tilespmem:$0x13000] =	vst v63  }
0xa7: {  	s11 =	sadd.s32 $0x200, s0  }
0xa8: {  	[tilespmem:s25], [sflag:$0x1] =	stream.indirect.gather [spmem:s3], $0x10, s11, s16, $0xb8;
	[tilespmem:$0x13000] =	vst v63  }
0xa9: {  	s11 =	sadd.s32 $0x280, s0  }
0xaa: {  	[tilespmem:s26], [sflag:$0x1] =	stream.indirect.gather [spmem:s3], $0x10, s11, s16, $0xb8;
	[tilespmem:$0x13000] =	vst v63  }
0xab: {  	s11 =	sadd.s32 $0x300, s0  }
0xac: {  	[tilespmem:s28], [sflag:$0x1] =	stream.indirect.gather [spmem:s3], $0x10, s11, s16, $0xb8;
	[tilespmem:$0x13000] =	vst v63  }
0xad: {  	s11 =	sadd.s32 $0x380, s0  }
0xae: {  	[tilespmem:s29], [sflag:$0x1] =	stream.indirect.gather [spmem:s3], $0x10, s11, s16, $0xb8;
	[tilespmem:$0x13000] =	vst v63  }
0xaf: {  	_ =	swait.ge [sflag:s23], $0x800  }
0xb0: {  	[sflag:s23] =	ssyncset.done $0x0  }
0xb1: {  	s11 =	sadd.s32 $0x2A00, s0;
	[sflag:s23] =	ssyncadd.s32 $0xFFFFF800  }
0xb2: {  	[spmem:s2] =	stream.indirect.scatter.add.f32 [tilespmem:s25], [sflag:$0x2], $0x10, s11, s16, $0xb8;
	[tilespmem:$0x13000] =	vst v63  }
0xb3: {  	_ =	swait.ge [sflag:s23], $0x800  }
0xb4: {  	[sflag:s23] =	ssyncset.done $0x0  }
0xb5: {  	s11 =	sadd.s32 $0x2A80, s0;
	[sflag:s23] =	ssyncadd.s32 $0xFFFFF800  }
0xb6: {  	[spmem:s2] =	stream.indirect.scatter.add.f32 [tilespmem:s26], [sflag:$0x2], $0x10, s11, s16, $0xb8;
	[tilespmem:$0x13000] =	vst v63  }
0xb7: {  	_ =	swait.ge [sflag:s23], $0x800  }
0xb8: {  	[sflag:s23] =	ssyncset.done $0x0  }
0xb9: {  	s11 =	sadd.s32 $0x2B00, s0;
	[sflag:s23] =	ssyncadd.s32 $0xFFFFF800  }
0xba: {  	[spmem:s2] =	stream.indirect.scatter.add.f32 [tilespmem:s28], [sflag:$0x2], $0x10, s11, s16, $0xb8;
	[tilespmem:$0x13000] =	vst v63  }
0xbb: {  	_ =	swait.ge [sflag:s23], $0x800  }
0xbc: {  	[sflag:s23] =	ssyncset.done $0x0  }
0xbd: {  	s0 =	sadd.s32 $0x2B80, s0;
	[sflag:s23] =	ssyncadd.s32 $0xFFFFF800  }
0xbe: {  	[spmem:s2] =	stream.indirect.scatter.add.f32 [tilespmem:s29], [sflag:$0x2], $0x10, s0, s16, $0xb8;
	[tilespmem:$0x13000] =	vst v63  }
0xbf: {  	_ =	swait.ge [sflag:s15], $0x800  }
0xc0: {  	[sflag:s15] =	ssyncset.done $0x0  }
0xc1: {  	[sflag:s15] =	ssyncadd.s32 $0xFFFFF800  }
0xc2: {  	_ =	swait.ge [sflag:s15], $0x800  }
0xc3: {  	[sflag:s15] =	ssyncset.done $0x0  }
0xc4: {  	[sflag:s15] =	ssyncadd.s32 $0xFFFFF800  }
0xc5: {  	_ =	swait.ge [sflag:s15], $0x800  }
0xc6: {  	[sflag:s15] =	ssyncset.done $0x0  }
0xc7: {  	[sflag:s15] =	ssyncadd.s32 $0xFFFFF800  }
0xc8: {  	p1 =	seq.s32 s1, $0x9000;
	_ =	swait.ge [sflag:s15], $0x800  }
0xc9: {  	s0 =	sshra.s32 @!p1 s1, $0x2;
	s1 =	simm.s32 @!p1 $0x5000;
	[sflag:s15] =	ssyncset.done $0x0  }
0xca: {  	s19 =	simm.s32 @!p1 $0x80;
	s11 =	sadd.s32 @!p1 $0x400, s0;
	[sflag:s15] =	ssyncadd.s32 $0xFFFFF800  }
0xcb: {  	[tilespmem:s1], [sflag:$0x1] =	stream.indirect.gather @!p1 [spmem:s3], $0x10, s11, s19, $0xb8;
	[tilespmem:$0x13000] =	vst v63  }
0xcc: {  	s21 =	sadd.s32 @!p1 $0x500, s0;
	s1 =	sadd.s32 @!p1 $0x480, s0;
	s11 =	simm.s32 @!p1 $0x5800  }
0xcd: {  	[tilespmem:s11], [sflag:$0x1] =	stream.indirect.gather @!p1 [spmem:s3], $0x10, s1, s19, $0xb8;
	[tilespmem:$0x13000] =	vst v63  }
0xce: {  	s0 =	sadd.s32 @!p1 $0x580, s0;
	s1 =	simm.s32 @!p1 $0x6000  }
0xcf: {  	[tilespmem:s1], [sflag:$0x1] =	stream.indirect.gather @!p1 [spmem:s3], $0x10, s21, s19, $0xb8;
	[tilespmem:$0x13000] =	vst v63  }
0xd0: {  	s1 =	simm.s32 @!p1 $0x6800  }
0xd1: {  	[tilespmem:s1], [sflag:$0x1] =	stream.indirect.gather @!p1 [spmem:s3], $0x10, s0, s19, $0xb8;
	[tilespmem:$0x13000] =	vst v63  }
0xd2: {  	_ =	swait.ge [sflag:s15], $0x800  }
0xd3: {  	[sflag:s15] =	ssyncset.done $0x0  }
0xd4: {  	[sflag:s15] =	ssyncadd.s32 $0xFFFFF800  }
0xd5: {  	_ =	swait.ge [sflag:s15], $0x800  }
0xd6: {  	[sflag:s15] =	ssyncset.done $0x0  }
0xd7: {  	[sflag:s15] =	ssyncadd.s32 $0xFFFFF800  }
.Ltmp2:
0xd8: {  	_ =	swait.ge [sflag:s15], $0x800;
	(pc) =	sbr.rel @p0 .LBB2_6-.Ltmp2, $4  }
0xd9: {  	[sflag:s15] =	ssyncset.done $0x0  }
0xda: {  	[sflag:s15] =	ssyncadd.s32 $0xFFFFF800  }
0xdb: {  	_ =	swait.ge [sflag:s15], $0x800  }
0xdc: {  	[sflag:s15] =	ssyncset.done $0x0  }
0xdd: {  	[sflag:s15] =	ssyncadd.s32 $0xFFFFF800  }
0xde: {  	[bflag:$0x0] =	sbarrier.arrive $0xFFFF  }
0xdf: {  	[tilespmem:s13], [sflag:$0x3] =	stream.linear.gather [spmem:s7], $0x2800, $0x38;
	[tilespmem:$0x13000] =	vst v63  }
0xe0: {  	_ =	swait.ge [sflag:s12], $0x2800  }
0xe1: {  	[sflag:s12] =	ssyncset.done $0x0  }
0xe2: {  	s0 =	simm.s32 $0x0;
	[sflag:s12] =	ssyncadd.s32 $0xFFFFD800  }
0xe3: {  	v4 =	vld [tilespmem:s0+$0xB870]  }
0xe4: {  	v5 =	vld [tilespmem:s0+$0xB800]  }
0xe5: {  	v6 =	vld [tilespmem:s0+$0xB810]  }
0xe6: {  	v3 =	vld [tilespmem:s0+$0xB820]  }
0xe7: {  	v1 =	vld [tilespmem:s0+$0xB830]  }
0xe8: {  	v2 =	vld [tilespmem:s0+$0xB840];
	[tilespmem:s0+$0x9070] =	vst v4  }
0xe9: {  	[tilespmem:s0+$0x9000] =	vst v5;
	v4 =	vld [tilespmem:s0+$0xB850]  }
0xea: {  	s1 =	simm.s32 $0x80;
	s31 =	simm.s32 $0x400;
	[tilespmem:s0+$0x9010] =	vst v6;
	v5 =	vld [tilespmem:s0+$0xB860]  }
.LBB2_8:
0xeb: {  	p0 =	sne.s32 s31, $0x9E00;
	v6 =	vld [tilespmem:s1+$0xB870];
	[tilespmem:s0+$0x9020] =	vst v3  }
0xec: {  	v7 =	vld [tilespmem:s1+$0xB800];
	[tilespmem:s0+$0x9030] =	vst v1  }
0xed: {  	v8 =	vld [tilespmem:s1+$0xB810];
	[tilespmem:s0+$0x9040] =	vst v2  }
.Ltmp3:
0xee: {  	v3 =	vld [tilespmem:s1+$0xB820];
	[tilespmem:s0+$0x9050] =	vst v4;
	(pc) =	sbr.rel @p0 .LBB2_8-.Ltmp3, $4  }
0xef: {  	v1 =	vld [tilespmem:s1+$0xB830];
	[tilespmem:s0+$0x9060] =	vst v5;
	s0 =	smov.u32 s1  }
0xf0: {  	v2 =	vld [tilespmem:s0+$0xB840];
	[tilespmem:s0+$0x9070] =	vst v6  }
0xf1: {  	[tilespmem:s0+$0x9000] =	vst v7;
	v4 =	vld [tilespmem:s0+$0xB850]  }
0xf2: {  	s1 =	sshra.s32 s31, $0x2;
	s31 =	sadd.s32 $0x200, s31;
	[tilespmem:s0+$0x9010] =	vst v8;
	v5 =	vld [tilespmem:s0+$0xB860]  }
0xf3: {  	v6 =	vld [tilespmem:s1+$0xB870];
	[tilespmem:s0+$0x9020] =	vst v3  }
0xf4: {  	v3 =	vld [tilespmem:s1+$0xB800];
	[tilespmem:s0+$0x9030] =	vst v1  }
0xf5: {  	v1 =	vld [tilespmem:s1+$0xB810];
	[tilespmem:s0+$0x9040] =	vst v2  }
0xf6: {  	v2 =	vld [tilespmem:s1+$0xB820];
	[tilespmem:s0+$0x9050] =	vst v4  }
0xf7: {  	v4 =	vld [tilespmem:s1+$0xB830];
	[tilespmem:s0+$0x9060] =	vst v5  }
0xf8: {  	v5 =	vld [tilespmem:s1+$0xB840];
	[tilespmem:s1+$0x9070] =	vst v6  }
0xf9: {  	[tilespmem:s1+$0x9000] =	vst v3;
	v3 =	vld [tilespmem:s1+$0xB850]  }
0xfa: {  	[tilespmem:s1+$0x9010] =	vst v1;
	v1 =	vld [tilespmem:s1+$0xB860]  }
0xfb: {  	[tilespmem:s1+$0x9020] =	vst v2  }
0xfc: {  	[tilespmem:s1+$0x9030] =	vst v4  }
0xfd: {  	s30 =	sadd.s32 $0x1, s30;
	[tilespmem:s1+$0x9040] =	vst v5  }
0xfe: {  	p0 =	sne.s32 s30, s10;
	[tilespmem:s1+$0x9050] =	vst v3  }
.Ltmp4:
0xff: {  	[tilespmem:s1+$0x9060] =	vst v1;
	(pc) =	sbr.rel @p0 .LBB2_1-.Ltmp4, $4  }
0x100: {  	[hbm4b:s24+s4] =	stream.linear.scatter [tilespmem:s14], [sflag:$0x3], $0x2800, $0x38;
	[tilespmem:$0x13000] =	vst v63  }
0x101: {  	_ =	swait.ge [sflag:s12], $0x2800  }
0x102: {  	[sflag:s12] =	ssyncset.done $0x0  }
0x103: {  	[sflag:s12] =	ssyncadd.s32 $0xFFFFD800  }
0x104: {  	_ =	sfence.sel $0x180000  }
0x105: {  	[bflag:$0x0] =	sbarrier.arrive $0xFFFF  }
0x106: {  	_ =	strace $0x9000004D  }
0x107: {  	s0 =	stileid.u32;
	[bflag:$0x2] =	sbarrier.arrive $0xFFFF  }
0x108: {  	p0 =	sne.s32 s0, $0x0;
	s0 =	rddreg [dreg:$0x3]  }
0x109: {  	s0 =	sadd.s32 @!p0 $0x100000, s0  }
0x10a: {  	[sflag:s0] =	ssyncadd.tile.s32 @!p0 $0x1;
	_ =	shalt  }
.Lfunc_end2:
_tile_overlayer_lowered:
.L_overlay_start_2:
0x10b: {  	(tag) =	ssettag $0x2  }
0x10c: {  	s0 =	rddreg [dreg:$0x0];
	s2 =	stileid.u32  }
0x10d: {  	s1 =	rddreg [dreg:$0x1];
	p0 =	sne.s32 s2, $0x0  }
0x10e: {  	s3 =	rddreg [dreg:$0x2];
	[bflag:$0x3] =	sbarrier.arrive $0xFFFF;
	s2 =	simm.s32 @!p0 $0x1C03  }
0x10f: {  	[timem:s3], [sflag:s2] =	dma.local @!p0 [hbm:s0], s1  }
0x110: {  	s0 =	simm.s32 @!p0 $0x3  }
0x111: {  	_ =	swait.ge @!p0 [sflag:s0], s1  }
0x112: {  	s1 =	ssub.s32 @!p0 $0x0, s1;
	[sflag:s0] =	ssyncset.done @!p0 $0x0  }
0x113: {  	[sflag:s0] =	ssyncadd.s32 @!p0 s1  }
0x114: {  	[bflag:$0x3] =	sbarrier.arrive $0xFFFF  }
0x115: {  	_ =	shalt  }

// kernel: kernel.9.cloned.1.call-start
scs
__scs_entry_jumppad:
0x0: {  	(pc) =	sbr.rel $0x88, $3  }
0x1: {  	(tag) =	ssettag $0x0;
	lr =	simm.s32 $0x1  }
0x2: {  	[smem:$0x3F98] =	sst lr;
	_ =	strace $0xD0000000  }
0x3: {  	_ = 	snop  }
0x4: {  	_ = 	snop  }
0x5: {  	_ = 	snop  }
0x6: {  	_ = 	snop  }
0x7: {  	_ = 	snop  }
__scs_overlays_trampoline_lowered:
0x8: {  	[smem:$0x3FA7] =	sst s0  }
0x9: {  	[smem:$0x3FA8] =	sst s1  }
0xa: {  	[smem:$0x3FA9] =	sst s2  }
0xb: {  	[smem:$0x3FAA] =	sst s3  }
0xc: {  	[smem:$0x3FAB] =	sst s4  }
0xd: {  	[smem:$0x3FAC] =	sst s5  }
0xe: {  	[smem:$0x3FAD] =	sst s6  }
0xf: {  	[smem:$0x3FAE] =	sst s7  }
0x10: {  	[smem:$0x3FAF] =	sst s8  }
0x11: {  	[smem:$0x3FB0] =	sst s9;
	s0 =	simm.s32 @!p0 $0x0  }
0x12: {  	s1 =	sld [smem:$0x3F96];
	s0 =	simm.s32 @p0 $0x1  }
0x13: {  	[smem:$0x3FB1] =	sst s0;
	s0 =	simm.s32 @!p1 $0x0  }
0x14: {  	s2 =	sld [smem:$0x3F95];
	s0 =	simm.s32 @p1 $0x1  }
0x15: {  	[smem:$0x3FB2] =	sst s0;
	s0 =	simm.s32 @!p2 $0x0  }
0x16: {  	s3 =	sld [smem:$0x3FDB];
	s0 =	simm.s32 @p2 $0x1  }
0x17: {  	s4 =	simm.s32 $0x1BF5;
	[smem:$0x3FB4] =	sst s0  }
0x18: {  	s0 =	sld [smem:$0x3F97];
	_ =	swait.ge [sflag:s4], $0x0  }
0x19: {  	s7 =	sld [smem:$0x3F98]  }
0x1a: {  	s8 =	sadd.s32 $0xFFFFE003, lr  }
0x1b: {  	s9 =	sadd.s32 $0xFFFFFEF7, lr;
	s5 =	simm.s32 $0xFFFFFFFF;
	p2 =	slt.u32 s8, $0xFFFFF086  }
0x1c: {  	p1 =	slt.u32 s9, $0xF7A;
	s5 =	simm.s32 @!p2 $0x0  }
0x1d: {  	s5 =	simm.s32 @p1 $0x1;
	p0 =	seq.s32 s7, s2  }
0x1e: {  	s7 =	smul.u32 @!p0 $0xF7A, s2;
	p2 =	seq.s32 @!p0 s5, $0x0  }
0x1f: {  	s9 =	smul.u32 $0xF7A, s1;
	s8 =	simm.s32 @!p0 $0x1BF5;
	p2 =	por !p2, p0  }
0x20: {  	[sflag:s8] =	ssyncset.s32 @!p0 $0xFFFFF086;
	s6 =	sadd.s32 @!p0 s3, s7;
	s7 =	simm.s32 @!p0 $0x108  }
0x21: {  	s3 =	sadd.s32 s3, s9;
	s6 =	sadd.s32 @!p0 $0x88, s6;
	s7 =	simm.s32 @p2 $0x1082  }
0x22: {  	[simem:s7], [sflag:s8] =	dma.local @!p0 [hbm:s6], $0xF7A  }
0x23: {  	s9 =	sor.u32 $0xD0000000, s2;
	s6 =	simm.s32 $0x108;
	_ =	swait.ge @!p0 [sflag:s8], $0x0  }
0x24: {  	s3 =	sadd.s32 $0x88, s3;
	s6 =	simm.s32 @!p1 $0x1082;
	[sflag:s4] =	ssyncset.s32 $0xFFFFF086  }
0x25: {  	[simem:s6], [sflag:s4] =	dma.local [hbm:s3], $0xF7A  }
0x26: {  	[smem:$0x3F98] =	sst s1;
	(tag) =	ssettag s2;
	_ =	strace s9  }
0x27: {  	s1 =	sld [smem:$0x3FA8]  }
0x28: {  	s2 =	sld [smem:$0x3FA9]  }
0x29: {  	s4 =	sld [smem:$0x3FAB]  }
0x2a: {  	p0 =	seq.s32 s5, $0x0;
	s5 =	sld [smem:$0x3FAC]  }
0x2b: {  	s6 =	sld [smem:$0x3FAD]  }
0x2c: {  	s7 =	sld [smem:$0x3FAE]  }
0x2d: {  	s3 =	simm.s32 $0x108;
	s8 =	sld [smem:$0x3FAF]  }
0x2e: {  	s3 =	simm.s32 @!p0 $0x1082;
	s9 =	sld [smem:$0x3FB0]  }
0x2f: {  	lr =	sadd.s32 s0, s3;
	s0 =	sld [smem:$0x3FA7]  }
0x30: {  	s3 =	sld [smem:$0x3FAA]  }
0x31: {  	[smem:$0x3FB3] =	sst s10  }
0x32: {  	s10 =	sld [smem:$0x3FB1];
	_ =	sdelay $0x3  }
0x33: {  	p0 =	seq.s32 s10, $0x1;
	s10 =	sld [smem:$0x3FB3];
	_ =	sdelay $0x3  }
0x34: {  	[smem:$0x3FB3] =	sst s10  }
0x35: {  	s10 =	sld [smem:$0x3FB2];
	_ =	sdelay $0x3  }
0x36: {  	p1 =	seq.s32 s10, $0x1;
	s10 =	sld [smem:$0x3FB3];
	_ =	sdelay $0x3  }
0x37: {  	[smem:$0x3FB3] =	sst s10  }
0x38: {  	s10 =	sld [smem:$0x3FB4]  }
0x39: {  	_ = 	snop;
	(pc) =	sbr.ind lr, $3  }
0x3a: {  	_ = 	snop  }
0x3b: {  	_ = 	snop  }
0x3c: {  	p2 =	seq.s32 s10, $0x1;
	s10 =	sld [smem:$0x3FB3]  }
0x3d: {  	_ =	shalt  }
0x3e: {  	_ =	shalt  }
0x3f: {  	_ =	shalt  }
0x40: {  	_ =	shalt  }
0x41: {  	_ =	shalt  }
0x42: {  	_ =	shalt  }
0x43: {  	_ =	shalt  }
0x44: {  	_ =	shalt  }
0x45: {  	_ =	shalt  }
0x46: {  	_ =	shalt  }
0x47: {  	_ =	shalt  }
0x48: {  	_ =	shalt  }
0x49: {  	_ =	shalt  }
0x4a: {  	_ =	shalt  }
0x4b: {  	_ =	shalt  }
0x4c: {  	_ =	shalt  }
0x4d: {  	_ =	shalt  }
0x4e: {  	_ =	shalt  }
0x4f: {  	_ =	shalt  }
0x50: {  	_ =	shalt  }
0x51: {  	_ =	shalt  }
0x52: {  	_ =	shalt  }
0x53: {  	_ =	shalt  }
0x54: {  	_ =	shalt  }
0x55: {  	_ =	shalt  }
0x56: {  	_ =	shalt  }
0x57: {  	_ =	shalt  }
0x58: {  	_ =	shalt  }
0x59: {  	_ =	shalt  }
0x5a: {  	_ =	shalt  }
0x5b: {  	_ =	shalt  }
0x5c: {  	_ =	shalt  }
0x5d: {  	_ =	shalt  }
0x5e: {  	_ =	shalt  }
0x5f: {  	_ =	shalt  }
0x60: {  	_ =	shalt  }
0x61: {  	_ =	shalt  }
0x62: {  	_ =	shalt  }
0x63: {  	_ =	shalt  }
0x64: {  	_ =	shalt  }
0x65: {  	_ =	shalt  }
0x66: {  	_ =	shalt  }
0x67: {  	_ =	shalt  }
0x68: {  	_ =	shalt  }
0x69: {  	_ =	shalt  }
0x6a: {  	_ =	shalt  }
0x6b: {  	_ =	shalt  }
0x6c: {  	_ =	shalt  }
0x6d: {  	_ =	shalt  }
0x6e: {  	_ =	shalt  }
0x6f: {  	_ =	shalt  }
0x70: {  	_ =	shalt  }
0x71: {  	_ =	shalt  }
0x72: {  	_ =	shalt  }
0x73: {  	_ =	shalt  }
0x74: {  	_ =	shalt  }
0x75: {  	_ =	shalt  }
0x76: {  	_ =	shalt  }
0x77: {  	_ =	shalt  }
0x78: {  	_ =	shalt  }
0x79: {  	_ =	shalt  }
0x7a: {  	_ =	shalt  }
0x7b: {  	_ =	shalt  }
0x7c: {  	_ =	shalt  }
0x7d: {  	_ =	shalt  }
0x7e: {  	_ =	shalt  }
0x7f: {  	_ =	shalt  }
0x80: {  	_ =	shalt  }
0x81: {  	_ =	shalt  }
0x82: {  	_ =	shalt  }
0x83: {  	_ =	shalt  }
0x84: {  	_ =	shalt  }
0x85: {  	_ =	shalt  }
0x86: {  	_ =	shalt  }
0x87: {  	_ =	shalt  }
.Lfunc_end0:
.L_simem_size_0:
called_computation_lowered:
.L_overlay_start_0:
0x88: {  	s2 =	sld [smem:$0x3FD9]  }
0x89: {  	s3 =	sld [smem:$0x3FFE];
	_ =	sdelay $0x1  }
0x8a: {  	s1 =	srdreg.scid  }
0x8b: {  	s0 =	sand.u32 $0x1, s1  }
0x8c: {  	s17 =	sshll.u32 s0, $0xA;
	s2 =	sadd.s32 s3, s2  }
0x8d: {  	s2 =	sadd.s32 s2, s17  }
0x8e: {  	[smem:$0x3FBF] =	sst s2  }
0x8f: {  	_ = 	snop  }
0x90: {  	(tm) =	ssettm $0x1  }
0x91: {  	s18 =	sld [smem:$0x3FFB];
	_ =	sdelay $0x3  }
0x92: {  	_ =	strace s18  }
0x93: {  	s2 =	sld [smem:$0x3FFC];
	_ =	sdelay $0x3  }
0x94: {  	_ =	strace s2  }
0x95: {  	s2 =	sld [smem:$0x3FFD];
	_ =	sdelay $0x3  }
0x96: {  	_ =	strace s2  }
0x97: {  	_ =	strace $0x8FFFFFFF  }
0x98: {  	s19 =	sld [smem:$0x3FDB];
	_ =	sdelay $0x1  }
0x99: {  	s20 =	simm.s32 $_scs_section_size  }
0x9a: {  	s4 =	simm.s32 $_size__tile_overlayer_lowered;
	s5 =	simm.s32 $_tile_overlayer_lowered  }
0x9b: {  	s6 =	simm.s32 $0x1BFF;
	s21 =	sshll.u32 s5, $0x1;
	s3 =	sadd.s32 s20, s19  }
0x9c: {  	s22 =	simm.s32 $0x0;
	s4 =	sshll.u32 s4, $0x1;
	s5 =	sadd.s32 s21, s3  }
0x9d: {  	[timem:s22], [sflag:s6] =	dma.local [hbm:s5], s4  }
0x9e: {  	_ =	swait.ge [sflag:s6], s4  }
0x9f: {  	s4 =	ssub.s32 $0x0, s4;
	[sflag:s6] =	ssyncset.done $0x0  }
0xa0: {  	[sflag:s6] =	ssyncadd.s32 s4;
	_ =	sdelay $0x1  }
0xa1: {  	s23 =	simm.s32 $0x1B8B  }
0xa2: {  	_ =	swait.ge [sflag:s23], $0x1  }
0xa3: {  	[sflag:s23] =	ssyncset.done $0x0  }
0xa4: {  	[sflag:s23] =	ssyncadd.s32 $0xFFFFFFFF  }
0xa5: {  	s4 =	sld [smem:$0x0]  }
0xa6: {  	s5 =	sand.u32 $0xFFFFFFFE, s1  }
0xa7: {  	p0 =	sne.s32 s1, s5  }
0xa8: {  	s5 =	sshll.u32 @p0 s5, $0xE  }
0xa9: {  	s5 =	sadd.s32 @p0 $0x11B8D, s5;
	s6 =	sshll.u32 @p0 s4, $0x11  }
0xaa: {  	s5 =	sor.u32 @p0 s6, s5  }
0xab: {  	[sflag:s5] =	ssyncadd.remote.s32 @p0 $0x1;
	_ =	sdelay $0x1  }
0xac: {  	s5 =	simm.s32 @p0 $0x1B8D  }
0xad: {  	_ =	swait.eq @p0 [sflag:s5], $0x1  }
0xae: {  	[sflag:s5] =	ssyncadd.s32 @p0 $0xFFFFFFFF  }
0xaf: {  	s6 =	sshll.u32 @!p0 s1, $0xE  }
0xb0: {  	s6 =	sor.u32 @!p0 $0x4000, s6;
	s5 =	simm.s32 @!p0 $0x1B8D  }
0xb1: {  	s4 =	sshll.u32 @!p0 s4, $0x11;
	s6 =	sadd.s32 @!p0 $0x11B8D, s6;
	_ =	swait.eq @!p0 [sflag:s5], $0x1  }
0xb2: {  	s4 =	sor.u32 @!p0 s4, s6;
	[sflag:s5] =	ssyncadd.s32 @!p0 $0xFFFFFFFF  }
0xb3: {  	s25 =	simm.s32 $0x1B8E;
	s24 =	sld [smem:$0x3FFE];
	[sflag:s4] =	ssyncadd.remote.s32 @!p0 $0x1  }
0xb4: {  	s26 =	simm.s32 $execute0_lowered;
	[smem:$0x3FD2] =	sst s25  }
0xb5: {  	s5 =	sshll.u32 s26, $0x1;
	_ =	strace $0x80000049;
	[dreg:$0x1] =	wrdreg $0xFFFFFFFF  }
0xb6: {  	s28 =	simm.s32 $_size_execute0_lowered;
	s3 =	sadd.s32 s3, s5;
	[dreg:$0x0] =	wrdreg $0x0  }
0xb7: {  	s5 =	sshll.u32 s28, $0x1;
	[dreg:$0x2] =	wrdreg s3  }
0xb8: {  	[dreg:$0x3] =	wrdreg s5  }
0xb9: {  	[dreg:$0x4] =	wrdreg $0xC0  }
0xba: {  	_ =	task [dreg:s22], $0x5FFFF  }
0xbb: {  	[dreg:$0x1] =	wrdreg $0xFFFFFFFF  }
0xbc: {  	[dreg:$0x0] =	wrdreg $0x60  }
0xbd: {  	[dreg:$0x2] =	wrdreg s24  }
0xbe: {  	[dreg:$0x3] =	wrdreg $0x108000  }
0xbf: {  	[dreg:$0x4] =	wrdreg $0xE0000  }
0xc0: {  	[dreg:$0x5] =	wrdreg $0x9  }
0xc1: {  	_ =	task.clear_ibuf [dreg:s22], $0x6FFFF;
	_ =	strace $0x90000049  }
0xc2: {  	s29 =	simm.s32 $0x9;
	_ =	strace $0x8000004B  }
0xc3: {  	_ =	swait.ge [sflag:s29], $0x1  }
0xc4: {  	[sflag:s29] =	ssyncadd.s32 $0xFFFFFFFF  }
0xc5: {  	_ =	strace $0x9000004B  }
0xc6: {  	_ =	sfence  }
0xc7: {  	s30 =	sld [smem:$0x0];
	_ =	sdelay $0x2  }
0xc8: {  	s31 =	sshll.u32 s1, $0xD;
	s1 =	sshrl.u32 s1, $0x2  }
0xc9: {  	s4 =	sand.u32 $0x4000, s31;
	s1 =	sadd.s32 s1, s30  }
0xca: {  	s0 =	sor.u32 s4, s0;
	s1 =	sshll.u32 s1, $0x11  }
0xcb: {  	s0 =	sor.u32 s1, s0  }
0xcc: {  	s0 =	sadd.s32 $0x8F2B, s0  }
0xcd: {  	[sflag:s0] =	ssyncadd.remote.s32 $0x1  }
0xce: {  	_ =	sfence.sel $0xFFFF  }
0xcf: {  	[dreg:$0x0] =	wrdreg $0xFFFFFFFF;
	(pc) =	sbr.abs _section_cstart, $3  }
0xd0: {  	[dreg:$0x1] =	wrdreg $0xFFFFFFFF  }
0xd1: {  	_ =	task.clear_ibuf [dreg:s22], $0x2FFFF;
	_ =	strace $0x9FFFFFFF  }
0xd2: {  	(tm) =	ssettm $0x7FFFFFFF  }
0xd3: {  	_ =	shalt  }
tec
execute0_lowered:
.L_overlay_start_1:
0x0: {  	(tag) =	ssettag $0x1  }
0x1: {  	s1 =	rddreg [dreg:$0x0]  }
0x2: {  	s0 =	srdreg.scid;
	s2 =	rddreg [dreg:$0x1]  }
0x3: {  	s9 =	stileid.u32;
	s3 =	rddreg [dreg:$0x2]  }
0x4: {  	s12 =	simm.s32 $0x3;
	s13 =	simm.s32 $0xB800;
	s14 =	simm.s32 $0x9000  }
0x5: {  	s15 =	simm.s32 $0x2;
	s16 =	simm.s32 $0x80;
	s17 =	simm.s32 $0x5000  }
0x6: {  	s18 =	simm.s32 $0x5800;
	s20 =	simm.s32 $0x6000;
	s22 =	simm.s32 $0x6800  }
0x7: {  	s23 =	simm.s32 $0x1;
	s25 =	simm.s32 $0x7000;
	s26 =	simm.s32 $0x7800  }
0x8: {  	s28 =	simm.s32 $0x8000;
	s29 =	simm.s32 $0x8800;
	s0 =	sand.u32 $0x1, s0  }
0x9: {  	s30 =	simm.s32 $0x0;
	s24 =	smul.u32 $0x500, s9;
	s4 =	sshll.u32 s0, $0x4  }
0xa: {  	s6 =	smul.u32 $0x5000, s0;
	s0 =	ssub.s32 $0x2, s0;
	s5 =	sor.u32 s9, s4  }
0xb: {  	s4 =	simm.s32 $0x0;
	s8 =	sadd.s32 s24, s1;
	s9 =	smul.u32 $0x2800, s9  }
0xc: {  	s31 =	sshrl.u32 s0, $0x1;
	s5 =	smul.u32 $0x500, s5;
	[smem:$0x7FF] =	sst s4  }
0xd: {  	s0 =	ssub.s32 s0, s31;
	s8 =	sadd.s32 $0x3200, s8;
	_ =	strace $0x8000004A  }
0xe: {  	s10 =	smax.u32 s0, $0x1;
	s7 =	sadd.s32 s5, s1;
	s1 =	sadd.s32 s6, s1  }
0xf: {  	s5 =	sadd.s32 $0x17200, s7;
	s6 =	sadd.s32 $0xD200, s7;
	s1 =	sadd.s32 $0x2B200, s1  }
0x10: {  	v0 =	vimm.f32 $0.0e+00;
	s7 =	sadd.s32 s9, s2;
	s9 =	sadd.s32 s9, s3;
	s24 =	sadd.s32 s24, s1  }
.LBB2_1:
0x11: {  	[tilespmem:s4], [sflag:$0x2] =	stream.linear.gather [hbm4b:s5+s4], $0x2800, $0x38;
	[tilespmem:$0x13000] =	vst v63  }
0x12: {  	s0 =	simm.s32 $0x2800  }
0x13: {  	[tilespmem:s0], [sflag:$0x3] =	stream.linear.gather [hbm4b:s6+s4], $0x2800, $0x38;
	[tilespmem:$0x13000] =	vst v63  }
0x14: {  	_ =	swait.ge [sflag:s12], $0x2800  }
0x15: {  	[sflag:s12] =	ssyncset.done $0x0  }
0x16: {  	s1 =	simm.s32 $0x0;
	s0 =	simm.s32 $0x40;
	[sflag:s12] =	ssyncadd.s32 $0xFFFFD800  }
.LBB2_2:
0x17: {  	p0 =	sne.s32 s0, $0x9FC0;
	[tilespmem:s1+$0xB800] =	vst v0;
	s1 =	smov.u32 s0;
	s0 =	sadd.s32 $0x40, s0  }
.Ltmp0:
0x18: {  	(pc) =	sbr.rel @p0 .LBB2_2-.Ltmp0, $2  }
0x19: {  	_ =	sdelay $0x2  }
0x1a: {  	s1 =	sshra.s32 s1, $0x2  }
0x1b: {  	[tilespmem:s1+$0xB800] =	vst v0  }
0x1c: {  	[spmem:s7] =	stream.linear.scatter [tilespmem:s13], [sflag:$0x3], $0x2800, $0x38;
	[tilespmem:$0x13000] =	vst v63  }
0x1d: {  	_ =	swait.ge [sflag:s12], $0x2800  }
0x1e: {  	[sflag:s12] =	ssyncset.done $0x0  }
0x1f: {  	s0 =	simm.s32 $0x0;
	[sflag:s12] =	ssyncadd.s32 $0xFFFFD800  }
0x20: {  	[tilespmem:s14], [sflag:$0x3] =	stream.linear.gather [hbm4b:s8+s0], $0x2800, $0x38;
	[tilespmem:$0x13000] =	vst v63  }
0x21: {  	_ =	swait.ge [sflag:s12], $0x2800  }
0x22: {  	[sflag:s12] =	ssyncset.done $0x0  }
0x23: {  	s0 =	simm.s32 $0x0;
	[sflag:s12] =	ssyncadd.s32 $0xFFFFD800  }
0x24: {  	v4 =	vld [tilespmem:s0+$0x9070]  }
0x25: {  	v5 =	vld [tilespmem:s0+$0x9000]  }
0x26: {  	v6 =	vld [tilespmem:s0+$0x9010]  }
0x27: {  	v3 =	vld [tilespmem:s0+$0x9020]  }
0x28: {  	v1 =	vld [tilespmem:s0+$0x9030]  }
0x29: {  	v2 =	vld [tilespmem:s0+$0x9040];
	[tilespmem:s0+$0xB870] =	vst v4  }
0x2a: {  	[tilespmem:s0+$0xB800] =	vst v5;
	v4 =	vld [tilespmem:s0+$0x9050]  }
0x2b: {  	s1 =	simm.s32 $0x80;
	s31 =	simm.s32 $0x400;
	[tilespmem:s0+$0xB810] =	vst v6;
	v5 =	vld [tilespmem:s0+$0x9060]  }
.LBB2_4:
0x2c: {  	p0 =	sne.s32 s31, $0x9E00;
	v6 =	vld [tilespmem:s1+$0x9070];
	[tilespmem:s0+$0xB820] =	vst v3  }
0x2d: {  	v7 =	vld [tilespmem:s1+$0x9000];
	[tilespmem:s0+$0xB830] =	vst v1  }
0x2e: {  	v8 =	vld [tilespmem:s1+$0x9010];
	[tilespmem:s0+$0xB840] =	vst v2  }
.Ltmp1:
0x2f: {  	v3 =	vld [tilespmem:s1+$0x9020];
	[tilespmem:s0+$0xB850] =	vst v4;
	(pc) =	sbr.rel @p0 .LBB2_4-.Ltmp1, $4  }
0x30: {  	v1 =	vld [tilespmem:s1+$0x9030];
	[tilespmem:s0+$0xB860] =	vst v5;
	s0 =	smov.u32 s1  }
0x31: {  	v2 =	vld [tilespmem:s0+$0x9040];
	[tilespmem:s0+$0xB870] =	vst v6  }
0x32: {  	[tilespmem:s0+$0xB800] =	vst v7;
	v4 =	vld [tilespmem:s0+$0x9050]  }
0x33: {  	s1 =	sshra.s32 s31, $0x2;
	s31 =	sadd.s32 $0x200, s31;
	[tilespmem:s0+$0xB810] =	vst v8;
	v5 =	vld [tilespmem:s0+$0x9060]  }
0x34: {  	v6 =	vld [tilespmem:s1+$0x9070];
	[tilespmem:s0+$0xB820] =	vst v3  }
0x35: {  	v3 =	vld [tilespmem:s1+$0x9000];
	[tilespmem:s0+$0xB830] =	vst v1  }
0x36: {  	v1 =	vld [tilespmem:s1+$0x9010];
	[tilespmem:s0+$0xB840] =	vst v2  }
0x37: {  	v2 =	vld [tilespmem:s1+$0x9020];
	[tilespmem:s0+$0xB850] =	vst v4  }
0x38: {  	v4 =	vld [tilespmem:s1+$0x9030];
	[tilespmem:s0+$0xB860] =	vst v5  }
0x39: {  	v5 =	vld [tilespmem:s1+$0x9040];
	[tilespmem:s1+$0xB870] =	vst v6  }
0x3a: {  	[tilespmem:s1+$0xB800] =	vst v3;
	v3 =	vld [tilespmem:s1+$0x9050]  }
0x3b: {  	[tilespmem:s1+$0xB810] =	vst v1;
	v1 =	vld [tilespmem:s1+$0x9060]  }
0x3c: {  	[tilespmem:s1+$0xB820] =	vst v2  }
0x3d: {  	[tilespmem:s1+$0xB830] =	vst v4  }
0x3e: {  	[tilespmem:s1+$0xB840] =	vst v5  }
0x3f: {  	[tilespmem:s1+$0xB850] =	vst v3  }
0x40: {  	[tilespmem:s1+$0xB860] =	vst v1  }
0x41: {  	[spmem:s9] =	stream.linear.scatter [tilespmem:s13], [sflag:$0x3], $0x2800, $0x38;
	[tilespmem:$0x13000] =	vst v63  }
0x42: {  	_ =	swait.ge [sflag:s12], $0x2800  }
0x43: {  	[sflag:s12] =	ssyncset.done $0x0  }
0x44: {  	[sflag:s12] =	ssyncadd.s32 $0xFFFFD800  }
0x45: {  	_ =	swait.ge [sflag:s15], $0x2800  }
0x46: {  	[sflag:s15] =	ssyncset.done $0x0  }
0x47: {  	[sflag:s15] =	ssyncadd.s32 $0xFFFFD800  }
0x48: {  	s11 =	simm.s32 $0x0;
	[bflag:$0x0] =	sbarrier.arrive $0xFFFF  }
0x49: {  	[tilespmem:s17], [sflag:$0x1] =	stream.indirect.gather [spmem:s3], $0x10, s11, s16, $0xb8;
	[tilespmem:$0x13000] =	vst v63  }
0x4a: {  	_ = 	snop  }
0x4b: {  	[tilespmem:s18], [sflag:$0x1] =	stream.indirect.gather [spmem:s3], $0x10, s16, s16, $0xb8;
	[tilespmem:$0x13000] =	vst v63  }
0x4c: {  	s19 =	simm.s32 $0x100  }
0x4d: {  	[tilespmem:s20], [sflag:$0x1] =	stream.indirect.gather [spmem:s3], $0x10, s19, s16, $0xb8;
	[tilespmem:$0x13000] =	vst v63  }
0x4e: {  	s21 =	simm.s32 $0x180  }
0x4f: {  	[tilespmem:s22], [sflag:$0x1] =	stream.indirect.gather [spmem:s3], $0x10, s21, s16, $0xb8;
	[tilespmem:$0x13000] =	vst v63  }
0x50: {  	_ =	swait.ge [sflag:s23], $0x800  }
0x51: {  	[sflag:s23] =	ssyncset.done $0x0  }
0x52: {  	s1 =	simm.s32 $0x2800;
	[sflag:s23] =	ssyncadd.s32 $0xFFFFF800  }
0x53: {  	[spmem:s2] =	stream.indirect.scatter.add.f32 [tilespmem:s17], [sflag:$0x2], $0x10, s1, s16, $0xb8;
	[tilespmem:$0x13000] =	vst v63  }
0x54: {  	_ =	swait.ge [sflag:s23], $0x800  }
0x55: {  	[sflag:s23] =	ssyncset.done $0x0  }
0x56: {  	s11 =	simm.s32 $0x2880;
	[sflag:s23] =	ssyncadd.s32 $0xFFFFF800  }
0x57: {  	[spmem:s2] =	stream.indirect.scatter.add.f32 [tilespmem:s18], [sflag:$0x2], $0x10, s11, s16, $0xb8;
	[tilespmem:$0x13000] =	vst v63  }
0x58: {  	_ =	swait.ge [sflag:s23], $0x800  }
0x59: {  	[sflag:s23] =	ssyncset.done $0x0  }
0x5a: {  	s19 =	simm.s32 $0x2900;
	[sflag:s23] =	ssyncadd.s32 $0xFFFFF800  }
0x5b: {  	[spmem:s2] =	stream.indirect.scatter.add.f32 [tilespmem:s20], [sflag:$0x2], $0x10, s19, s16, $0xb8;
	[tilespmem:$0x13000] =	vst v63  }
0x5c: {  	_ =	swait.ge [sflag:s23], $0x800  }
0x5d: {  	[sflag:s23] =	ssyncset.done $0x0  }
0x5e: {  	s21 =	simm.s32 $0x2980;
	[sflag:s23] =	ssyncadd.s32 $0xFFFFF800  }
0x5f: {  	[spmem:s2] =	stream.indirect.scatter.add.f32 [tilespmem:s22], [sflag:$0x2], $0x10, s21, s16, $0xb8;
	[tilespmem:$0x13000] =	vst v63  }
0x60: {  	s1 =	simm.s32 $0x200  }
0x61: {  	[tilespmem:s25], [sflag:$0x1] =	stream.indirect.gather [spmem:s3], $0x10, s1, s16, $0xb8;
	[tilespmem:$0x13000] =	vst v63  }
0x62: {  	s11 =	simm.s32 $0x280  }
0x63: {  	[tilespmem:s26], [sflag:$0x1] =	stream.indirect.gather [spmem:s3], $0x10, s11, s16, $0xb8;
	[tilespmem:$0x13000] =	vst v63  }
0x64: {  	s19 =	simm.s32 $0x300  }
0x65: {  	[tilespmem:s28], [sflag:$0x1] =	stream.indirect.gather [spmem:s3], $0x10, s19, s16, $0xb8;
	[tilespmem:$0x13000] =	vst v63  }
0x66: {  	s21 =	simm.s32 $0x380  }
0x67: {  	[tilespmem:s29], [sflag:$0x1] =	stream.indirect.gather [spmem:s3], $0x10, s21, s16, $0xb8;
	[tilespmem:$0x13000] =	vst v63  }
0x68: {  	_ =	swait.ge [sflag:s23], $0x800  }
0x69: {  	[sflag:s23] =	ssyncset.done $0x0  }
0x6a: {  	s1 =	simm.s32 $0x2A00;
	[sflag:s23] =	ssyncadd.s32 $0xFFFFF800  }
0x6b: {  	[spmem:s2] =	stream.indirect.scatter.add.f32 [tilespmem:s25], [sflag:$0x2], $0x10, s1, s16, $0xb8;
	[tilespmem:$0x13000] =	vst v63  }
0x6c: {  	_ =	swait.ge [sflag:s23], $0x800  }
0x6d: {  	[sflag:s23] =	ssyncset.done $0x0  }
0x6e: {  	s11 =	simm.s32 $0x2A80;
	[sflag:s23] =	ssyncadd.s32 $0xFFFFF800  }
0x6f: {  	[spmem:s2] =	stream.indirect.scatter.add.f32 [tilespmem:s26], [sflag:$0x2], $0x10, s11, s16, $0xb8;
	[tilespmem:$0x13000] =	vst v63  }
0x70: {  	_ =	swait.ge [sflag:s23], $0x800  }
0x71: {  	[sflag:s23] =	ssyncset.done $0x0  }
0x72: {  	s19 =	simm.s32 $0x2B00;
	[sflag:s23] =	ssyncadd.s32 $0xFFFFF800  }
0x73: {  	[spmem:s2] =	stream.indirect.scatter.add.f32 [tilespmem:s28], [sflag:$0x2], $0x10, s19, s16, $0xb8;
	[tilespmem:$0x13000] =	vst v63  }
0x74: {  	_ =	swait.ge [sflag:s23], $0x800  }
0x75: {  	[sflag:s23] =	ssyncset.done $0x0  }
0x76: {  	s21 =	simm.s32 $0x2B80;
	[sflag:s23] =	ssyncadd.s32 $0xFFFFF800  }
0x77: {  	[spmem:s2] =	stream.indirect.scatter.add.f32 [tilespmem:s29], [sflag:$0x2], $0x10, s21, s16, $0xb8;
	[tilespmem:$0x13000] =	vst v63  }
0x78: {  	_ =	swait.ge [sflag:s15], $0x800  }
0x79: {  	[sflag:s15] =	ssyncset.done $0x0  }
0x7a: {  	[sflag:s15] =	ssyncadd.s32 $0xFFFFF800  }
0x7b: {  	_ =	swait.ge [sflag:s15], $0x800  }
0x7c: {  	[sflag:s15] =	ssyncset.done $0x0  }
0x7d: {  	[sflag:s15] =	ssyncadd.s32 $0xFFFFF800  }
0x7e: {  	_ =	swait.ge [sflag:s15], $0x800  }
0x7f: {  	[sflag:s15] =	ssyncset.done $0x0  }
0x80: {  	[sflag:s15] =	ssyncadd.s32 $0xFFFFF800  }
0x81: {  	p0 =	por $0x0, $0x0;
	_ =	swait.ge [sflag:s15], $0x800  }
0x82: {  	s31 =	simm.s32 @!p0 $0x80;
	[sflag:s15] =	ssyncset.done $0x0  }
0x83: {  	s0 =	simm.s32 @!p0 $0x5000;
	s1 =	simm.s32 @!p0 $0x400;
	[sflag:s15] =	ssyncadd.s32 $0xFFFFF800  }
0x84: {  	[tilespmem:s0], [sflag:$0x1] =	stream.indirect.gather @!p0 [spmem:s3], $0x10, s1, s31, $0xb8;
	[tilespmem:$0x13000] =	vst v63  }
0x85: {  	s0 =	simm.s32 @!p0 $0x480;
	s1 =	simm.s32 @!p0 $0x5800  }
0x86: {  	[tilespmem:s1], [sflag:$0x1] =	stream.indirect.gather @!p0 [spmem:s3], $0x10, s0, s31, $0xb8;
	[tilespmem:$0x13000] =	vst v63  }
0x87: {  	s0 =	simm.s32 @!p0 $0x500;
	s1 =	simm.s32 @!p0 $0x6000  }
0x88: {  	[tilespmem:s1], [sflag:$0x1] =	stream.indirect.gather @!p0 [spmem:s3], $0x10, s0, s31, $0xb8;
	[tilespmem:$0x13000] =	vst v63  }
0x89: {  	s0 =	simm.s32 @!p0 $0x580;
	s1 =	simm.s32 @!p0 $0x6800  }
0x8a: {  	[tilespmem:s1], [sflag:$0x1] =	stream.indirect.gather @!p0 [spmem:s3], $0x10, s0, s31, $0xb8;
	[tilespmem:$0x13000] =	vst v63  }
0x8b: {  	_ =	swait.ge [sflag:s15], $0x800  }
0x8c: {  	[sflag:s15] =	ssyncset.done $0x0  }
0x8d: {  	[sflag:s15] =	ssyncadd.s32 $0xFFFFF800  }
0x8e: {  	_ =	swait.ge [sflag:s15], $0x800  }
0x8f: {  	[sflag:s15] =	ssyncset.done $0x0  }
0x90: {  	[sflag:s15] =	ssyncadd.s32 $0xFFFFF800  }
0x91: {  	_ =	swait.ge [sflag:s15], $0x800  }
0x92: {  	[sflag:s15] =	ssyncset.done $0x0  }
0x93: {  	[sflag:s15] =	ssyncadd.s32 $0xFFFFF800  }
0x94: {  	_ =	swait.ge [sflag:s15], $0x800  }
0x95: {  	s31 =	simm.s32 $0x1000;
	[sflag:s15] =	ssyncset.done $0x0  }
.LBB2_6:
0x96: {  	[sflag:s15] =	ssyncadd.s32 $0xFFFFF800;
	s1 =	smov.u32 s31;
	s31 =	sadd.s32 $0x1000, s31  }
0x97: {  	_ =	swait.ge [sflag:s23], $0x800;
	p0 =	sne.s32 s31, $0xA000  }
0x98: {  	s0 =	sshra.s32 s1, $0x2;
	[sflag:s23] =	ssyncset.done $0x0  }
0x99: {  	s11 =	sadd.s32 $0x2800, s0;
	[sflag:s23] =	ssyncadd.s32 $0xFFFFF800  }
0x9a: {  	[spmem:s2] =	stream.indirect.scatter.add.f32 [tilespmem:s17], [sflag:$0x2], $0x10, s11, s16, $0xb8;
	[tilespmem:$0x13000] =	vst v63  }
0x9b: {  	_ =	swait.ge [sflag:s23], $0x800  }
0x9c: {  	[sflag:s23] =	ssyncset.done $0x0  }
0x9d: {  	s11 =	sadd.s32 $0x2880, s0;
	[sflag:s23] =	ssyncadd.s32 $0xFFFFF800  }
0x9e: {  	[spmem:s2] =	stream.indirect.scatter.add.f32 [tilespmem:s18], [sflag:$0x2], $0x10, s11, s16, $0xb8;
	[tilespmem:$0x13000] =	vst v63  }
0x9f: {  	_ =	swait.ge [sflag:s23], $0x800  }
0xa0: {  	[sflag:s23] =	ssyncset.done $0x0  }
0xa1: {  	s11 =	sadd.s32 $0x2900, s0;
	[sflag:s23] =	ssyncadd.s32 $0xFFFFF800  }
0xa2: {  	[spmem:s2] =	stream.indirect.scatter.add.f32 [tilespmem:s20], [sflag:$0x2], $0x10, s11, s16, $0xb8;
	[tilespmem:$0x13000] =	vst v63  }
0xa3: {  	_ =	swait.ge [sflag:s23], $0x800  }
0xa4: {  	[sflag:s23] =	ssyncset.done $0x0  }
0xa5: {  	s11 =	sadd.s32 $0x2980, s0;
	[sflag:s23] =	ssyncadd.s32 $0xFFFFF800  }
0xa6: {  	[spmem:s2] =	stream.indirect.scatter.add.f32 [tilespmem:s22], [sflag:$0x2], $0x10, s11, s16, $0xb8;
	[tilespmem:$0x13000] =	vst v63  }
0xa7: {  	s11 =	sadd.s32 $0x200, s0  }
0xa8: {  	[tilespmem:s25], [sflag:$0x1] =	stream.indirect.gather [spmem:s3], $0x10, s11, s16, $0xb8;
	[tilespmem:$0x13000] =	vst v63  }
0xa9: {  	s11 =	sadd.s32 $0x280, s0  }
0xaa: {  	[tilespmem:s26], [sflag:$0x1] =	stream.indirect.gather [spmem:s3], $0x10, s11, s16, $0xb8;
	[tilespmem:$0x13000] =	vst v63  }
0xab: {  	s11 =	sadd.s32 $0x300, s0  }
0xac: {  	[tilespmem:s28], [sflag:$0x1] =	stream.indirect.gather [spmem:s3], $0x10, s11, s16, $0xb8;
	[tilespmem:$0x13000] =	vst v63  }
0xad: {  	s11 =	sadd.s32 $0x380, s0  }
0xae: {  	[tilespmem:s29], [sflag:$0x1] =	stream.indirect.gather [spmem:s3], $0x10, s11, s16, $0xb8;
	[tilespmem:$0x13000] =	vst v63  }
0xaf: {  	_ =	swait.ge [sflag:s23], $0x800  }
0xb0: {  	[sflag:s23] =	ssyncset.done $0x0  }
0xb1: {  	s11 =	sadd.s32 $0x2A00, s0;
	[sflag:s23] =	ssyncadd.s32 $0xFFFFF800  }
0xb2: {  	[spmem:s2] =	stream.indirect.scatter.add.f32 [tilespmem:s25], [sflag:$0x2], $0x10, s11, s16, $0xb8;
	[tilespmem:$0x13000] =	vst v63  }
0xb3: {  	_ =	swait.ge [sflag:s23], $0x800  }
0xb4: {  	[sflag:s23] =	ssyncset.done $0x0  }
0xb5: {  	s11 =	sadd.s32 $0x2A80, s0;
	[sflag:s23] =	ssyncadd.s32 $0xFFFFF800  }
0xb6: {  	[spmem:s2] =	stream.indirect.scatter.add.f32 [tilespmem:s26], [sflag:$0x2], $0x10, s11, s16, $0xb8;
	[tilespmem:$0x13000] =	vst v63  }
0xb7: {  	_ =	swait.ge [sflag:s23], $0x800  }
0xb8: {  	[sflag:s23] =	ssyncset.done $0x0  }
0xb9: {  	s11 =	sadd.s32 $0x2B00, s0;
	[sflag:s23] =	ssyncadd.s32 $0xFFFFF800  }
0xba: {  	[spmem:s2] =	stream.indirect.scatter.add.f32 [tilespmem:s28], [sflag:$0x2], $0x10, s11, s16, $0xb8;
	[tilespmem:$0x13000] =	vst v63  }
0xbb: {  	_ =	swait.ge [sflag:s23], $0x800  }
0xbc: {  	[sflag:s23] =	ssyncset.done $0x0  }
0xbd: {  	s0 =	sadd.s32 $0x2B80, s0;
	[sflag:s23] =	ssyncadd.s32 $0xFFFFF800  }
0xbe: {  	[spmem:s2] =	stream.indirect.scatter.add.f32 [tilespmem:s29], [sflag:$0x2], $0x10, s0, s16, $0xb8;
	[tilespmem:$0x13000] =	vst v63  }
0xbf: {  	_ =	swait.ge [sflag:s15], $0x800  }
0xc0: {  	[sflag:s15] =	ssyncset.done $0x0  }
0xc1: {  	[sflag:s15] =	ssyncadd.s32 $0xFFFFF800  }
0xc2: {  	_ =	swait.ge [sflag:s15], $0x800  }
0xc3: {  	[sflag:s15] =	ssyncset.done $0x0  }
0xc4: {  	[sflag:s15] =	ssyncadd.s32 $0xFFFFF800  }
0xc5: {  	_ =	swait.ge [sflag:s15], $0x800  }
0xc6: {  	[sflag:s15] =	ssyncset.done $0x0  }
0xc7: {  	[sflag:s15] =	ssyncadd.s32 $0xFFFFF800  }
0xc8: {  	p1 =	seq.s32 s1, $0x9000;
	_ =	swait.ge [sflag:s15], $0x800  }
0xc9: {  	s0 =	sshra.s32 @!p1 s1, $0x2;
	s1 =	simm.s32 @!p1 $0x5000;
	[sflag:s15] =	ssyncset.done $0x0  }
0xca: {  	s19 =	simm.s32 @!p1 $0x80;
	s11 =	sadd.s32 @!p1 $0x400, s0;
	[sflag:s15] =	ssyncadd.s32 $0xFFFFF800  }
0xcb: {  	[tilespmem:s1], [sflag:$0x1] =	stream.indirect.gather @!p1 [spmem:s3], $0x10, s11, s19, $0xb8;
	[tilespmem:$0x13000] =	vst v63  }
0xcc: {  	s21 =	sadd.s32 @!p1 $0x500, s0;
	s1 =	sadd.s32 @!p1 $0x480, s0;
	s11 =	simm.s32 @!p1 $0x5800  }
0xcd: {  	[tilespmem:s11], [sflag:$0x1] =	stream.indirect.gather @!p1 [spmem:s3], $0x10, s1, s19, $0xb8;
	[tilespmem:$0x13000] =	vst v63  }
0xce: {  	s0 =	sadd.s32 @!p1 $0x580, s0;
	s1 =	simm.s32 @!p1 $0x6000  }
0xcf: {  	[tilespmem:s1], [sflag:$0x1] =	stream.indirect.gather @!p1 [spmem:s3], $0x10, s21, s19, $0xb8;
	[tilespmem:$0x13000] =	vst v63  }
0xd0: {  	s1 =	simm.s32 @!p1 $0x6800  }
0xd1: {  	[tilespmem:s1], [sflag:$0x1] =	stream.indirect.gather @!p1 [spmem:s3], $0x10, s0, s19, $0xb8;
	[tilespmem:$0x13000] =	vst v63  }
0xd2: {  	_ =	swait.ge [sflag:s15], $0x800  }
0xd3: {  	[sflag:s15] =	ssyncset.done $0x0  }
0xd4: {  	[sflag:s15] =	ssyncadd.s32 $0xFFFFF800  }
0xd5: {  	_ =	swait.ge [sflag:s15], $0x800  }
0xd6: {  	[sflag:s15] =	ssyncset.done $0x0  }
0xd7: {  	[sflag:s15] =	ssyncadd.s32 $0xFFFFF800  }
.Ltmp2:
0xd8: {  	_ =	swait.ge [sflag:s15], $0x800;
	(pc) =	sbr.rel @p0 .LBB2_6-.Ltmp2, $4  }
0xd9: {  	[sflag:s15] =	ssyncset.done $0x0  }
0xda: {  	[sflag:s15] =	ssyncadd.s32 $0xFFFFF800  }
0xdb: {  	_ =	swait.ge [sflag:s15], $0x800  }
0xdc: {  	[sflag:s15] =	ssyncset.done $0x0  }
0xdd: {  	[sflag:s15] =	ssyncadd.s32 $0xFFFFF800  }
0xde: {  	[bflag:$0x0] =	sbarrier.arrive $0xFFFF  }
0xdf: {  	[tilespmem:s13], [sflag:$0x3] =	stream.linear.gather [spmem:s7], $0x2800, $0x38;
	[tilespmem:$0x13000] =	vst v63  }
0xe0: {  	_ =	swait.ge [sflag:s12], $0x2800  }
0xe1: {  	[sflag:s12] =	ssyncset.done $0x0  }
0xe2: {  	s0 =	simm.s32 $0x0;
	[sflag:s12] =	ssyncadd.s32 $0xFFFFD800  }
0xe3: {  	v4 =	vld [tilespmem:s0+$0xB870]  }
0xe4: {  	v5 =	vld [tilespmem:s0+$0xB800]  }
0xe5: {  	v6 =	vld [tilespmem:s0+$0xB810]  }
0xe6: {  	v3 =	vld [tilespmem:s0+$0xB820]  }
0xe7: {  	v1 =	vld [tilespmem:s0+$0xB830]  }
0xe8: {  	v2 =	vld [tilespmem:s0+$0xB840];
	[tilespmem:s0+$0x9070] =	vst v4  }
0xe9: {  	[tilespmem:s0+$0x9000] =	vst v5;
	v4 =	vld [tilespmem:s0+$0xB850]  }
0xea: {  	s1 =	simm.s32 $0x80;
	s31 =	simm.s32 $0x400;
	[tilespmem:s0+$0x9010] =	vst v6;
	v5 =	vld [tilespmem:s0+$0xB860]  }
.LBB2_8:
0xeb: {  	p0 =	sne.s32 s31, $0x9E00;
	v6 =	vld [tilespmem:s1+$0xB870];
	[tilespmem:s0+$0x9020] =	vst v3  }
0xec: {  	v7 =	vld [tilespmem:s1+$0xB800];
	[tilespmem:s0+$0x9030] =	vst v1  }
0xed: {  	v8 =	vld [tilespmem:s1+$0xB810];
	[tilespmem:s0+$0x9040] =	vst v2  }
.Ltmp3:
0xee: {  	v3 =	vld [tilespmem:s1+$0xB820];
	[tilespmem:s0+$0x9050] =	vst v4;
	(pc) =	sbr.rel @p0 .LBB2_8-.Ltmp3, $4  }
0xef: {  	v1 =	vld [tilespmem:s1+$0xB830];
	[tilespmem:s0+$0x9060] =	vst v5;
	s0 =	smov.u32 s1  }
0xf0: {  	v2 =	vld [tilespmem:s0+$0xB840];
	[tilespmem:s0+$0x9070] =	vst v6  }
0xf1: {  	[tilespmem:s0+$0x9000] =	vst v7;
	v4 =	vld [tilespmem:s0+$0xB850]  }
0xf2: {  	s1 =	sshra.s32 s31, $0x2;
	s31 =	sadd.s32 $0x200, s31;
	[tilespmem:s0+$0x9010] =	vst v8;
	v5 =	vld [tilespmem:s0+$0xB860]  }
0xf3: {  	v6 =	vld [tilespmem:s1+$0xB870];
	[tilespmem:s0+$0x9020] =	vst v3  }
0xf4: {  	v3 =	vld [tilespmem:s1+$0xB800];
	[tilespmem:s0+$0x9030] =	vst v1  }
0xf5: {  	v1 =	vld [tilespmem:s1+$0xB810];
	[tilespmem:s0+$0x9040] =	vst v2  }
0xf6: {  	v2 =	vld [tilespmem:s1+$0xB820];
	[tilespmem:s0+$0x9050] =	vst v4  }
0xf7: {  	v4 =	vld [tilespmem:s1+$0xB830];
	[tilespmem:s0+$0x9060] =	vst v5  }
0xf8: {  	v5 =	vld [tilespmem:s1+$0xB840];
	[tilespmem:s1+$0x9070] =	vst v6  }
0xf9: {  	[tilespmem:s1+$0x9000] =	vst v3;
	v3 =	vld [tilespmem:s1+$0xB850]  }
0xfa: {  	[tilespmem:s1+$0x9010] =	vst v1;
	v1 =	vld [tilespmem:s1+$0xB860]  }
0xfb: {  	[tilespmem:s1+$0x9020] =	vst v2  }
0xfc: {  	[tilespmem:s1+$0x9030] =	vst v4  }
0xfd: {  	s30 =	sadd.s32 $0x1, s30;
	[tilespmem:s1+$0x9040] =	vst v5  }
0xfe: {  	p0 =	sne.s32 s30, s10;
	[tilespmem:s1+$0x9050] =	vst v3  }
.Ltmp4:
0xff: {  	[tilespmem:s1+$0x9060] =	vst v1;
	(pc) =	sbr.rel @p0 .LBB2_1-.Ltmp4, $4  }
0x100: {  	[hbm4b:s24+s4] =	stream.linear.scatter [tilespmem:s14], [sflag:$0x3], $0x2800, $0x38;
	[tilespmem:$0x13000] =	vst v63  }
0x101: {  	_ =	swait.ge [sflag:s12], $0x2800  }
0x102: {  	[sflag:s12] =	ssyncset.done $0x0  }
0x103: {  	[sflag:s12] =	ssyncadd.s32 $0xFFFFD800  }
0x104: {  	_ =	sfence.sel $0x180000  }
0x105: {  	[bflag:$0x0] =	sbarrier.arrive $0xFFFF  }
0x106: {  	_ =	strace $0x9000004A  }
0x107: {  	s0 =	stileid.u32;
	[bflag:$0x2] =	sbarrier.arrive $0xFFFF  }
0x108: {  	p0 =	sne.s32 s0, $0x0;
	s0 =	rddreg [dreg:$0x3]  }
0x109: {  	s0 =	sadd.s32 @!p0 $0x100000, s0  }
0x10a: {  	[sflag:s0] =	ssyncadd.tile.s32 @!p0 $0x1;
	_ =	shalt  }
.Lfunc_end2:
_tile_overlayer_lowered:
.L_overlay_start_2:
0x10b: {  	(tag) =	ssettag $0x2  }
0x10c: {  	s0 =	rddreg [dreg:$0x0];
	s2 =	stileid.u32  }
0x10d: {  	s1 =	rddreg [dreg:$0x1];
	p0 =	sne.s32 s2, $0x0  }
0x10e: {  	s3 =	rddreg [dreg:$0x2];
	[bflag:$0x3] =	sbarrier.arrive $0xFFFF;
	s2 =	simm.s32 @!p0 $0x1C03  }
0x10f: {  	[timem:s3], [sflag:s2] =	dma.local @!p0 [hbm:s0], s1  }
0x110: {  	s0 =	simm.s32 @!p0 $0x3  }
0x111: {  	_ =	swait.ge @!p0 [sflag:s0], s1  }
0x112: {  	s1 =	ssub.s32 @!p0 $0x0, s1;
	[sflag:s0] =	ssyncset.done @!p0 $0x0  }
0x113: {  	[sflag:s0] =	ssyncadd.s32 @!p0 s1  }
0x114: {  	[bflag:$0x3] =	sbarrier.arrive $0xFFFF  }
0x115: {  	_ =	shalt  }

</sc_bundles>
